<compile_context>
chip_gen: v7x
topology: tpu7x:2x2x1
jax: 0.10.2.dev20260603
libtpu: 0.0.44.dev20260713+nightly
codegen_flags: <defaults>
</compile_context>

<pallas_src>
import functools

import jax
import jax.numpy as jnp
from jax import lax
from jax.experimental import pallas as pl
from jax.experimental.pallas import tpu as pltpu
from jax.experimental.pallas import tpu_sc as plsc

_ROWS = 128
_COLS = 32768
_NC = 2
_NS = 16
_NW = _NC * _NS
_RPW = _ROWS // _NW
_CHUNK = 8192
_NBUF = 4
_NCHUNK = _COLS // _CHUNK
_NGLOBAL = _RPW * _NCHUNK

_mesh = plsc.VectorSubcoreMesh(core_axis_name="c", subcore_axis_name="s")


@functools.partial(
    pl.kernel,
    mesh=_mesh,
    out_type=jax.ShapeDtypeStruct((_NW * 16,), jnp.int32),
    scratch_types=[
        pltpu.VMEM((_NBUF, _CHUNK), jnp.float32),
        pltpu.VMEM((16,), jnp.int32),
        pltpu.SemaphoreType.DMA,
        pltpu.SemaphoreType.DMA,
        pltpu.SemaphoreType.DMA,
        pltpu.SemaphoreType.DMA,
        pltpu.SemaphoreType.DMA,
    ],
    compiler_params=pltpu.CompilerParams(needs_layout_passes=False),
)
def _sc_counts(scores_hbm, counts_hbm, inbuf, cvec, isem0, isem1, isem2,
               isem3, csem):
    isems = (isem0, isem1, isem2, isem3)
    cid = lax.axis_index("c")
    sid = lax.axis_index("s")
    wid = sid * _NC + cid
    base = wid * _RPW

    def in_copy(g, buf):
        row = base + g // _NCHUNK
        off = (g % _NCHUNK) * _CHUNK
        return pltpu.make_async_copy(
            scores_hbm.at[row, pl.ds(off, _CHUNK)],
            inbuf.at[buf],
            isems[buf],
        )

    for g in range(_NBUF - 1):
        in_copy(g, g % _NBUF).start()

    def count_chunk(buf, pivot, acc):
        def body(i, a):
            v = inbuf[buf, pl.ds(i * 16, 16)]
            return a + plsc.all_reduce_population_count(v > pivot)
        return lax.fori_loop(0, _CHUNK // 16, body, acc, unroll=16)

    lanes = lax.iota(jnp.int32, 16)
    count_vec = jnp.zeros((16,), jnp.int32)
    for r in range(_RPW):
        acc = jnp.zeros((16,), jnp.int32)
        pivot = jnp.float32(0)
        for ch in range(_NCHUNK):
            g = r * _NCHUNK + ch
            if g + _NBUF - 1 < _NGLOBAL:
                in_copy(g + _NBUF - 1, (g + _NBUF - 1) % _NBUF).start()
            in_copy(g, g % _NBUF).wait()
            if ch == 0:
                pivot = inbuf[g % _NBUF, pl.ds(0, 16)][0]
            acc = count_chunk(g % _NBUF, pivot, acc)
        count_vec = jnp.where(lanes == r, acc[0], count_vec)

    cvec[...] = count_vec
    ccp = pltpu.make_async_copy(cvec, counts_hbm.at[pl.ds(wid * 16, 16)],
                                csem)
    ccp.start()
    ccp.wait()


_R_BLK = 16


def _expand_kernel(c_ref, o_ref):
    cnt = c_ref[:, :]
    iota = jax.lax.broadcasted_iota(jnp.int32, (_R_BLK, _COLS), 1)
    o_ref[:, :] = (iota == cnt).astype(jnp.float32)


def kernel(scores):
    counts = _sc_counts(scores)
    counts = counts.reshape(_NW, 16)[:, :_RPW].reshape(_ROWS, 1)
    return pl.pallas_call(
        _expand_kernel,
        out_shape=jax.ShapeDtypeStruct((_ROWS, _COLS), jnp.float32),
        grid=(_ROWS // _R_BLK,),
        in_specs=[pl.BlockSpec((_R_BLK, 1), lambda i: (i, 0))],
        out_specs=pl.BlockSpec((_R_BLK, _COLS), lambda i: (i, 0)),
    )(counts)

# --- scband reference (transcript-rebuilt; emitter-appended) ---
"""Pipeline reference for scband-arg-max-18004502904900 (READ-ONLY COPY).

The authoritative reference and input builder live on the scoring server;
editing this copy changes nothing except your own understanding.
"""

import jax, jax.numpy as jnp
import numpy as np

def setup_inputs(seed: int = 0) -> dict:
    key = jax.random.key(seed)
    scores = jax.random.normal(key, (128, 32768), dtype=jnp.float32)
    return {"scores": scores}

def reference(scores):
    # tf.argsort(inputs, axis=-1, direction='DESCENDING')
    order = jnp.argsort(-scores, axis=-1)
    # tf.cast(trimap_sorted == 0, dtype='float32')
    # one-hot mask marking the rank position where original index 0 lands
    return (order == 0).astype(jnp.float32)

if __name__ == "__main__":
    import jax
    _d = setup_inputs()
    print(jax.jit(kernel)(*tuple(_d.values())))

</pallas_src>

<mosaic_0001>
#map = affine_map<(d0, d1) -> (0, 0)>
#map1 = affine_map<(d0, d1) -> (0)>
module attributes {stable_mosaic.version = 14 : i64} {
  func.func @_sc_counts(%arg0: i32, %arg1: i32, %arg2: memref<128x32768xf32, #tpu.memory_space<hbm>>, %arg3: memref<512xi32, #tpu.memory_space<hbm>>, %arg4: memref<4x8192xf32, #tpu.memory_space<vmem>>, %arg5: memref<16xi32, #tpu.memory_space<vmem>>, %arg6: memref<!tpu.dma_semaphore, #tpu.memory_space<semaphore_mem>>, %arg7: memref<!tpu.dma_semaphore, #tpu.memory_space<semaphore_mem>>, %arg8: memref<!tpu.dma_semaphore, #tpu.memory_space<semaphore_mem>>, %arg9: memref<!tpu.dma_semaphore, #tpu.memory_space<semaphore_mem>>, %arg10: memref<!tpu.dma_semaphore, #tpu.memory_space<semaphore_mem>>) attributes {dimension_semantics = [#tpu.dimension_semantics<core_parallel>, #tpu.dimension_semantics<subcore_parallel>], iteration_bounds = array<i64: 2, 16>, scalar_prefetch = 0 : i64, scratch_operands = 7 : i64, tpu.core_type = #tpu.core_type<sc_vector_subcore>, window_params = [{transform_indices = #map}, {transform_indices = #map1}]} {
    %mul3A = arith.constant 2 : i32
    %mul3A_0 = arith.muli %arg1, %mul3A : i32
    %add3A = arith.addi %mul3A_0, %arg0 : i32
    %mul3A_1 = arith.constant 4 : i32
    %mul3A_2 = arith.muli %add3A, %mul3A_1 : i32
    %add3A_3 = arith.constant 0 : i32
    %add3A_4 = arith.addi %mul3A_2, %add3A_3 : i32
    %dma_start3A = arith.constant 0 : i32
    %dma_start3A_5 = arith.constant 0 : i32
    %dma_start3A_6 = tpu.memref_slice %arg4[%dma_start3A, %dma_start3A_5] : memref<4x8192xf32, #tpu.memory_space<vmem>> -> memref<1x8192xf32, #tpu.memory_space<vmem>>
    %dma_start3A_7 = tpu.memref_squeeze %dma_start3A_6 : memref<1x8192xf32, #tpu.memory_space<vmem>> -> memref<8192xf32, #tpu.memory_space<vmem>>
    %dma_start3A_8 = arith.constant 0 : i32
    %dma_start3A_9 = tpu.memref_slice %arg2[%add3A_4, %dma_start3A_8] : memref<128x32768xf32, #tpu.memory_space<hbm>> -> memref<1x8192xf32, #tpu.memory_space<hbm>>
    %dma_start3A_10 = tpu.memref_squeeze %dma_start3A_9 : memref<1x8192xf32, #tpu.memory_space<hbm>> -> memref<8192xf32, #tpu.memory_space<hbm>>
    %dma_start3A_11 = arith.constant 0 : i32
    %dma_start3A_12 = tpu.memref_slice %arg4[%dma_start3A, %dma_start3A_11] : memref<4x8192xf32, #tpu.memory_space<vmem>> -> memref<1x8192xf32, #tpu.memory_space<vmem>>
    %dma_start3A_13 = tpu.memref_squeeze %dma_start3A_12 : memref<1x8192xf32, #tpu.memory_space<vmem>> -> memref<8192xf32, #tpu.memory_space<vmem>>
    %dma_start3A_14 = arith.constant 0 : i32
    %dma_start3A_15 = tpu.memref_slice %arg2[%add3A_4, %dma_start3A_14] : memref<128x32768xf32, #tpu.memory_space<hbm>> -> memref<1x8192xf32, #tpu.memory_space<hbm>>
    %dma_start3A_16 = tpu.memref_squeeze %dma_start3A_15 : memref<1x8192xf32, #tpu.memory_space<hbm>> -> memref<8192xf32, #tpu.memory_space<hbm>>
    tpu.enqueue_dma source(%dma_start3A_16 : memref<8192xf32, #tpu.memory_space<hbm>>) target(%dma_start3A_13 : memref<8192xf32, #tpu.memory_space<vmem>>) target_semaphore(%arg6 : memref<!tpu.dma_semaphore, #tpu.memory_space<semaphore_mem>>)
    %add3A_17 = arith.constant 0 : i32
    %add3A_18 = arith.addi %mul3A_2, %add3A_17 : i32
    %dma_start3A_19 = arith.constant 1 : i32
    %dma_start3A_20 = arith.constant 0 : i32
    %dma_start3A_21 = tpu.memref_slice %arg4[%dma_start3A_19, %dma_start3A_20] : memref<4x8192xf32, #tpu.memory_space<vmem>> -> memref<1x8192xf32, #tpu.memory_space<vmem>>
    %dma_start3A_22 = tpu.memref_squeeze %dma_start3A_21 : memref<1x8192xf32, #tpu.memory_space<vmem>> -> memref<8192xf32, #tpu.memory_space<vmem>>
    %dma_start3A_23 = arith.constant 8192 : i32
    %dma_start3A_24 = tpu.memref_slice %arg2[%add3A_18, %dma_start3A_23] : memref<128x32768xf32, #tpu.memory_space<hbm>> -> memref<1x8192xf32, #tpu.memory_space<hbm>>
    %dma_start3A_25 = tpu.memref_squeeze %dma_start3A_24 : memref<1x8192xf32, #tpu.memory_space<hbm>> -> memref<8192xf32, #tpu.memory_space<hbm>>
    %dma_start3A_26 = arith.constant 0 : i32
    %dma_start3A_27 = tpu.memref_slice %arg4[%dma_start3A_19, %dma_start3A_26] : memref<4x8192xf32, #tpu.memory_space<vmem>> -> memref<1x8192xf32, #tpu.memory_space<vmem>>
    %dma_start3A_28 = tpu.memref_squeeze %dma_start3A_27 : memref<1x8192xf32, #tpu.memory_space<vmem>> -> memref<8192xf32, #tpu.memory_space<vmem>>
    %dma_start3A_29 = arith.constant 8192 : i32
    %dma_start3A_30 = tpu.memref_slice %arg2[%add3A_18, %dma_start3A_29] : memref<128x32768xf32, #tpu.memory_space<hbm>> -> memref<1x8192xf32, #tpu.memory_space<hbm>>
    %dma_start3A_31 = tpu.memref_squeeze %dma_start3A_30 : memref<1x8192xf32, #tpu.memory_space<hbm>> -> memref<8192xf32, #tpu.memory_space<hbm>>
    tpu.enqueue_dma source(%dma_start3A_31 : memref<8192xf32, #tpu.memory_space<hbm>>) target(%dma_start3A_28 : memref<8192xf32, #tpu.memory_space<vmem>>) target_semaphore(%arg7 : memref<!tpu.dma_semaphore, #tpu.memory_space<semaphore_mem>>)
    %add3A_32 = arith.constant 0 : i32
    %add3A_33 = arith.addi %mul3A_2, %add3A_32 : i32
    %dma_start3A_34 = arith.constant 2 : i32
    %dma_start3A_35 = arith.constant 0 : i32
    %dma_start3A_36 = tpu.memref_slice %arg4[%dma_start3A_34, %dma_start3A_35] : memref<4x8192xf32, #tpu.memory_space<vmem>> -> memref<1x8192xf32, #tpu.memory_space<vmem>>
    %dma_start3A_37 = tpu.memref_squeeze %dma_start3A_36 : memref<1x8192xf32, #tpu.memory_space<vmem>> -> memref<8192xf32, #tpu.memory_space<vmem>>
    %dma_start3A_38 = arith.constant 16384 : i32
    %dma_start3A_39 = tpu.memref_slice %arg2[%add3A_33, %dma_start3A_38] : memref<128x32768xf32, #tpu.memory_space<hbm>> -> memref<1x8192xf32, #tpu.memory_space<hbm>>
    %dma_start3A_40 = tpu.memref_squeeze %dma_start3A_39 : memref<1x8192xf32, #tpu.memory_space<hbm>> -> memref<8192xf32, #tpu.memory_space<hbm>>
    %dma_start3A_41 = arith.constant 0 : i32
    %dma_start3A_42 = tpu.memref_slice %arg4[%dma_start3A_34, %dma_start3A_41] : memref<4x8192xf32, #tpu.memory_space<vmem>> -> memref<1x8192xf32, #tpu.memory_space<vmem>>
    %dma_start3A_43 = tpu.memref_squeeze %dma_start3A_42 : memref<1x8192xf32, #tpu.memory_space<vmem>> -> memref<8192xf32, #tpu.memory_space<vmem>>
    %dma_start3A_44 = arith.constant 16384 : i32
    %dma_start3A_45 = tpu.memref_slice %arg2[%add3A_33, %dma_start3A_44] : memref<128x32768xf32, #tpu.memory_space<hbm>> -> memref<1x8192xf32, #tpu.memory_space<hbm>>
    %dma_start3A_46 = tpu.memref_squeeze %dma_start3A_45 : memref<1x8192xf32, #tpu.memory_space<hbm>> -> memref<8192xf32, #tpu.memory_space<hbm>>
    tpu.enqueue_dma source(%dma_start3A_46 : memref<8192xf32, #tpu.memory_space<hbm>>) target(%dma_start3A_43 : memref<8192xf32, #tpu.memory_space<vmem>>) target_semaphore(%arg8 : memref<!tpu.dma_semaphore, #tpu.memory_space<semaphore_mem>>)
    %iota3A = tpu.iota {dimensions = array<i32: 0>} : vector<16xi32>
    %broadcast_in_dim3A = arith.constant 0 : i32
    %broadcast_in_dim3A_47 = vector.broadcast %broadcast_in_dim3A : i32 to vector<16xi32>
    %broadcast_in_dim3A_48 = arith.constant 0 : i32
    %broadcast_in_dim3A_49 = vector.broadcast %broadcast_in_dim3A_48 : i32 to vector<16xi32>
    %add3A_50 = arith.constant 0 : i32
    %add3A_51 = arith.addi %mul3A_2, %add3A_50 : i32
    %dma_start3A_52 = arith.constant 3 : i32
    %dma_start3A_53 = arith.constant 0 : i32
    %dma_start3A_54 = tpu.memref_slice %arg4[%dma_start3A_52, %dma_start3A_53] : memref<4x8192xf32, #tpu.memory_space<vmem>> -> memref<1x8192xf32, #tpu.memory_space<vmem>>
    %dma_start3A_55 = tpu.memref_squeeze %dma_start3A_54 : memref<1x8192xf32, #tpu.memory_space<vmem>> -> memref<8192xf32, #tpu.memory_space<vmem>>
    %dma_start3A_56 = arith.constant 24576 : i32
    %dma_start3A_57 = tpu.memref_slice %arg2[%add3A_51, %dma_start3A_56] : memref<128x32768xf32, #tpu.memory_space<hbm>> -> memref<1x8192xf32, #tpu.memory_space<hbm>>
    %dma_start3A_58 = tpu.memref_squeeze %dma_start3A_57 : memref<1x8192xf32, #tpu.memory_space<hbm>> -> memref<8192xf32, #tpu.memory_space<hbm>>
    %dma_start3A_59 = arith.constant 0 : i32
    %dma_start3A_60 = tpu.memref_slice %arg4[%dma_start3A_52, %dma_start3A_59] : memref<4x8192xf32, #tpu.memory_space<vmem>> -> memref<1x8192xf32, #tpu.memory_space<vmem>>
    %dma_start3A_61 = tpu.memref_squeeze %dma_start3A_60 : memref<1x8192xf32, #tpu.memory_space<vmem>> -> memref<8192xf32, #tpu.memory_space<vmem>>
    %dma_start3A_62 = arith.constant 24576 : i32
    %dma_start3A_63 = tpu.memref_slice %arg2[%add3A_51, %dma_start3A_62] : memref<128x32768xf32, #tpu.memory_space<hbm>> -> memref<1x8192xf32, #tpu.memory_space<hbm>>
    %dma_start3A_64 = tpu.memref_squeeze %dma_start3A_63 : memref<1x8192xf32, #tpu.memory_space<hbm>> -> memref<8192xf32, #tpu.memory_space<hbm>>
    tpu.enqueue_dma source(%dma_start3A_64 : memref<8192xf32, #tpu.memory_space<hbm>>) target(%dma_start3A_61 : memref<8192xf32, #tpu.memory_space<vmem>>) target_semaphore(%arg9 : memref<!tpu.dma_semaphore, #tpu.memory_space<semaphore_mem>>)
    %add3A_65 = arith.constant 0 : i32
    %add3A_66 = arith.addi %mul3A_2, %add3A_65 : i32
    %dma_wait3A = arith.constant 0 : i32
    %dma_wait3A_67 = arith.constant 0 : i32
    %dma_wait3A_68 = tpu.memref_slice %arg4[%dma_wait3A, %dma_wait3A_67] : memref<4x8192xf32, #tpu.memory_space<vmem>> -> memref<1x8192xf32, #tpu.memory_space<vmem>>
    %dma_wait3A_69 = tpu.memref_squeeze %dma_wait3A_68 : memref<1x8192xf32, #tpu.memory_space<vmem>> -> memref<8192xf32, #tpu.memory_space<vmem>>
    %dma_wait3A_70 = arith.constant 0 : i32
    %dma_wait3A_71 = tpu.memref_slice %arg2[%add3A_66, %dma_wait3A_70] : memref<128x32768xf32, #tpu.memory_space<hbm>> -> memref<1x8192xf32, #tpu.memory_space<hbm>>
    %dma_wait3A_72 = tpu.memref_squeeze %dma_wait3A_71 : memref<1x8192xf32, #tpu.memory_space<hbm>> -> memref<8192xf32, #tpu.memory_space<hbm>>
    %dma_wait3A_73 = arith.constant 0 : i32
    %dma_wait3A_74 = tpu.memref_slice %arg4[%dma_wait3A, %dma_wait3A_73] : memref<4x8192xf32, #tpu.memory_space<vmem>> -> memref<1x8192xf32, #tpu.memory_space<vmem>>
    %dma_wait3A_75 = tpu.memref_squeeze %dma_wait3A_74 : memref<1x8192xf32, #tpu.memory_space<vmem>> -> memref<8192xf32, #tpu.memory_space<vmem>>
    %dma_wait3A_76 = arith.constant 0 : i32
    %dma_wait3A_77 = tpu.memref_slice %arg2[%add3A_66, %dma_wait3A_76] : memref<128x32768xf32, #tpu.memory_space<hbm>> -> memref<1x8192xf32, #tpu.memory_space<hbm>>
    %dma_wait3A_78 = tpu.memref_squeeze %dma_wait3A_77 : memref<1x8192xf32, #tpu.memory_space<hbm>> -> memref<8192xf32, #tpu.memory_space<hbm>>
    tpu.wait_dma2 semaphore(%arg6 : memref<!tpu.dma_semaphore, #tpu.memory_space<semaphore_mem>>) src(%dma_wait3A_78 : memref<8192xf32, #tpu.memory_space<hbm>>) dst(%dma_wait3A_75 : memref<8192xf32, #tpu.memory_space<vmem>>)
    %get3A = arith.constant 0 : i32
    %get3A_79 = arith.index_cast %get3A : i32 to index
    %get3A_80 = arith.constant 0 : index
    %get3A_81 = tpu.vector_load %arg4[%get3A_79, %get3A_80] {strides = array<i32>} : memref<4x8192xf32, #tpu.memory_space<vmem>>, vector<16xf32>,
    %slice3A = vector.extract_strided_slice %get3A_81 {offsets = [0], sizes = [1], strides = [1]} : vector<16xf32> to vector<1xf32>
    %squeeze3A = vector.extract %slice3A[0] : f32 from vector<1xf32>
    %scan3A = arith.constant 0 : i32
    %scan3A_82 = arith.constant 512 : i32
    %scan3A_83 = arith.addi %scan3A, %scan3A_82 : i32
    %scan3A_84 = arith.constant 16 : i32
    %scan3A_85 = scf.for %scan3A_639 = %scan3A to %scan3A_83 step %scan3A_84 iter_args(%scan3A_640 = %broadcast_in_dim3A_49) -> (vector<16xi32>)  : i32 {
      %mul3A_641 = arith.constant 16 : i32
      %mul3A_642 = arith.muli %scan3A_639, %mul3A_641 : i32
      %get3A_643 = arith.constant 0 : i32
      %get3A_644 = arith.index_cast %get3A_643 : i32 to index
      %get3A_645 = arith.index_cast %mul3A_642 : i32 to index
      %get3A_646 = tpu.vector_load %arg4[%get3A_644, %get3A_645] {strides = array<i32>} : memref<4x8192xf32, #tpu.memory_space<vmem>>, vector<16xf32>,
      %gt3A = vector.broadcast %squeeze3A : f32 to vector<16xf32>
      %gt3A_647 = arith.cmpf ogt, %get3A_646, %gt3A : vector<16xf32>
      %all_reduce_population_count3A = tpu.all_reduce %gt3A_647 {dim = 0 : i64, kind = #tpu.reduction_kind<sum>} : vector<16xi1> -> vector<16xi32>
      %add3A_648 = arith.addi %scan3A_640, %all_reduce_population_count3A : vector<16xi32>
      %scan3A_649 = arith.constant 1 : i32
      %scan3A_650 = arith.addi %scan3A_639, %scan3A_649 : i32
      %mul3A_651 = arith.constant 16 : i32
      %mul3A_652 = arith.muli %scan3A_650, %mul3A_651 : i32
      %get3A_653 = arith.constant 0 : i32
      %get3A_654 = arith.index_cast %get3A_653 : i32 to index
      %get3A_655 = arith.index_cast %mul3A_652 : i32 to index
      %get3A_656 = tpu.vector_load %arg4[%get3A_654, %get3A_655] {strides = array<i32>} : memref<4x8192xf32, #tpu.memory_space<vmem>>, vector<16xf32>,
      %gt3A_657 = vector.broadcast %squeeze3A : f32 to vector<16xf32>
      %gt3A_658 = arith.cmpf ogt, %get3A_656, %gt3A_657 : vector<16xf32>
      %all_reduce_population_count3A_659 = tpu.all_reduce %gt3A_658 {dim = 0 : i64, kind = #tpu.reduction_kind<sum>} : vector<16xi1> -> vector<16xi32>
      %add3A_660 = arith.addi %add3A_648, %all_reduce_population_count3A_659 : vector<16xi32>
      %scan3A_661 = arith.constant 2 : i32
      %scan3A_662 = arith.addi %scan3A_639, %scan3A_661 : i32
      %mul3A_663 = arith.constant 16 : i32
      %mul3A_664 = arith.muli %scan3A_662, %mul3A_663 : i32
      %get3A_665 = arith.constant 0 : i32
      %get3A_666 = arith.index_cast %get3A_665 : i32 to index
      %get3A_667 = arith.index_cast %mul3A_664 : i32 to index
      %get3A_668 = tpu.vector_load %arg4[%get3A_666, %get3A_667] {strides = array<i32>} : memref<4x8192xf32, #tpu.memory_space<vmem>>, vector<16xf32>,
      %gt3A_669 = vector.broadcast %squeeze3A : f32 to vector<16xf32>
      %gt3A_670 = arith.cmpf ogt, %get3A_668, %gt3A_669 : vector<16xf32>
      %all_reduce_population_count3A_671 = tpu.all_reduce %gt3A_670 {dim = 0 : i64, kind = #tpu.reduction_kind<sum>} : vector<16xi1> -> vector<16xi32>
      %add3A_672 = arith.addi %add3A_660, %all_reduce_population_count3A_671 : vector<16xi32>
      %scan3A_673 = arith.constant 3 : i32
      %scan3A_674 = arith.addi %scan3A_639, %scan3A_673 : i32
      %mul3A_675 = arith.constant 16 : i32
      %mul3A_676 = arith.muli %scan3A_674, %mul3A_675 : i32
      %get3A_677 = arith.constant 0 : i32
      %get3A_678 = arith.index_cast %get3A_677 : i32 to index
      %get3A_679 = arith.index_cast %mul3A_676 : i32 to index
      %get3A_680 = tpu.vector_load %arg4[%get3A_678, %get3A_679] {strides = array<i32>} : memref<4x8192xf32, #tpu.memory_space<vmem>>, vector<16xf32>,
      %gt3A_681 = vector.broadcast %squeeze3A : f32 to vector<16xf32>
      %gt3A_682 = arith.cmpf ogt, %get3A_680, %gt3A_681 : vector<16xf32>
      %all_reduce_population_count3A_683 = tpu.all_reduce %gt3A_682 {dim = 0 : i64, kind = #tpu.reduction_kind<sum>} : vector<16xi1> -> vector<16xi32>
      %add3A_684 = arith.addi %add3A_672, %all_reduce_population_count3A_683 : vector<16xi32>
      %scan3A_685 = arith.constant 4 : i32
      %scan3A_686 = arith.addi %scan3A_639, %scan3A_685 : i32
      %mul3A_687 = arith.constant 16 : i32
      %mul3A_688 = arith.muli %scan3A_686, %mul3A_687 : i32
      %get3A_689 = arith.constant 0 : i32
      %get3A_690 = arith.index_cast %get3A_689 : i32 to index
      %get3A_691 = arith.index_cast %mul3A_688 : i32 to index
      %get3A_692 = tpu.vector_load %arg4[%get3A_690, %get3A_691] {strides = array<i32>} : memref<4x8192xf32, #tpu.memory_space<vmem>>, vector<16xf32>,
      %gt3A_693 = vector.broadcast %squeeze3A : f32 to vector<16xf32>
      %gt3A_694 = arith.cmpf ogt, %get3A_692, %gt3A_693 : vector<16xf32>
      %all_reduce_population_count3A_695 = tpu.all_reduce %gt3A_694 {dim = 0 : i64, kind = #tpu.reduction_kind<sum>} : vector<16xi1> -> vector<16xi32>
      %add3A_696 = arith.addi %add3A_684, %all_reduce_population_count3A_695 : vector<16xi32>
      %scan3A_697 = arith.constant 5 : i32
      %scan3A_698 = arith.addi %scan3A_639, %scan3A_697 : i32
      %mul3A_699 = arith.constant 16 : i32
      %mul3A_700 = arith.muli %scan3A_698, %mul3A_699 : i32
      %get3A_701 = arith.constant 0 : i32
      %get3A_702 = arith.index_cast %get3A_701 : i32 to index
      %get3A_703 = arith.index_cast %mul3A_700 : i32 to index
      %get3A_704 = tpu.vector_load %arg4[%get3A_702, %get3A_703] {strides = array<i32>} : memref<4x8192xf32, #tpu.memory_space<vmem>>, vector<16xf32>,
      %gt3A_705 = vector.broadcast %squeeze3A : f32 to vector<16xf32>
      %gt3A_706 = arith.cmpf ogt, %get3A_704, %gt3A_705 : vector<16xf32>
      %all_reduce_population_count3A_707 = tpu.all_reduce %gt3A_706 {dim = 0 : i64, kind = #tpu.reduction_kind<sum>} : vector<16xi1> -> vector<16xi32>
      %add3A_708 = arith.addi %add3A_696, %all_reduce_population_count3A_707 : vector<16xi32>
      %scan3A_709 = arith.constant 6 : i32
      %scan3A_710 = arith.addi %scan3A_639, %scan3A_709 : i32
      %mul3A_711 = arith.constant 16 : i32
      %mul3A_712 = arith.muli %scan3A_710, %mul3A_711 : i32
      %get3A_713 = arith.constant 0 : i32
      %get3A_714 = arith.index_cast %get3A_713 : i32 to index
      %get3A_715 = arith.index_cast %mul3A_712 : i32 to index
      %get3A_716 = tpu.vector_load %arg4[%get3A_714, %get3A_715] {strides = array<i32>} : memref<4x8192xf32, #tpu.memory_space<vmem>>, vector<16xf32>,
      %gt3A_717 = vector.broadcast %squeeze3A : f32 to vector<16xf32>
      %gt3A_718 = arith.cmpf ogt, %get3A_716, %gt3A_717 : vector<16xf32>
      %all_reduce_population_count3A_719 = tpu.all_reduce %gt3A_718 {dim = 0 : i64, kind = #tpu.reduction_kind<sum>} : vector<16xi1> -> vector<16xi32>
      %add3A_720 = arith.addi %add3A_708, %all_reduce_population_count3A_719 : vector<16xi32>
      %scan3A_721 = arith.constant 7 : i32
      %scan3A_722 = arith.addi %scan3A_639, %scan3A_721 : i32
      %mul3A_723 = arith.constant 16 : i32
      %mul3A_724 = arith.muli %scan3A_722, %mul3A_723 : i32
      %get3A_725 = arith.constant 0 : i32
      %get3A_726 = arith.index_cast %get3A_725 : i32 to index
      %get3A_727 = arith.index_cast %mul3A_724 : i32 to index
      %get3A_728 = tpu.vector_load %arg4[%get3A_726, %get3A_727] {strides = array<i32>} : memref<4x8192xf32, #tpu.memory_space<vmem>>, vector<16xf32>,
      %gt3A_729 = vector.broadcast %squeeze3A : f32 to vector<16xf32>
      %gt3A_730 = arith.cmpf ogt, %get3A_728, %gt3A_729 : vector<16xf32>
      %all_reduce_population_count3A_731 = tpu.all_reduce %gt3A_730 {dim = 0 : i64, kind = #tpu.reduction_kind<sum>} : vector<16xi1> -> vector<16xi32>
      %add3A_732 = arith.addi %add3A_720, %all_reduce_population_count3A_731 : vector<16xi32>
      %scan3A_733 = arith.constant 8 : i32
      %scan3A_734 = arith.addi %scan3A_639, %scan3A_733 : i32
      %mul3A_735 = arith.constant 16 : i32
      %mul3A_736 = arith.muli %scan3A_734, %mul3A_735 : i32
      %get3A_737 = arith.constant 0 : i32
      %get3A_738 = arith.index_cast %get3A_737 : i32 to index
      %get3A_739 = arith.index_cast %mul3A_736 : i32 to index
      %get3A_740 = tpu.vector_load %arg4[%get3A_738, %get3A_739] {strides = array<i32>} : memref<4x8192xf32, #tpu.memory_space<vmem>>, vector<16xf32>,
      %gt3A_741 = vector.broadcast %squeeze3A : f32 to vector<16xf32>
      %gt3A_742 = arith.cmpf ogt, %get3A_740, %gt3A_741 : vector<16xf32>
      %all_reduce_population_count3A_743 = tpu.all_reduce %gt3A_742 {dim = 0 : i64, kind = #tpu.reduction_kind<sum>} : vector<16xi1> -> vector<16xi32>
      %add3A_744 = arith.addi %add3A_732, %all_reduce_population_count3A_743 : vector<16xi32>
      %scan3A_745 = arith.constant 9 : i32
      %scan3A_746 = arith.addi %scan3A_639, %scan3A_745 : i32
      %mul3A_747 = arith.constant 16 : i32
      %mul3A_748 = arith.muli %scan3A_746, %mul3A_747 : i32
      %get3A_749 = arith.constant 0 : i32
      %get3A_750 = arith.index_cast %get3A_749 : i32 to index
      %get3A_751 = arith.index_cast %mul3A_748 : i32 to index
      %get3A_752 = tpu.vector_load %arg4[%get3A_750, %get3A_751] {strides = array<i32>} : memref<4x8192xf32, #tpu.memory_space<vmem>>, vector<16xf32>,
      %gt3A_753 = vector.broadcast %squeeze3A : f32 to vector<16xf32>
      %gt3A_754 = arith.cmpf ogt, %get3A_752, %gt3A_753 : vector<16xf32>
      %all_reduce_population_count3A_755 = tpu.all_reduce %gt3A_754 {dim = 0 : i64, kind = #tpu.reduction_kind<sum>} : vector<16xi1> -> vector<16xi32>
      %add3A_756 = arith.addi %add3A_744, %all_reduce_population_count3A_755 : vector<16xi32>
      %scan3A_757 = arith.constant 10 : i32
      %scan3A_758 = arith.addi %scan3A_639, %scan3A_757 : i32
      %mul3A_759 = arith.constant 16 : i32
      %mul3A_760 = arith.muli %scan3A_758, %mul3A_759 : i32
      %get3A_761 = arith.constant 0 : i32
      %get3A_762 = arith.index_cast %get3A_761 : i32 to index
      %get3A_763 = arith.index_cast %mul3A_760 : i32 to index
      %get3A_764 = tpu.vector_load %arg4[%get3A_762, %get3A_763] {strides = array<i32>} : memref<4x8192xf32, #tpu.memory_space<vmem>>, vector<16xf32>,
      %gt3A_765 = vector.broadcast %squeeze3A : f32 to vector<16xf32>
      %gt3A_766 = arith.cmpf ogt, %get3A_764, %gt3A_765 : vector<16xf32>
      %all_reduce_population_count3A_767 = tpu.all_reduce %gt3A_766 {dim = 0 : i64, kind = #tpu.reduction_kind<sum>} : vector<16xi1> -> vector<16xi32>
      %add3A_768 = arith.addi %add3A_756, %all_reduce_population_count3A_767 : vector<16xi32>
      %scan3A_769 = arith.constant 11 : i32
      %scan3A_770 = arith.addi %scan3A_639, %scan3A_769 : i32
      %mul3A_771 = arith.constant 16 : i32
      %mul3A_772 = arith.muli %scan3A_770, %mul3A_771 : i32
      %get3A_773 = arith.constant 0 : i32
      %get3A_774 = arith.index_cast %get3A_773 : i32 to index
      %get3A_775 = arith.index_cast %mul3A_772 : i32 to index
      %get3A_776 = tpu.vector_load %arg4[%get3A_774, %get3A_775] {strides = array<i32>} : memref<4x8192xf32, #tpu.memory_space<vmem>>, vector<16xf32>,
      %gt3A_777 = vector.broadcast %squeeze3A : f32 to vector<16xf32>
      %gt3A_778 = arith.cmpf ogt, %get3A_776, %gt3A_777 : vector<16xf32>
      %all_reduce_population_count3A_779 = tpu.all_reduce %gt3A_778 {dim = 0 : i64, kind = #tpu.reduction_kind<sum>} : vector<16xi1> -> vector<16xi32>
      %add3A_780 = arith.addi %add3A_768, %all_reduce_population_count3A_779 : vector<16xi32>
      %scan3A_781 = arith.constant 12 : i32
      %scan3A_782 = arith.addi %scan3A_639, %scan3A_781 : i32
      %mul3A_783 = arith.constant 16 : i32
      %mul3A_784 = arith.muli %scan3A_782, %mul3A_783 : i32
      %get3A_785 = arith.constant 0 : i32
      %get3A_786 = arith.index_cast %get3A_785 : i32 to index
      %get3A_787 = arith.index_cast %mul3A_784 : i32 to index
      %get3A_788 = tpu.vector_load %arg4[%get3A_786, %get3A_787] {strides = array<i32>} : memref<4x8192xf32, #tpu.memory_space<vmem>>, vector<16xf32>,
      %gt3A_789 = vector.broadcast %squeeze3A : f32 to vector<16xf32>
      %gt3A_790 = arith.cmpf ogt, %get3A_788, %gt3A_789 : vector<16xf32>
      %all_reduce_population_count3A_791 = tpu.all_reduce %gt3A_790 {dim = 0 : i64, kind = #tpu.reduction_kind<sum>} : vector<16xi1> -> vector<16xi32>
      %add3A_792 = arith.addi %add3A_780, %all_reduce_population_count3A_791 : vector<16xi32>
      %scan3A_793 = arith.constant 13 : i32
      %scan3A_794 = arith.addi %scan3A_639, %scan3A_793 : i32
      %mul3A_795 = arith.constant 16 : i32
      %mul3A_796 = arith.muli %scan3A_794, %mul3A_795 : i32
      %get3A_797 = arith.constant 0 : i32
      %get3A_798 = arith.index_cast %get3A_797 : i32 to index
      %get3A_799 = arith.index_cast %mul3A_796 : i32 to index
      %get3A_800 = tpu.vector_load %arg4[%get3A_798, %get3A_799] {strides = array<i32>} : memref<4x8192xf32, #tpu.memory_space<vmem>>, vector<16xf32>,
      %gt3A_801 = vector.broadcast %squeeze3A : f32 to vector<16xf32>
      %gt3A_802 = arith.cmpf ogt, %get3A_800, %gt3A_801 : vector<16xf32>
      %all_reduce_population_count3A_803 = tpu.all_reduce %gt3A_802 {dim = 0 : i64, kind = #tpu.reduction_kind<sum>} : vector<16xi1> -> vector<16xi32>
      %add3A_804 = arith.addi %add3A_792, %all_reduce_population_count3A_803 : vector<16xi32>
      %scan3A_805 = arith.constant 14 : i32
      %scan3A_806 = arith.addi %scan3A_639, %scan3A_805 : i32
      %mul3A_807 = arith.constant 16 : i32
      %mul3A_808 = arith.muli %scan3A_806, %mul3A_807 : i32
      %get3A_809 = arith.constant 0 : i32
      %get3A_810 = arith.index_cast %get3A_809 : i32 to index
      %get3A_811 = arith.index_cast %mul3A_808 : i32 to index
      %get3A_812 = tpu.vector_load %arg4[%get3A_810, %get3A_811] {strides = array<i32>} : memref<4x8192xf32, #tpu.memory_space<vmem>>, vector<16xf32>,
      %gt3A_813 = vector.broadcast %squeeze3A : f32 to vector<16xf32>
      %gt3A_814 = arith.cmpf ogt, %get3A_812, %gt3A_813 : vector<16xf32>
      %all_reduce_population_count3A_815 = tpu.all_reduce %gt3A_814 {dim = 0 : i64, kind = #tpu.reduction_kind<sum>} : vector<16xi1> -> vector<16xi32>
      %add3A_816 = arith.addi %add3A_804, %all_reduce_population_count3A_815 : vector<16xi32>
      %scan3A_817 = arith.constant 15 : i32
      %scan3A_818 = arith.addi %scan3A_639, %scan3A_817 : i32
      %mul3A_819 = arith.constant 16 : i32
      %mul3A_820 = arith.muli %scan3A_818, %mul3A_819 : i32
      %get3A_821 = arith.constant 0 : i32
      %get3A_822 = arith.index_cast %get3A_821 : i32 to index
      %get3A_823 = arith.index_cast %mul3A_820 : i32 to index
      %get3A_824 = tpu.vector_load %arg4[%get3A_822, %get3A_823] {strides = array<i32>} : memref<4x8192xf32, #tpu.memory_space<vmem>>, vector<16xf32>,
      %gt3A_825 = vector.broadcast %squeeze3A : f32 to vector<16xf32>
      %gt3A_826 = arith.cmpf ogt, %get3A_824, %gt3A_825 : vector<16xf32>
      %all_reduce_population_count3A_827 = tpu.all_reduce %gt3A_826 {dim = 0 : i64, kind = #tpu.reduction_kind<sum>} : vector<16xi1> -> vector<16xi32>
      %add3A_828 = arith.addi %add3A_816, %all_reduce_population_count3A_827 : vector<16xi32>
      scf.yield %add3A_828 : vector<16xi32>
    }
    %scan3A_86 = arith.constant 512 : i32
    %add3A_87 = arith.constant 1 : i32
    %add3A_88 = arith.addi %mul3A_2, %add3A_87 : i32
    %dma_start3A_89 = arith.constant 0 : i32
    %dma_start3A_90 = arith.constant 0 : i32
    %dma_start3A_91 = tpu.memref_slice %arg4[%dma_start3A_89, %dma_start3A_90] : memref<4x8192xf32, #tpu.memory_space<vmem>> -> memref<1x8192xf32, #tpu.memory_space<vmem>>
    %dma_start3A_92 = tpu.memref_squeeze %dma_start3A_91 : memref<1x8192xf32, #tpu.memory_space<vmem>> -> memref<8192xf32, #tpu.memory_space<vmem>>
    %dma_start3A_93 = arith.constant 0 : i32
    %dma_start3A_94 = tpu.memref_slice %arg2[%add3A_88, %dma_start3A_93] : memref<128x32768xf32, #tpu.memory_space<hbm>> -> memref<1x8192xf32, #tpu.memory_space<hbm>>
    %dma_start3A_95 = tpu.memref_squeeze %dma_start3A_94 : memref<1x8192xf32, #tpu.memory_space<hbm>> -> memref<8192xf32, #tpu.memory_space<hbm>>
    %dma_start3A_96 = arith.constant 0 : i32
    %dma_start3A_97 = tpu.memref_slice %arg4[%dma_start3A_89, %dma_start3A_96] : memref<4x8192xf32, #tpu.memory_space<vmem>> -> memref<1x8192xf32, #tpu.memory_space<vmem>>
    %dma_start3A_98 = tpu.memref_squeeze %dma_start3A_97 : memref<1x8192xf32, #tpu.memory_space<vmem>> -> memref<8192xf32, #tpu.memory_space<vmem>>
    %dma_start3A_99 = arith.constant 0 : i32
    %dma_start3A_100 = tpu.memref_slice %arg2[%add3A_88, %dma_start3A_99] : memref<128x32768xf32, #tpu.memory_space<hbm>> -> memref<1x8192xf32, #tpu.memory_space<hbm>>
    %dma_start3A_101 = tpu.memref_squeeze %dma_start3A_100 : memref<1x8192xf32, #tpu.memory_space<hbm>> -> memref<8192xf32, #tpu.memory_space<hbm>>
    tpu.enqueue_dma source(%dma_start3A_101 : memref<8192xf32, #tpu.memory_space<hbm>>) target(%dma_start3A_98 : memref<8192xf32, #tpu.memory_space<vmem>>) target_semaphore(%arg6 : memref<!tpu.dma_semaphore, #tpu.memory_space<semaphore_mem>>)
    %add3A_102 = arith.constant 0 : i32
    %add3A_103 = arith.addi %mul3A_2, %add3A_102 : i32
    %dma_wait3A_104 = arith.constant 1 : i32
    %dma_wait3A_105 = arith.constant 0 : i32
    %dma_wait3A_106 = tpu.memref_slice %arg4[%dma_wait3A_104, %dma_wait3A_105] : memref<4x8192xf32, #tpu.memory_space<vmem>> -> memref<1x8192xf32, #tpu.memory_space<vmem>>
    %dma_wait3A_107 = tpu.memref_squeeze %dma_wait3A_106 : memref<1x8192xf32, #tpu.memory_space<vmem>> -> memref<8192xf32, #tpu.memory_space<vmem>>
    %dma_wait3A_108 = arith.constant 8192 : i32
    %dma_wait3A_109 = tpu.memref_slice %arg2[%add3A_103, %dma_wait3A_108] : memref<128x32768xf32, #tpu.memory_space<hbm>> -> memref<1x8192xf32, #tpu.memory_space<hbm>>
    %dma_wait3A_110 = tpu.memref_squeeze %dma_wait3A_109 : memref<1x8192xf32, #tpu.memory_space<hbm>> -> memref<8192xf32, #tpu.memory_space<hbm>>
    %dma_wait3A_111 = arith.constant 0 : i32
    %dma_wait3A_112 = tpu.memref_slice %arg4[%dma_wait3A_104, %dma_wait3A_111] : memref<4x8192xf32, #tpu.memory_space<vmem>> -> memref<1x8192xf32, #tpu.memory_space<vmem>>
    %dma_wait3A_113 = tpu.memref_squeeze %dma_wait3A_112 : memref<1x8192xf32, #tpu.memory_space<vmem>> -> memref<8192xf32, #tpu.memory_space<vmem>>
    %dma_wait3A_114 = arith.constant 8192 : i32
    %dma_wait3A_115 = tpu.memref_slice %arg2[%add3A_103, %dma_wait3A_114] : memref<128x32768xf32, #tpu.memory_space<hbm>> -> memref<1x8192xf32, #tpu.memory_space<hbm>>
    %dma_wait3A_116 = tpu.memref_squeeze %dma_wait3A_115 : memref<1x8192xf32, #tpu.memory_space<hbm>> -> memref<8192xf32, #tpu.memory_space<hbm>>
    tpu.wait_dma2 semaphore(%arg7 : memref<!tpu.dma_semaphore, #tpu.memory_space<semaphore_mem>>) src(%dma_wait3A_116 : memref<8192xf32, #tpu.memory_space<hbm>>) dst(%dma_wait3A_113 : memref<8192xf32, #tpu.memory_space<vmem>>)
    %scan3A_117 = arith.constant 0 : i32
    %scan3A_118 = arith.constant 512 : i32
    %scan3A_119 = arith.addi %scan3A_117, %scan3A_118 : i32
    %scan3A_120 = arith.constant 16 : i32
    %scan3A_121 = scf.for %scan3A_639 = %scan3A_117 to %scan3A_119 step %scan3A_120 iter_args(%scan3A_640 = %scan3A_85) -> (vector<16xi32>)  : i32 {
      %mul3A_641 = arith.constant 16 : i32
      %mul3A_642 = arith.muli %scan3A_639, %mul3A_641 : i32
      %get3A_643 = arith.constant 1 : i32
      %get3A_644 = arith.index_cast %get3A_643 : i32 to index
      %get3A_645 = arith.index_cast %mul3A_642 : i32 to index
      %get3A_646 = tpu.vector_load %arg4[%get3A_644, %get3A_645] {strides = array<i32>} : memref<4x8192xf32, #tpu.memory_space<vmem>>, vector<16xf32>,
      %gt3A = vector.broadcast %squeeze3A : f32 to vector<16xf32>
      %gt3A_647 = arith.cmpf ogt, %get3A_646, %gt3A : vector<16xf32>
      %all_reduce_population_count3A = tpu.all_reduce %gt3A_647 {dim = 0 : i64, kind = #tpu.reduction_kind<sum>} : vector<16xi1> -> vector<16xi32>
      %add3A_648 = arith.addi %scan3A_640, %all_reduce_population_count3A : vector<16xi32>
      %scan3A_649 = arith.constant 1 : i32
      %scan3A_650 = arith.addi %scan3A_639, %scan3A_649 : i32
      %mul3A_651 = arith.constant 16 : i32
      %mul3A_652 = arith.muli %scan3A_650, %mul3A_651 : i32
      %get3A_653 = arith.constant 1 : i32
      %get3A_654 = arith.index_cast %get3A_653 : i32 to index
      %get3A_655 = arith.index_cast %mul3A_652 : i32 to index
      %get3A_656 = tpu.vector_load %arg4[%get3A_654, %get3A_655] {strides = array<i32>} : memref<4x8192xf32, #tpu.memory_space<vmem>>, vector<16xf32>,
      %gt3A_657 = vector.broadcast %squeeze3A : f32 to vector<16xf32>
      %gt3A_658 = arith.cmpf ogt, %get3A_656, %gt3A_657 : vector<16xf32>
      %all_reduce_population_count3A_659 = tpu.all_reduce %gt3A_658 {dim = 0 : i64, kind = #tpu.reduction_kind<sum>} : vector<16xi1> -> vector<16xi32>
      %add3A_660 = arith.addi %add3A_648, %all_reduce_population_count3A_659 : vector<16xi32>
      %scan3A_661 = arith.constant 2 : i32
      %scan3A_662 = arith.addi %scan3A_639, %scan3A_661 : i32
      %mul3A_663 = arith.constant 16 : i32
      %mul3A_664 = arith.muli %scan3A_662, %mul3A_663 : i32
      %get3A_665 = arith.constant 1 : i32
      %get3A_666 = arith.index_cast %get3A_665 : i32 to index
      %get3A_667 = arith.index_cast %mul3A_664 : i32 to index
      %get3A_668 = tpu.vector_load %arg4[%get3A_666, %get3A_667] {strides = array<i32>} : memref<4x8192xf32, #tpu.memory_space<vmem>>, vector<16xf32>,
      %gt3A_669 = vector.broadcast %squeeze3A : f32 to vector<16xf32>
      %gt3A_670 = arith.cmpf ogt, %get3A_668, %gt3A_669 : vector<16xf32>
      %all_reduce_population_count3A_671 = tpu.all_reduce %gt3A_670 {dim = 0 : i64, kind = #tpu.reduction_kind<sum>} : vector<16xi1> -> vector<16xi32>
      %add3A_672 = arith.addi %add3A_660, %all_reduce_population_count3A_671 : vector<16xi32>
      %scan3A_673 = arith.constant 3 : i32
      %scan3A_674 = arith.addi %scan3A_639, %scan3A_673 : i32
      %mul3A_675 = arith.constant 16 : i32
      %mul3A_676 = arith.muli %scan3A_674, %mul3A_675 : i32
      %get3A_677 = arith.constant 1 : i32
      %get3A_678 = arith.index_cast %get3A_677 : i32 to index
      %get3A_679 = arith.index_cast %mul3A_676 : i32 to index
      %get3A_680 = tpu.vector_load %arg4[%get3A_678, %get3A_679] {strides = array<i32>} : memref<4x8192xf32, #tpu.memory_space<vmem>>, vector<16xf32>,
      %gt3A_681 = vector.broadcast %squeeze3A : f32 to vector<16xf32>
      %gt3A_682 = arith.cmpf ogt, %get3A_680, %gt3A_681 : vector<16xf32>
      %all_reduce_population_count3A_683 = tpu.all_reduce %gt3A_682 {dim = 0 : i64, kind = #tpu.reduction_kind<sum>} : vector<16xi1> -> vector<16xi32>
      %add3A_684 = arith.addi %add3A_672, %all_reduce_population_count3A_683 : vector<16xi32>
      %scan3A_685 = arith.constant 4 : i32
      %scan3A_686 = arith.addi %scan3A_639, %scan3A_685 : i32
      %mul3A_687 = arith.constant 16 : i32
      %mul3A_688 = arith.muli %scan3A_686, %mul3A_687 : i32
      %get3A_689 = arith.constant 1 : i32
      %get3A_690 = arith.index_cast %get3A_689 : i32 to index
      %get3A_691 = arith.index_cast %mul3A_688 : i32 to index
      %get3A_692 = tpu.vector_load %arg4[%get3A_690, %get3A_691] {strides = array<i32>} : memref<4x8192xf32, #tpu.memory_space<vmem>>, vector<16xf32>,
      %gt3A_693 = vector.broadcast %squeeze3A : f32 to vector<16xf32>
      %gt3A_694 = arith.cmpf ogt, %get3A_692, %gt3A_693 : vector<16xf32>
      %all_reduce_population_count3A_695 = tpu.all_reduce %gt3A_694 {dim = 0 : i64, kind = #tpu.reduction_kind<sum>} : vector<16xi1> -> vector<16xi32>
      %add3A_696 = arith.addi %add3A_684, %all_reduce_population_count3A_695 : vector<16xi32>
      %scan3A_697 = arith.constant 5 : i32
      %scan3A_698 = arith.addi %scan3A_639, %scan3A_697 : i32
      %mul3A_699 = arith.constant 16 : i32
      %mul3A_700 = arith.muli %scan3A_698, %mul3A_699 : i32
      %get3A_701 = arith.constant 1 : i32
      %get3A_702 = arith.index_cast %get3A_701 : i32 to index
      %get3A_703 = arith.index_cast %mul3A_700 : i32 to index
      %get3A_704 = tpu.vector_load %arg4[%get3A_702, %get3A_703] {strides = array<i32>} : memref<4x8192xf32, #tpu.memory_space<vmem>>, vector<16xf32>,
      %gt3A_705 = vector.broadcast %squeeze3A : f32 to vector<16xf32>
      %gt3A_706 = arith.cmpf ogt, %get3A_704, %gt3A_705 : vector<16xf32>
      %all_reduce_population_count3A_707 = tpu.all_reduce %gt3A_706 {dim = 0 : i64, kind = #tpu.reduction_kind<sum>} : vector<16xi1> -> vector<16xi32>
      %add3A_708 = arith.addi %add3A_696, %all_reduce_population_count3A_707 : vector<16xi32>
      %scan3A_709 = arith.constant 6 : i32
      %scan3A_710 = arith.addi %scan3A_639, %scan3A_709 : i32
      %mul3A_711 = arith.constant 16 : i32
      %mul3A_712 = arith.muli %scan3A_710, %mul3A_711 : i32
      %get3A_713 = arith.constant 1 : i32
      %get3A_714 = arith.index_cast %get3A_713 : i32 to index
      %get3A_715 = arith.index_cast %mul3A_712 : i32 to index
      %get3A_716 = tpu.vector_load %arg4[%get3A_714, %get3A_715] {strides = array<i32>} : memref<4x8192xf32, #tpu.memory_space<vmem>>, vector<16xf32>,
      %gt3A_717 = vector.broadcast %squeeze3A : f32 to vector<16xf32>
      %gt3A_718 = arith.cmpf ogt, %get3A_716, %gt3A_717 : vector<16xf32>
      %all_reduce_population_count3A_719 = tpu.all_reduce %gt3A_718 {dim = 0 : i64, kind = #tpu.reduction_kind<sum>} : vector<16xi1> -> vector<16xi32>
      %add3A_720 = arith.addi %add3A_708, %all_reduce_population_count3A_719 : vector<16xi32>
      %scan3A_721 = arith.constant 7 : i32
      %scan3A_722 = arith.addi %scan3A_639, %scan3A_721 : i32
      %mul3A_723 = arith.constant 16 : i32
      %mul3A_724 = arith.muli %scan3A_722, %mul3A_723 : i32
      %get3A_725 = arith.constant 1 : i32
      %get3A_726 = arith.index_cast %get3A_725 : i32 to index
      %get3A_727 = arith.index_cast %mul3A_724 : i32 to index
      %get3A_728 = tpu.vector_load %arg4[%get3A_726, %get3A_727] {strides = array<i32>} : memref<4x8192xf32, #tpu.memory_space<vmem>>, vector<16xf32>,
      %gt3A_729 = vector.broadcast %squeeze3A : f32 to vector<16xf32>
      %gt3A_730 = arith.cmpf ogt, %get3A_728, %gt3A_729 : vector<16xf32>
      %all_reduce_population_count3A_731 = tpu.all_reduce %gt3A_730 {dim = 0 : i64, kind = #tpu.reduction_kind<sum>} : vector<16xi1> -> vector<16xi32>
      %add3A_732 = arith.addi %add3A_720, %all_reduce_population_count3A_731 : vector<16xi32>
      %scan3A_733 = arith.constant 8 : i32
      %scan3A_734 = arith.addi %scan3A_639, %scan3A_733 : i32
      %mul3A_735 = arith.constant 16 : i32
      %mul3A_736 = arith.muli %scan3A_734, %mul3A_735 : i32
      %get3A_737 = arith.constant 1 : i32
      %get3A_738 = arith.index_cast %get3A_737 : i32 to index
      %get3A_739 = arith.index_cast %mul3A_736 : i32 to index
      %get3A_740 = tpu.vector_load %arg4[%get3A_738, %get3A_739] {strides = array<i32>} : memref<4x8192xf32, #tpu.memory_space<vmem>>, vector<16xf32>,
      %gt3A_741 = vector.broadcast %squeeze3A : f32 to vector<16xf32>
      %gt3A_742 = arith.cmpf ogt, %get3A_740, %gt3A_741 : vector<16xf32>
      %all_reduce_population_count3A_743 = tpu.all_reduce %gt3A_742 {dim = 0 : i64, kind = #tpu.reduction_kind<sum>} : vector<16xi1> -> vector<16xi32>
      %add3A_744 = arith.addi %add3A_732, %all_reduce_population_count3A_743 : vector<16xi32>
      %scan3A_745 = arith.constant 9 : i32
      %scan3A_746 = arith.addi %scan3A_639, %scan3A_745 : i32
      %mul3A_747 = arith.constant 16 : i32
      %mul3A_748 = arith.muli %scan3A_746, %mul3A_747 : i32
      %get3A_749 = arith.constant 1 : i32
      %get3A_750 = arith.index_cast %get3A_749 : i32 to index
      %get3A_751 = arith.index_cast %mul3A_748 : i32 to index
      %get3A_752 = tpu.vector_load %arg4[%get3A_750, %get3A_751] {strides = array<i32>} : memref<4x8192xf32, #tpu.memory_space<vmem>>, vector<16xf32>,
      %gt3A_753 = vector.broadcast %squeeze3A : f32 to vector<16xf32>
      %gt3A_754 = arith.cmpf ogt, %get3A_752, %gt3A_753 : vector<16xf32>
      %all_reduce_population_count3A_755 = tpu.all_reduce %gt3A_754 {dim = 0 : i64, kind = #tpu.reduction_kind<sum>} : vector<16xi1> -> vector<16xi32>
      %add3A_756 = arith.addi %add3A_744, %all_reduce_population_count3A_755 : vector<16xi32>
      %scan3A_757 = arith.constant 10 : i32
      %scan3A_758 = arith.addi %scan3A_639, %scan3A_757 : i32
      %mul3A_759 = arith.constant 16 : i32
      %mul3A_760 = arith.muli %scan3A_758, %mul3A_759 : i32
      %get3A_761 = arith.constant 1 : i32
      %get3A_762 = arith.index_cast %get3A_761 : i32 to index
      %get3A_763 = arith.index_cast %mul3A_760 : i32 to index
      %get3A_764 = tpu.vector_load %arg4[%get3A_762, %get3A_763] {strides = array<i32>} : memref<4x8192xf32, #tpu.memory_space<vmem>>, vector<16xf32>,
      %gt3A_765 = vector.broadcast %squeeze3A : f32 to vector<16xf32>
      %gt3A_766 = arith.cmpf ogt, %get3A_764, %gt3A_765 : vector<16xf32>
      %all_reduce_population_count3A_767 = tpu.all_reduce %gt3A_766 {dim = 0 : i64, kind = #tpu.reduction_kind<sum>} : vector<16xi1> -> vector<16xi32>
      %add3A_768 = arith.addi %add3A_756, %all_reduce_population_count3A_767 : vector<16xi32>
      %scan3A_769 = arith.constant 11 : i32
      %scan3A_770 = arith.addi %scan3A_639, %scan3A_769 : i32
      %mul3A_771 = arith.constant 16 : i32
      %mul3A_772 = arith.muli %scan3A_770, %mul3A_771 : i32
      %get3A_773 = arith.constant 1 : i32
      %get3A_774 = arith.index_cast %get3A_773 : i32 to index
      %get3A_775 = arith.index_cast %mul3A_772 : i32 to index
      %get3A_776 = tpu.vector_load %arg4[%get3A_774, %get3A_775] {strides = array<i32>} : memref<4x8192xf32, #tpu.memory_space<vmem>>, vector<16xf32>,
      %gt3A_777 = vector.broadcast %squeeze3A : f32 to vector<16xf32>
      %gt3A_778 = arith.cmpf ogt, %get3A_776, %gt3A_777 : vector<16xf32>
      %all_reduce_population_count3A_779 = tpu.all_reduce %gt3A_778 {dim = 0 : i64, kind = #tpu.reduction_kind<sum>} : vector<16xi1> -> vector<16xi32>
      %add3A_780 = arith.addi %add3A_768, %all_reduce_population_count3A_779 : vector<16xi32>
      %scan3A_781 = arith.constant 12 : i32
      %scan3A_782 = arith.addi %scan3A_639, %scan3A_781 : i32
      %mul3A_783 = arith.constant 16 : i32
      %mul3A_784 = arith.muli %scan3A_782, %mul3A_783 : i32
      %get3A_785 = arith.constant 1 : i32
      %get3A_786 = arith.index_cast %get3A_785 : i32 to index
      %get3A_787 = arith.index_cast %mul3A_784 : i32 to index
      %get3A_788 = tpu.vector_load %arg4[%get3A_786, %get3A_787] {strides = array<i32>} : memref<4x8192xf32, #tpu.memory_space<vmem>>, vector<16xf32>,
      %gt3A_789 = vector.broadcast %squeeze3A : f32 to vector<16xf32>
      %gt3A_790 = arith.cmpf ogt, %get3A_788, %gt3A_789 : vector<16xf32>
      %all_reduce_population_count3A_791 = tpu.all_reduce %gt3A_790 {dim = 0 : i64, kind = #tpu.reduction_kind<sum>} : vector<16xi1> -> vector<16xi32>
      %add3A_792 = arith.addi %add3A_780, %all_reduce_population_count3A_791 : vector<16xi32>
      %scan3A_793 = arith.constant 13 : i32
      %scan3A_794 = arith.addi %scan3A_639, %scan3A_793 : i32
      %mul3A_795 = arith.constant 16 : i32
      %mul3A_796 = arith.muli %scan3A_794, %mul3A_795 : i32
      %get3A_797 = arith.constant 1 : i32
      %get3A_798 = arith.index_cast %get3A_797 : i32 to index
      %get3A_799 = arith.index_cast %mul3A_796 : i32 to index
      %get3A_800 = tpu.vector_load %arg4[%get3A_798, %get3A_799] {strides = array<i32>} : memref<4x8192xf32, #tpu.memory_space<vmem>>, vector<16xf32>,
      %gt3A_801 = vector.broadcast %squeeze3A : f32 to vector<16xf32>
      %gt3A_802 = arith.cmpf ogt, %get3A_800, %gt3A_801 : vector<16xf32>
      %all_reduce_population_count3A_803 = tpu.all_reduce %gt3A_802 {dim = 0 : i64, kind = #tpu.reduction_kind<sum>} : vector<16xi1> -> vector<16xi32>
      %add3A_804 = arith.addi %add3A_792, %all_reduce_population_count3A_803 : vector<16xi32>
      %scan3A_805 = arith.constant 14 : i32
      %scan3A_806 = arith.addi %scan3A_639, %scan3A_805 : i32
      %mul3A_807 = arith.constant 16 : i32
      %mul3A_808 = arith.muli %scan3A_806, %mul3A_807 : i32
      %get3A_809 = arith.constant 1 : i32
      %get3A_810 = arith.index_cast %get3A_809 : i32 to index
      %get3A_811 = arith.index_cast %mul3A_808 : i32 to index
      %get3A_812 = tpu.vector_load %arg4[%get3A_810, %get3A_811] {strides = array<i32>} : memref<4x8192xf32, #tpu.memory_space<vmem>>, vector<16xf32>,
      %gt3A_813 = vector.broadcast %squeeze3A : f32 to vector<16xf32>
      %gt3A_814 = arith.cmpf ogt, %get3A_812, %gt3A_813 : vector<16xf32>
      %all_reduce_population_count3A_815 = tpu.all_reduce %gt3A_814 {dim = 0 : i64, kind = #tpu.reduction_kind<sum>} : vector<16xi1> -> vector<16xi32>
      %add3A_816 = arith.addi %add3A_804, %all_reduce_population_count3A_815 : vector<16xi32>
      %scan3A_817 = arith.constant 15 : i32
      %scan3A_818 = arith.addi %scan3A_639, %scan3A_817 : i32
      %mul3A_819 = arith.constant 16 : i32
      %mul3A_820 = arith.muli %scan3A_818, %mul3A_819 : i32
      %get3A_821 = arith.constant 1 : i32
      %get3A_822 = arith.index_cast %get3A_821 : i32 to index
      %get3A_823 = arith.index_cast %mul3A_820 : i32 to index
      %get3A_824 = tpu.vector_load %arg4[%get3A_822, %get3A_823] {strides = array<i32>} : memref<4x8192xf32, #tpu.memory_space<vmem>>, vector<16xf32>,
      %gt3A_825 = vector.broadcast %squeeze3A : f32 to vector<16xf32>
      %gt3A_826 = arith.cmpf ogt, %get3A_824, %gt3A_825 : vector<16xf32>
      %all_reduce_population_count3A_827 = tpu.all_reduce %gt3A_826 {dim = 0 : i64, kind = #tpu.reduction_kind<sum>} : vector<16xi1> -> vector<16xi32>
      %add3A_828 = arith.addi %add3A_816, %all_reduce_population_count3A_827 : vector<16xi32>
      scf.yield %add3A_828 : vector<16xi32>
    }
    %scan3A_122 = arith.constant 512 : i32
    %add3A_123 = arith.constant 1 : i32
    %add3A_124 = arith.addi %mul3A_2, %add3A_123 : i32
    %dma_start3A_125 = arith.constant 1 : i32
    %dma_start3A_126 = arith.constant 0 : i32
    %dma_start3A_127 = tpu.memref_slice %arg4[%dma_start3A_125, %dma_start3A_126] : memref<4x8192xf32, #tpu.memory_space<vmem>> -> memref<1x8192xf32, #tpu.memory_space<vmem>>
    %dma_start3A_128 = tpu.memref_squeeze %dma_start3A_127 : memref<1x8192xf32, #tpu.memory_space<vmem>> -> memref<8192xf32, #tpu.memory_space<vmem>>
    %dma_start3A_129 = arith.constant 8192 : i32
    %dma_start3A_130 = tpu.memref_slice %arg2[%add3A_124, %dma_start3A_129] : memref<128x32768xf32, #tpu.memory_space<hbm>> -> memref<1x8192xf32, #tpu.memory_space<hbm>>
    %dma_start3A_131 = tpu.memref_squeeze %dma_start3A_130 : memref<1x8192xf32, #tpu.memory_space<hbm>> -> memref<8192xf32, #tpu.memory_space<hbm>>
    %dma_start3A_132 = arith.constant 0 : i32
    %dma_start3A_133 = tpu.memref_slice %arg4[%dma_start3A_125, %dma_start3A_132] : memref<4x8192xf32, #tpu.memory_space<vmem>> -> memref<1x8192xf32, #tpu.memory_space<vmem>>
    %dma_start3A_134 = tpu.memref_squeeze %dma_start3A_133 : memref<1x8192xf32, #tpu.memory_space<vmem>> -> memref<8192xf32, #tpu.memory_space<vmem>>
    %dma_start3A_135 = arith.constant 8192 : i32
    %dma_start3A_136 = tpu.memref_slice %arg2[%add3A_124, %dma_start3A_135] : memref<128x32768xf32, #tpu.memory_space<hbm>> -> memref<1x8192xf32, #tpu.memory_space<hbm>>
    %dma_start3A_137 = tpu.memref_squeeze %dma_start3A_136 : memref<1x8192xf32, #tpu.memory_space<hbm>> -> memref<8192xf32, #tpu.memory_space<hbm>>
    tpu.enqueue_dma source(%dma_start3A_137 : memref<8192xf32, #tpu.memory_space<hbm>>) target(%dma_start3A_134 : memref<8192xf32, #tpu.memory_space<vmem>>) target_semaphore(%arg7 : memref<!tpu.dma_semaphore, #tpu.memory_space<semaphore_mem>>)
    %add3A_138 = arith.constant 0 : i32
    %add3A_139 = arith.addi %mul3A_2, %add3A_138 : i32
    %dma_wait3A_140 = arith.constant 2 : i32
    %dma_wait3A_141 = arith.constant 0 : i32
    %dma_wait3A_142 = tpu.memref_slice %arg4[%dma_wait3A_140, %dma_wait3A_141] : memref<4x8192xf32, #tpu.memory_space<vmem>> -> memref<1x8192xf32, #tpu.memory_space<vmem>>
    %dma_wait3A_143 = tpu.memref_squeeze %dma_wait3A_142 : memref<1x8192xf32, #tpu.memory_space<vmem>> -> memref<8192xf32, #tpu.memory_space<vmem>>
    %dma_wait3A_144 = arith.constant 16384 : i32
    %dma_wait3A_145 = tpu.memref_slice %arg2[%add3A_139, %dma_wait3A_144] : memref<128x32768xf32, #tpu.memory_space<hbm>> -> memref<1x8192xf32, #tpu.memory_space<hbm>>
    %dma_wait3A_146 = tpu.memref_squeeze %dma_wait3A_145 : memref<1x8192xf32, #tpu.memory_space<hbm>> -> memref<8192xf32, #tpu.memory_space<hbm>>
    %dma_wait3A_147 = arith.constant 0 : i32
    %dma_wait3A_148 = tpu.memref_slice %arg4[%dma_wait3A_140, %dma_wait3A_147] : memref<4x8192xf32, #tpu.memory_space<vmem>> -> memref<1x8192xf32, #tpu.memory_space<vmem>>
    %dma_wait3A_149 = tpu.memref_squeeze %dma_wait3A_148 : memref<1x8192xf32, #tpu.memory_space<vmem>> -> memref<8192xf32, #tpu.memory_space<vmem>>
    %dma_wait3A_150 = arith.constant 16384 : i32
    %dma_wait3A_151 = tpu.memref_slice %arg2[%add3A_139, %dma_wait3A_150] : memref<128x32768xf32, #tpu.memory_space<hbm>> -> memref<1x8192xf32, #tpu.memory_space<hbm>>
    %dma_wait3A_152 = tpu.memref_squeeze %dma_wait3A_151 : memref<1x8192xf32, #tpu.memory_space<hbm>> -> memref<8192xf32, #tpu.memory_space<hbm>>
    tpu.wait_dma2 semaphore(%arg8 : memref<!tpu.dma_semaphore, #tpu.memory_space<semaphore_mem>>) src(%dma_wait3A_152 : memref<8192xf32, #tpu.memory_space<hbm>>) dst(%dma_wait3A_149 : memref<8192xf32, #tpu.memory_space<vmem>>)
    %scan3A_153 = arith.constant 0 : i32
    %scan3A_154 = arith.constant 512 : i32
    %scan3A_155 = arith.addi %scan3A_153, %scan3A_154 : i32
    %scan3A_156 = arith.constant 16 : i32
    %scan3A_157 = scf.for %scan3A_639 = %scan3A_153 to %scan3A_155 step %scan3A_156 iter_args(%scan3A_640 = %scan3A_121) -> (vector<16xi32>)  : i32 {
      %mul3A_641 = arith.constant 16 : i32
      %mul3A_642 = arith.muli %scan3A_639, %mul3A_641 : i32
      %get3A_643 = arith.constant 2 : i32
      %get3A_644 = arith.index_cast %get3A_643 : i32 to index
      %get3A_645 = arith.index_cast %mul3A_642 : i32 to index
      %get3A_646 = tpu.vector_load %arg4[%get3A_644, %get3A_645] {strides = array<i32>} : memref<4x8192xf32, #tpu.memory_space<vmem>>, vector<16xf32>,
      %gt3A = vector.broadcast %squeeze3A : f32 to vector<16xf32>
      %gt3A_647 = arith.cmpf ogt, %get3A_646, %gt3A : vector<16xf32>
      %all_reduce_population_count3A = tpu.all_reduce %gt3A_647 {dim = 0 : i64, kind = #tpu.reduction_kind<sum>} : vector<16xi1> -> vector<16xi32>
      %add3A_648 = arith.addi %scan3A_640, %all_reduce_population_count3A : vector<16xi32>
      %scan3A_649 = arith.constant 1 : i32
      %scan3A_650 = arith.addi %scan3A_639, %scan3A_649 : i32
      %mul3A_651 = arith.constant 16 : i32
      %mul3A_652 = arith.muli %scan3A_650, %mul3A_651 : i32
      %get3A_653 = arith.constant 2 : i32
      %get3A_654 = arith.index_cast %get3A_653 : i32 to index
      %get3A_655 = arith.index_cast %mul3A_652 : i32 to index
      %get3A_656 = tpu.vector_load %arg4[%get3A_654, %get3A_655] {strides = array<i32>} : memref<4x8192xf32, #tpu.memory_space<vmem>>, vector<16xf32>,
      %gt3A_657 = vector.broadcast %squeeze3A : f32 to vector<16xf32>
      %gt3A_658 = arith.cmpf ogt, %get3A_656, %gt3A_657 : vector<16xf32>
      %all_reduce_population_count3A_659 = tpu.all_reduce %gt3A_658 {dim = 0 : i64, kind = #tpu.reduction_kind<sum>} : vector<16xi1> -> vector<16xi32>
      %add3A_660 = arith.addi %add3A_648, %all_reduce_population_count3A_659 : vector<16xi32>
      %scan3A_661 = arith.constant 2 : i32
      %scan3A_662 = arith.addi %scan3A_639, %scan3A_661 : i32
      %mul3A_663 = arith.constant 16 : i32
      %mul3A_664 = arith.muli %scan3A_662, %mul3A_663 : i32
      %get3A_665 = arith.constant 2 : i32
      %get3A_666 = arith.index_cast %get3A_665 : i32 to index
      %get3A_667 = arith.index_cast %mul3A_664 : i32 to index
      %get3A_668 = tpu.vector_load %arg4[%get3A_666, %get3A_667] {strides = array<i32>} : memref<4x8192xf32, #tpu.memory_space<vmem>>, vector<16xf32>,
      %gt3A_669 = vector.broadcast %squeeze3A : f32 to vector<16xf32>
      %gt3A_670 = arith.cmpf ogt, %get3A_668, %gt3A_669 : vector<16xf32>
      %all_reduce_population_count3A_671 = tpu.all_reduce %gt3A_670 {dim = 0 : i64, kind = #tpu.reduction_kind<sum>} : vector<16xi1> -> vector<16xi32>
      %add3A_672 = arith.addi %add3A_660, %all_reduce_population_count3A_671 : vector<16xi32>
      %scan3A_673 = arith.constant 3 : i32
      %scan3A_674 = arith.addi %scan3A_639, %scan3A_673 : i32
      %mul3A_675 = arith.constant 16 : i32
      %mul3A_676 = arith.muli %scan3A_674, %mul3A_675 : i32
      %get3A_677 = arith.constant 2 : i32
      %get3A_678 = arith.index_cast %get3A_677 : i32 to index
      %get3A_679 = arith.index_cast %mul3A_676 : i32 to index
      %get3A_680 = tpu.vector_load %arg4[%get3A_678, %get3A_679] {strides = array<i32>} : memref<4x8192xf32, #tpu.memory_space<vmem>>, vector<16xf32>,
      %gt3A_681 = vector.broadcast %squeeze3A : f32 to vector<16xf32>
      %gt3A_682 = arith.cmpf ogt, %get3A_680, %gt3A_681 : vector<16xf32>
      %all_reduce_population_count3A_683 = tpu.all_reduce %gt3A_682 {dim = 0 : i64, kind = #tpu.reduction_kind<sum>} : vector<16xi1> -> vector<16xi32>
      %add3A_684 = arith.addi %add3A_672, %all_reduce_population_count3A_683 : vector<16xi32>
      %scan3A_685 = arith.constant 4 : i32
      %scan3A_686 = arith.addi %scan3A_639, %scan3A_685 : i32
      %mul3A_687 = arith.constant 16 : i32
      %mul3A_688 = arith.muli %scan3A_686, %mul3A_687 : i32
      %get3A_689 = arith.constant 2 : i32
      %get3A_690 = arith.index_cast %get3A_689 : i32 to index
      %get3A_691 = arith.index_cast %mul3A_688 : i32 to index
      %get3A_692 = tpu.vector_load %arg4[%get3A_690, %get3A_691] {strides = array<i32>} : memref<4x8192xf32, #tpu.memory_space<vmem>>, vector<16xf32>,
      %gt3A_693 = vector.broadcast %squeeze3A : f32 to vector<16xf32>
      %gt3A_694 = arith.cmpf ogt, %get3A_692, %gt3A_693 : vector<16xf32>
      %all_reduce_population_count3A_695 = tpu.all_reduce %gt3A_694 {dim = 0 : i64, kind = #tpu.reduction_kind<sum>} : vector<16xi1> -> vector<16xi32>
      %add3A_696 = arith.addi %add3A_684, %all_reduce_population_count3A_695 : vector<16xi32>
      %scan3A_697 = arith.constant 5 : i32
      %scan3A_698 = arith.addi %scan3A_639, %scan3A_697 : i32
      %mul3A_699 = arith.constant 16 : i32
      %mul3A_700 = arith.muli %scan3A_698, %mul3A_699 : i32
      %get3A_701 = arith.constant 2 : i32
      %get3A_702 = arith.index_cast %get3A_701 : i32 to index
      %get3A_703 = arith.index_cast %mul3A_700 : i32 to index
      %get3A_704 = tpu.vector_load %arg4[%get3A_702, %get3A_703] {strides = array<i32>} : memref<4x8192xf32, #tpu.memory_space<vmem>>, vector<16xf32>,
      %gt3A_705 = vector.broadcast %squeeze3A : f32 to vector<16xf32>
      %gt3A_706 = arith.cmpf ogt, %get3A_704, %gt3A_705 : vector<16xf32>
      %all_reduce_population_count3A_707 = tpu.all_reduce %gt3A_706 {dim = 0 : i64, kind = #tpu.reduction_kind<sum>} : vector<16xi1> -> vector<16xi32>
      %add3A_708 = arith.addi %add3A_696, %all_reduce_population_count3A_707 : vector<16xi32>
      %scan3A_709 = arith.constant 6 : i32
      %scan3A_710 = arith.addi %scan3A_639, %scan3A_709 : i32
      %mul3A_711 = arith.constant 16 : i32
      %mul3A_712 = arith.muli %scan3A_710, %mul3A_711 : i32
      %get3A_713 = arith.constant 2 : i32
      %get3A_714 = arith.index_cast %get3A_713 : i32 to index
      %get3A_715 = arith.index_cast %mul3A_712 : i32 to index
      %get3A_716 = tpu.vector_load %arg4[%get3A_714, %get3A_715] {strides = array<i32>} : memref<4x8192xf32, #tpu.memory_space<vmem>>, vector<16xf32>,
      %gt3A_717 = vector.broadcast %squeeze3A : f32 to vector<16xf32>
      %gt3A_718 = arith.cmpf ogt, %get3A_716, %gt3A_717 : vector<16xf32>
      %all_reduce_population_count3A_719 = tpu.all_reduce %gt3A_718 {dim = 0 : i64, kind = #tpu.reduction_kind<sum>} : vector<16xi1> -> vector<16xi32>
      %add3A_720 = arith.addi %add3A_708, %all_reduce_population_count3A_719 : vector<16xi32>
      %scan3A_721 = arith.constant 7 : i32
      %scan3A_722 = arith.addi %scan3A_639, %scan3A_721 : i32
      %mul3A_723 = arith.constant 16 : i32
      %mul3A_724 = arith.muli %scan3A_722, %mul3A_723 : i32
      %get3A_725 = arith.constant 2 : i32
      %get3A_726 = arith.index_cast %get3A_725 : i32 to index
      %get3A_727 = arith.index_cast %mul3A_724 : i32 to index
      %get3A_728 = tpu.vector_load %arg4[%get3A_726, %get3A_727] {strides = array<i32>} : memref<4x8192xf32, #tpu.memory_space<vmem>>, vector<16xf32>,
      %gt3A_729 = vector.broadcast %squeeze3A : f32 to vector<16xf32>
      %gt3A_730 = arith.cmpf ogt, %get3A_728, %gt3A_729 : vector<16xf32>
      %all_reduce_population_count3A_731 = tpu.all_reduce %gt3A_730 {dim = 0 : i64, kind = #tpu.reduction_kind<sum>} : vector<16xi1> -> vector<16xi32>
      %add3A_732 = arith.addi %add3A_720, %all_reduce_population_count3A_731 : vector<16xi32>
      %scan3A_733 = arith.constant 8 : i32
      %scan3A_734 = arith.addi %scan3A_639, %scan3A_733 : i32
      %mul3A_735 = arith.constant 16 : i32
      %mul3A_736 = arith.muli %scan3A_734, %mul3A_735 : i32
      %get3A_737 = arith.constant 2 : i32
      %get3A_738 = arith.index_cast %get3A_737 : i32 to index
      %get3A_739 = arith.index_cast %mul3A_736 : i32 to index
      %get3A_740 = tpu.vector_load %arg4[%get3A_738, %get3A_739] {strides = array<i32>} : memref<4x8192xf32, #tpu.memory_space<vmem>>, vector<16xf32>,
      %gt3A_741 = vector.broadcast %squeeze3A : f32 to vector<16xf32>
      %gt3A_742 = arith.cmpf ogt, %get3A_740, %gt3A_741 : vector<16xf32>
      %all_reduce_population_count3A_743 = tpu.all_reduce %gt3A_742 {dim = 0 : i64, kind = #tpu.reduction_kind<sum>} : vector<16xi1> -> vector<16xi32>
      %add3A_744 = arith.addi %add3A_732, %all_reduce_population_count3A_743 : vector<16xi32>
      %scan3A_745 = arith.constant 9 : i32
      %scan3A_746 = arith.addi %scan3A_639, %scan3A_745 : i32
      %mul3A_747 = arith.constant 16 : i32
      %mul3A_748 = arith.muli %scan3A_746, %mul3A_747 : i32
      %get3A_749 = arith.constant 2 : i32
      %get3A_750 = arith.index_cast %get3A_749 : i32 to index
      %get3A_751 = arith.index_cast %mul3A_748 : i32 to index
      %get3A_752 = tpu.vector_load %arg4[%get3A_750, %get3A_751] {strides = array<i32>} : memref<4x8192xf32, #tpu.memory_space<vmem>>, vector<16xf32>,
      %gt3A_753 = vector.broadcast %squeeze3A : f32 to vector<16xf32>
      %gt3A_754 = arith.cmpf ogt, %get3A_752, %gt3A_753 : vector<16xf32>
      %all_reduce_population_count3A_755 = tpu.all_reduce %gt3A_754 {dim = 0 : i64, kind = #tpu.reduction_kind<sum>} : vector<16xi1> -> vector<16xi32>
      %add3A_756 = arith.addi %add3A_744, %all_reduce_population_count3A_755 : vector<16xi32>
      %scan3A_757 = arith.constant 10 : i32
      %scan3A_758 = arith.addi %scan3A_639, %scan3A_757 : i32
      %mul3A_759 = arith.constant 16 : i32
      %mul3A_760 = arith.muli %scan3A_758, %mul3A_759 : i32
      %get3A_761 = arith.constant 2 : i32
      %get3A_762 = arith.index_cast %get3A_761 : i32 to index
      %get3A_763 = arith.index_cast %mul3A_760 : i32 to index
      %get3A_764 = tpu.vector_load %arg4[%get3A_762, %get3A_763] {strides = array<i32>} : memref<4x8192xf32, #tpu.memory_space<vmem>>, vector<16xf32>,
      %gt3A_765 = vector.broadcast %squeeze3A : f32 to vector<16xf32>
      %gt3A_766 = arith.cmpf ogt, %get3A_764, %gt3A_765 : vector<16xf32>
      %all_reduce_population_count3A_767 = tpu.all_reduce %gt3A_766 {dim = 0 : i64, kind = #tpu.reduction_kind<sum>} : vector<16xi1> -> vector<16xi32>
      %add3A_768 = arith.addi %add3A_756, %all_reduce_population_count3A_767 : vector<16xi32>
      %scan3A_769 = arith.constant 11 : i32
      %scan3A_770 = arith.addi %scan3A_639, %scan3A_769 : i32
      %mul3A_771 = arith.constant 16 : i32
      %mul3A_772 = arith.muli %scan3A_770, %mul3A_771 : i32
      %get3A_773 = arith.constant 2 : i32
      %get3A_774 = arith.index_cast %get3A_773 : i32 to index
      %get3A_775 = arith.index_cast %mul3A_772 : i32 to index
      %get3A_776 = tpu.vector_load %arg4[%get3A_774, %get3A_775] {strides = array<i32>} : memref<4x8192xf32, #tpu.memory_space<vmem>>, vector<16xf32>,
      %gt3A_777 = vector.broadcast %squeeze3A : f32 to vector<16xf32>
      %gt3A_778 = arith.cmpf ogt, %get3A_776, %gt3A_777 : vector<16xf32>
      %all_reduce_population_count3A_779 = tpu.all_reduce %gt3A_778 {dim = 0 : i64, kind = #tpu.reduction_kind<sum>} : vector<16xi1> -> vector<16xi32>
      %add3A_780 = arith.addi %add3A_768, %all_reduce_population_count3A_779 : vector<16xi32>
      %scan3A_781 = arith.constant 12 : i32
      %scan3A_782 = arith.addi %scan3A_639, %scan3A_781 : i32
      %mul3A_783 = arith.constant 16 : i32
      %mul3A_784 = arith.muli %scan3A_782, %mul3A_783 : i32
      %get3A_785 = arith.constant 2 : i32
      %get3A_786 = arith.index_cast %get3A_785 : i32 to index
      %get3A_787 = arith.index_cast %mul3A_784 : i32 to index
      %get3A_788 = tpu.vector_load %arg4[%get3A_786, %get3A_787] {strides = array<i32>} : memref<4x8192xf32, #tpu.memory_space<vmem>>, vector<16xf32>,
      %gt3A_789 = vector.broadcast %squeeze3A : f32 to vector<16xf32>
      %gt3A_790 = arith.cmpf ogt, %get3A_788, %gt3A_789 : vector<16xf32>
      %all_reduce_population_count3A_791 = tpu.all_reduce %gt3A_790 {dim = 0 : i64, kind = #tpu.reduction_kind<sum>} : vector<16xi1> -> vector<16xi32>
      %add3A_792 = arith.addi %add3A_780, %all_reduce_population_count3A_791 : vector<16xi32>
      %scan3A_793 = arith.constant 13 : i32
      %scan3A_794 = arith.addi %scan3A_639, %scan3A_793 : i32
      %mul3A_795 = arith.constant 16 : i32
      %mul3A_796 = arith.muli %scan3A_794, %mul3A_795 : i32
      %get3A_797 = arith.constant 2 : i32
      %get3A_798 = arith.index_cast %get3A_797 : i32 to index
      %get3A_799 = arith.index_cast %mul3A_796 : i32 to index
      %get3A_800 = tpu.vector_load %arg4[%get3A_798, %get3A_799] {strides = array<i32>} : memref<4x8192xf32, #tpu.memory_space<vmem>>, vector<16xf32>,
      %gt3A_801 = vector.broadcast %squeeze3A : f32 to vector<16xf32>
      %gt3A_802 = arith.cmpf ogt, %get3A_800, %gt3A_801 : vector<16xf32>
      %all_reduce_population_count3A_803 = tpu.all_reduce %gt3A_802 {dim = 0 : i64, kind = #tpu.reduction_kind<sum>} : vector<16xi1> -> vector<16xi32>
      %add3A_804 = arith.addi %add3A_792, %all_reduce_population_count3A_803 : vector<16xi32>
      %scan3A_805 = arith.constant 14 : i32
      %scan3A_806 = arith.addi %scan3A_639, %scan3A_805 : i32
      %mul3A_807 = arith.constant 16 : i32
      %mul3A_808 = arith.muli %scan3A_806, %mul3A_807 : i32
      %get3A_809 = arith.constant 2 : i32
      %get3A_810 = arith.index_cast %get3A_809 : i32 to index
      %get3A_811 = arith.index_cast %mul3A_808 : i32 to index
      %get3A_812 = tpu.vector_load %arg4[%get3A_810, %get3A_811] {strides = array<i32>} : memref<4x8192xf32, #tpu.memory_space<vmem>>, vector<16xf32>,
      %gt3A_813 = vector.broadcast %squeeze3A : f32 to vector<16xf32>
      %gt3A_814 = arith.cmpf ogt, %get3A_812, %gt3A_813 : vector<16xf32>
      %all_reduce_population_count3A_815 = tpu.all_reduce %gt3A_814 {dim = 0 : i64, kind = #tpu.reduction_kind<sum>} : vector<16xi1> -> vector<16xi32>
      %add3A_816 = arith.addi %add3A_804, %all_reduce_population_count3A_815 : vector<16xi32>
      %scan3A_817 = arith.constant 15 : i32
      %scan3A_818 = arith.addi %scan3A_639, %scan3A_817 : i32
      %mul3A_819 = arith.constant 16 : i32
      %mul3A_820 = arith.muli %scan3A_818, %mul3A_819 : i32
      %get3A_821 = arith.constant 2 : i32
      %get3A_822 = arith.index_cast %get3A_821 : i32 to index
      %get3A_823 = arith.index_cast %mul3A_820 : i32 to index
      %get3A_824 = tpu.vector_load %arg4[%get3A_822, %get3A_823] {strides = array<i32>} : memref<4x8192xf32, #tpu.memory_space<vmem>>, vector<16xf32>,
      %gt3A_825 = vector.broadcast %squeeze3A : f32 to vector<16xf32>
      %gt3A_826 = arith.cmpf ogt, %get3A_824, %gt3A_825 : vector<16xf32>
      %all_reduce_population_count3A_827 = tpu.all_reduce %gt3A_826 {dim = 0 : i64, kind = #tpu.reduction_kind<sum>} : vector<16xi1> -> vector<16xi32>
      %add3A_828 = arith.addi %add3A_816, %all_reduce_population_count3A_827 : vector<16xi32>
      scf.yield %add3A_828 : vector<16xi32>
    }
    %scan3A_158 = arith.constant 512 : i32
    %add3A_159 = arith.constant 1 : i32
    %add3A_160 = arith.addi %mul3A_2, %add3A_159 : i32
    %dma_start3A_161 = arith.constant 2 : i32
    %dma_start3A_162 = arith.constant 0 : i32
    %dma_start3A_163 = tpu.memref_slice %arg4[%dma_start3A_161, %dma_start3A_162] : memref<4x8192xf32, #tpu.memory_space<vmem>> -> memref<1x8192xf32, #tpu.memory_space<vmem>>
    %dma_start3A_164 = tpu.memref_squeeze %dma_start3A_163 : memref<1x8192xf32, #tpu.memory_space<vmem>> -> memref<8192xf32, #tpu.memory_space<vmem>>
    %dma_start3A_165 = arith.constant 16384 : i32
    %dma_start3A_166 = tpu.memref_slice %arg2[%add3A_160, %dma_start3A_165] : memref<128x32768xf32, #tpu.memory_space<hbm>> -> memref<1x8192xf32, #tpu.memory_space<hbm>>
    %dma_start3A_167 = tpu.memref_squeeze %dma_start3A_166 : memref<1x8192xf32, #tpu.memory_space<hbm>> -> memref<8192xf32, #tpu.memory_space<hbm>>
    %dma_start3A_168 = arith.constant 0 : i32
    %dma_start3A_169 = tpu.memref_slice %arg4[%dma_start3A_161, %dma_start3A_168] : memref<4x8192xf32, #tpu.memory_space<vmem>> -> memref<1x8192xf32, #tpu.memory_space<vmem>>
    %dma_start3A_170 = tpu.memref_squeeze %dma_start3A_169 : memref<1x8192xf32, #tpu.memory_space<vmem>> -> memref<8192xf32, #tpu.memory_space<vmem>>
    %dma_start3A_171 = arith.constant 16384 : i32
    %dma_start3A_172 = tpu.memref_slice %arg2[%add3A_160, %dma_start3A_171] : memref<128x32768xf32, #tpu.memory_space<hbm>> -> memref<1x8192xf32, #tpu.memory_space<hbm>>
    %dma_start3A_173 = tpu.memref_squeeze %dma_start3A_172 : memref<1x8192xf32, #tpu.memory_space<hbm>> -> memref<8192xf32, #tpu.memory_space<hbm>>
    tpu.enqueue_dma source(%dma_start3A_173 : memref<8192xf32, #tpu.memory_space<hbm>>) target(%dma_start3A_170 : memref<8192xf32, #tpu.memory_space<vmem>>) target_semaphore(%arg8 : memref<!tpu.dma_semaphore, #tpu.memory_space<semaphore_mem>>)
    %add3A_174 = arith.constant 0 : i32
    %add3A_175 = arith.addi %mul3A_2, %add3A_174 : i32
    %dma_wait3A_176 = arith.constant 3 : i32
    %dma_wait3A_177 = arith.constant 0 : i32
    %dma_wait3A_178 = tpu.memref_slice %arg4[%dma_wait3A_176, %dma_wait3A_177] : memref<4x8192xf32, #tpu.memory_space<vmem>> -> memref<1x8192xf32, #tpu.memory_space<vmem>>
    %dma_wait3A_179 = tpu.memref_squeeze %dma_wait3A_178 : memref<1x8192xf32, #tpu.memory_space<vmem>> -> memref<8192xf32, #tpu.memory_space<vmem>>
    %dma_wait3A_180 = arith.constant 24576 : i32
    %dma_wait3A_181 = tpu.memref_slice %arg2[%add3A_175, %dma_wait3A_180] : memref<128x32768xf32, #tpu.memory_space<hbm>> -> memref<1x8192xf32, #tpu.memory_space<hbm>>
    %dma_wait3A_182 = tpu.memref_squeeze %dma_wait3A_181 : memref<1x8192xf32, #tpu.memory_space<hbm>> -> memref<8192xf32, #tpu.memory_space<hbm>>
    %dma_wait3A_183 = arith.constant 0 : i32
    %dma_wait3A_184 = tpu.memref_slice %arg4[%dma_wait3A_176, %dma_wait3A_183] : memref<4x8192xf32, #tpu.memory_space<vmem>> -> memref<1x8192xf32, #tpu.memory_space<vmem>>
    %dma_wait3A_185 = tpu.memref_squeeze %dma_wait3A_184 : memref<1x8192xf32, #tpu.memory_space<vmem>> -> memref<8192xf32, #tpu.memory_space<vmem>>
    %dma_wait3A_186 = arith.constant 24576 : i32
    %dma_wait3A_187 = tpu.memref_slice %arg2[%add3A_175, %dma_wait3A_186] : memref<128x32768xf32, #tpu.memory_space<hbm>> -> memref<1x8192xf32, #tpu.memory_space<hbm>>
    %dma_wait3A_188 = tpu.memref_squeeze %dma_wait3A_187 : memref<1x8192xf32, #tpu.memory_space<hbm>> -> memref<8192xf32, #tpu.memory_space<hbm>>
    tpu.wait_dma2 semaphore(%arg9 : memref<!tpu.dma_semaphore, #tpu.memory_space<semaphore_mem>>) src(%dma_wait3A_188 : memref<8192xf32, #tpu.memory_space<hbm>>) dst(%dma_wait3A_185 : memref<8192xf32, #tpu.memory_space<vmem>>)
    %scan3A_189 = arith.constant 0 : i32
    %scan3A_190 = arith.constant 512 : i32
    %scan3A_191 = arith.addi %scan3A_189, %scan3A_190 : i32
    %scan3A_192 = arith.constant 16 : i32
    %scan3A_193 = scf.for %scan3A_639 = %scan3A_189 to %scan3A_191 step %scan3A_192 iter_args(%scan3A_640 = %scan3A_157) -> (vector<16xi32>)  : i32 {
      %mul3A_641 = arith.constant 16 : i32
      %mul3A_642 = arith.muli %scan3A_639, %mul3A_641 : i32
      %get3A_643 = arith.constant 3 : i32
      %get3A_644 = arith.index_cast %get3A_643 : i32 to index
      %get3A_645 = arith.index_cast %mul3A_642 : i32 to index
      %get3A_646 = tpu.vector_load %arg4[%get3A_644, %get3A_645] {strides = array<i32>} : memref<4x8192xf32, #tpu.memory_space<vmem>>, vector<16xf32>,
      %gt3A = vector.broadcast %squeeze3A : f32 to vector<16xf32>
      %gt3A_647 = arith.cmpf ogt, %get3A_646, %gt3A : vector<16xf32>
      %all_reduce_population_count3A = tpu.all_reduce %gt3A_647 {dim = 0 : i64, kind = #tpu.reduction_kind<sum>} : vector<16xi1> -> vector<16xi32>
      %add3A_648 = arith.addi %scan3A_640, %all_reduce_population_count3A : vector<16xi32>
      %scan3A_649 = arith.constant 1 : i32
      %scan3A_650 = arith.addi %scan3A_639, %scan3A_649 : i32
      %mul3A_651 = arith.constant 16 : i32
      %mul3A_652 = arith.muli %scan3A_650, %mul3A_651 : i32
      %get3A_653 = arith.constant 3 : i32
      %get3A_654 = arith.index_cast %get3A_653 : i32 to index
      %get3A_655 = arith.index_cast %mul3A_652 : i32 to index
      %get3A_656 = tpu.vector_load %arg4[%get3A_654, %get3A_655] {strides = array<i32>} : memref<4x8192xf32, #tpu.memory_space<vmem>>, vector<16xf32>,
      %gt3A_657 = vector.broadcast %squeeze3A : f32 to vector<16xf32>
      %gt3A_658 = arith.cmpf ogt, %get3A_656, %gt3A_657 : vector<16xf32>
      %all_reduce_population_count3A_659 = tpu.all_reduce %gt3A_658 {dim = 0 : i64, kind = #tpu.reduction_kind<sum>} : vector<16xi1> -> vector<16xi32>
      %add3A_660 = arith.addi %add3A_648, %all_reduce_population_count3A_659 : vector<16xi32>
      %scan3A_661 = arith.constant 2 : i32
      %scan3A_662 = arith.addi %scan3A_639, %scan3A_661 : i32
      %mul3A_663 = arith.constant 16 : i32
      %mul3A_664 = arith.muli %scan3A_662, %mul3A_663 : i32
      %get3A_665 = arith.constant 3 : i32
      %get3A_666 = arith.index_cast %get3A_665 : i32 to index
      %get3A_667 = arith.index_cast %mul3A_664 : i32 to index
      %get3A_668 = tpu.vector_load %arg4[%get3A_666, %get3A_667] {strides = array<i32>} : memref<4x8192xf32, #tpu.memory_space<vmem>>, vector<16xf32>,
      %gt3A_669 = vector.broadcast %squeeze3A : f32 to vector<16xf32>
      %gt3A_670 = arith.cmpf ogt, %get3A_668, %gt3A_669 : vector<16xf32>
      %all_reduce_population_count3A_671 = tpu.all_reduce %gt3A_670 {dim = 0 : i64, kind = #tpu.reduction_kind<sum>} : vector<16xi1> -> vector<16xi32>
      %add3A_672 = arith.addi %add3A_660, %all_reduce_population_count3A_671 : vector<16xi32>
      %scan3A_673 = arith.constant 3 : i32
      %scan3A_674 = arith.addi %scan3A_639, %scan3A_673 : i32
      %mul3A_675 = arith.constant 16 : i32
      %mul3A_676 = arith.muli %scan3A_674, %mul3A_675 : i32
      %get3A_677 = arith.constant 3 : i32
      %get3A_678 = arith.index_cast %get3A_677 : i32 to index
      %get3A_679 = arith.index_cast %mul3A_676 : i32 to index
      %get3A_680 = tpu.vector_load %arg4[%get3A_678, %get3A_679] {strides = array<i32>} : memref<4x8192xf32, #tpu.memory_space<vmem>>, vector<16xf32>,
      %gt3A_681 = vector.broadcast %squeeze3A : f32 to vector<16xf32>
      %gt3A_682 = arith.cmpf ogt, %get3A_680, %gt3A_681 : vector<16xf32>
      %all_reduce_population_count3A_683 = tpu.all_reduce %gt3A_682 {dim = 0 : i64, kind = #tpu.reduction_kind<sum>} : vector<16xi1> -> vector<16xi32>
      %add3A_684 = arith.addi %add3A_672, %all_reduce_population_count3A_683 : vector<16xi32>
      %scan3A_685 = arith.constant 4 : i32
      %scan3A_686 = arith.addi %scan3A_639, %scan3A_685 : i32
      %mul3A_687 = arith.constant 16 : i32
      %mul3A_688 = arith.muli %scan3A_686, %mul3A_687 : i32
      %get3A_689 = arith.constant 3 : i32
      %get3A_690 = arith.index_cast %get3A_689 : i32 to index
      %get3A_691 = arith.index_cast %mul3A_688 : i32 to index
      %get3A_692 = tpu.vector_load %arg4[%get3A_690, %get3A_691] {strides = array<i32>} : memref<4x8192xf32, #tpu.memory_space<vmem>>, vector<16xf32>,
      %gt3A_693 = vector.broadcast %squeeze3A : f32 to vector<16xf32>
      %gt3A_694 = arith.cmpf ogt, %get3A_692, %gt3A_693 : vector<16xf32>
      %all_reduce_population_count3A_695 = tpu.all_reduce %gt3A_694 {dim = 0 : i64, kind = #tpu.reduction_kind<sum>} : vector<16xi1> -> vector<16xi32>
      %add3A_696 = arith.addi %add3A_684, %all_reduce_population_count3A_695 : vector<16xi32>
      %scan3A_697 = arith.constant 5 : i32
      %scan3A_698 = arith.addi %scan3A_639, %scan3A_697 : i32
      %mul3A_699 = arith.constant 16 : i32
      %mul3A_700 = arith.muli %scan3A_698, %mul3A_699 : i32
      %get3A_701 = arith.constant 3 : i32
      %get3A_702 = arith.index_cast %get3A_701 : i32 to index
      %get3A_703 = arith.index_cast %mul3A_700 : i32 to index
      %get3A_704 = tpu.vector_load %arg4[%get3A_702, %get3A_703] {strides = array<i32>} : memref<4x8192xf32, #tpu.memory_space<vmem>>, vector<16xf32>,
      %gt3A_705 = vector.broadcast %squeeze3A : f32 to vector<16xf32>
      %gt3A_706 = arith.cmpf ogt, %get3A_704, %gt3A_705 : vector<16xf32>
      %all_reduce_population_count3A_707 = tpu.all_reduce %gt3A_706 {dim = 0 : i64, kind = #tpu.reduction_kind<sum>} : vector<16xi1> -> vector<16xi32>
      %add3A_708 = arith.addi %add3A_696, %all_reduce_population_count3A_707 : vector<16xi32>
      %scan3A_709 = arith.constant 6 : i32
      %scan3A_710 = arith.addi %scan3A_639, %scan3A_709 : i32
      %mul3A_711 = arith.constant 16 : i32
      %mul3A_712 = arith.muli %scan3A_710, %mul3A_711 : i32
      %get3A_713 = arith.constant 3 : i32
      %get3A_714 = arith.index_cast %get3A_713 : i32 to index
      %get3A_715 = arith.index_cast %mul3A_712 : i32 to index
      %get3A_716 = tpu.vector_load %arg4[%get3A_714, %get3A_715] {strides = array<i32>} : memref<4x8192xf32, #tpu.memory_space<vmem>>, vector<16xf32>,
      %gt3A_717 = vector.broadcast %squeeze3A : f32 to vector<16xf32>
      %gt3A_718 = arith.cmpf ogt, %get3A_716, %gt3A_717 : vector<16xf32>
      %all_reduce_population_count3A_719 = tpu.all_reduce %gt3A_718 {dim = 0 : i64, kind = #tpu.reduction_kind<sum>} : vector<16xi1> -> vector<16xi32>
      %add3A_720 = arith.addi %add3A_708, %all_reduce_population_count3A_719 : vector<16xi32>
      %scan3A_721 = arith.constant 7 : i32
      %scan3A_722 = arith.addi %scan3A_639, %scan3A_721 : i32
      %mul3A_723 = arith.constant 16 : i32
      %mul3A_724 = arith.muli %scan3A_722, %mul3A_723 : i32
      %get3A_725 = arith.constant 3 : i32
      %get3A_726 = arith.index_cast %get3A_725 : i32 to index
      %get3A_727 = arith.index_cast %mul3A_724 : i32 to index
      %get3A_728 = tpu.vector_load %arg4[%get3A_726, %get3A_727] {strides = array<i32>} : memref<4x8192xf32, #tpu.memory_space<vmem>>, vector<16xf32>,
      %gt3A_729 = vector.broadcast %squeeze3A : f32 to vector<16xf32>
      %gt3A_730 = arith.cmpf ogt, %get3A_728, %gt3A_729 : vector<16xf32>
      %all_reduce_population_count3A_731 = tpu.all_reduce %gt3A_730 {dim = 0 : i64, kind = #tpu.reduction_kind<sum>} : vector<16xi1> -> vector<16xi32>
      %add3A_732 = arith.addi %add3A_720, %all_reduce_population_count3A_731 : vector<16xi32>
      %scan3A_733 = arith.constant 8 : i32
      %scan3A_734 = arith.addi %scan3A_639, %scan3A_733 : i32
      %mul3A_735 = arith.constant 16 : i32
      %mul3A_736 = arith.muli %scan3A_734, %mul3A_735 : i32
      %get3A_737 = arith.constant 3 : i32
      %get3A_738 = arith.index_cast %get3A_737 : i32 to index
      %get3A_739 = arith.index_cast %mul3A_736 : i32 to index
      %get3A_740 = tpu.vector_load %arg4[%get3A_738, %get3A_739] {strides = array<i32>} : memref<4x8192xf32, #tpu.memory_space<vmem>>, vector<16xf32>,
      %gt3A_741 = vector.broadcast %squeeze3A : f32 to vector<16xf32>
      %gt3A_742 = arith.cmpf ogt, %get3A_740, %gt3A_741 : vector<16xf32>
      %all_reduce_population_count3A_743 = tpu.all_reduce %gt3A_742 {dim = 0 : i64, kind = #tpu.reduction_kind<sum>} : vector<16xi1> -> vector<16xi32>
      %add3A_744 = arith.addi %add3A_732, %all_reduce_population_count3A_743 : vector<16xi32>
      %scan3A_745 = arith.constant 9 : i32
      %scan3A_746 = arith.addi %scan3A_639, %scan3A_745 : i32
      %mul3A_747 = arith.constant 16 : i32
      %mul3A_748 = arith.muli %scan3A_746, %mul3A_747 : i32
      %get3A_749 = arith.constant 3 : i32
      %get3A_750 = arith.index_cast %get3A_749 : i32 to index
      %get3A_751 = arith.index_cast %mul3A_748 : i32 to index
      %get3A_752 = tpu.vector_load %arg4[%get3A_750, %get3A_751] {strides = array<i32>} : memref<4x8192xf32, #tpu.memory_space<vmem>>, vector<16xf32>,
      %gt3A_753 = vector.broadcast %squeeze3A : f32 to vector<16xf32>
      %gt3A_754 = arith.cmpf ogt, %get3A_752, %gt3A_753 : vector<16xf32>
      %all_reduce_population_count3A_755 = tpu.all_reduce %gt3A_754 {dim = 0 : i64, kind = #tpu.reduction_kind<sum>} : vector<16xi1> -> vector<16xi32>
      %add3A_756 = arith.addi %add3A_744, %all_reduce_population_count3A_755 : vector<16xi32>
      %scan3A_757 = arith.constant 10 : i32
      %scan3A_758 = arith.addi %scan3A_639, %scan3A_757 : i32
      %mul3A_759 = arith.constant 16 : i32
      %mul3A_760 = arith.muli %scan3A_758, %mul3A_759 : i32
      %get3A_761 = arith.constant 3 : i32
      %get3A_762 = arith.index_cast %get3A_761 : i32 to index
      %get3A_763 = arith.index_cast %mul3A_760 : i32 to index
      %get3A_764 = tpu.vector_load %arg4[%get3A_762, %get3A_763] {strides = array<i32>} : memref<4x8192xf32, #tpu.memory_space<vmem>>, vector<16xf32>,
      %gt3A_765 = vector.broadcast %squeeze3A : f32 to vector<16xf32>
      %gt3A_766 = arith.cmpf ogt, %get3A_764, %gt3A_765 : vector<16xf32>
      %all_reduce_population_count3A_767 = tpu.all_reduce %gt3A_766 {dim = 0 : i64, kind = #tpu.reduction_kind<sum>} : vector<16xi1> -> vector<16xi32>
      %add3A_768 = arith.addi %add3A_756, %all_reduce_population_count3A_767 : vector<16xi32>
      %scan3A_769 = arith.constant 11 : i32
      %scan3A_770 = arith.addi %scan3A_639, %scan3A_769 : i32
      %mul3A_771 = arith.constant 16 : i32
      %mul3A_772 = arith.muli %scan3A_770, %mul3A_771 : i32
      %get3A_773 = arith.constant 3 : i32
      %get3A_774 = arith.index_cast %get3A_773 : i32 to index
      %get3A_775 = arith.index_cast %mul3A_772 : i32 to index
      %get3A_776 = tpu.vector_load %arg4[%get3A_774, %get3A_775] {strides = array<i32>} : memref<4x8192xf32, #tpu.memory_space<vmem>>, vector<16xf32>,
      %gt3A_777 = vector.broadcast %squeeze3A : f32 to vector<16xf32>
      %gt3A_778 = arith.cmpf ogt, %get3A_776, %gt3A_777 : vector<16xf32>
      %all_reduce_population_count3A_779 = tpu.all_reduce %gt3A_778 {dim = 0 : i64, kind = #tpu.reduction_kind<sum>} : vector<16xi1> -> vector<16xi32>
      %add3A_780 = arith.addi %add3A_768, %all_reduce_population_count3A_779 : vector<16xi32>
      %scan3A_781 = arith.constant 12 : i32
      %scan3A_782 = arith.addi %scan3A_639, %scan3A_781 : i32
      %mul3A_783 = arith.constant 16 : i32
      %mul3A_784 = arith.muli %scan3A_782, %mul3A_783 : i32
      %get3A_785 = arith.constant 3 : i32
      %get3A_786 = arith.index_cast %get3A_785 : i32 to index
      %get3A_787 = arith.index_cast %mul3A_784 : i32 to index
      %get3A_788 = tpu.vector_load %arg4[%get3A_786, %get3A_787] {strides = array<i32>} : memref<4x8192xf32, #tpu.memory_space<vmem>>, vector<16xf32>,
      %gt3A_789 = vector.broadcast %squeeze3A : f32 to vector<16xf32>
      %gt3A_790 = arith.cmpf ogt, %get3A_788, %gt3A_789 : vector<16xf32>
      %all_reduce_population_count3A_791 = tpu.all_reduce %gt3A_790 {dim = 0 : i64, kind = #tpu.reduction_kind<sum>} : vector<16xi1> -> vector<16xi32>
      %add3A_792 = arith.addi %add3A_780, %all_reduce_population_count3A_791 : vector<16xi32>
      %scan3A_793 = arith.constant 13 : i32
      %scan3A_794 = arith.addi %scan3A_639, %scan3A_793 : i32
      %mul3A_795 = arith.constant 16 : i32
      %mul3A_796 = arith.muli %scan3A_794, %mul3A_795 : i32
      %get3A_797 = arith.constant 3 : i32
      %get3A_798 = arith.index_cast %get3A_797 : i32 to index
      %get3A_799 = arith.index_cast %mul3A_796 : i32 to index
      %get3A_800 = tpu.vector_load %arg4[%get3A_798, %get3A_799] {strides = array<i32>} : memref<4x8192xf32, #tpu.memory_space<vmem>>, vector<16xf32>,
      %gt3A_801 = vector.broadcast %squeeze3A : f32 to vector<16xf32>
      %gt3A_802 = arith.cmpf ogt, %get3A_800, %gt3A_801 : vector<16xf32>
      %all_reduce_population_count3A_803 = tpu.all_reduce %gt3A_802 {dim = 0 : i64, kind = #tpu.reduction_kind<sum>} : vector<16xi1> -> vector<16xi32>
      %add3A_804 = arith.addi %add3A_792, %all_reduce_population_count3A_803 : vector<16xi32>
      %scan3A_805 = arith.constant 14 : i32
      %scan3A_806 = arith.addi %scan3A_639, %scan3A_805 : i32
      %mul3A_807 = arith.constant 16 : i32
      %mul3A_808 = arith.muli %scan3A_806, %mul3A_807 : i32
      %get3A_809 = arith.constant 3 : i32
      %get3A_810 = arith.index_cast %get3A_809 : i32 to index
      %get3A_811 = arith.index_cast %mul3A_808 : i32 to index
      %get3A_812 = tpu.vector_load %arg4[%get3A_810, %get3A_811] {strides = array<i32>} : memref<4x8192xf32, #tpu.memory_space<vmem>>, vector<16xf32>,
      %gt3A_813 = vector.broadcast %squeeze3A : f32 to vector<16xf32>
      %gt3A_814 = arith.cmpf ogt, %get3A_812, %gt3A_813 : vector<16xf32>
      %all_reduce_population_count3A_815 = tpu.all_reduce %gt3A_814 {dim = 0 : i64, kind = #tpu.reduction_kind<sum>} : vector<16xi1> -> vector<16xi32>
      %add3A_816 = arith.addi %add3A_804, %all_reduce_population_count3A_815 : vector<16xi32>
      %scan3A_817 = arith.constant 15 : i32
      %scan3A_818 = arith.addi %scan3A_639, %scan3A_817 : i32
      %mul3A_819 = arith.constant 16 : i32
      %mul3A_820 = arith.muli %scan3A_818, %mul3A_819 : i32
      %get3A_821 = arith.constant 3 : i32
      %get3A_822 = arith.index_cast %get3A_821 : i32 to index
      %get3A_823 = arith.index_cast %mul3A_820 : i32 to index
      %get3A_824 = tpu.vector_load %arg4[%get3A_822, %get3A_823] {strides = array<i32>} : memref<4x8192xf32, #tpu.memory_space<vmem>>, vector<16xf32>,
      %gt3A_825 = vector.broadcast %squeeze3A : f32 to vector<16xf32>
      %gt3A_826 = arith.cmpf ogt, %get3A_824, %gt3A_825 : vector<16xf32>
      %all_reduce_population_count3A_827 = tpu.all_reduce %gt3A_826 {dim = 0 : i64, kind = #tpu.reduction_kind<sum>} : vector<16xi1> -> vector<16xi32>
      %add3A_828 = arith.addi %add3A_816, %all_reduce_population_count3A_827 : vector<16xi32>
      scf.yield %add3A_828 : vector<16xi32>
    }
    %scan3A_194 = arith.constant 512 : i32
    %eq3A = arith.constant 0 : i32
    %eq3A_195 = vector.broadcast %eq3A : i32 to vector<16xi32>
    %eq3A_196 = arith.cmpi eq, %iota3A, %eq3A_195 : vector<16xi32>
    %slice3A_197 = vector.extract_strided_slice %scan3A_193 {offsets = [0], sizes = [1], strides = [1]} : vector<16xi32> to vector<1xi32>
    %squeeze3A_198 = vector.extract %slice3A_197[0] : i32 from vector<1xi32>
    %broadcast_in_dim3A_199 = vector.broadcast %squeeze3A_198 : i32 to vector<16xi32>
    %select_n3A = arith.select %eq3A_196, %broadcast_in_dim3A_199, %broadcast_in_dim3A_47 : vector<16xi1>, vector<16xi32>
    %broadcast_in_dim3A_200 = arith.constant 0 : i32
    %broadcast_in_dim3A_201 = vector.broadcast %broadcast_in_dim3A_200 : i32 to vector<16xi32>
    %add3A_202 = arith.constant 1 : i32
    %add3A_203 = arith.addi %mul3A_2, %add3A_202 : i32
    %dma_start3A_204 = arith.constant 3 : i32
    %dma_start3A_205 = arith.constant 0 : i32
    %dma_start3A_206 = tpu.memref_slice %arg4[%dma_start3A_204, %dma_start3A_205] : memref<4x8192xf32, #tpu.memory_space<vmem>> -> memref<1x8192xf32, #tpu.memory_space<vmem>>
    %dma_start3A_207 = tpu.memref_squeeze %dma_start3A_206 : memref<1x8192xf32, #tpu.memory_space<vmem>> -> memref<8192xf32, #tpu.memory_space<vmem>>
    %dma_start3A_208 = arith.constant 24576 : i32
    %dma_start3A_209 = tpu.memref_slice %arg2[%add3A_203, %dma_start3A_208] : memref<128x32768xf32, #tpu.memory_space<hbm>> -> memref<1x8192xf32, #tpu.memory_space<hbm>>
    %dma_start3A_210 = tpu.memref_squeeze %dma_start3A_209 : memref<1x8192xf32, #tpu.memory_space<hbm>> -> memref<8192xf32, #tpu.memory_space<hbm>>
    %dma_start3A_211 = arith.constant 0 : i32
    %dma_start3A_212 = tpu.memref_slice %arg4[%dma_start3A_204, %dma_start3A_211] : memref<4x8192xf32, #tpu.memory_space<vmem>> -> memref<1x8192xf32, #tpu.memory_space<vmem>>
    %dma_start3A_213 = tpu.memref_squeeze %dma_start3A_212 : memref<1x8192xf32, #tpu.memory_space<vmem>> -> memref<8192xf32, #tpu.memory_space<vmem>>
    %dma_start3A_214 = arith.constant 24576 : i32
    %dma_start3A_215 = tpu.memref_slice %arg2[%add3A_203, %dma_start3A_214] : memref<128x32768xf32, #tpu.memory_space<hbm>> -> memref<1x8192xf32, #tpu.memory_space<hbm>>
    %dma_start3A_216 = tpu.memref_squeeze %dma_start3A_215 : memref<1x8192xf32, #tpu.memory_space<hbm>> -> memref<8192xf32, #tpu.memory_space<hbm>>
    tpu.enqueue_dma source(%dma_start3A_216 : memref<8192xf32, #tpu.memory_space<hbm>>) target(%dma_start3A_213 : memref<8192xf32, #tpu.memory_space<vmem>>) target_semaphore(%arg9 : memref<!tpu.dma_semaphore, #tpu.memory_space<semaphore_mem>>)
    %add3A_217 = arith.constant 1 : i32
    %add3A_218 = arith.addi %mul3A_2, %add3A_217 : i32
    %dma_wait3A_219 = arith.constant 0 : i32
    %dma_wait3A_220 = arith.constant 0 : i32
    %dma_wait3A_221 = tpu.memref_slice %arg4[%dma_wait3A_219, %dma_wait3A_220] : memref<4x8192xf32, #tpu.memory_space<vmem>> -> memref<1x8192xf32, #tpu.memory_space<vmem>>
    %dma_wait3A_222 = tpu.memref_squeeze %dma_wait3A_221 : memref<1x8192xf32, #tpu.memory_space<vmem>> -> memref<8192xf32, #tpu.memory_space<vmem>>
    %dma_wait3A_223 = arith.constant 0 : i32
    %dma_wait3A_224 = tpu.memref_slice %arg2[%add3A_218, %dma_wait3A_223] : memref<128x32768xf32, #tpu.memory_space<hbm>> -> memref<1x8192xf32, #tpu.memory_space<hbm>>
    %dma_wait3A_225 = tpu.memref_squeeze %dma_wait3A_224 : memref<1x8192xf32, #tpu.memory_space<hbm>> -> memref<8192xf32, #tpu.memory_space<hbm>>
    %dma_wait3A_226 = arith.constant 0 : i32
    %dma_wait3A_227 = tpu.memref_slice %arg4[%dma_wait3A_219, %dma_wait3A_226] : memref<4x8192xf32, #tpu.memory_space<vmem>> -> memref<1x8192xf32, #tpu.memory_space<vmem>>
    %dma_wait3A_228 = tpu.memref_squeeze %dma_wait3A_227 : memref<1x8192xf32, #tpu.memory_space<vmem>> -> memref<8192xf32, #tpu.memory_space<vmem>>
    %dma_wait3A_229 = arith.constant 0 : i32
    %dma_wait3A_230 = tpu.memref_slice %arg2[%add3A_218, %dma_wait3A_229] : memref<128x32768xf32, #tpu.memory_space<hbm>> -> memref<1x8192xf32, #tpu.memory_space<hbm>>
    %dma_wait3A_231 = tpu.memref_squeeze %dma_wait3A_230 : memref<1x8192xf32, #tpu.memory_space<hbm>> -> memref<8192xf32, #tpu.memory_space<hbm>>
    tpu.wait_dma2 semaphore(%arg6 : memref<!tpu.dma_semaphore, #tpu.memory_space<semaphore_mem>>) src(%dma_wait3A_231 : memref<8192xf32, #tpu.memory_space<hbm>>) dst(%dma_wait3A_228 : memref<8192xf32, #tpu.memory_space<vmem>>)
    %get3A_232 = arith.constant 0 : i32
    %get3A_233 = arith.index_cast %get3A_232 : i32 to index
    %get3A_234 = arith.constant 0 : index
    %get3A_235 = tpu.vector_load %arg4[%get3A_233, %get3A_234] {strides = array<i32>} : memref<4x8192xf32, #tpu.memory_space<vmem>>, vector<16xf32>,
    %slice3A_236 = vector.extract_strided_slice %get3A_235 {offsets = [0], sizes = [1], strides = [1]} : vector<16xf32> to vector<1xf32>
    %squeeze3A_237 = vector.extract %slice3A_236[0] : f32 from vector<1xf32>
    %scan3A_238 = arith.constant 0 : i32
    %scan3A_239 = arith.constant 512 : i32
    %scan3A_240 = arith.addi %scan3A_238, %scan3A_239 : i32
    %scan3A_241 = arith.constant 16 : i32
    %scan3A_242 = scf.for %scan3A_639 = %scan3A_238 to %scan3A_240 step %scan3A_241 iter_args(%scan3A_640 = %broadcast_in_dim3A_201) -> (vector<16xi32>)  : i32 {
      %mul3A_641 = arith.constant 16 : i32
      %mul3A_642 = arith.muli %scan3A_639, %mul3A_641 : i32
      %get3A_643 = arith.constant 0 : i32
      %get3A_644 = arith.index_cast %get3A_643 : i32 to index
      %get3A_645 = arith.index_cast %mul3A_642 : i32 to index
      %get3A_646 = tpu.vector_load %arg4[%get3A_644, %get3A_645] {strides = array<i32>} : memref<4x8192xf32, #tpu.memory_space<vmem>>, vector<16xf32>,
      %gt3A = vector.broadcast %squeeze3A_237 : f32 to vector<16xf32>
      %gt3A_647 = arith.cmpf ogt, %get3A_646, %gt3A : vector<16xf32>
      %all_reduce_population_count3A = tpu.all_reduce %gt3A_647 {dim = 0 : i64, kind = #tpu.reduction_kind<sum>} : vector<16xi1> -> vector<16xi32>
      %add3A_648 = arith.addi %scan3A_640, %all_reduce_population_count3A : vector<16xi32>
      %scan3A_649 = arith.constant 1 : i32
      %scan3A_650 = arith.addi %scan3A_639, %scan3A_649 : i32
      %mul3A_651 = arith.constant 16 : i32
      %mul3A_652 = arith.muli %scan3A_650, %mul3A_651 : i32
      %get3A_653 = arith.constant 0 : i32
      %get3A_654 = arith.index_cast %get3A_653 : i32 to index
      %get3A_655 = arith.index_cast %mul3A_652 : i32 to index
      %get3A_656 = tpu.vector_load %arg4[%get3A_654, %get3A_655] {strides = array<i32>} : memref<4x8192xf32, #tpu.memory_space<vmem>>, vector<16xf32>,
      %gt3A_657 = vector.broadcast %squeeze3A_237 : f32 to vector<16xf32>
      %gt3A_658 = arith.cmpf ogt, %get3A_656, %gt3A_657 : vector<16xf32>
      %all_reduce_population_count3A_659 = tpu.all_reduce %gt3A_658 {dim = 0 : i64, kind = #tpu.reduction_kind<sum>} : vector<16xi1> -> vector<16xi32>
      %add3A_660 = arith.addi %add3A_648, %all_reduce_population_count3A_659 : vector<16xi32>
      %scan3A_661 = arith.constant 2 : i32
      %scan3A_662 = arith.addi %scan3A_639, %scan3A_661 : i32
      %mul3A_663 = arith.constant 16 : i32
      %mul3A_664 = arith.muli %scan3A_662, %mul3A_663 : i32
      %get3A_665 = arith.constant 0 : i32
      %get3A_666 = arith.index_cast %get3A_665 : i32 to index
      %get3A_667 = arith.index_cast %mul3A_664 : i32 to index
      %get3A_668 = tpu.vector_load %arg4[%get3A_666, %get3A_667] {strides = array<i32>} : memref<4x8192xf32, #tpu.memory_space<vmem>>, vector<16xf32>,
      %gt3A_669 = vector.broadcast %squeeze3A_237 : f32 to vector<16xf32>
      %gt3A_670 = arith.cmpf ogt, %get3A_668, %gt3A_669 : vector<16xf32>
      %all_reduce_population_count3A_671 = tpu.all_reduce %gt3A_670 {dim = 0 : i64, kind = #tpu.reduction_kind<sum>} : vector<16xi1> -> vector<16xi32>
      %add3A_672 = arith.addi %add3A_660, %all_reduce_population_count3A_671 : vector<16xi32>
      %scan3A_673 = arith.constant 3 : i32
      %scan3A_674 = arith.addi %scan3A_639, %scan3A_673 : i32
      %mul3A_675 = arith.constant 16 : i32
      %mul3A_676 = arith.muli %scan3A_674, %mul3A_675 : i32
      %get3A_677 = arith.constant 0 : i32
      %get3A_678 = arith.index_cast %get3A_677 : i32 to index
      %get3A_679 = arith.index_cast %mul3A_676 : i32 to index
      %get3A_680 = tpu.vector_load %arg4[%get3A_678, %get3A_679] {strides = array<i32>} : memref<4x8192xf32, #tpu.memory_space<vmem>>, vector<16xf32>,
      %gt3A_681 = vector.broadcast %squeeze3A_237 : f32 to vector<16xf32>
      %gt3A_682 = arith.cmpf ogt, %get3A_680, %gt3A_681 : vector<16xf32>
      %all_reduce_population_count3A_683 = tpu.all_reduce %gt3A_682 {dim = 0 : i64, kind = #tpu.reduction_kind<sum>} : vector<16xi1> -> vector<16xi32>
      %add3A_684 = arith.addi %add3A_672, %all_reduce_population_count3A_683 : vector<16xi32>
      %scan3A_685 = arith.constant 4 : i32
      %scan3A_686 = arith.addi %scan3A_639, %scan3A_685 : i32
      %mul3A_687 = arith.constant 16 : i32
      %mul3A_688 = arith.muli %scan3A_686, %mul3A_687 : i32
      %get3A_689 = arith.constant 0 : i32
      %get3A_690 = arith.index_cast %get3A_689 : i32 to index
      %get3A_691 = arith.index_cast %mul3A_688 : i32 to index
      %get3A_692 = tpu.vector_load %arg4[%get3A_690, %get3A_691] {strides = array<i32>} : memref<4x8192xf32, #tpu.memory_space<vmem>>, vector<16xf32>,
      %gt3A_693 = vector.broadcast %squeeze3A_237 : f32 to vector<16xf32>
      %gt3A_694 = arith.cmpf ogt, %get3A_692, %gt3A_693 : vector<16xf32>
      %all_reduce_population_count3A_695 = tpu.all_reduce %gt3A_694 {dim = 0 : i64, kind = #tpu.reduction_kind<sum>} : vector<16xi1> -> vector<16xi32>
      %add3A_696 = arith.addi %add3A_684, %all_reduce_population_count3A_695 : vector<16xi32>
      %scan3A_697 = arith.constant 5 : i32
      %scan3A_698 = arith.addi %scan3A_639, %scan3A_697 : i32
      %mul3A_699 = arith.constant 16 : i32
      %mul3A_700 = arith.muli %scan3A_698, %mul3A_699 : i32
      %get3A_701 = arith.constant 0 : i32
      %get3A_702 = arith.index_cast %get3A_701 : i32 to index
      %get3A_703 = arith.index_cast %mul3A_700 : i32 to index
      %get3A_704 = tpu.vector_load %arg4[%get3A_702, %get3A_703] {strides = array<i32>} : memref<4x8192xf32, #tpu.memory_space<vmem>>, vector<16xf32>,
      %gt3A_705 = vector.broadcast %squeeze3A_237 : f32 to vector<16xf32>
      %gt3A_706 = arith.cmpf ogt, %get3A_704, %gt3A_705 : vector<16xf32>
      %all_reduce_population_count3A_707 = tpu.all_reduce %gt3A_706 {dim = 0 : i64, kind = #tpu.reduction_kind<sum>} : vector<16xi1> -> vector<16xi32>
      %add3A_708 = arith.addi %add3A_696, %all_reduce_population_count3A_707 : vector<16xi32>
      %scan3A_709 = arith.constant 6 : i32
      %scan3A_710 = arith.addi %scan3A_639, %scan3A_709 : i32
      %mul3A_711 = arith.constant 16 : i32
      %mul3A_712 = arith.muli %scan3A_710, %mul3A_711 : i32
      %get3A_713 = arith.constant 0 : i32
      %get3A_714 = arith.index_cast %get3A_713 : i32 to index
      %get3A_715 = arith.index_cast %mul3A_712 : i32 to index
      %get3A_716 = tpu.vector_load %arg4[%get3A_714, %get3A_715] {strides = array<i32>} : memref<4x8192xf32, #tpu.memory_space<vmem>>, vector<16xf32>,
      %gt3A_717 = vector.broadcast %squeeze3A_237 : f32 to vector<16xf32>
      %gt3A_718 = arith.cmpf ogt, %get3A_716, %gt3A_717 : vector<16xf32>
      %all_reduce_population_count3A_719 = tpu.all_reduce %gt3A_718 {dim = 0 : i64, kind = #tpu.reduction_kind<sum>} : vector<16xi1> -> vector<16xi32>
      %add3A_720 = arith.addi %add3A_708, %all_reduce_population_count3A_719 : vector<16xi32>
      %scan3A_721 = arith.constant 7 : i32
      %scan3A_722 = arith.addi %scan3A_639, %scan3A_721 : i32
      %mul3A_723 = arith.constant 16 : i32
      %mul3A_724 = arith.muli %scan3A_722, %mul3A_723 : i32
      %get3A_725 = arith.constant 0 : i32
      %get3A_726 = arith.index_cast %get3A_725 : i32 to index
      %get3A_727 = arith.index_cast %mul3A_724 : i32 to index
      %get3A_728 = tpu.vector_load %arg4[%get3A_726, %get3A_727] {strides = array<i32>} : memref<4x8192xf32, #tpu.memory_space<vmem>>, vector<16xf32>,
      %gt3A_729 = vector.broadcast %squeeze3A_237 : f32 to vector<16xf32>
      %gt3A_730 = arith.cmpf ogt, %get3A_728, %gt3A_729 : vector<16xf32>
      %all_reduce_population_count3A_731 = tpu.all_reduce %gt3A_730 {dim = 0 : i64, kind = #tpu.reduction_kind<sum>} : vector<16xi1> -> vector<16xi32>
      %add3A_732 = arith.addi %add3A_720, %all_reduce_population_count3A_731 : vector<16xi32>
      %scan3A_733 = arith.constant 8 : i32
      %scan3A_734 = arith.addi %scan3A_639, %scan3A_733 : i32
      %mul3A_735 = arith.constant 16 : i32
      %mul3A_736 = arith.muli %scan3A_734, %mul3A_735 : i32
      %get3A_737 = arith.constant 0 : i32
      %get3A_738 = arith.index_cast %get3A_737 : i32 to index
      %get3A_739 = arith.index_cast %mul3A_736 : i32 to index
      %get3A_740 = tpu.vector_load %arg4[%get3A_738, %get3A_739] {strides = array<i32>} : memref<4x8192xf32, #tpu.memory_space<vmem>>, vector<16xf32>,
      %gt3A_741 = vector.broadcast %squeeze3A_237 : f32 to vector<16xf32>
      %gt3A_742 = arith.cmpf ogt, %get3A_740, %gt3A_741 : vector<16xf32>
      %all_reduce_population_count3A_743 = tpu.all_reduce %gt3A_742 {dim = 0 : i64, kind = #tpu.reduction_kind<sum>} : vector<16xi1> -> vector<16xi32>
      %add3A_744 = arith.addi %add3A_732, %all_reduce_population_count3A_743 : vector<16xi32>
      %scan3A_745 = arith.constant 9 : i32
      %scan3A_746 = arith.addi %scan3A_639, %scan3A_745 : i32
      %mul3A_747 = arith.constant 16 : i32
      %mul3A_748 = arith.muli %scan3A_746, %mul3A_747 : i32
      %get3A_749 = arith.constant 0 : i32
      %get3A_750 = arith.index_cast %get3A_749 : i32 to index
      %get3A_751 = arith.index_cast %mul3A_748 : i32 to index
      %get3A_752 = tpu.vector_load %arg4[%get3A_750, %get3A_751] {strides = array<i32>} : memref<4x8192xf32, #tpu.memory_space<vmem>>, vector<16xf32>,
      %gt3A_753 = vector.broadcast %squeeze3A_237 : f32 to vector<16xf32>
      %gt3A_754 = arith.cmpf ogt, %get3A_752, %gt3A_753 : vector<16xf32>
      %all_reduce_population_count3A_755 = tpu.all_reduce %gt3A_754 {dim = 0 : i64, kind = #tpu.reduction_kind<sum>} : vector<16xi1> -> vector<16xi32>
      %add3A_756 = arith.addi %add3A_744, %all_reduce_population_count3A_755 : vector<16xi32>
      %scan3A_757 = arith.constant 10 : i32
      %scan3A_758 = arith.addi %scan3A_639, %scan3A_757 : i32
      %mul3A_759 = arith.constant 16 : i32
      %mul3A_760 = arith.muli %scan3A_758, %mul3A_759 : i32
      %get3A_761 = arith.constant 0 : i32
      %get3A_762 = arith.index_cast %get3A_761 : i32 to index
      %get3A_763 = arith.index_cast %mul3A_760 : i32 to index
      %get3A_764 = tpu.vector_load %arg4[%get3A_762, %get3A_763] {strides = array<i32>} : memref<4x8192xf32, #tpu.memory_space<vmem>>, vector<16xf32>,
      %gt3A_765 = vector.broadcast %squeeze3A_237 : f32 to vector<16xf32>
      %gt3A_766 = arith.cmpf ogt, %get3A_764, %gt3A_765 : vector<16xf32>
      %all_reduce_population_count3A_767 = tpu.all_reduce %gt3A_766 {dim = 0 : i64, kind = #tpu.reduction_kind<sum>} : vector<16xi1> -> vector<16xi32>
      %add3A_768 = arith.addi %add3A_756, %all_reduce_population_count3A_767 : vector<16xi32>
      %scan3A_769 = arith.constant 11 : i32
      %scan3A_770 = arith.addi %scan3A_639, %scan3A_769 : i32
      %mul3A_771 = arith.constant 16 : i32
      %mul3A_772 = arith.muli %scan3A_770, %mul3A_771 : i32
      %get3A_773 = arith.constant 0 : i32
      %get3A_774 = arith.index_cast %get3A_773 : i32 to index
      %get3A_775 = arith.index_cast %mul3A_772 : i32 to index
      %get3A_776 = tpu.vector_load %arg4[%get3A_774, %get3A_775] {strides = array<i32>} : memref<4x8192xf32, #tpu.memory_space<vmem>>, vector<16xf32>,
      %gt3A_777 = vector.broadcast %squeeze3A_237 : f32 to vector<16xf32>
      %gt3A_778 = arith.cmpf ogt, %get3A_776, %gt3A_777 : vector<16xf32>
      %all_reduce_population_count3A_779 = tpu.all_reduce %gt3A_778 {dim = 0 : i64, kind = #tpu.reduction_kind<sum>} : vector<16xi1> -> vector<16xi32>
      %add3A_780 = arith.addi %add3A_768, %all_reduce_population_count3A_779 : vector<16xi32>
      %scan3A_781 = arith.constant 12 : i32
      %scan3A_782 = arith.addi %scan3A_639, %scan3A_781 : i32
      %mul3A_783 = arith.constant 16 : i32
      %mul3A_784 = arith.muli %scan3A_782, %mul3A_783 : i32
      %get3A_785 = arith.constant 0 : i32
      %get3A_786 = arith.index_cast %get3A_785 : i32 to index
      %get3A_787 = arith.index_cast %mul3A_784 : i32 to index
      %get3A_788 = tpu.vector_load %arg4[%get3A_786, %get3A_787] {strides = array<i32>} : memref<4x8192xf32, #tpu.memory_space<vmem>>, vector<16xf32>,
      %gt3A_789 = vector.broadcast %squeeze3A_237 : f32 to vector<16xf32>
      %gt3A_790 = arith.cmpf ogt, %get3A_788, %gt3A_789 : vector<16xf32>
      %all_reduce_population_count3A_791 = tpu.all_reduce %gt3A_790 {dim = 0 : i64, kind = #tpu.reduction_kind<sum>} : vector<16xi1> -> vector<16xi32>
      %add3A_792 = arith.addi %add3A_780, %all_reduce_population_count3A_791 : vector<16xi32>
      %scan3A_793 = arith.constant 13 : i32
      %scan3A_794 = arith.addi %scan3A_639, %scan3A_793 : i32
      %mul3A_795 = arith.constant 16 : i32
      %mul3A_796 = arith.muli %scan3A_794, %mul3A_795 : i32
      %get3A_797 = arith.constant 0 : i32
      %get3A_798 = arith.index_cast %get3A_797 : i32 to index
      %get3A_799 = arith.index_cast %mul3A_796 : i32 to index
      %get3A_800 = tpu.vector_load %arg4[%get3A_798, %get3A_799] {strides = array<i32>} : memref<4x8192xf32, #tpu.memory_space<vmem>>, vector<16xf32>,
      %gt3A_801 = vector.broadcast %squeeze3A_237 : f32 to vector<16xf32>
      %gt3A_802 = arith.cmpf ogt, %get3A_800, %gt3A_801 : vector<16xf32>
      %all_reduce_population_count3A_803 = tpu.all_reduce %gt3A_802 {dim = 0 : i64, kind = #tpu.reduction_kind<sum>} : vector<16xi1> -> vector<16xi32>
      %add3A_804 = arith.addi %add3A_792, %all_reduce_population_count3A_803 : vector<16xi32>
      %scan3A_805 = arith.constant 14 : i32
      %scan3A_806 = arith.addi %scan3A_639, %scan3A_805 : i32
      %mul3A_807 = arith.constant 16 : i32
      %mul3A_808 = arith.muli %scan3A_806, %mul3A_807 : i32
      %get3A_809 = arith.constant 0 : i32
      %get3A_810 = arith.index_cast %get3A_809 : i32 to index
      %get3A_811 = arith.index_cast %mul3A_808 : i32 to index
      %get3A_812 = tpu.vector_load %arg4[%get3A_810, %get3A_811] {strides = array<i32>} : memref<4x8192xf32, #tpu.memory_space<vmem>>, vector<16xf32>,
      %gt3A_813 = vector.broadcast %squeeze3A_237 : f32 to vector<16xf32>
      %gt3A_814 = arith.cmpf ogt, %get3A_812, %gt3A_813 : vector<16xf32>
      %all_reduce_population_count3A_815 = tpu.all_reduce %gt3A_814 {dim = 0 : i64, kind = #tpu.reduction_kind<sum>} : vector<16xi1> -> vector<16xi32>
      %add3A_816 = arith.addi %add3A_804, %all_reduce_population_count3A_815 : vector<16xi32>
      %scan3A_817 = arith.constant 15 : i32
      %scan3A_818 = arith.addi %scan3A_639, %scan3A_817 : i32
      %mul3A_819 = arith.constant 16 : i32
      %mul3A_820 = arith.muli %scan3A_818, %mul3A_819 : i32
      %get3A_821 = arith.constant 0 : i32
      %get3A_822 = arith.index_cast %get3A_821 : i32 to index
      %get3A_823 = arith.index_cast %mul3A_820 : i32 to index
      %get3A_824 = tpu.vector_load %arg4[%get3A_822, %get3A_823] {strides = array<i32>} : memref<4x8192xf32, #tpu.memory_space<vmem>>, vector<16xf32>,
      %gt3A_825 = vector.broadcast %squeeze3A_237 : f32 to vector<16xf32>
      %gt3A_826 = arith.cmpf ogt, %get3A_824, %gt3A_825 : vector<16xf32>
      %all_reduce_population_count3A_827 = tpu.all_reduce %gt3A_826 {dim = 0 : i64, kind = #tpu.reduction_kind<sum>} : vector<16xi1> -> vector<16xi32>
      %add3A_828 = arith.addi %add3A_816, %all_reduce_population_count3A_827 : vector<16xi32>
      scf.yield %add3A_828 : vector<16xi32>
    }
    %scan3A_243 = arith.constant 512 : i32
    %add3A_244 = arith.constant 2 : i32
    %add3A_245 = arith.addi %mul3A_2, %add3A_244 : i32
    %dma_start3A_246 = arith.constant 0 : i32
    %dma_start3A_247 = arith.constant 0 : i32
    %dma_start3A_248 = tpu.memref_slice %arg4[%dma_start3A_246, %dma_start3A_247] : memref<4x8192xf32, #tpu.memory_space<vmem>> -> memref<1x8192xf32, #tpu.memory_space<vmem>>
    %dma_start3A_249 = tpu.memref_squeeze %dma_start3A_248 : memref<1x8192xf32, #tpu.memory_space<vmem>> -> memref<8192xf32, #tpu.memory_space<vmem>>
    %dma_start3A_250 = arith.constant 0 : i32
    %dma_start3A_251 = tpu.memref_slice %arg2[%add3A_245, %dma_start3A_250] : memref<128x32768xf32, #tpu.memory_space<hbm>> -> memref<1x8192xf32, #tpu.memory_space<hbm>>
    %dma_start3A_252 = tpu.memref_squeeze %dma_start3A_251 : memref<1x8192xf32, #tpu.memory_space<hbm>> -> memref<8192xf32, #tpu.memory_space<hbm>>
    %dma_start3A_253 = arith.constant 0 : i32
    %dma_start3A_254 = tpu.memref_slice %arg4[%dma_start3A_246, %dma_start3A_253] : memref<4x8192xf32, #tpu.memory_space<vmem>> -> memref<1x8192xf32, #tpu.memory_space<vmem>>
    %dma_start3A_255 = tpu.memref_squeeze %dma_start3A_254 : memref<1x8192xf32, #tpu.memory_space<vmem>> -> memref<8192xf32, #tpu.memory_space<vmem>>
    %dma_start3A_256 = arith.constant 0 : i32
    %dma_start3A_257 = tpu.memref_slice %arg2[%add3A_245, %dma_start3A_256] : memref<128x32768xf32, #tpu.memory_space<hbm>> -> memref<1x8192xf32, #tpu.memory_space<hbm>>
    %dma_start3A_258 = tpu.memref_squeeze %dma_start3A_257 : memref<1x8192xf32, #tpu.memory_space<hbm>> -> memref<8192xf32, #tpu.memory_space<hbm>>
    tpu.enqueue_dma source(%dma_start3A_258 : memref<8192xf32, #tpu.memory_space<hbm>>) target(%dma_start3A_255 : memref<8192xf32, #tpu.memory_space<vmem>>) target_semaphore(%arg6 : memref<!tpu.dma_semaphore, #tpu.memory_space<semaphore_mem>>)
    %add3A_259 = arith.constant 1 : i32
    %add3A_260 = arith.addi %mul3A_2, %add3A_259 : i32
    %dma_wait3A_261 = arith.constant 1 : i32
    %dma_wait3A_262 = arith.constant 0 : i32
    %dma_wait3A_263 = tpu.memref_slice %arg4[%dma_wait3A_261, %dma_wait3A_262] : memref<4x8192xf32, #tpu.memory_space<vmem>> -> memref<1x8192xf32, #tpu.memory_space<vmem>>
    %dma_wait3A_264 = tpu.memref_squeeze %dma_wait3A_263 : memref<1x8192xf32, #tpu.memory_space<vmem>> -> memref<8192xf32, #tpu.memory_space<vmem>>
    %dma_wait3A_265 = arith.constant 8192 : i32
    %dma_wait3A_266 = tpu.memref_slice %arg2[%add3A_260, %dma_wait3A_265] : memref<128x32768xf32, #tpu.memory_space<hbm>> -> memref<1x8192xf32, #tpu.memory_space<hbm>>
    %dma_wait3A_267 = tpu.memref_squeeze %dma_wait3A_266 : memref<1x8192xf32, #tpu.memory_space<hbm>> -> memref<8192xf32, #tpu.memory_space<hbm>>
    %dma_wait3A_268 = arith.constant 0 : i32
    %dma_wait3A_269 = tpu.memref_slice %arg4[%dma_wait3A_261, %dma_wait3A_268] : memref<4x8192xf32, #tpu.memory_space<vmem>> -> memref<1x8192xf32, #tpu.memory_space<vmem>>
    %dma_wait3A_270 = tpu.memref_squeeze %dma_wait3A_269 : memref<1x8192xf32, #tpu.memory_space<vmem>> -> memref<8192xf32, #tpu.memory_space<vmem>>
    %dma_wait3A_271 = arith.constant 8192 : i32
    %dma_wait3A_272 = tpu.memref_slice %arg2[%add3A_260, %dma_wait3A_271] : memref<128x32768xf32, #tpu.memory_space<hbm>> -> memref<1x8192xf32, #tpu.memory_space<hbm>>
    %dma_wait3A_273 = tpu.memref_squeeze %dma_wait3A_272 : memref<1x8192xf32, #tpu.memory_space<hbm>> -> memref<8192xf32, #tpu.memory_space<hbm>>
    tpu.wait_dma2 semaphore(%arg7 : memref<!tpu.dma_semaphore, #tpu.memory_space<semaphore_mem>>) src(%dma_wait3A_273 : memref<8192xf32, #tpu.memory_space<hbm>>) dst(%dma_wait3A_270 : memref<8192xf32, #tpu.memory_space<vmem>>)
    %scan3A_274 = arith.constant 0 : i32
    %scan3A_275 = arith.constant 512 : i32
    %scan3A_276 = arith.addi %scan3A_274, %scan3A_275 : i32
    %scan3A_277 = arith.constant 16 : i32
    %scan3A_278 = scf.for %scan3A_639 = %scan3A_274 to %scan3A_276 step %scan3A_277 iter_args(%scan3A_640 = %scan3A_242) -> (vector<16xi32>)  : i32 {
      %mul3A_641 = arith.constant 16 : i32
      %mul3A_642 = arith.muli %scan3A_639, %mul3A_641 : i32
      %get3A_643 = arith.constant 1 : i32
      %get3A_644 = arith.index_cast %get3A_643 : i32 to index
      %get3A_645 = arith.index_cast %mul3A_642 : i32 to index
      %get3A_646 = tpu.vector_load %arg4[%get3A_644, %get3A_645] {strides = array<i32>} : memref<4x8192xf32, #tpu.memory_space<vmem>>, vector<16xf32>,
      %gt3A = vector.broadcast %squeeze3A_237 : f32 to vector<16xf32>
      %gt3A_647 = arith.cmpf ogt, %get3A_646, %gt3A : vector<16xf32>
      %all_reduce_population_count3A = tpu.all_reduce %gt3A_647 {dim = 0 : i64, kind = #tpu.reduction_kind<sum>} : vector<16xi1> -> vector<16xi32>
      %add3A_648 = arith.addi %scan3A_640, %all_reduce_population_count3A : vector<16xi32>
      %scan3A_649 = arith.constant 1 : i32
      %scan3A_650 = arith.addi %scan3A_639, %scan3A_649 : i32
      %mul3A_651 = arith.constant 16 : i32
      %mul3A_652 = arith.muli %scan3A_650, %mul3A_651 : i32
      %get3A_653 = arith.constant 1 : i32
      %get3A_654 = arith.index_cast %get3A_653 : i32 to index
      %get3A_655 = arith.index_cast %mul3A_652 : i32 to index
      %get3A_656 = tpu.vector_load %arg4[%get3A_654, %get3A_655] {strides = array<i32>} : memref<4x8192xf32, #tpu.memory_space<vmem>>, vector<16xf32>,
      %gt3A_657 = vector.broadcast %squeeze3A_237 : f32 to vector<16xf32>
      %gt3A_658 = arith.cmpf ogt, %get3A_656, %gt3A_657 : vector<16xf32>
      %all_reduce_population_count3A_659 = tpu.all_reduce %gt3A_658 {dim = 0 : i64, kind = #tpu.reduction_kind<sum>} : vector<16xi1> -> vector<16xi32>
      %add3A_660 = arith.addi %add3A_648, %all_reduce_population_count3A_659 : vector<16xi32>
      %scan3A_661 = arith.constant 2 : i32
      %scan3A_662 = arith.addi %scan3A_639, %scan3A_661 : i32
      %mul3A_663 = arith.constant 16 : i32
      %mul3A_664 = arith.muli %scan3A_662, %mul3A_663 : i32
      %get3A_665 = arith.constant 1 : i32
      %get3A_666 = arith.index_cast %get3A_665 : i32 to index
      %get3A_667 = arith.index_cast %mul3A_664 : i32 to index
      %get3A_668 = tpu.vector_load %arg4[%get3A_666, %get3A_667] {strides = array<i32>} : memref<4x8192xf32, #tpu.memory_space<vmem>>, vector<16xf32>,
      %gt3A_669 = vector.broadcast %squeeze3A_237 : f32 to vector<16xf32>
      %gt3A_670 = arith.cmpf ogt, %get3A_668, %gt3A_669 : vector<16xf32>
      %all_reduce_population_count3A_671 = tpu.all_reduce %gt3A_670 {dim = 0 : i64, kind = #tpu.reduction_kind<sum>} : vector<16xi1> -> vector<16xi32>
      %add3A_672 = arith.addi %add3A_660, %all_reduce_population_count3A_671 : vector<16xi32>
      %scan3A_673 = arith.constant 3 : i32
      %scan3A_674 = arith.addi %scan3A_639, %scan3A_673 : i32
      %mul3A_675 = arith.constant 16 : i32
      %mul3A_676 = arith.muli %scan3A_674, %mul3A_675 : i32
      %get3A_677 = arith.constant 1 : i32
      %get3A_678 = arith.index_cast %get3A_677 : i32 to index
      %get3A_679 = arith.index_cast %mul3A_676 : i32 to index
      %get3A_680 = tpu.vector_load %arg4[%get3A_678, %get3A_679] {strides = array<i32>} : memref<4x8192xf32, #tpu.memory_space<vmem>>, vector<16xf32>,
      %gt3A_681 = vector.broadcast %squeeze3A_237 : f32 to vector<16xf32>
      %gt3A_682 = arith.cmpf ogt, %get3A_680, %gt3A_681 : vector<16xf32>
      %all_reduce_population_count3A_683 = tpu.all_reduce %gt3A_682 {dim = 0 : i64, kind = #tpu.reduction_kind<sum>} : vector<16xi1> -> vector<16xi32>
      %add3A_684 = arith.addi %add3A_672, %all_reduce_population_count3A_683 : vector<16xi32>
      %scan3A_685 = arith.constant 4 : i32
      %scan3A_686 = arith.addi %scan3A_639, %scan3A_685 : i32
      %mul3A_687 = arith.constant 16 : i32
      %mul3A_688 = arith.muli %scan3A_686, %mul3A_687 : i32
      %get3A_689 = arith.constant 1 : i32
      %get3A_690 = arith.index_cast %get3A_689 : i32 to index
      %get3A_691 = arith.index_cast %mul3A_688 : i32 to index
      %get3A_692 = tpu.vector_load %arg4[%get3A_690, %get3A_691] {strides = array<i32>} : memref<4x8192xf32, #tpu.memory_space<vmem>>, vector<16xf32>,
      %gt3A_693 = vector.broadcast %squeeze3A_237 : f32 to vector<16xf32>
      %gt3A_694 = arith.cmpf ogt, %get3A_692, %gt3A_693 : vector<16xf32>
      %all_reduce_population_count3A_695 = tpu.all_reduce %gt3A_694 {dim = 0 : i64, kind = #tpu.reduction_kind<sum>} : vector<16xi1> -> vector<16xi32>
      %add3A_696 = arith.addi %add3A_684, %all_reduce_population_count3A_695 : vector<16xi32>
      %scan3A_697 = arith.constant 5 : i32
      %scan3A_698 = arith.addi %scan3A_639, %scan3A_697 : i32
      %mul3A_699 = arith.constant 16 : i32
      %mul3A_700 = arith.muli %scan3A_698, %mul3A_699 : i32
      %get3A_701 = arith.constant 1 : i32
      %get3A_702 = arith.index_cast %get3A_701 : i32 to index
      %get3A_703 = arith.index_cast %mul3A_700 : i32 to index
      %get3A_704 = tpu.vector_load %arg4[%get3A_702, %get3A_703] {strides = array<i32>} : memref<4x8192xf32, #tpu.memory_space<vmem>>, vector<16xf32>,
      %gt3A_705 = vector.broadcast %squeeze3A_237 : f32 to vector<16xf32>
      %gt3A_706 = arith.cmpf ogt, %get3A_704, %gt3A_705 : vector<16xf32>
      %all_reduce_population_count3A_707 = tpu.all_reduce %gt3A_706 {dim = 0 : i64, kind = #tpu.reduction_kind<sum>} : vector<16xi1> -> vector<16xi32>
      %add3A_708 = arith.addi %add3A_696, %all_reduce_population_count3A_707 : vector<16xi32>
      %scan3A_709 = arith.constant 6 : i32
      %scan3A_710 = arith.addi %scan3A_639, %scan3A_709 : i32
      %mul3A_711 = arith.constant 16 : i32
      %mul3A_712 = arith.muli %scan3A_710, %mul3A_711 : i32
      %get3A_713 = arith.constant 1 : i32
      %get3A_714 = arith.index_cast %get3A_713 : i32 to index
      %get3A_715 = arith.index_cast %mul3A_712 : i32 to index
      %get3A_716 = tpu.vector_load %arg4[%get3A_714, %get3A_715] {strides = array<i32>} : memref<4x8192xf32, #tpu.memory_space<vmem>>, vector<16xf32>,
      %gt3A_717 = vector.broadcast %squeeze3A_237 : f32 to vector<16xf32>
      %gt3A_718 = arith.cmpf ogt, %get3A_716, %gt3A_717 : vector<16xf32>
      %all_reduce_population_count3A_719 = tpu.all_reduce %gt3A_718 {dim = 0 : i64, kind = #tpu.reduction_kind<sum>} : vector<16xi1> -> vector<16xi32>
      %add3A_720 = arith.addi %add3A_708, %all_reduce_population_count3A_719 : vector<16xi32>
      %scan3A_721 = arith.constant 7 : i32
      %scan3A_722 = arith.addi %scan3A_639, %scan3A_721 : i32
      %mul3A_723 = arith.constant 16 : i32
      %mul3A_724 = arith.muli %scan3A_722, %mul3A_723 : i32
      %get3A_725 = arith.constant 1 : i32
      %get3A_726 = arith.index_cast %get3A_725 : i32 to index
      %get3A_727 = arith.index_cast %mul3A_724 : i32 to index
      %get3A_728 = tpu.vector_load %arg4[%get3A_726, %get3A_727] {strides = array<i32>} : memref<4x8192xf32, #tpu.memory_space<vmem>>, vector<16xf32>,
      %gt3A_729 = vector.broadcast %squeeze3A_237 : f32 to vector<16xf32>
      %gt3A_730 = arith.cmpf ogt, %get3A_728, %gt3A_729 : vector<16xf32>
      %all_reduce_population_count3A_731 = tpu.all_reduce %gt3A_730 {dim = 0 : i64, kind = #tpu.reduction_kind<sum>} : vector<16xi1> -> vector<16xi32>
      %add3A_732 = arith.addi %add3A_720, %all_reduce_population_count3A_731 : vector<16xi32>
      %scan3A_733 = arith.constant 8 : i32
      %scan3A_734 = arith.addi %scan3A_639, %scan3A_733 : i32
      %mul3A_735 = arith.constant 16 : i32
      %mul3A_736 = arith.muli %scan3A_734, %mul3A_735 : i32
      %get3A_737 = arith.constant 1 : i32
      %get3A_738 = arith.index_cast %get3A_737 : i32 to index
      %get3A_739 = arith.index_cast %mul3A_736 : i32 to index
      %get3A_740 = tpu.vector_load %arg4[%get3A_738, %get3A_739] {strides = array<i32>} : memref<4x8192xf32, #tpu.memory_space<vmem>>, vector<16xf32>,
      %gt3A_741 = vector.broadcast %squeeze3A_237 : f32 to vector<16xf32>
      %gt3A_742 = arith.cmpf ogt, %get3A_740, %gt3A_741 : vector<16xf32>
      %all_reduce_population_count3A_743 = tpu.all_reduce %gt3A_742 {dim = 0 : i64, kind = #tpu.reduction_kind<sum>} : vector<16xi1> -> vector<16xi32>
      %add3A_744 = arith.addi %add3A_732, %all_reduce_population_count3A_743 : vector<16xi32>
      %scan3A_745 = arith.constant 9 : i32
      %scan3A_746 = arith.addi %scan3A_639, %scan3A_745 : i32
      %mul3A_747 = arith.constant 16 : i32
      %mul3A_748 = arith.muli %scan3A_746, %mul3A_747 : i32
      %get3A_749 = arith.constant 1 : i32
      %get3A_750 = arith.index_cast %get3A_749 : i32 to index
      %get3A_751 = arith.index_cast %mul3A_748 : i32 to index
      %get3A_752 = tpu.vector_load %arg4[%get3A_750, %get3A_751] {strides = array<i32>} : memref<4x8192xf32, #tpu.memory_space<vmem>>, vector<16xf32>,
      %gt3A_753 = vector.broadcast %squeeze3A_237 : f32 to vector<16xf32>
      %gt3A_754 = arith.cmpf ogt, %get3A_752, %gt3A_753 : vector<16xf32>
      %all_reduce_population_count3A_755 = tpu.all_reduce %gt3A_754 {dim = 0 : i64, kind = #tpu.reduction_kind<sum>} : vector<16xi1> -> vector<16xi32>
      %add3A_756 = arith.addi %add3A_744, %all_reduce_population_count3A_755 : vector<16xi32>
      %scan3A_757 = arith.constant 10 : i32
      %scan3A_758 = arith.addi %scan3A_639, %scan3A_757 : i32
      %mul3A_759 = arith.constant 16 : i32
      %mul3A_760 = arith.muli %scan3A_758, %mul3A_759 : i32
      %get3A_761 = arith.constant 1 : i32
      %get3A_762 = arith.index_cast %get3A_761 : i32 to index
      %get3A_763 = arith.index_cast %mul3A_760 : i32 to index
      %get3A_764 = tpu.vector_load %arg4[%get3A_762, %get3A_763] {strides = array<i32>} : memref<4x8192xf32, #tpu.memory_space<vmem>>, vector<16xf32>,
      %gt3A_765 = vector.broadcast %squeeze3A_237 : f32 to vector<16xf32>
      %gt3A_766 = arith.cmpf ogt, %get3A_764, %gt3A_765 : vector<16xf32>
      %all_reduce_population_count3A_767 = tpu.all_reduce %gt3A_766 {dim = 0 : i64, kind = #tpu.reduction_kind<sum>} : vector<16xi1> -> vector<16xi32>
      %add3A_768 = arith.addi %add3A_756, %all_reduce_population_count3A_767 : vector<16xi32>
      %scan3A_769 = arith.constant 11 : i32
      %scan3A_770 = arith.addi %scan3A_639, %scan3A_769 : i32
      %mul3A_771 = arith.constant 16 : i32
      %mul3A_772 = arith.muli %scan3A_770, %mul3A_771 : i32
      %get3A_773 = arith.constant 1 : i32
      %get3A_774 = arith.index_cast %get3A_773 : i32 to index
      %get3A_775 = arith.index_cast %mul3A_772 : i32 to index
      %get3A_776 = tpu.vector_load %arg4[%get3A_774, %get3A_775] {strides = array<i32>} : memref<4x8192xf32, #tpu.memory_space<vmem>>, vector<16xf32>,
      %gt3A_777 = vector.broadcast %squeeze3A_237 : f32 to vector<16xf32>
      %gt3A_778 = arith.cmpf ogt, %get3A_776, %gt3A_777 : vector<16xf32>
      %all_reduce_population_count3A_779 = tpu.all_reduce %gt3A_778 {dim = 0 : i64, kind = #tpu.reduction_kind<sum>} : vector<16xi1> -> vector<16xi32>
      %add3A_780 = arith.addi %add3A_768, %all_reduce_population_count3A_779 : vector<16xi32>
      %scan3A_781 = arith.constant 12 : i32
      %scan3A_782 = arith.addi %scan3A_639, %scan3A_781 : i32
      %mul3A_783 = arith.constant 16 : i32
      %mul3A_784 = arith.muli %scan3A_782, %mul3A_783 : i32
      %get3A_785 = arith.constant 1 : i32
      %get3A_786 = arith.index_cast %get3A_785 : i32 to index
      %get3A_787 = arith.index_cast %mul3A_784 : i32 to index
      %get3A_788 = tpu.vector_load %arg4[%get3A_786, %get3A_787] {strides = array<i32>} : memref<4x8192xf32, #tpu.memory_space<vmem>>, vector<16xf32>,
      %gt3A_789 = vector.broadcast %squeeze3A_237 : f32 to vector<16xf32>
      %gt3A_790 = arith.cmpf ogt, %get3A_788, %gt3A_789 : vector<16xf32>
      %all_reduce_population_count3A_791 = tpu.all_reduce %gt3A_790 {dim = 0 : i64, kind = #tpu.reduction_kind<sum>} : vector<16xi1> -> vector<16xi32>
      %add3A_792 = arith.addi %add3A_780, %all_reduce_population_count3A_791 : vector<16xi32>
      %scan3A_793 = arith.constant 13 : i32
      %scan3A_794 = arith.addi %scan3A_639, %scan3A_793 : i32
      %mul3A_795 = arith.constant 16 : i32
      %mul3A_796 = arith.muli %scan3A_794, %mul3A_795 : i32
      %get3A_797 = arith.constant 1 : i32
      %get3A_798 = arith.index_cast %get3A_797 : i32 to index
      %get3A_799 = arith.index_cast %mul3A_796 : i32 to index
      %get3A_800 = tpu.vector_load %arg4[%get3A_798, %get3A_799] {strides = array<i32>} : memref<4x8192xf32, #tpu.memory_space<vmem>>, vector<16xf32>,
      %gt3A_801 = vector.broadcast %squeeze3A_237 : f32 to vector<16xf32>
      %gt3A_802 = arith.cmpf ogt, %get3A_800, %gt3A_801 : vector<16xf32>
      %all_reduce_population_count3A_803 = tpu.all_reduce %gt3A_802 {dim = 0 : i64, kind = #tpu.reduction_kind<sum>} : vector<16xi1> -> vector<16xi32>
      %add3A_804 = arith.addi %add3A_792, %all_reduce_population_count3A_803 : vector<16xi32>
      %scan3A_805 = arith.constant 14 : i32
      %scan3A_806 = arith.addi %scan3A_639, %scan3A_805 : i32
      %mul3A_807 = arith.constant 16 : i32
      %mul3A_808 = arith.muli %scan3A_806, %mul3A_807 : i32
      %get3A_809 = arith.constant 1 : i32
      %get3A_810 = arith.index_cast %get3A_809 : i32 to index
      %get3A_811 = arith.index_cast %mul3A_808 : i32 to index
      %get3A_812 = tpu.vector_load %arg4[%get3A_810, %get3A_811] {strides = array<i32>} : memref<4x8192xf32, #tpu.memory_space<vmem>>, vector<16xf32>,
      %gt3A_813 = vector.broadcast %squeeze3A_237 : f32 to vector<16xf32>
      %gt3A_814 = arith.cmpf ogt, %get3A_812, %gt3A_813 : vector<16xf32>
      %all_reduce_population_count3A_815 = tpu.all_reduce %gt3A_814 {dim = 0 : i64, kind = #tpu.reduction_kind<sum>} : vector<16xi1> -> vector<16xi32>
      %add3A_816 = arith.addi %add3A_804, %all_reduce_population_count3A_815 : vector<16xi32>
      %scan3A_817 = arith.constant 15 : i32
      %scan3A_818 = arith.addi %scan3A_639, %scan3A_817 : i32
      %mul3A_819 = arith.constant 16 : i32
      %mul3A_820 = arith.muli %scan3A_818, %mul3A_819 : i32
      %get3A_821 = arith.constant 1 : i32
      %get3A_822 = arith.index_cast %get3A_821 : i32 to index
      %get3A_823 = arith.index_cast %mul3A_820 : i32 to index
      %get3A_824 = tpu.vector_load %arg4[%get3A_822, %get3A_823] {strides = array<i32>} : memref<4x8192xf32, #tpu.memory_space<vmem>>, vector<16xf32>,
      %gt3A_825 = vector.broadcast %squeeze3A_237 : f32 to vector<16xf32>
      %gt3A_826 = arith.cmpf ogt, %get3A_824, %gt3A_825 : vector<16xf32>
      %all_reduce_population_count3A_827 = tpu.all_reduce %gt3A_826 {dim = 0 : i64, kind = #tpu.reduction_kind<sum>} : vector<16xi1> -> vector<16xi32>
      %add3A_828 = arith.addi %add3A_816, %all_reduce_population_count3A_827 : vector<16xi32>
      scf.yield %add3A_828 : vector<16xi32>
    }
    %scan3A_279 = arith.constant 512 : i32
    %add3A_280 = arith.constant 2 : i32
    %add3A_281 = arith.addi %mul3A_2, %add3A_280 : i32
    %dma_start3A_282 = arith.constant 1 : i32
    %dma_start3A_283 = arith.constant 0 : i32
    %dma_start3A_284 = tpu.memref_slice %arg4[%dma_start3A_282, %dma_start3A_283] : memref<4x8192xf32, #tpu.memory_space<vmem>> -> memref<1x8192xf32, #tpu.memory_space<vmem>>
    %dma_start3A_285 = tpu.memref_squeeze %dma_start3A_284 : memref<1x8192xf32, #tpu.memory_space<vmem>> -> memref<8192xf32, #tpu.memory_space<vmem>>
    %dma_start3A_286 = arith.constant 8192 : i32
    %dma_start3A_287 = tpu.memref_slice %arg2[%add3A_281, %dma_start3A_286] : memref<128x32768xf32, #tpu.memory_space<hbm>> -> memref<1x8192xf32, #tpu.memory_space<hbm>>
    %dma_start3A_288 = tpu.memref_squeeze %dma_start3A_287 : memref<1x8192xf32, #tpu.memory_space<hbm>> -> memref<8192xf32, #tpu.memory_space<hbm>>
    %dma_start3A_289 = arith.constant 0 : i32
    %dma_start3A_290 = tpu.memref_slice %arg4[%dma_start3A_282, %dma_start3A_289] : memref<4x8192xf32, #tpu.memory_space<vmem>> -> memref<1x8192xf32, #tpu.memory_space<vmem>>
    %dma_start3A_291 = tpu.memref_squeeze %dma_start3A_290 : memref<1x8192xf32, #tpu.memory_space<vmem>> -> memref<8192xf32, #tpu.memory_space<vmem>>
    %dma_start3A_292 = arith.constant 8192 : i32
    %dma_start3A_293 = tpu.memref_slice %arg2[%add3A_281, %dma_start3A_292] : memref<128x32768xf32, #tpu.memory_space<hbm>> -> memref<1x8192xf32, #tpu.memory_space<hbm>>
    %dma_start3A_294 = tpu.memref_squeeze %dma_start3A_293 : memref<1x8192xf32, #tpu.memory_space<hbm>> -> memref<8192xf32, #tpu.memory_space<hbm>>
    tpu.enqueue_dma source(%dma_start3A_294 : memref<8192xf32, #tpu.memory_space<hbm>>) target(%dma_start3A_291 : memref<8192xf32, #tpu.memory_space<vmem>>) target_semaphore(%arg7 : memref<!tpu.dma_semaphore, #tpu.memory_space<semaphore_mem>>)
    %add3A_295 = arith.constant 1 : i32
    %add3A_296 = arith.addi %mul3A_2, %add3A_295 : i32
    %dma_wait3A_297 = arith.constant 2 : i32
    %dma_wait3A_298 = arith.constant 0 : i32
    %dma_wait3A_299 = tpu.memref_slice %arg4[%dma_wait3A_297, %dma_wait3A_298] : memref<4x8192xf32, #tpu.memory_space<vmem>> -> memref<1x8192xf32, #tpu.memory_space<vmem>>
    %dma_wait3A_300 = tpu.memref_squeeze %dma_wait3A_299 : memref<1x8192xf32, #tpu.memory_space<vmem>> -> memref<8192xf32, #tpu.memory_space<vmem>>
    %dma_wait3A_301 = arith.constant 16384 : i32
    %dma_wait3A_302 = tpu.memref_slice %arg2[%add3A_296, %dma_wait3A_301] : memref<128x32768xf32, #tpu.memory_space<hbm>> -> memref<1x8192xf32, #tpu.memory_space<hbm>>
    %dma_wait3A_303 = tpu.memref_squeeze %dma_wait3A_302 : memref<1x8192xf32, #tpu.memory_space<hbm>> -> memref<8192xf32, #tpu.memory_space<hbm>>
    %dma_wait3A_304 = arith.constant 0 : i32
    %dma_wait3A_305 = tpu.memref_slice %arg4[%dma_wait3A_297, %dma_wait3A_304] : memref<4x8192xf32, #tpu.memory_space<vmem>> -> memref<1x8192xf32, #tpu.memory_space<vmem>>
    %dma_wait3A_306 = tpu.memref_squeeze %dma_wait3A_305 : memref<1x8192xf32, #tpu.memory_space<vmem>> -> memref<8192xf32, #tpu.memory_space<vmem>>
    %dma_wait3A_307 = arith.constant 16384 : i32
    %dma_wait3A_308 = tpu.memref_slice %arg2[%add3A_296, %dma_wait3A_307] : memref<128x32768xf32, #tpu.memory_space<hbm>> -> memref<1x8192xf32, #tpu.memory_space<hbm>>
    %dma_wait3A_309 = tpu.memref_squeeze %dma_wait3A_308 : memref<1x8192xf32, #tpu.memory_space<hbm>> -> memref<8192xf32, #tpu.memory_space<hbm>>
    tpu.wait_dma2 semaphore(%arg8 : memref<!tpu.dma_semaphore, #tpu.memory_space<semaphore_mem>>) src(%dma_wait3A_309 : memref<8192xf32, #tpu.memory_space<hbm>>) dst(%dma_wait3A_306 : memref<8192xf32, #tpu.memory_space<vmem>>)
    %scan3A_310 = arith.constant 0 : i32
    %scan3A_311 = arith.constant 512 : i32
    %scan3A_312 = arith.addi %scan3A_310, %scan3A_311 : i32
    %scan3A_313 = arith.constant 16 : i32
    %scan3A_314 = scf.for %scan3A_639 = %scan3A_310 to %scan3A_312 step %scan3A_313 iter_args(%scan3A_640 = %scan3A_278) -> (vector<16xi32>)  : i32 {
      %mul3A_641 = arith.constant 16 : i32
      %mul3A_642 = arith.muli %scan3A_639, %mul3A_641 : i32
      %get3A_643 = arith.constant 2 : i32
      %get3A_644 = arith.index_cast %get3A_643 : i32 to index
      %get3A_645 = arith.index_cast %mul3A_642 : i32 to index
      %get3A_646 = tpu.vector_load %arg4[%get3A_644, %get3A_645] {strides = array<i32>} : memref<4x8192xf32, #tpu.memory_space<vmem>>, vector<16xf32>,
      %gt3A = vector.broadcast %squeeze3A_237 : f32 to vector<16xf32>
      %gt3A_647 = arith.cmpf ogt, %get3A_646, %gt3A : vector<16xf32>
      %all_reduce_population_count3A = tpu.all_reduce %gt3A_647 {dim = 0 : i64, kind = #tpu.reduction_kind<sum>} : vector<16xi1> -> vector<16xi32>
      %add3A_648 = arith.addi %scan3A_640, %all_reduce_population_count3A : vector<16xi32>
      %scan3A_649 = arith.constant 1 : i32
      %scan3A_650 = arith.addi %scan3A_639, %scan3A_649 : i32
      %mul3A_651 = arith.constant 16 : i32
      %mul3A_652 = arith.muli %scan3A_650, %mul3A_651 : i32
      %get3A_653 = arith.constant 2 : i32
      %get3A_654 = arith.index_cast %get3A_653 : i32 to index
      %get3A_655 = arith.index_cast %mul3A_652 : i32 to index
      %get3A_656 = tpu.vector_load %arg4[%get3A_654, %get3A_655] {strides = array<i32>} : memref<4x8192xf32, #tpu.memory_space<vmem>>, vector<16xf32>,
      %gt3A_657 = vector.broadcast %squeeze3A_237 : f32 to vector<16xf32>
      %gt3A_658 = arith.cmpf ogt, %get3A_656, %gt3A_657 : vector<16xf32>
      %all_reduce_population_count3A_659 = tpu.all_reduce %gt3A_658 {dim = 0 : i64, kind = #tpu.reduction_kind<sum>} : vector<16xi1> -> vector<16xi32>
      %add3A_660 = arith.addi %add3A_648, %all_reduce_population_count3A_659 : vector<16xi32>
      %scan3A_661 = arith.constant 2 : i32
      %scan3A_662 = arith.addi %scan3A_639, %scan3A_661 : i32
      %mul3A_663 = arith.constant 16 : i32
      %mul3A_664 = arith.muli %scan3A_662, %mul3A_663 : i32
      %get3A_665 = arith.constant 2 : i32
      %get3A_666 = arith.index_cast %get3A_665 : i32 to index
      %get3A_667 = arith.index_cast %mul3A_664 : i32 to index
      %get3A_668 = tpu.vector_load %arg4[%get3A_666, %get3A_667] {strides = array<i32>} : memref<4x8192xf32, #tpu.memory_space<vmem>>, vector<16xf32>,
      %gt3A_669 = vector.broadcast %squeeze3A_237 : f32 to vector<16xf32>
      %gt3A_670 = arith.cmpf ogt, %get3A_668, %gt3A_669 : vector<16xf32>
      %all_reduce_population_count3A_671 = tpu.all_reduce %gt3A_670 {dim = 0 : i64, kind = #tpu.reduction_kind<sum>} : vector<16xi1> -> vector<16xi32>
      %add3A_672 = arith.addi %add3A_660, %all_reduce_population_count3A_671 : vector<16xi32>
      %scan3A_673 = arith.constant 3 : i32
      %scan3A_674 = arith.addi %scan3A_639, %scan3A_673 : i32
      %mul3A_675 = arith.constant 16 : i32
      %mul3A_676 = arith.muli %scan3A_674, %mul3A_675 : i32
      %get3A_677 = arith.constant 2 : i32
      %get3A_678 = arith.index_cast %get3A_677 : i32 to index
      %get3A_679 = arith.index_cast %mul3A_676 : i32 to index
      %get3A_680 = tpu.vector_load %arg4[%get3A_678, %get3A_679] {strides = array<i32>} : memref<4x8192xf32, #tpu.memory_space<vmem>>, vector<16xf32>,
      %gt3A_681 = vector.broadcast %squeeze3A_237 : f32 to vector<16xf32>
      %gt3A_682 = arith.cmpf ogt, %get3A_680, %gt3A_681 : vector<16xf32>
      %all_reduce_population_count3A_683 = tpu.all_reduce %gt3A_682 {dim = 0 : i64, kind = #tpu.reduction_kind<sum>} : vector<16xi1> -> vector<16xi32>
      %add3A_684 = arith.addi %add3A_672, %all_reduce_population_count3A_683 : vector<16xi32>
      %scan3A_685 = arith.constant 4 : i32
      %scan3A_686 = arith.addi %scan3A_639, %scan3A_685 : i32
      %mul3A_687 = arith.constant 16 : i32
      %mul3A_688 = arith.muli %scan3A_686, %mul3A_687 : i32
      %get3A_689 = arith.constant 2 : i32
      %get3A_690 = arith.index_cast %get3A_689 : i32 to index
      %get3A_691 = arith.index_cast %mul3A_688 : i32 to index
      %get3A_692 = tpu.vector_load %arg4[%get3A_690, %get3A_691] {strides = array<i32>} : memref<4x8192xf32, #tpu.memory_space<vmem>>, vector<16xf32>,
      %gt3A_693 = vector.broadcast %squeeze3A_237 : f32 to vector<16xf32>
      %gt3A_694 = arith.cmpf ogt, %get3A_692, %gt3A_693 : vector<16xf32>
      %all_reduce_population_count3A_695 = tpu.all_reduce %gt3A_694 {dim = 0 : i64, kind = #tpu.reduction_kind<sum>} : vector<16xi1> -> vector<16xi32>
      %add3A_696 = arith.addi %add3A_684, %all_reduce_population_count3A_695 : vector<16xi32>
      %scan3A_697 = arith.constant 5 : i32
      %scan3A_698 = arith.addi %scan3A_639, %scan3A_697 : i32
      %mul3A_699 = arith.constant 16 : i32
      %mul3A_700 = arith.muli %scan3A_698, %mul3A_699 : i32
      %get3A_701 = arith.constant 2 : i32
      %get3A_702 = arith.index_cast %get3A_701 : i32 to index
      %get3A_703 = arith.index_cast %mul3A_700 : i32 to index
      %get3A_704 = tpu.vector_load %arg4[%get3A_702, %get3A_703] {strides = array<i32>} : memref<4x8192xf32, #tpu.memory_space<vmem>>, vector<16xf32>,
      %gt3A_705 = vector.broadcast %squeeze3A_237 : f32 to vector<16xf32>
      %gt3A_706 = arith.cmpf ogt, %get3A_704, %gt3A_705 : vector<16xf32>
      %all_reduce_population_count3A_707 = tpu.all_reduce %gt3A_706 {dim = 0 : i64, kind = #tpu.reduction_kind<sum>} : vector<16xi1> -> vector<16xi32>
      %add3A_708 = arith.addi %add3A_696, %all_reduce_population_count3A_707 : vector<16xi32>
      %scan3A_709 = arith.constant 6 : i32
      %scan3A_710 = arith.addi %scan3A_639, %scan3A_709 : i32
      %mul3A_711 = arith.constant 16 : i32
      %mul3A_712 = arith.muli %scan3A_710, %mul3A_711 : i32
      %get3A_713 = arith.constant 2 : i32
      %get3A_714 = arith.index_cast %get3A_713 : i32 to index
      %get3A_715 = arith.index_cast %mul3A_712 : i32 to index
      %get3A_716 = tpu.vector_load %arg4[%get3A_714, %get3A_715] {strides = array<i32>} : memref<4x8192xf32, #tpu.memory_space<vmem>>, vector<16xf32>,
      %gt3A_717 = vector.broadcast %squeeze3A_237 : f32 to vector<16xf32>
      %gt3A_718 = arith.cmpf ogt, %get3A_716, %gt3A_717 : vector<16xf32>
      %all_reduce_population_count3A_719 = tpu.all_reduce %gt3A_718 {dim = 0 : i64, kind = #tpu.reduction_kind<sum>} : vector<16xi1> -> vector<16xi32>
      %add3A_720 = arith.addi %add3A_708, %all_reduce_population_count3A_719 : vector<16xi32>
      %scan3A_721 = arith.constant 7 : i32
      %scan3A_722 = arith.addi %scan3A_639, %scan3A_721 : i32
      %mul3A_723 = arith.constant 16 : i32
      %mul3A_724 = arith.muli %scan3A_722, %mul3A_723 : i32
      %get3A_725 = arith.constant 2 : i32
      %get3A_726 = arith.index_cast %get3A_725 : i32 to index
      %get3A_727 = arith.index_cast %mul3A_724 : i32 to index
      %get3A_728 = tpu.vector_load %arg4[%get3A_726, %get3A_727] {strides = array<i32>} : memref<4x8192xf32, #tpu.memory_space<vmem>>, vector<16xf32>,
      %gt3A_729 = vector.broadcast %squeeze3A_237 : f32 to vector<16xf32>
      %gt3A_730 = arith.cmpf ogt, %get3A_728, %gt3A_729 : vector<16xf32>
      %all_reduce_population_count3A_731 = tpu.all_reduce %gt3A_730 {dim = 0 : i64, kind = #tpu.reduction_kind<sum>} : vector<16xi1> -> vector<16xi32>
      %add3A_732 = arith.addi %add3A_720, %all_reduce_population_count3A_731 : vector<16xi32>
      %scan3A_733 = arith.constant 8 : i32
      %scan3A_734 = arith.addi %scan3A_639, %scan3A_733 : i32
      %mul3A_735 = arith.constant 16 : i32
      %mul3A_736 = arith.muli %scan3A_734, %mul3A_735 : i32
      %get3A_737 = arith.constant 2 : i32
      %get3A_738 = arith.index_cast %get3A_737 : i32 to index
      %get3A_739 = arith.index_cast %mul3A_736 : i32 to index
      %get3A_740 = tpu.vector_load %arg4[%get3A_738, %get3A_739] {strides = array<i32>} : memref<4x8192xf32, #tpu.memory_space<vmem>>, vector<16xf32>,
      %gt3A_741 = vector.broadcast %squeeze3A_237 : f32 to vector<16xf32>
      %gt3A_742 = arith.cmpf ogt, %get3A_740, %gt3A_741 : vector<16xf32>
      %all_reduce_population_count3A_743 = tpu.all_reduce %gt3A_742 {dim = 0 : i64, kind = #tpu.reduction_kind<sum>} : vector<16xi1> -> vector<16xi32>
      %add3A_744 = arith.addi %add3A_732, %all_reduce_population_count3A_743 : vector<16xi32>
      %scan3A_745 = arith.constant 9 : i32
      %scan3A_746 = arith.addi %scan3A_639, %scan3A_745 : i32
      %mul3A_747 = arith.constant 16 : i32
      %mul3A_748 = arith.muli %scan3A_746, %mul3A_747 : i32
      %get3A_749 = arith.constant 2 : i32
      %get3A_750 = arith.index_cast %get3A_749 : i32 to index
      %get3A_751 = arith.index_cast %mul3A_748 : i32 to index
      %get3A_752 = tpu.vector_load %arg4[%get3A_750, %get3A_751] {strides = array<i32>} : memref<4x8192xf32, #tpu.memory_space<vmem>>, vector<16xf32>,
      %gt3A_753 = vector.broadcast %squeeze3A_237 : f32 to vector<16xf32>
      %gt3A_754 = arith.cmpf ogt, %get3A_752, %gt3A_753 : vector<16xf32>
      %all_reduce_population_count3A_755 = tpu.all_reduce %gt3A_754 {dim = 0 : i64, kind = #tpu.reduction_kind<sum>} : vector<16xi1> -> vector<16xi32>
      %add3A_756 = arith.addi %add3A_744, %all_reduce_population_count3A_755 : vector<16xi32>
      %scan3A_757 = arith.constant 10 : i32
      %scan3A_758 = arith.addi %scan3A_639, %scan3A_757 : i32
      %mul3A_759 = arith.constant 16 : i32
      %mul3A_760 = arith.muli %scan3A_758, %mul3A_759 : i32
      %get3A_761 = arith.constant 2 : i32
      %get3A_762 = arith.index_cast %get3A_761 : i32 to index
      %get3A_763 = arith.index_cast %mul3A_760 : i32 to index
      %get3A_764 = tpu.vector_load %arg4[%get3A_762, %get3A_763] {strides = array<i32>} : memref<4x8192xf32, #tpu.memory_space<vmem>>, vector<16xf32>,
      %gt3A_765 = vector.broadcast %squeeze3A_237 : f32 to vector<16xf32>
      %gt3A_766 = arith.cmpf ogt, %get3A_764, %gt3A_765 : vector<16xf32>
      %all_reduce_population_count3A_767 = tpu.all_reduce %gt3A_766 {dim = 0 : i64, kind = #tpu.reduction_kind<sum>} : vector<16xi1> -> vector<16xi32>
      %add3A_768 = arith.addi %add3A_756, %all_reduce_population_count3A_767 : vector<16xi32>
      %scan3A_769 = arith.constant 11 : i32
      %scan3A_770 = arith.addi %scan3A_639, %scan3A_769 : i32
      %mul3A_771 = arith.constant 16 : i32
      %mul3A_772 = arith.muli %scan3A_770, %mul3A_771 : i32
      %get3A_773 = arith.constant 2 : i32
      %get3A_774 = arith.index_cast %get3A_773 : i32 to index
      %get3A_775 = arith.index_cast %mul3A_772 : i32 to index
      %get3A_776 = tpu.vector_load %arg4[%get3A_774, %get3A_775] {strides = array<i32>} : memref<4x8192xf32, #tpu.memory_space<vmem>>, vector<16xf32>,
      %gt3A_777 = vector.broadcast %squeeze3A_237 : f32 to vector<16xf32>
      %gt3A_778 = arith.cmpf ogt, %get3A_776, %gt3A_777 : vector<16xf32>
      %all_reduce_population_count3A_779 = tpu.all_reduce %gt3A_778 {dim = 0 : i64, kind = #tpu.reduction_kind<sum>} : vector<16xi1> -> vector<16xi32>
      %add3A_780 = arith.addi %add3A_768, %all_reduce_population_count3A_779 : vector<16xi32>
      %scan3A_781 = arith.constant 12 : i32
      %scan3A_782 = arith.addi %scan3A_639, %scan3A_781 : i32
      %mul3A_783 = arith.constant 16 : i32
      %mul3A_784 = arith.muli %scan3A_782, %mul3A_783 : i32
      %get3A_785 = arith.constant 2 : i32
      %get3A_786 = arith.index_cast %get3A_785 : i32 to index
      %get3A_787 = arith.index_cast %mul3A_784 : i32 to index
      %get3A_788 = tpu.vector_load %arg4[%get3A_786, %get3A_787] {strides = array<i32>} : memref<4x8192xf32, #tpu.memory_space<vmem>>, vector<16xf32>,
      %gt3A_789 = vector.broadcast %squeeze3A_237 : f32 to vector<16xf32>
      %gt3A_790 = arith.cmpf ogt, %get3A_788, %gt3A_789 : vector<16xf32>
      %all_reduce_population_count3A_791 = tpu.all_reduce %gt3A_790 {dim = 0 : i64, kind = #tpu.reduction_kind<sum>} : vector<16xi1> -> vector<16xi32>
      %add3A_792 = arith.addi %add3A_780, %all_reduce_population_count3A_791 : vector<16xi32>
      %scan3A_793 = arith.constant 13 : i32
      %scan3A_794 = arith.addi %scan3A_639, %scan3A_793 : i32
      %mul3A_795 = arith.constant 16 : i32
      %mul3A_796 = arith.muli %scan3A_794, %mul3A_795 : i32
      %get3A_797 = arith.constant 2 : i32
      %get3A_798 = arith.index_cast %get3A_797 : i32 to index
      %get3A_799 = arith.index_cast %mul3A_796 : i32 to index
      %get3A_800 = tpu.vector_load %arg4[%get3A_798, %get3A_799] {strides = array<i32>} : memref<4x8192xf32, #tpu.memory_space<vmem>>, vector<16xf32>,
      %gt3A_801 = vector.broadcast %squeeze3A_237 : f32 to vector<16xf32>
      %gt3A_802 = arith.cmpf ogt, %get3A_800, %gt3A_801 : vector<16xf32>
      %all_reduce_population_count3A_803 = tpu.all_reduce %gt3A_802 {dim = 0 : i64, kind = #tpu.reduction_kind<sum>} : vector<16xi1> -> vector<16xi32>
      %add3A_804 = arith.addi %add3A_792, %all_reduce_population_count3A_803 : vector<16xi32>
      %scan3A_805 = arith.constant 14 : i32
      %scan3A_806 = arith.addi %scan3A_639, %scan3A_805 : i32
      %mul3A_807 = arith.constant 16 : i32
      %mul3A_808 = arith.muli %scan3A_806, %mul3A_807 : i32
      %get3A_809 = arith.constant 2 : i32
      %get3A_810 = arith.index_cast %get3A_809 : i32 to index
      %get3A_811 = arith.index_cast %mul3A_808 : i32 to index
      %get3A_812 = tpu.vector_load %arg4[%get3A_810, %get3A_811] {strides = array<i32>} : memref<4x8192xf32, #tpu.memory_space<vmem>>, vector<16xf32>,
      %gt3A_813 = vector.broadcast %squeeze3A_237 : f32 to vector<16xf32>
      %gt3A_814 = arith.cmpf ogt, %get3A_812, %gt3A_813 : vector<16xf32>
      %all_reduce_population_count3A_815 = tpu.all_reduce %gt3A_814 {dim = 0 : i64, kind = #tpu.reduction_kind<sum>} : vector<16xi1> -> vector<16xi32>
      %add3A_816 = arith.addi %add3A_804, %all_reduce_population_count3A_815 : vector<16xi32>
      %scan3A_817 = arith.constant 15 : i32
      %scan3A_818 = arith.addi %scan3A_639, %scan3A_817 : i32
      %mul3A_819 = arith.constant 16 : i32
      %mul3A_820 = arith.muli %scan3A_818, %mul3A_819 : i32
      %get3A_821 = arith.constant 2 : i32
      %get3A_822 = arith.index_cast %get3A_821 : i32 to index
      %get3A_823 = arith.index_cast %mul3A_820 : i32 to index
      %get3A_824 = tpu.vector_load %arg4[%get3A_822, %get3A_823] {strides = array<i32>} : memref<4x8192xf32, #tpu.memory_space<vmem>>, vector<16xf32>,
      %gt3A_825 = vector.broadcast %squeeze3A_237 : f32 to vector<16xf32>
      %gt3A_826 = arith.cmpf ogt, %get3A_824, %gt3A_825 : vector<16xf32>
      %all_reduce_population_count3A_827 = tpu.all_reduce %gt3A_826 {dim = 0 : i64, kind = #tpu.reduction_kind<sum>} : vector<16xi1> -> vector<16xi32>
      %add3A_828 = arith.addi %add3A_816, %all_reduce_population_count3A_827 : vector<16xi32>
      scf.yield %add3A_828 : vector<16xi32>
    }
    %scan3A_315 = arith.constant 512 : i32
    %add3A_316 = arith.constant 2 : i32
    %add3A_317 = arith.addi %mul3A_2, %add3A_316 : i32
    %dma_start3A_318 = arith.constant 2 : i32
    %dma_start3A_319 = arith.constant 0 : i32
    %dma_start3A_320 = tpu.memref_slice %arg4[%dma_start3A_318, %dma_start3A_319] : memref<4x8192xf32, #tpu.memory_space<vmem>> -> memref<1x8192xf32, #tpu.memory_space<vmem>>
    %dma_start3A_321 = tpu.memref_squeeze %dma_start3A_320 : memref<1x8192xf32, #tpu.memory_space<vmem>> -> memref<8192xf32, #tpu.memory_space<vmem>>
    %dma_start3A_322 = arith.constant 16384 : i32
    %dma_start3A_323 = tpu.memref_slice %arg2[%add3A_317, %dma_start3A_322] : memref<128x32768xf32, #tpu.memory_space<hbm>> -> memref<1x8192xf32, #tpu.memory_space<hbm>>
    %dma_start3A_324 = tpu.memref_squeeze %dma_start3A_323 : memref<1x8192xf32, #tpu.memory_space<hbm>> -> memref<8192xf32, #tpu.memory_space<hbm>>
    %dma_start3A_325 = arith.constant 0 : i32
    %dma_start3A_326 = tpu.memref_slice %arg4[%dma_start3A_318, %dma_start3A_325] : memref<4x8192xf32, #tpu.memory_space<vmem>> -> memref<1x8192xf32, #tpu.memory_space<vmem>>
    %dma_start3A_327 = tpu.memref_squeeze %dma_start3A_326 : memref<1x8192xf32, #tpu.memory_space<vmem>> -> memref<8192xf32, #tpu.memory_space<vmem>>
    %dma_start3A_328 = arith.constant 16384 : i32
    %dma_start3A_329 = tpu.memref_slice %arg2[%add3A_317, %dma_start3A_328] : memref<128x32768xf32, #tpu.memory_space<hbm>> -> memref<1x8192xf32, #tpu.memory_space<hbm>>
    %dma_start3A_330 = tpu.memref_squeeze %dma_start3A_329 : memref<1x8192xf32, #tpu.memory_space<hbm>> -> memref<8192xf32, #tpu.memory_space<hbm>>
    tpu.enqueue_dma source(%dma_start3A_330 : memref<8192xf32, #tpu.memory_space<hbm>>) target(%dma_start3A_327 : memref<8192xf32, #tpu.memory_space<vmem>>) target_semaphore(%arg8 : memref<!tpu.dma_semaphore, #tpu.memory_space<semaphore_mem>>)
    %add3A_331 = arith.constant 1 : i32
    %add3A_332 = arith.addi %mul3A_2, %add3A_331 : i32
    %dma_wait3A_333 = arith.constant 3 : i32
    %dma_wait3A_334 = arith.constant 0 : i32
    %dma_wait3A_335 = tpu.memref_slice %arg4[%dma_wait3A_333, %dma_wait3A_334] : memref<4x8192xf32, #tpu.memory_space<vmem>> -> memref<1x8192xf32, #tpu.memory_space<vmem>>
    %dma_wait3A_336 = tpu.memref_squeeze %dma_wait3A_335 : memref<1x8192xf32, #tpu.memory_space<vmem>> -> memref<8192xf32, #tpu.memory_space<vmem>>
    %dma_wait3A_337 = arith.constant 24576 : i32
    %dma_wait3A_338 = tpu.memref_slice %arg2[%add3A_332, %dma_wait3A_337] : memref<128x32768xf32, #tpu.memory_space<hbm>> -> memref<1x8192xf32, #tpu.memory_space<hbm>>
    %dma_wait3A_339 = tpu.memref_squeeze %dma_wait3A_338 : memref<1x8192xf32, #tpu.memory_space<hbm>> -> memref<8192xf32, #tpu.memory_space<hbm>>
    %dma_wait3A_340 = arith.constant 0 : i32
    %dma_wait3A_341 = tpu.memref_slice %arg4[%dma_wait3A_333, %dma_wait3A_340] : memref<4x8192xf32, #tpu.memory_space<vmem>> -> memref<1x8192xf32, #tpu.memory_space<vmem>>
    %dma_wait3A_342 = tpu.memref_squeeze %dma_wait3A_341 : memref<1x8192xf32, #tpu.memory_space<vmem>> -> memref<8192xf32, #tpu.memory_space<vmem>>
    %dma_wait3A_343 = arith.constant 24576 : i32
    %dma_wait3A_344 = tpu.memref_slice %arg2[%add3A_332, %dma_wait3A_343] : memref<128x32768xf32, #tpu.memory_space<hbm>> -> memref<1x8192xf32, #tpu.memory_space<hbm>>
    %dma_wait3A_345 = tpu.memref_squeeze %dma_wait3A_344 : memref<1x8192xf32, #tpu.memory_space<hbm>> -> memref<8192xf32, #tpu.memory_space<hbm>>
    tpu.wait_dma2 semaphore(%arg9 : memref<!tpu.dma_semaphore, #tpu.memory_space<semaphore_mem>>) src(%dma_wait3A_345 : memref<8192xf32, #tpu.memory_space<hbm>>) dst(%dma_wait3A_342 : memref<8192xf32, #tpu.memory_space<vmem>>)
    %scan3A_346 = arith.constant 0 : i32
    %scan3A_347 = arith.constant 512 : i32
    %scan3A_348 = arith.addi %scan3A_346, %scan3A_347 : i32
    %scan3A_349 = arith.constant 16 : i32
    %scan3A_350 = scf.for %scan3A_639 = %scan3A_346 to %scan3A_348 step %scan3A_349 iter_args(%scan3A_640 = %scan3A_314) -> (vector<16xi32>)  : i32 {
      %mul3A_641 = arith.constant 16 : i32
      %mul3A_642 = arith.muli %scan3A_639, %mul3A_641 : i32
      %get3A_643 = arith.constant 3 : i32
      %get3A_644 = arith.index_cast %get3A_643 : i32 to index
      %get3A_645 = arith.index_cast %mul3A_642 : i32 to index
      %get3A_646 = tpu.vector_load %arg4[%get3A_644, %get3A_645] {strides = array<i32>} : memref<4x8192xf32, #tpu.memory_space<vmem>>, vector<16xf32>,
      %gt3A = vector.broadcast %squeeze3A_237 : f32 to vector<16xf32>
      %gt3A_647 = arith.cmpf ogt, %get3A_646, %gt3A : vector<16xf32>
      %all_reduce_population_count3A = tpu.all_reduce %gt3A_647 {dim = 0 : i64, kind = #tpu.reduction_kind<sum>} : vector<16xi1> -> vector<16xi32>
      %add3A_648 = arith.addi %scan3A_640, %all_reduce_population_count3A : vector<16xi32>
      %scan3A_649 = arith.constant 1 : i32
      %scan3A_650 = arith.addi %scan3A_639, %scan3A_649 : i32
      %mul3A_651 = arith.constant 16 : i32
      %mul3A_652 = arith.muli %scan3A_650, %mul3A_651 : i32
      %get3A_653 = arith.constant 3 : i32
      %get3A_654 = arith.index_cast %get3A_653 : i32 to index
      %get3A_655 = arith.index_cast %mul3A_652 : i32 to index
      %get3A_656 = tpu.vector_load %arg4[%get3A_654, %get3A_655] {strides = array<i32>} : memref<4x8192xf32, #tpu.memory_space<vmem>>, vector<16xf32>,
      %gt3A_657 = vector.broadcast %squeeze3A_237 : f32 to vector<16xf32>
      %gt3A_658 = arith.cmpf ogt, %get3A_656, %gt3A_657 : vector<16xf32>
      %all_reduce_population_count3A_659 = tpu.all_reduce %gt3A_658 {dim = 0 : i64, kind = #tpu.reduction_kind<sum>} : vector<16xi1> -> vector<16xi32>
      %add3A_660 = arith.addi %add3A_648, %all_reduce_population_count3A_659 : vector<16xi32>
      %scan3A_661 = arith.constant 2 : i32
      %scan3A_662 = arith.addi %scan3A_639, %scan3A_661 : i32
      %mul3A_663 = arith.constant 16 : i32
      %mul3A_664 = arith.muli %scan3A_662, %mul3A_663 : i32
      %get3A_665 = arith.constant 3 : i32
      %get3A_666 = arith.index_cast %get3A_665 : i32 to index
      %get3A_667 = arith.index_cast %mul3A_664 : i32 to index
      %get3A_668 = tpu.vector_load %arg4[%get3A_666, %get3A_667] {strides = array<i32>} : memref<4x8192xf32, #tpu.memory_space<vmem>>, vector<16xf32>,
      %gt3A_669 = vector.broadcast %squeeze3A_237 : f32 to vector<16xf32>
      %gt3A_670 = arith.cmpf ogt, %get3A_668, %gt3A_669 : vector<16xf32>
      %all_reduce_population_count3A_671 = tpu.all_reduce %gt3A_670 {dim = 0 : i64, kind = #tpu.reduction_kind<sum>} : vector<16xi1> -> vector<16xi32>
      %add3A_672 = arith.addi %add3A_660, %all_reduce_population_count3A_671 : vector<16xi32>
      %scan3A_673 = arith.constant 3 : i32
      %scan3A_674 = arith.addi %scan3A_639, %scan3A_673 : i32
      %mul3A_675 = arith.constant 16 : i32
      %mul3A_676 = arith.muli %scan3A_674, %mul3A_675 : i32
      %get3A_677 = arith.constant 3 : i32
      %get3A_678 = arith.index_cast %get3A_677 : i32 to index
      %get3A_679 = arith.index_cast %mul3A_676 : i32 to index
      %get3A_680 = tpu.vector_load %arg4[%get3A_678, %get3A_679] {strides = array<i32>} : memref<4x8192xf32, #tpu.memory_space<vmem>>, vector<16xf32>,
      %gt3A_681 = vector.broadcast %squeeze3A_237 : f32 to vector<16xf32>
      %gt3A_682 = arith.cmpf ogt, %get3A_680, %gt3A_681 : vector<16xf32>
      %all_reduce_population_count3A_683 = tpu.all_reduce %gt3A_682 {dim = 0 : i64, kind = #tpu.reduction_kind<sum>} : vector<16xi1> -> vector<16xi32>
      %add3A_684 = arith.addi %add3A_672, %all_reduce_population_count3A_683 : vector<16xi32>
      %scan3A_685 = arith.constant 4 : i32
      %scan3A_686 = arith.addi %scan3A_639, %scan3A_685 : i32
      %mul3A_687 = arith.constant 16 : i32
      %mul3A_688 = arith.muli %scan3A_686, %mul3A_687 : i32
      %get3A_689 = arith.constant 3 : i32
      %get3A_690 = arith.index_cast %get3A_689 : i32 to index
      %get3A_691 = arith.index_cast %mul3A_688 : i32 to index
      %get3A_692 = tpu.vector_load %arg4[%get3A_690, %get3A_691] {strides = array<i32>} : memref<4x8192xf32, #tpu.memory_space<vmem>>, vector<16xf32>,
      %gt3A_693 = vector.broadcast %squeeze3A_237 : f32 to vector<16xf32>
      %gt3A_694 = arith.cmpf ogt, %get3A_692, %gt3A_693 : vector<16xf32>
      %all_reduce_population_count3A_695 = tpu.all_reduce %gt3A_694 {dim = 0 : i64, kind = #tpu.reduction_kind<sum>} : vector<16xi1> -> vector<16xi32>
      %add3A_696 = arith.addi %add3A_684, %all_reduce_population_count3A_695 : vector<16xi32>
      %scan3A_697 = arith.constant 5 : i32
      %scan3A_698 = arith.addi %scan3A_639, %scan3A_697 : i32
      %mul3A_699 = arith.constant 16 : i32
      %mul3A_700 = arith.muli %scan3A_698, %mul3A_699 : i32
      %get3A_701 = arith.constant 3 : i32
      %get3A_702 = arith.index_cast %get3A_701 : i32 to index
      %get3A_703 = arith.index_cast %mul3A_700 : i32 to index
      %get3A_704 = tpu.vector_load %arg4[%get3A_702, %get3A_703] {strides = array<i32>} : memref<4x8192xf32, #tpu.memory_space<vmem>>, vector<16xf32>,
      %gt3A_705 = vector.broadcast %squeeze3A_237 : f32 to vector<16xf32>
      %gt3A_706 = arith.cmpf ogt, %get3A_704, %gt3A_705 : vector<16xf32>
      %all_reduce_population_count3A_707 = tpu.all_reduce %gt3A_706 {dim = 0 : i64, kind = #tpu.reduction_kind<sum>} : vector<16xi1> -> vector<16xi32>
      %add3A_708 = arith.addi %add3A_696, %all_reduce_population_count3A_707 : vector<16xi32>
      %scan3A_709 = arith.constant 6 : i32
      %scan3A_710 = arith.addi %scan3A_639, %scan3A_709 : i32
      %mul3A_711 = arith.constant 16 : i32
      %mul3A_712 = arith.muli %scan3A_710, %mul3A_711 : i32
      %get3A_713 = arith.constant 3 : i32
      %get3A_714 = arith.index_cast %get3A_713 : i32 to index
      %get3A_715 = arith.index_cast %mul3A_712 : i32 to index
      %get3A_716 = tpu.vector_load %arg4[%get3A_714, %get3A_715] {strides = array<i32>} : memref<4x8192xf32, #tpu.memory_space<vmem>>, vector<16xf32>,
      %gt3A_717 = vector.broadcast %squeeze3A_237 : f32 to vector<16xf32>
      %gt3A_718 = arith.cmpf ogt, %get3A_716, %gt3A_717 : vector<16xf32>
      %all_reduce_population_count3A_719 = tpu.all_reduce %gt3A_718 {dim = 0 : i64, kind = #tpu.reduction_kind<sum>} : vector<16xi1> -> vector<16xi32>
      %add3A_720 = arith.addi %add3A_708, %all_reduce_population_count3A_719 : vector<16xi32>
      %scan3A_721 = arith.constant 7 : i32
      %scan3A_722 = arith.addi %scan3A_639, %scan3A_721 : i32
      %mul3A_723 = arith.constant 16 : i32
      %mul3A_724 = arith.muli %scan3A_722, %mul3A_723 : i32
      %get3A_725 = arith.constant 3 : i32
      %get3A_726 = arith.index_cast %get3A_725 : i32 to index
      %get3A_727 = arith.index_cast %mul3A_724 : i32 to index
      %get3A_728 = tpu.vector_load %arg4[%get3A_726, %get3A_727] {strides = array<i32>} : memref<4x8192xf32, #tpu.memory_space<vmem>>, vector<16xf32>,
      %gt3A_729 = vector.broadcast %squeeze3A_237 : f32 to vector<16xf32>
      %gt3A_730 = arith.cmpf ogt, %get3A_728, %gt3A_729 : vector<16xf32>
      %all_reduce_population_count3A_731 = tpu.all_reduce %gt3A_730 {dim = 0 : i64, kind = #tpu.reduction_kind<sum>} : vector<16xi1> -> vector<16xi32>
      %add3A_732 = arith.addi %add3A_720, %all_reduce_population_count3A_731 : vector<16xi32>
      %scan3A_733 = arith.constant 8 : i32
      %scan3A_734 = arith.addi %scan3A_639, %scan3A_733 : i32
      %mul3A_735 = arith.constant 16 : i32
      %mul3A_736 = arith.muli %scan3A_734, %mul3A_735 : i32
      %get3A_737 = arith.constant 3 : i32
      %get3A_738 = arith.index_cast %get3A_737 : i32 to index
      %get3A_739 = arith.index_cast %mul3A_736 : i32 to index
      %get3A_740 = tpu.vector_load %arg4[%get3A_738, %get3A_739] {strides = array<i32>} : memref<4x8192xf32, #tpu.memory_space<vmem>>, vector<16xf32>,
      %gt3A_741 = vector.broadcast %squeeze3A_237 : f32 to vector<16xf32>
      %gt3A_742 = arith.cmpf ogt, %get3A_740, %gt3A_741 : vector<16xf32>
      %all_reduce_population_count3A_743 = tpu.all_reduce %gt3A_742 {dim = 0 : i64, kind = #tpu.reduction_kind<sum>} : vector<16xi1> -> vector<16xi32>
      %add3A_744 = arith.addi %add3A_732, %all_reduce_population_count3A_743 : vector<16xi32>
      %scan3A_745 = arith.constant 9 : i32
      %scan3A_746 = arith.addi %scan3A_639, %scan3A_745 : i32
      %mul3A_747 = arith.constant 16 : i32
      %mul3A_748 = arith.muli %scan3A_746, %mul3A_747 : i32
      %get3A_749 = arith.constant 3 : i32
      %get3A_750 = arith.index_cast %get3A_749 : i32 to index
      %get3A_751 = arith.index_cast %mul3A_748 : i32 to index
      %get3A_752 = tpu.vector_load %arg4[%get3A_750, %get3A_751] {strides = array<i32>} : memref<4x8192xf32, #tpu.memory_space<vmem>>, vector<16xf32>,
      %gt3A_753 = vector.broadcast %squeeze3A_237 : f32 to vector<16xf32>
      %gt3A_754 = arith.cmpf ogt, %get3A_752, %gt3A_753 : vector<16xf32>
      %all_reduce_population_count3A_755 = tpu.all_reduce %gt3A_754 {dim = 0 : i64, kind = #tpu.reduction_kind<sum>} : vector<16xi1> -> vector<16xi32>
      %add3A_756 = arith.addi %add3A_744, %all_reduce_population_count3A_755 : vector<16xi32>
      %scan3A_757 = arith.constant 10 : i32
      %scan3A_758 = arith.addi %scan3A_639, %scan3A_757 : i32
      %mul3A_759 = arith.constant 16 : i32
      %mul3A_760 = arith.muli %scan3A_758, %mul3A_759 : i32
      %get3A_761 = arith.constant 3 : i32
      %get3A_762 = arith.index_cast %get3A_761 : i32 to index
      %get3A_763 = arith.index_cast %mul3A_760 : i32 to index
      %get3A_764 = tpu.vector_load %arg4[%get3A_762, %get3A_763] {strides = array<i32>} : memref<4x8192xf32, #tpu.memory_space<vmem>>, vector<16xf32>,
      %gt3A_765 = vector.broadcast %squeeze3A_237 : f32 to vector<16xf32>
      %gt3A_766 = arith.cmpf ogt, %get3A_764, %gt3A_765 : vector<16xf32>
      %all_reduce_population_count3A_767 = tpu.all_reduce %gt3A_766 {dim = 0 : i64, kind = #tpu.reduction_kind<sum>} : vector<16xi1> -> vector<16xi32>
      %add3A_768 = arith.addi %add3A_756, %all_reduce_population_count3A_767 : vector<16xi32>
      %scan3A_769 = arith.constant 11 : i32
      %scan3A_770 = arith.addi %scan3A_639, %scan3A_769 : i32
      %mul3A_771 = arith.constant 16 : i32
      %mul3A_772 = arith.muli %scan3A_770, %mul3A_771 : i32
      %get3A_773 = arith.constant 3 : i32
      %get3A_774 = arith.index_cast %get3A_773 : i32 to index
      %get3A_775 = arith.index_cast %mul3A_772 : i32 to index
      %get3A_776 = tpu.vector_load %arg4[%get3A_774, %get3A_775] {strides = array<i32>} : memref<4x8192xf32, #tpu.memory_space<vmem>>, vector<16xf32>,
      %gt3A_777 = vector.broadcast %squeeze3A_237 : f32 to vector<16xf32>
      %gt3A_778 = arith.cmpf ogt, %get3A_776, %gt3A_777 : vector<16xf32>
      %all_reduce_population_count3A_779 = tpu.all_reduce %gt3A_778 {dim = 0 : i64, kind = #tpu.reduction_kind<sum>} : vector<16xi1> -> vector<16xi32>
      %add3A_780 = arith.addi %add3A_768, %all_reduce_population_count3A_779 : vector<16xi32>
      %scan3A_781 = arith.constant 12 : i32
      %scan3A_782 = arith.addi %scan3A_639, %scan3A_781 : i32
      %mul3A_783 = arith.constant 16 : i32
      %mul3A_784 = arith.muli %scan3A_782, %mul3A_783 : i32
      %get3A_785 = arith.constant 3 : i32
      %get3A_786 = arith.index_cast %get3A_785 : i32 to index
      %get3A_787 = arith.index_cast %mul3A_784 : i32 to index
      %get3A_788 = tpu.vector_load %arg4[%get3A_786, %get3A_787] {strides = array<i32>} : memref<4x8192xf32, #tpu.memory_space<vmem>>, vector<16xf32>,
      %gt3A_789 = vector.broadcast %squeeze3A_237 : f32 to vector<16xf32>
      %gt3A_790 = arith.cmpf ogt, %get3A_788, %gt3A_789 : vector<16xf32>
      %all_reduce_population_count3A_791 = tpu.all_reduce %gt3A_790 {dim = 0 : i64, kind = #tpu.reduction_kind<sum>} : vector<16xi1> -> vector<16xi32>
      %add3A_792 = arith.addi %add3A_780, %all_reduce_population_count3A_791 : vector<16xi32>
      %scan3A_793 = arith.constant 13 : i32
      %scan3A_794 = arith.addi %scan3A_639, %scan3A_793 : i32
      %mul3A_795 = arith.constant 16 : i32
      %mul3A_796 = arith.muli %scan3A_794, %mul3A_795 : i32
      %get3A_797 = arith.constant 3 : i32
      %get3A_798 = arith.index_cast %get3A_797 : i32 to index
      %get3A_799 = arith.index_cast %mul3A_796 : i32 to index
      %get3A_800 = tpu.vector_load %arg4[%get3A_798, %get3A_799] {strides = array<i32>} : memref<4x8192xf32, #tpu.memory_space<vmem>>, vector<16xf32>,
      %gt3A_801 = vector.broadcast %squeeze3A_237 : f32 to vector<16xf32>
      %gt3A_802 = arith.cmpf ogt, %get3A_800, %gt3A_801 : vector<16xf32>
      %all_reduce_population_count3A_803 = tpu.all_reduce %gt3A_802 {dim = 0 : i64, kind = #tpu.reduction_kind<sum>} : vector<16xi1> -> vector<16xi32>
      %add3A_804 = arith.addi %add3A_792, %all_reduce_population_count3A_803 : vector<16xi32>
      %scan3A_805 = arith.constant 14 : i32
      %scan3A_806 = arith.addi %scan3A_639, %scan3A_805 : i32
      %mul3A_807 = arith.constant 16 : i32
      %mul3A_808 = arith.muli %scan3A_806, %mul3A_807 : i32
      %get3A_809 = arith.constant 3 : i32
      %get3A_810 = arith.index_cast %get3A_809 : i32 to index
      %get3A_811 = arith.index_cast %mul3A_808 : i32 to index
      %get3A_812 = tpu.vector_load %arg4[%get3A_810, %get3A_811] {strides = array<i32>} : memref<4x8192xf32, #tpu.memory_space<vmem>>, vector<16xf32>,
      %gt3A_813 = vector.broadcast %squeeze3A_237 : f32 to vector<16xf32>
      %gt3A_814 = arith.cmpf ogt, %get3A_812, %gt3A_813 : vector<16xf32>
      %all_reduce_population_count3A_815 = tpu.all_reduce %gt3A_814 {dim = 0 : i64, kind = #tpu.reduction_kind<sum>} : vector<16xi1> -> vector<16xi32>
      %add3A_816 = arith.addi %add3A_804, %all_reduce_population_count3A_815 : vector<16xi32>
      %scan3A_817 = arith.constant 15 : i32
      %scan3A_818 = arith.addi %scan3A_639, %scan3A_817 : i32
      %mul3A_819 = arith.constant 16 : i32
      %mul3A_820 = arith.muli %scan3A_818, %mul3A_819 : i32
      %get3A_821 = arith.constant 3 : i32
      %get3A_822 = arith.index_cast %get3A_821 : i32 to index
      %get3A_823 = arith.index_cast %mul3A_820 : i32 to index
      %get3A_824 = tpu.vector_load %arg4[%get3A_822, %get3A_823] {strides = array<i32>} : memref<4x8192xf32, #tpu.memory_space<vmem>>, vector<16xf32>,
      %gt3A_825 = vector.broadcast %squeeze3A_237 : f32 to vector<16xf32>
      %gt3A_826 = arith.cmpf ogt, %get3A_824, %gt3A_825 : vector<16xf32>
      %all_reduce_population_count3A_827 = tpu.all_reduce %gt3A_826 {dim = 0 : i64, kind = #tpu.reduction_kind<sum>} : vector<16xi1> -> vector<16xi32>
      %add3A_828 = arith.addi %add3A_816, %all_reduce_population_count3A_827 : vector<16xi32>
      scf.yield %add3A_828 : vector<16xi32>
    }
    %scan3A_351 = arith.constant 512 : i32
    %eq3A_352 = arith.constant 1 : i32
    %eq3A_353 = vector.broadcast %eq3A_352 : i32 to vector<16xi32>
    %eq3A_354 = arith.cmpi eq, %iota3A, %eq3A_353 : vector<16xi32>
    %slice3A_355 = vector.extract_strided_slice %scan3A_350 {offsets = [0], sizes = [1], strides = [1]} : vector<16xi32> to vector<1xi32>
    %squeeze3A_356 = vector.extract %slice3A_355[0] : i32 from vector<1xi32>
    %broadcast_in_dim3A_357 = vector.broadcast %squeeze3A_356 : i32 to vector<16xi32>
    %select_n3A_358 = arith.select %eq3A_354, %broadcast_in_dim3A_357, %select_n3A : vector<16xi1>, vector<16xi32>
    %broadcast_in_dim3A_359 = arith.constant 0 : i32
    %broadcast_in_dim3A_360 = vector.broadcast %broadcast_in_dim3A_359 : i32 to vector<16xi32>
    %add3A_361 = arith.constant 2 : i32
    %add3A_362 = arith.addi %mul3A_2, %add3A_361 : i32
    %dma_start3A_363 = arith.constant 3 : i32
    %dma_start3A_364 = arith.constant 0 : i32
    %dma_start3A_365 = tpu.memref_slice %arg4[%dma_start3A_363, %dma_start3A_364] : memref<4x8192xf32, #tpu.memory_space<vmem>> -> memref<1x8192xf32, #tpu.memory_space<vmem>>
    %dma_start3A_366 = tpu.memref_squeeze %dma_start3A_365 : memref<1x8192xf32, #tpu.memory_space<vmem>> -> memref<8192xf32, #tpu.memory_space<vmem>>
    %dma_start3A_367 = arith.constant 24576 : i32
    %dma_start3A_368 = tpu.memref_slice %arg2[%add3A_362, %dma_start3A_367] : memref<128x32768xf32, #tpu.memory_space<hbm>> -> memref<1x8192xf32, #tpu.memory_space<hbm>>
    %dma_start3A_369 = tpu.memref_squeeze %dma_start3A_368 : memref<1x8192xf32, #tpu.memory_space<hbm>> -> memref<8192xf32, #tpu.memory_space<hbm>>
    %dma_start3A_370 = arith.constant 0 : i32
    %dma_start3A_371 = tpu.memref_slice %arg4[%dma_start3A_363, %dma_start3A_370] : memref<4x8192xf32, #tpu.memory_space<vmem>> -> memref<1x8192xf32, #tpu.memory_space<vmem>>
    %dma_start3A_372 = tpu.memref_squeeze %dma_start3A_371 : memref<1x8192xf32, #tpu.memory_space<vmem>> -> memref<8192xf32, #tpu.memory_space<vmem>>
    %dma_start3A_373 = arith.constant 24576 : i32
    %dma_start3A_374 = tpu.memref_slice %arg2[%add3A_362, %dma_start3A_373] : memref<128x32768xf32, #tpu.memory_space<hbm>> -> memref<1x8192xf32, #tpu.memory_space<hbm>>
    %dma_start3A_375 = tpu.memref_squeeze %dma_start3A_374 : memref<1x8192xf32, #tpu.memory_space<hbm>> -> memref<8192xf32, #tpu.memory_space<hbm>>
    tpu.enqueue_dma source(%dma_start3A_375 : memref<8192xf32, #tpu.memory_space<hbm>>) target(%dma_start3A_372 : memref<8192xf32, #tpu.memory_space<vmem>>) target_semaphore(%arg9 : memref<!tpu.dma_semaphore, #tpu.memory_space<semaphore_mem>>)
    %add3A_376 = arith.constant 2 : i32
    %add3A_377 = arith.addi %mul3A_2, %add3A_376 : i32
    %dma_wait3A_378 = arith.constant 0 : i32
    %dma_wait3A_379 = arith.constant 0 : i32
    %dma_wait3A_380 = tpu.memref_slice %arg4[%dma_wait3A_378, %dma_wait3A_379] : memref<4x8192xf32, #tpu.memory_space<vmem>> -> memref<1x8192xf32, #tpu.memory_space<vmem>>
    %dma_wait3A_381 = tpu.memref_squeeze %dma_wait3A_380 : memref<1x8192xf32, #tpu.memory_space<vmem>> -> memref<8192xf32, #tpu.memory_space<vmem>>
    %dma_wait3A_382 = arith.constant 0 : i32
    %dma_wait3A_383 = tpu.memref_slice %arg2[%add3A_377, %dma_wait3A_382] : memref<128x32768xf32, #tpu.memory_space<hbm>> -> memref<1x8192xf32, #tpu.memory_space<hbm>>
    %dma_wait3A_384 = tpu.memref_squeeze %dma_wait3A_383 : memref<1x8192xf32, #tpu.memory_space<hbm>> -> memref<8192xf32, #tpu.memory_space<hbm>>
    %dma_wait3A_385 = arith.constant 0 : i32
    %dma_wait3A_386 = tpu.memref_slice %arg4[%dma_wait3A_378, %dma_wait3A_385] : memref<4x8192xf32, #tpu.memory_space<vmem>> -> memref<1x8192xf32, #tpu.memory_space<vmem>>
    %dma_wait3A_387 = tpu.memref_squeeze %dma_wait3A_386 : memref<1x8192xf32, #tpu.memory_space<vmem>> -> memref<8192xf32, #tpu.memory_space<vmem>>
    %dma_wait3A_388 = arith.constant 0 : i32
    %dma_wait3A_389 = tpu.memref_slice %arg2[%add3A_377, %dma_wait3A_388] : memref<128x32768xf32, #tpu.memory_space<hbm>> -> memref<1x8192xf32, #tpu.memory_space<hbm>>
    %dma_wait3A_390 = tpu.memref_squeeze %dma_wait3A_389 : memref<1x8192xf32, #tpu.memory_space<hbm>> -> memref<8192xf32, #tpu.memory_space<hbm>>
    tpu.wait_dma2 semaphore(%arg6 : memref<!tpu.dma_semaphore, #tpu.memory_space<semaphore_mem>>) src(%dma_wait3A_390 : memref<8192xf32, #tpu.memory_space<hbm>>) dst(%dma_wait3A_387 : memref<8192xf32, #tpu.memory_space<vmem>>)
    %get3A_391 = arith.constant 0 : i32
    %get3A_392 = arith.index_cast %get3A_391 : i32 to index
    %get3A_393 = arith.constant 0 : index
    %get3A_394 = tpu.vector_load %arg4[%get3A_392, %get3A_393] {strides = array<i32>} : memref<4x8192xf32, #tpu.memory_space<vmem>>, vector<16xf32>,
    %slice3A_395 = vector.extract_strided_slice %get3A_394 {offsets = [0], sizes = [1], strides = [1]} : vector<16xf32> to vector<1xf32>
    %squeeze3A_396 = vector.extract %slice3A_395[0] : f32 from vector<1xf32>
    %scan3A_397 = arith.constant 0 : i32
    %scan3A_398 = arith.constant 512 : i32
    %scan3A_399 = arith.addi %scan3A_397, %scan3A_398 : i32
    %scan3A_400 = arith.constant 16 : i32
    %scan3A_401 = scf.for %scan3A_639 = %scan3A_397 to %scan3A_399 step %scan3A_400 iter_args(%scan3A_640 = %broadcast_in_dim3A_360) -> (vector<16xi32>)  : i32 {
      %mul3A_641 = arith.constant 16 : i32
      %mul3A_642 = arith.muli %scan3A_639, %mul3A_641 : i32
      %get3A_643 = arith.constant 0 : i32
      %get3A_644 = arith.index_cast %get3A_643 : i32 to index
      %get3A_645 = arith.index_cast %mul3A_642 : i32 to index
      %get3A_646 = tpu.vector_load %arg4[%get3A_644, %get3A_645] {strides = array<i32>} : memref<4x8192xf32, #tpu.memory_space<vmem>>, vector<16xf32>,
      %gt3A = vector.broadcast %squeeze3A_396 : f32 to vector<16xf32>
      %gt3A_647 = arith.cmpf ogt, %get3A_646, %gt3A : vector<16xf32>
      %all_reduce_population_count3A = tpu.all_reduce %gt3A_647 {dim = 0 : i64, kind = #tpu.reduction_kind<sum>} : vector<16xi1> -> vector<16xi32>
      %add3A_648 = arith.addi %scan3A_640, %all_reduce_population_count3A : vector<16xi32>
      %scan3A_649 = arith.constant 1 : i32
      %scan3A_650 = arith.addi %scan3A_639, %scan3A_649 : i32
      %mul3A_651 = arith.constant 16 : i32
      %mul3A_652 = arith.muli %scan3A_650, %mul3A_651 : i32
      %get3A_653 = arith.constant 0 : i32
      %get3A_654 = arith.index_cast %get3A_653 : i32 to index
      %get3A_655 = arith.index_cast %mul3A_652 : i32 to index
      %get3A_656 = tpu.vector_load %arg4[%get3A_654, %get3A_655] {strides = array<i32>} : memref<4x8192xf32, #tpu.memory_space<vmem>>, vector<16xf32>,
      %gt3A_657 = vector.broadcast %squeeze3A_396 : f32 to vector<16xf32>
      %gt3A_658 = arith.cmpf ogt, %get3A_656, %gt3A_657 : vector<16xf32>
      %all_reduce_population_count3A_659 = tpu.all_reduce %gt3A_658 {dim = 0 : i64, kind = #tpu.reduction_kind<sum>} : vector<16xi1> -> vector<16xi32>
      %add3A_660 = arith.addi %add3A_648, %all_reduce_population_count3A_659 : vector<16xi32>
      %scan3A_661 = arith.constant 2 : i32
      %scan3A_662 = arith.addi %scan3A_639, %scan3A_661 : i32
      %mul3A_663 = arith.constant 16 : i32
      %mul3A_664 = arith.muli %scan3A_662, %mul3A_663 : i32
      %get3A_665 = arith.constant 0 : i32
      %get3A_666 = arith.index_cast %get3A_665 : i32 to index
      %get3A_667 = arith.index_cast %mul3A_664 : i32 to index
      %get3A_668 = tpu.vector_load %arg4[%get3A_666, %get3A_667] {strides = array<i32>} : memref<4x8192xf32, #tpu.memory_space<vmem>>, vector<16xf32>,
      %gt3A_669 = vector.broadcast %squeeze3A_396 : f32 to vector<16xf32>
      %gt3A_670 = arith.cmpf ogt, %get3A_668, %gt3A_669 : vector<16xf32>
      %all_reduce_population_count3A_671 = tpu.all_reduce %gt3A_670 {dim = 0 : i64, kind = #tpu.reduction_kind<sum>} : vector<16xi1> -> vector<16xi32>
      %add3A_672 = arith.addi %add3A_660, %all_reduce_population_count3A_671 : vector<16xi32>
      %scan3A_673 = arith.constant 3 : i32
      %scan3A_674 = arith.addi %scan3A_639, %scan3A_673 : i32
      %mul3A_675 = arith.constant 16 : i32
      %mul3A_676 = arith.muli %scan3A_674, %mul3A_675 : i32
      %get3A_677 = arith.constant 0 : i32
      %get3A_678 = arith.index_cast %get3A_677 : i32 to index
      %get3A_679 = arith.index_cast %mul3A_676 : i32 to index
      %get3A_680 = tpu.vector_load %arg4[%get3A_678, %get3A_679] {strides = array<i32>} : memref<4x8192xf32, #tpu.memory_space<vmem>>, vector<16xf32>,
      %gt3A_681 = vector.broadcast %squeeze3A_396 : f32 to vector<16xf32>
      %gt3A_682 = arith.cmpf ogt, %get3A_680, %gt3A_681 : vector<16xf32>
      %all_reduce_population_count3A_683 = tpu.all_reduce %gt3A_682 {dim = 0 : i64, kind = #tpu.reduction_kind<sum>} : vector<16xi1> -> vector<16xi32>
      %add3A_684 = arith.addi %add3A_672, %all_reduce_population_count3A_683 : vector<16xi32>
      %scan3A_685 = arith.constant 4 : i32
      %scan3A_686 = arith.addi %scan3A_639, %scan3A_685 : i32
      %mul3A_687 = arith.constant 16 : i32
      %mul3A_688 = arith.muli %scan3A_686, %mul3A_687 : i32
      %get3A_689 = arith.constant 0 : i32
      %get3A_690 = arith.index_cast %get3A_689 : i32 to index
      %get3A_691 = arith.index_cast %mul3A_688 : i32 to index
      %get3A_692 = tpu.vector_load %arg4[%get3A_690, %get3A_691] {strides = array<i32>} : memref<4x8192xf32, #tpu.memory_space<vmem>>, vector<16xf32>,
      %gt3A_693 = vector.broadcast %squeeze3A_396 : f32 to vector<16xf32>
      %gt3A_694 = arith.cmpf ogt, %get3A_692, %gt3A_693 : vector<16xf32>
      %all_reduce_population_count3A_695 = tpu.all_reduce %gt3A_694 {dim = 0 : i64, kind = #tpu.reduction_kind<sum>} : vector<16xi1> -> vector<16xi32>
      %add3A_696 = arith.addi %add3A_684, %all_reduce_population_count3A_695 : vector<16xi32>
      %scan3A_697 = arith.constant 5 : i32
      %scan3A_698 = arith.addi %scan3A_639, %scan3A_697 : i32
      %mul3A_699 = arith.constant 16 : i32
      %mul3A_700 = arith.muli %scan3A_698, %mul3A_699 : i32
      %get3A_701 = arith.constant 0 : i32
      %get3A_702 = arith.index_cast %get3A_701 : i32 to index
      %get3A_703 = arith.index_cast %mul3A_700 : i32 to index
      %get3A_704 = tpu.vector_load %arg4[%get3A_702, %get3A_703] {strides = array<i32>} : memref<4x8192xf32, #tpu.memory_space<vmem>>, vector<16xf32>,
      %gt3A_705 = vector.broadcast %squeeze3A_396 : f32 to vector<16xf32>
      %gt3A_706 = arith.cmpf ogt, %get3A_704, %gt3A_705 : vector<16xf32>
      %all_reduce_population_count3A_707 = tpu.all_reduce %gt3A_706 {dim = 0 : i64, kind = #tpu.reduction_kind<sum>} : vector<16xi1> -> vector<16xi32>
      %add3A_708 = arith.addi %add3A_696, %all_reduce_population_count3A_707 : vector<16xi32>
      %scan3A_709 = arith.constant 6 : i32
      %scan3A_710 = arith.addi %scan3A_639, %scan3A_709 : i32
      %mul3A_711 = arith.constant 16 : i32
      %mul3A_712 = arith.muli %scan3A_710, %mul3A_711 : i32
      %get3A_713 = arith.constant 0 : i32
      %get3A_714 = arith.index_cast %get3A_713 : i32 to index
      %get3A_715 = arith.index_cast %mul3A_712 : i32 to index
      %get3A_716 = tpu.vector_load %arg4[%get3A_714, %get3A_715] {strides = array<i32>} : memref<4x8192xf32, #tpu.memory_space<vmem>>, vector<16xf32>,
      %gt3A_717 = vector.broadcast %squeeze3A_396 : f32 to vector<16xf32>
      %gt3A_718 = arith.cmpf ogt, %get3A_716, %gt3A_717 : vector<16xf32>
      %all_reduce_population_count3A_719 = tpu.all_reduce %gt3A_718 {dim = 0 : i64, kind = #tpu.reduction_kind<sum>} : vector<16xi1> -> vector<16xi32>
      %add3A_720 = arith.addi %add3A_708, %all_reduce_population_count3A_719 : vector<16xi32>
      %scan3A_721 = arith.constant 7 : i32
      %scan3A_722 = arith.addi %scan3A_639, %scan3A_721 : i32
      %mul3A_723 = arith.constant 16 : i32
      %mul3A_724 = arith.muli %scan3A_722, %mul3A_723 : i32
      %get3A_725 = arith.constant 0 : i32
      %get3A_726 = arith.index_cast %get3A_725 : i32 to index
      %get3A_727 = arith.index_cast %mul3A_724 : i32 to index
      %get3A_728 = tpu.vector_load %arg4[%get3A_726, %get3A_727] {strides = array<i32>} : memref<4x8192xf32, #tpu.memory_space<vmem>>, vector<16xf32>,
      %gt3A_729 = vector.broadcast %squeeze3A_396 : f32 to vector<16xf32>
      %gt3A_730 = arith.cmpf ogt, %get3A_728, %gt3A_729 : vector<16xf32>
      %all_reduce_population_count3A_731 = tpu.all_reduce %gt3A_730 {dim = 0 : i64, kind = #tpu.reduction_kind<sum>} : vector<16xi1> -> vector<16xi32>
      %add3A_732 = arith.addi %add3A_720, %all_reduce_population_count3A_731 : vector<16xi32>
      %scan3A_733 = arith.constant 8 : i32
      %scan3A_734 = arith.addi %scan3A_639, %scan3A_733 : i32
      %mul3A_735 = arith.constant 16 : i32
      %mul3A_736 = arith.muli %scan3A_734, %mul3A_735 : i32
      %get3A_737 = arith.constant 0 : i32
      %get3A_738 = arith.index_cast %get3A_737 : i32 to index
      %get3A_739 = arith.index_cast %mul3A_736 : i32 to index
      %get3A_740 = tpu.vector_load %arg4[%get3A_738, %get3A_739] {strides = array<i32>} : memref<4x8192xf32, #tpu.memory_space<vmem>>, vector<16xf32>,
      %gt3A_741 = vector.broadcast %squeeze3A_396 : f32 to vector<16xf32>
      %gt3A_742 = arith.cmpf ogt, %get3A_740, %gt3A_741 : vector<16xf32>
      %all_reduce_population_count3A_743 = tpu.all_reduce %gt3A_742 {dim = 0 : i64, kind = #tpu.reduction_kind<sum>} : vector<16xi1> -> vector<16xi32>
      %add3A_744 = arith.addi %add3A_732, %all_reduce_population_count3A_743 : vector<16xi32>
      %scan3A_745 = arith.constant 9 : i32
      %scan3A_746 = arith.addi %scan3A_639, %scan3A_745 : i32
      %mul3A_747 = arith.constant 16 : i32
      %mul3A_748 = arith.muli %scan3A_746, %mul3A_747 : i32
      %get3A_749 = arith.constant 0 : i32
      %get3A_750 = arith.index_cast %get3A_749 : i32 to index
      %get3A_751 = arith.index_cast %mul3A_748 : i32 to index
      %get3A_752 = tpu.vector_load %arg4[%get3A_750, %get3A_751] {strides = array<i32>} : memref<4x8192xf32, #tpu.memory_space<vmem>>, vector<16xf32>,
      %gt3A_753 = vector.broadcast %squeeze3A_396 : f32 to vector<16xf32>
      %gt3A_754 = arith.cmpf ogt, %get3A_752, %gt3A_753 : vector<16xf32>
      %all_reduce_population_count3A_755 = tpu.all_reduce %gt3A_754 {dim = 0 : i64, kind = #tpu.reduction_kind<sum>} : vector<16xi1> -> vector<16xi32>
      %add3A_756 = arith.addi %add3A_744, %all_reduce_population_count3A_755 : vector<16xi32>
      %scan3A_757 = arith.constant 10 : i32
      %scan3A_758 = arith.addi %scan3A_639, %scan3A_757 : i32
      %mul3A_759 = arith.constant 16 : i32
      %mul3A_760 = arith.muli %scan3A_758, %mul3A_759 : i32
      %get3A_761 = arith.constant 0 : i32
      %get3A_762 = arith.index_cast %get3A_761 : i32 to index
      %get3A_763 = arith.index_cast %mul3A_760 : i32 to index
      %get3A_764 = tpu.vector_load %arg4[%get3A_762, %get3A_763] {strides = array<i32>} : memref<4x8192xf32, #tpu.memory_space<vmem>>, vector<16xf32>,
      %gt3A_765 = vector.broadcast %squeeze3A_396 : f32 to vector<16xf32>
      %gt3A_766 = arith.cmpf ogt, %get3A_764, %gt3A_765 : vector<16xf32>
      %all_reduce_population_count3A_767 = tpu.all_reduce %gt3A_766 {dim = 0 : i64, kind = #tpu.reduction_kind<sum>} : vector<16xi1> -> vector<16xi32>
      %add3A_768 = arith.addi %add3A_756, %all_reduce_population_count3A_767 : vector<16xi32>
      %scan3A_769 = arith.constant 11 : i32
      %scan3A_770 = arith.addi %scan3A_639, %scan3A_769 : i32
      %mul3A_771 = arith.constant 16 : i32
      %mul3A_772 = arith.muli %scan3A_770, %mul3A_771 : i32
      %get3A_773 = arith.constant 0 : i32
      %get3A_774 = arith.index_cast %get3A_773 : i32 to index
      %get3A_775 = arith.index_cast %mul3A_772 : i32 to index
      %get3A_776 = tpu.vector_load %arg4[%get3A_774, %get3A_775] {strides = array<i32>} : memref<4x8192xf32, #tpu.memory_space<vmem>>, vector<16xf32>,
      %gt3A_777 = vector.broadcast %squeeze3A_396 : f32 to vector<16xf32>
      %gt3A_778 = arith.cmpf ogt, %get3A_776, %gt3A_777 : vector<16xf32>
      %all_reduce_population_count3A_779 = tpu.all_reduce %gt3A_778 {dim = 0 : i64, kind = #tpu.reduction_kind<sum>} : vector<16xi1> -> vector<16xi32>
      %add3A_780 = arith.addi %add3A_768, %all_reduce_population_count3A_779 : vector<16xi32>
      %scan3A_781 = arith.constant 12 : i32
      %scan3A_782 = arith.addi %scan3A_639, %scan3A_781 : i32
      %mul3A_783 = arith.constant 16 : i32
      %mul3A_784 = arith.muli %scan3A_782, %mul3A_783 : i32
      %get3A_785 = arith.constant 0 : i32
      %get3A_786 = arith.index_cast %get3A_785 : i32 to index
      %get3A_787 = arith.index_cast %mul3A_784 : i32 to index
      %get3A_788 = tpu.vector_load %arg4[%get3A_786, %get3A_787] {strides = array<i32>} : memref<4x8192xf32, #tpu.memory_space<vmem>>, vector<16xf32>,
      %gt3A_789 = vector.broadcast %squeeze3A_396 : f32 to vector<16xf32>
      %gt3A_790 = arith.cmpf ogt, %get3A_788, %gt3A_789 : vector<16xf32>
      %all_reduce_population_count3A_791 = tpu.all_reduce %gt3A_790 {dim = 0 : i64, kind = #tpu.reduction_kind<sum>} : vector<16xi1> -> vector<16xi32>
      %add3A_792 = arith.addi %add3A_780, %all_reduce_population_count3A_791 : vector<16xi32>
      %scan3A_793 = arith.constant 13 : i32
      %scan3A_794 = arith.addi %scan3A_639, %scan3A_793 : i32
      %mul3A_795 = arith.constant 16 : i32
      %mul3A_796 = arith.muli %scan3A_794, %mul3A_795 : i32
      %get3A_797 = arith.constant 0 : i32
      %get3A_798 = arith.index_cast %get3A_797 : i32 to index
      %get3A_799 = arith.index_cast %mul3A_796 : i32 to index
      %get3A_800 = tpu.vector_load %arg4[%get3A_798, %get3A_799] {strides = array<i32>} : memref<4x8192xf32, #tpu.memory_space<vmem>>, vector<16xf32>,
      %gt3A_801 = vector.broadcast %squeeze3A_396 : f32 to vector<16xf32>
      %gt3A_802 = arith.cmpf ogt, %get3A_800, %gt3A_801 : vector<16xf32>
      %all_reduce_population_count3A_803 = tpu.all_reduce %gt3A_802 {dim = 0 : i64, kind = #tpu.reduction_kind<sum>} : vector<16xi1> -> vector<16xi32>
      %add3A_804 = arith.addi %add3A_792, %all_reduce_population_count3A_803 : vector<16xi32>
      %scan3A_805 = arith.constant 14 : i32
      %scan3A_806 = arith.addi %scan3A_639, %scan3A_805 : i32
      %mul3A_807 = arith.constant 16 : i32
      %mul3A_808 = arith.muli %scan3A_806, %mul3A_807 : i32
      %get3A_809 = arith.constant 0 : i32
      %get3A_810 = arith.index_cast %get3A_809 : i32 to index
      %get3A_811 = arith.index_cast %mul3A_808 : i32 to index
      %get3A_812 = tpu.vector_load %arg4[%get3A_810, %get3A_811] {strides = array<i32>} : memref<4x8192xf32, #tpu.memory_space<vmem>>, vector<16xf32>,
      %gt3A_813 = vector.broadcast %squeeze3A_396 : f32 to vector<16xf32>
      %gt3A_814 = arith.cmpf ogt, %get3A_812, %gt3A_813 : vector<16xf32>
      %all_reduce_population_count3A_815 = tpu.all_reduce %gt3A_814 {dim = 0 : i64, kind = #tpu.reduction_kind<sum>} : vector<16xi1> -> vector<16xi32>
      %add3A_816 = arith.addi %add3A_804, %all_reduce_population_count3A_815 : vector<16xi32>
      %scan3A_817 = arith.constant 15 : i32
      %scan3A_818 = arith.addi %scan3A_639, %scan3A_817 : i32
      %mul3A_819 = arith.constant 16 : i32
      %mul3A_820 = arith.muli %scan3A_818, %mul3A_819 : i32
      %get3A_821 = arith.constant 0 : i32
      %get3A_822 = arith.index_cast %get3A_821 : i32 to index
      %get3A_823 = arith.index_cast %mul3A_820 : i32 to index
      %get3A_824 = tpu.vector_load %arg4[%get3A_822, %get3A_823] {strides = array<i32>} : memref<4x8192xf32, #tpu.memory_space<vmem>>, vector<16xf32>,
      %gt3A_825 = vector.broadcast %squeeze3A_396 : f32 to vector<16xf32>
      %gt3A_826 = arith.cmpf ogt, %get3A_824, %gt3A_825 : vector<16xf32>
      %all_reduce_population_count3A_827 = tpu.all_reduce %gt3A_826 {dim = 0 : i64, kind = #tpu.reduction_kind<sum>} : vector<16xi1> -> vector<16xi32>
      %add3A_828 = arith.addi %add3A_816, %all_reduce_population_count3A_827 : vector<16xi32>
      scf.yield %add3A_828 : vector<16xi32>
    }
    %scan3A_402 = arith.constant 512 : i32
    %add3A_403 = arith.constant 3 : i32
    %add3A_404 = arith.addi %mul3A_2, %add3A_403 : i32
    %dma_start3A_405 = arith.constant 0 : i32
    %dma_start3A_406 = arith.constant 0 : i32
    %dma_start3A_407 = tpu.memref_slice %arg4[%dma_start3A_405, %dma_start3A_406] : memref<4x8192xf32, #tpu.memory_space<vmem>> -> memref<1x8192xf32, #tpu.memory_space<vmem>>
    %dma_start3A_408 = tpu.memref_squeeze %dma_start3A_407 : memref<1x8192xf32, #tpu.memory_space<vmem>> -> memref<8192xf32, #tpu.memory_space<vmem>>
    %dma_start3A_409 = arith.constant 0 : i32
    %dma_start3A_410 = tpu.memref_slice %arg2[%add3A_404, %dma_start3A_409] : memref<128x32768xf32, #tpu.memory_space<hbm>> -> memref<1x8192xf32, #tpu.memory_space<hbm>>
    %dma_start3A_411 = tpu.memref_squeeze %dma_start3A_410 : memref<1x8192xf32, #tpu.memory_space<hbm>> -> memref<8192xf32, #tpu.memory_space<hbm>>
    %dma_start3A_412 = arith.constant 0 : i32
    %dma_start3A_413 = tpu.memref_slice %arg4[%dma_start3A_405, %dma_start3A_412] : memref<4x8192xf32, #tpu.memory_space<vmem>> -> memref<1x8192xf32, #tpu.memory_space<vmem>>
    %dma_start3A_414 = tpu.memref_squeeze %dma_start3A_413 : memref<1x8192xf32, #tpu.memory_space<vmem>> -> memref<8192xf32, #tpu.memory_space<vmem>>
    %dma_start3A_415 = arith.constant 0 : i32
    %dma_start3A_416 = tpu.memref_slice %arg2[%add3A_404, %dma_start3A_415] : memref<128x32768xf32, #tpu.memory_space<hbm>> -> memref<1x8192xf32, #tpu.memory_space<hbm>>
    %dma_start3A_417 = tpu.memref_squeeze %dma_start3A_416 : memref<1x8192xf32, #tpu.memory_space<hbm>> -> memref<8192xf32, #tpu.memory_space<hbm>>
    tpu.enqueue_dma source(%dma_start3A_417 : memref<8192xf32, #tpu.memory_space<hbm>>) target(%dma_start3A_414 : memref<8192xf32, #tpu.memory_space<vmem>>) target_semaphore(%arg6 : memref<!tpu.dma_semaphore, #tpu.memory_space<semaphore_mem>>)
    %add3A_418 = arith.constant 2 : i32
    %add3A_419 = arith.addi %mul3A_2, %add3A_418 : i32
    %dma_wait3A_420 = arith.constant 1 : i32
    %dma_wait3A_421 = arith.constant 0 : i32
    %dma_wait3A_422 = tpu.memref_slice %arg4[%dma_wait3A_420, %dma_wait3A_421] : memref<4x8192xf32, #tpu.memory_space<vmem>> -> memref<1x8192xf32, #tpu.memory_space<vmem>>
    %dma_wait3A_423 = tpu.memref_squeeze %dma_wait3A_422 : memref<1x8192xf32, #tpu.memory_space<vmem>> -> memref<8192xf32, #tpu.memory_space<vmem>>
    %dma_wait3A_424 = arith.constant 8192 : i32
    %dma_wait3A_425 = tpu.memref_slice %arg2[%add3A_419, %dma_wait3A_424] : memref<128x32768xf32, #tpu.memory_space<hbm>> -> memref<1x8192xf32, #tpu.memory_space<hbm>>
    %dma_wait3A_426 = tpu.memref_squeeze %dma_wait3A_425 : memref<1x8192xf32, #tpu.memory_space<hbm>> -> memref<8192xf32, #tpu.memory_space<hbm>>
    %dma_wait3A_427 = arith.constant 0 : i32
    %dma_wait3A_428 = tpu.memref_slice %arg4[%dma_wait3A_420, %dma_wait3A_427] : memref<4x8192xf32, #tpu.memory_space<vmem>> -> memref<1x8192xf32, #tpu.memory_space<vmem>>
    %dma_wait3A_429 = tpu.memref_squeeze %dma_wait3A_428 : memref<1x8192xf32, #tpu.memory_space<vmem>> -> memref<8192xf32, #tpu.memory_space<vmem>>
    %dma_wait3A_430 = arith.constant 8192 : i32
    %dma_wait3A_431 = tpu.memref_slice %arg2[%add3A_419, %dma_wait3A_430] : memref<128x32768xf32, #tpu.memory_space<hbm>> -> memref<1x8192xf32, #tpu.memory_space<hbm>>
    %dma_wait3A_432 = tpu.memref_squeeze %dma_wait3A_431 : memref<1x8192xf32, #tpu.memory_space<hbm>> -> memref<8192xf32, #tpu.memory_space<hbm>>
    tpu.wait_dma2 semaphore(%arg7 : memref<!tpu.dma_semaphore, #tpu.memory_space<semaphore_mem>>) src(%dma_wait3A_432 : memref<8192xf32, #tpu.memory_space<hbm>>) dst(%dma_wait3A_429 : memref<8192xf32, #tpu.memory_space<vmem>>)
    %scan3A_433 = arith.constant 0 : i32
    %scan3A_434 = arith.constant 512 : i32
    %scan3A_435 = arith.addi %scan3A_433, %scan3A_434 : i32
    %scan3A_436 = arith.constant 16 : i32
    %scan3A_437 = scf.for %scan3A_639 = %scan3A_433 to %scan3A_435 step %scan3A_436 iter_args(%scan3A_640 = %scan3A_401) -> (vector<16xi32>)  : i32 {
      %mul3A_641 = arith.constant 16 : i32
      %mul3A_642 = arith.muli %scan3A_639, %mul3A_641 : i32
      %get3A_643 = arith.constant 1 : i32
      %get3A_644 = arith.index_cast %get3A_643 : i32 to index
      %get3A_645 = arith.index_cast %mul3A_642 : i32 to index
      %get3A_646 = tpu.vector_load %arg4[%get3A_644, %get3A_645] {strides = array<i32>} : memref<4x8192xf32, #tpu.memory_space<vmem>>, vector<16xf32>,
      %gt3A = vector.broadcast %squeeze3A_396 : f32 to vector<16xf32>
      %gt3A_647 = arith.cmpf ogt, %get3A_646, %gt3A : vector<16xf32>
      %all_reduce_population_count3A = tpu.all_reduce %gt3A_647 {dim = 0 : i64, kind = #tpu.reduction_kind<sum>} : vector<16xi1> -> vector<16xi32>
      %add3A_648 = arith.addi %scan3A_640, %all_reduce_population_count3A : vector<16xi32>
      %scan3A_649 = arith.constant 1 : i32
      %scan3A_650 = arith.addi %scan3A_639, %scan3A_649 : i32
      %mul3A_651 = arith.constant 16 : i32
      %mul3A_652 = arith.muli %scan3A_650, %mul3A_651 : i32
      %get3A_653 = arith.constant 1 : i32
      %get3A_654 = arith.index_cast %get3A_653 : i32 to index
      %get3A_655 = arith.index_cast %mul3A_652 : i32 to index
      %get3A_656 = tpu.vector_load %arg4[%get3A_654, %get3A_655] {strides = array<i32>} : memref<4x8192xf32, #tpu.memory_space<vmem>>, vector<16xf32>,
      %gt3A_657 = vector.broadcast %squeeze3A_396 : f32 to vector<16xf32>
      %gt3A_658 = arith.cmpf ogt, %get3A_656, %gt3A_657 : vector<16xf32>
      %all_reduce_population_count3A_659 = tpu.all_reduce %gt3A_658 {dim = 0 : i64, kind = #tpu.reduction_kind<sum>} : vector<16xi1> -> vector<16xi32>
      %add3A_660 = arith.addi %add3A_648, %all_reduce_population_count3A_659 : vector<16xi32>
      %scan3A_661 = arith.constant 2 : i32
      %scan3A_662 = arith.addi %scan3A_639, %scan3A_661 : i32
      %mul3A_663 = arith.constant 16 : i32
      %mul3A_664 = arith.muli %scan3A_662, %mul3A_663 : i32
      %get3A_665 = arith.constant 1 : i32
      %get3A_666 = arith.index_cast %get3A_665 : i32 to index
      %get3A_667 = arith.index_cast %mul3A_664 : i32 to index
      %get3A_668 = tpu.vector_load %arg4[%get3A_666, %get3A_667] {strides = array<i32>} : memref<4x8192xf32, #tpu.memory_space<vmem>>, vector<16xf32>,
      %gt3A_669 = vector.broadcast %squeeze3A_396 : f32 to vector<16xf32>
      %gt3A_670 = arith.cmpf ogt, %get3A_668, %gt3A_669 : vector<16xf32>
      %all_reduce_population_count3A_671 = tpu.all_reduce %gt3A_670 {dim = 0 : i64, kind = #tpu.reduction_kind<sum>} : vector<16xi1> -> vector<16xi32>
      %add3A_672 = arith.addi %add3A_660, %all_reduce_population_count3A_671 : vector<16xi32>
      %scan3A_673 = arith.constant 3 : i32
      %scan3A_674 = arith.addi %scan3A_639, %scan3A_673 : i32
      %mul3A_675 = arith.constant 16 : i32
      %mul3A_676 = arith.muli %scan3A_674, %mul3A_675 : i32
      %get3A_677 = arith.constant 1 : i32
      %get3A_678 = arith.index_cast %get3A_677 : i32 to index
      %get3A_679 = arith.index_cast %mul3A_676 : i32 to index
      %get3A_680 = tpu.vector_load %arg4[%get3A_678, %get3A_679] {strides = array<i32>} : memref<4x8192xf32, #tpu.memory_space<vmem>>, vector<16xf32>,
      %gt3A_681 = vector.broadcast %squeeze3A_396 : f32 to vector<16xf32>
      %gt3A_682 = arith.cmpf ogt, %get3A_680, %gt3A_681 : vector<16xf32>
      %all_reduce_population_count3A_683 = tpu.all_reduce %gt3A_682 {dim = 0 : i64, kind = #tpu.reduction_kind<sum>} : vector<16xi1> -> vector<16xi32>
      %add3A_684 = arith.addi %add3A_672, %all_reduce_population_count3A_683 : vector<16xi32>
      %scan3A_685 = arith.constant 4 : i32
      %scan3A_686 = arith.addi %scan3A_639, %scan3A_685 : i32
      %mul3A_687 = arith.constant 16 : i32
      %mul3A_688 = arith.muli %scan3A_686, %mul3A_687 : i32
      %get3A_689 = arith.constant 1 : i32
      %get3A_690 = arith.index_cast %get3A_689 : i32 to index
      %get3A_691 = arith.index_cast %mul3A_688 : i32 to index
      %get3A_692 = tpu.vector_load %arg4[%get3A_690, %get3A_691] {strides = array<i32>} : memref<4x8192xf32, #tpu.memory_space<vmem>>, vector<16xf32>,
      %gt3A_693 = vector.broadcast %squeeze3A_396 : f32 to vector<16xf32>
      %gt3A_694 = arith.cmpf ogt, %get3A_692, %gt3A_693 : vector<16xf32>
      %all_reduce_population_count3A_695 = tpu.all_reduce %gt3A_694 {dim = 0 : i64, kind = #tpu.reduction_kind<sum>} : vector<16xi1> -> vector<16xi32>
      %add3A_696 = arith.addi %add3A_684, %all_reduce_population_count3A_695 : vector<16xi32>
      %scan3A_697 = arith.constant 5 : i32
      %scan3A_698 = arith.addi %scan3A_639, %scan3A_697 : i32
      %mul3A_699 = arith.constant 16 : i32
      %mul3A_700 = arith.muli %scan3A_698, %mul3A_699 : i32
      %get3A_701 = arith.constant 1 : i32
      %get3A_702 = arith.index_cast %get3A_701 : i32 to index
      %get3A_703 = arith.index_cast %mul3A_700 : i32 to index
      %get3A_704 = tpu.vector_load %arg4[%get3A_702, %get3A_703] {strides = array<i32>} : memref<4x8192xf32, #tpu.memory_space<vmem>>, vector<16xf32>,
      %gt3A_705 = vector.broadcast %squeeze3A_396 : f32 to vector<16xf32>
      %gt3A_706 = arith.cmpf ogt, %get3A_704, %gt3A_705 : vector<16xf32>
      %all_reduce_population_count3A_707 = tpu.all_reduce %gt3A_706 {dim = 0 : i64, kind = #tpu.reduction_kind<sum>} : vector<16xi1> -> vector<16xi32>
      %add3A_708 = arith.addi %add3A_696, %all_reduce_population_count3A_707 : vector<16xi32>
      %scan3A_709 = arith.constant 6 : i32
      %scan3A_710 = arith.addi %scan3A_639, %scan3A_709 : i32
      %mul3A_711 = arith.constant 16 : i32
      %mul3A_712 = arith.muli %scan3A_710, %mul3A_711 : i32
      %get3A_713 = arith.constant 1 : i32
      %get3A_714 = arith.index_cast %get3A_713 : i32 to index
      %get3A_715 = arith.index_cast %mul3A_712 : i32 to index
      %get3A_716 = tpu.vector_load %arg4[%get3A_714, %get3A_715] {strides = array<i32>} : memref<4x8192xf32, #tpu.memory_space<vmem>>, vector<16xf32>,
      %gt3A_717 = vector.broadcast %squeeze3A_396 : f32 to vector<16xf32>
      %gt3A_718 = arith.cmpf ogt, %get3A_716, %gt3A_717 : vector<16xf32>
      %all_reduce_population_count3A_719 = tpu.all_reduce %gt3A_718 {dim = 0 : i64, kind = #tpu.reduction_kind<sum>} : vector<16xi1> -> vector<16xi32>
      %add3A_720 = arith.addi %add3A_708, %all_reduce_population_count3A_719 : vector<16xi32>
      %scan3A_721 = arith.constant 7 : i32
      %scan3A_722 = arith.addi %scan3A_639, %scan3A_721 : i32
      %mul3A_723 = arith.constant 16 : i32
      %mul3A_724 = arith.muli %scan3A_722, %mul3A_723 : i32
      %get3A_725 = arith.constant 1 : i32
      %get3A_726 = arith.index_cast %get3A_725 : i32 to index
      %get3A_727 = arith.index_cast %mul3A_724 : i32 to index
      %get3A_728 = tpu.vector_load %arg4[%get3A_726, %get3A_727] {strides = array<i32>} : memref<4x8192xf32, #tpu.memory_space<vmem>>, vector<16xf32>,
      %gt3A_729 = vector.broadcast %squeeze3A_396 : f32 to vector<16xf32>
      %gt3A_730 = arith.cmpf ogt, %get3A_728, %gt3A_729 : vector<16xf32>
      %all_reduce_population_count3A_731 = tpu.all_reduce %gt3A_730 {dim = 0 : i64, kind = #tpu.reduction_kind<sum>} : vector<16xi1> -> vector<16xi32>
      %add3A_732 = arith.addi %add3A_720, %all_reduce_population_count3A_731 : vector<16xi32>
      %scan3A_733 = arith.constant 8 : i32
      %scan3A_734 = arith.addi %scan3A_639, %scan3A_733 : i32
      %mul3A_735 = arith.constant 16 : i32
      %mul3A_736 = arith.muli %scan3A_734, %mul3A_735 : i32
      %get3A_737 = arith.constant 1 : i32
      %get3A_738 = arith.index_cast %get3A_737 : i32 to index
      %get3A_739 = arith.index_cast %mul3A_736 : i32 to index
      %get3A_740 = tpu.vector_load %arg4[%get3A_738, %get3A_739] {strides = array<i32>} : memref<4x8192xf32, #tpu.memory_space<vmem>>, vector<16xf32>,
      %gt3A_741 = vector.broadcast %squeeze3A_396 : f32 to vector<16xf32>
      %gt3A_742 = arith.cmpf ogt, %get3A_740, %gt3A_741 : vector<16xf32>
      %all_reduce_population_count3A_743 = tpu.all_reduce %gt3A_742 {dim = 0 : i64, kind = #tpu.reduction_kind<sum>} : vector<16xi1> -> vector<16xi32>
      %add3A_744 = arith.addi %add3A_732, %all_reduce_population_count3A_743 : vector<16xi32>
      %scan3A_745 = arith.constant 9 : i32
      %scan3A_746 = arith.addi %scan3A_639, %scan3A_745 : i32
      %mul3A_747 = arith.constant 16 : i32
      %mul3A_748 = arith.muli %scan3A_746, %mul3A_747 : i32
      %get3A_749 = arith.constant 1 : i32
      %get3A_750 = arith.index_cast %get3A_749 : i32 to index
      %get3A_751 = arith.index_cast %mul3A_748 : i32 to index
      %get3A_752 = tpu.vector_load %arg4[%get3A_750, %get3A_751] {strides = array<i32>} : memref<4x8192xf32, #tpu.memory_space<vmem>>, vector<16xf32>,
      %gt3A_753 = vector.broadcast %squeeze3A_396 : f32 to vector<16xf32>
      %gt3A_754 = arith.cmpf ogt, %get3A_752, %gt3A_753 : vector<16xf32>
      %all_reduce_population_count3A_755 = tpu.all_reduce %gt3A_754 {dim = 0 : i64, kind = #tpu.reduction_kind<sum>} : vector<16xi1> -> vector<16xi32>
      %add3A_756 = arith.addi %add3A_744, %all_reduce_population_count3A_755 : vector<16xi32>
      %scan3A_757 = arith.constant 10 : i32
      %scan3A_758 = arith.addi %scan3A_639, %scan3A_757 : i32
      %mul3A_759 = arith.constant 16 : i32
      %mul3A_760 = arith.muli %scan3A_758, %mul3A_759 : i32
      %get3A_761 = arith.constant 1 : i32
      %get3A_762 = arith.index_cast %get3A_761 : i32 to index
      %get3A_763 = arith.index_cast %mul3A_760 : i32 to index
      %get3A_764 = tpu.vector_load %arg4[%get3A_762, %get3A_763] {strides = array<i32>} : memref<4x8192xf32, #tpu.memory_space<vmem>>, vector<16xf32>,
      %gt3A_765 = vector.broadcast %squeeze3A_396 : f32 to vector<16xf32>
      %gt3A_766 = arith.cmpf ogt, %get3A_764, %gt3A_765 : vector<16xf32>
      %all_reduce_population_count3A_767 = tpu.all_reduce %gt3A_766 {dim = 0 : i64, kind = #tpu.reduction_kind<sum>} : vector<16xi1> -> vector<16xi32>
      %add3A_768 = arith.addi %add3A_756, %all_reduce_population_count3A_767 : vector<16xi32>
      %scan3A_769 = arith.constant 11 : i32
      %scan3A_770 = arith.addi %scan3A_639, %scan3A_769 : i32
      %mul3A_771 = arith.constant 16 : i32
      %mul3A_772 = arith.muli %scan3A_770, %mul3A_771 : i32
      %get3A_773 = arith.constant 1 : i32
      %get3A_774 = arith.index_cast %get3A_773 : i32 to index
      %get3A_775 = arith.index_cast %mul3A_772 : i32 to index
      %get3A_776 = tpu.vector_load %arg4[%get3A_774, %get3A_775] {strides = array<i32>} : memref<4x8192xf32, #tpu.memory_space<vmem>>, vector<16xf32>,
      %gt3A_777 = vector.broadcast %squeeze3A_396 : f32 to vector<16xf32>
      %gt3A_778 = arith.cmpf ogt, %get3A_776, %gt3A_777 : vector<16xf32>
      %all_reduce_population_count3A_779 = tpu.all_reduce %gt3A_778 {dim = 0 : i64, kind = #tpu.reduction_kind<sum>} : vector<16xi1> -> vector<16xi32>
      %add3A_780 = arith.addi %add3A_768, %all_reduce_population_count3A_779 : vector<16xi32>
      %scan3A_781 = arith.constant 12 : i32
      %scan3A_782 = arith.addi %scan3A_639, %scan3A_781 : i32
      %mul3A_783 = arith.constant 16 : i32
      %mul3A_784 = arith.muli %scan3A_782, %mul3A_783 : i32
      %get3A_785 = arith.constant 1 : i32
      %get3A_786 = arith.index_cast %get3A_785 : i32 to index
      %get3A_787 = arith.index_cast %mul3A_784 : i32 to index
      %get3A_788 = tpu.vector_load %arg4[%get3A_786, %get3A_787] {strides = array<i32>} : memref<4x8192xf32, #tpu.memory_space<vmem>>, vector<16xf32>,
      %gt3A_789 = vector.broadcast %squeeze3A_396 : f32 to vector<16xf32>
      %gt3A_790 = arith.cmpf ogt, %get3A_788, %gt3A_789 : vector<16xf32>
      %all_reduce_population_count3A_791 = tpu.all_reduce %gt3A_790 {dim = 0 : i64, kind = #tpu.reduction_kind<sum>} : vector<16xi1> -> vector<16xi32>
      %add3A_792 = arith.addi %add3A_780, %all_reduce_population_count3A_791 : vector<16xi32>
      %scan3A_793 = arith.constant 13 : i32
      %scan3A_794 = arith.addi %scan3A_639, %scan3A_793 : i32
      %mul3A_795 = arith.constant 16 : i32
      %mul3A_796 = arith.muli %scan3A_794, %mul3A_795 : i32
      %get3A_797 = arith.constant 1 : i32
      %get3A_798 = arith.index_cast %get3A_797 : i32 to index
      %get3A_799 = arith.index_cast %mul3A_796 : i32 to index
      %get3A_800 = tpu.vector_load %arg4[%get3A_798, %get3A_799] {strides = array<i32>} : memref<4x8192xf32, #tpu.memory_space<vmem>>, vector<16xf32>,
      %gt3A_801 = vector.broadcast %squeeze3A_396 : f32 to vector<16xf32>
      %gt3A_802 = arith.cmpf ogt, %get3A_800, %gt3A_801 : vector<16xf32>
      %all_reduce_population_count3A_803 = tpu.all_reduce %gt3A_802 {dim = 0 : i64, kind = #tpu.reduction_kind<sum>} : vector<16xi1> -> vector<16xi32>
      %add3A_804 = arith.addi %add3A_792, %all_reduce_population_count3A_803 : vector<16xi32>
      %scan3A_805 = arith.constant 14 : i32
      %scan3A_806 = arith.addi %scan3A_639, %scan3A_805 : i32
      %mul3A_807 = arith.constant 16 : i32
      %mul3A_808 = arith.muli %scan3A_806, %mul3A_807 : i32
      %get3A_809 = arith.constant 1 : i32
      %get3A_810 = arith.index_cast %get3A_809 : i32 to index
      %get3A_811 = arith.index_cast %mul3A_808 : i32 to index
      %get3A_812 = tpu.vector_load %arg4[%get3A_810, %get3A_811] {strides = array<i32>} : memref<4x8192xf32, #tpu.memory_space<vmem>>, vector<16xf32>,
      %gt3A_813 = vector.broadcast %squeeze3A_396 : f32 to vector<16xf32>
      %gt3A_814 = arith.cmpf ogt, %get3A_812, %gt3A_813 : vector<16xf32>
      %all_reduce_population_count3A_815 = tpu.all_reduce %gt3A_814 {dim = 0 : i64, kind = #tpu.reduction_kind<sum>} : vector<16xi1> -> vector<16xi32>
      %add3A_816 = arith.addi %add3A_804, %all_reduce_population_count3A_815 : vector<16xi32>
      %scan3A_817 = arith.constant 15 : i32
      %scan3A_818 = arith.addi %scan3A_639, %scan3A_817 : i32
      %mul3A_819 = arith.constant 16 : i32
      %mul3A_820 = arith.muli %scan3A_818, %mul3A_819 : i32
      %get3A_821 = arith.constant 1 : i32
      %get3A_822 = arith.index_cast %get3A_821 : i32 to index
      %get3A_823 = arith.index_cast %mul3A_820 : i32 to index
      %get3A_824 = tpu.vector_load %arg4[%get3A_822, %get3A_823] {strides = array<i32>} : memref<4x8192xf32, #tpu.memory_space<vmem>>, vector<16xf32>,
      %gt3A_825 = vector.broadcast %squeeze3A_396 : f32 to vector<16xf32>
      %gt3A_826 = arith.cmpf ogt, %get3A_824, %gt3A_825 : vector<16xf32>
      %all_reduce_population_count3A_827 = tpu.all_reduce %gt3A_826 {dim = 0 : i64, kind = #tpu.reduction_kind<sum>} : vector<16xi1> -> vector<16xi32>
      %add3A_828 = arith.addi %add3A_816, %all_reduce_population_count3A_827 : vector<16xi32>
      scf.yield %add3A_828 : vector<16xi32>
    }
    %scan3A_438 = arith.constant 512 : i32
    %add3A_439 = arith.constant 3 : i32
    %add3A_440 = arith.addi %mul3A_2, %add3A_439 : i32
    %dma_start3A_441 = arith.constant 1 : i32
    %dma_start3A_442 = arith.constant 0 : i32
    %dma_start3A_443 = tpu.memref_slice %arg4[%dma_start3A_441, %dma_start3A_442] : memref<4x8192xf32, #tpu.memory_space<vmem>> -> memref<1x8192xf32, #tpu.memory_space<vmem>>
    %dma_start3A_444 = tpu.memref_squeeze %dma_start3A_443 : memref<1x8192xf32, #tpu.memory_space<vmem>> -> memref<8192xf32, #tpu.memory_space<vmem>>
    %dma_start3A_445 = arith.constant 8192 : i32
    %dma_start3A_446 = tpu.memref_slice %arg2[%add3A_440, %dma_start3A_445] : memref<128x32768xf32, #tpu.memory_space<hbm>> -> memref<1x8192xf32, #tpu.memory_space<hbm>>
    %dma_start3A_447 = tpu.memref_squeeze %dma_start3A_446 : memref<1x8192xf32, #tpu.memory_space<hbm>> -> memref<8192xf32, #tpu.memory_space<hbm>>
    %dma_start3A_448 = arith.constant 0 : i32
    %dma_start3A_449 = tpu.memref_slice %arg4[%dma_start3A_441, %dma_start3A_448] : memref<4x8192xf32, #tpu.memory_space<vmem>> -> memref<1x8192xf32, #tpu.memory_space<vmem>>
    %dma_start3A_450 = tpu.memref_squeeze %dma_start3A_449 : memref<1x8192xf32, #tpu.memory_space<vmem>> -> memref<8192xf32, #tpu.memory_space<vmem>>
    %dma_start3A_451 = arith.constant 8192 : i32
    %dma_start3A_452 = tpu.memref_slice %arg2[%add3A_440, %dma_start3A_451] : memref<128x32768xf32, #tpu.memory_space<hbm>> -> memref<1x8192xf32, #tpu.memory_space<hbm>>
    %dma_start3A_453 = tpu.memref_squeeze %dma_start3A_452 : memref<1x8192xf32, #tpu.memory_space<hbm>> -> memref<8192xf32, #tpu.memory_space<hbm>>
    tpu.enqueue_dma source(%dma_start3A_453 : memref<8192xf32, #tpu.memory_space<hbm>>) target(%dma_start3A_450 : memref<8192xf32, #tpu.memory_space<vmem>>) target_semaphore(%arg7 : memref<!tpu.dma_semaphore, #tpu.memory_space<semaphore_mem>>)
    %add3A_454 = arith.constant 2 : i32
    %add3A_455 = arith.addi %mul3A_2, %add3A_454 : i32
    %dma_wait3A_456 = arith.constant 2 : i32
    %dma_wait3A_457 = arith.constant 0 : i32
    %dma_wait3A_458 = tpu.memref_slice %arg4[%dma_wait3A_456, %dma_wait3A_457] : memref<4x8192xf32, #tpu.memory_space<vmem>> -> memref<1x8192xf32, #tpu.memory_space<vmem>>
    %dma_wait3A_459 = tpu.memref_squeeze %dma_wait3A_458 : memref<1x8192xf32, #tpu.memory_space<vmem>> -> memref<8192xf32, #tpu.memory_space<vmem>>
    %dma_wait3A_460 = arith.constant 16384 : i32
    %dma_wait3A_461 = tpu.memref_slice %arg2[%add3A_455, %dma_wait3A_460] : memref<128x32768xf32, #tpu.memory_space<hbm>> -> memref<1x8192xf32, #tpu.memory_space<hbm>>
    %dma_wait3A_462 = tpu.memref_squeeze %dma_wait3A_461 : memref<1x8192xf32, #tpu.memory_space<hbm>> -> memref<8192xf32, #tpu.memory_space<hbm>>
    %dma_wait3A_463 = arith.constant 0 : i32
    %dma_wait3A_464 = tpu.memref_slice %arg4[%dma_wait3A_456, %dma_wait3A_463] : memref<4x8192xf32, #tpu.memory_space<vmem>> -> memref<1x8192xf32, #tpu.memory_space<vmem>>
    %dma_wait3A_465 = tpu.memref_squeeze %dma_wait3A_464 : memref<1x8192xf32, #tpu.memory_space<vmem>> -> memref<8192xf32, #tpu.memory_space<vmem>>
    %dma_wait3A_466 = arith.constant 16384 : i32
    %dma_wait3A_467 = tpu.memref_slice %arg2[%add3A_455, %dma_wait3A_466] : memref<128x32768xf32, #tpu.memory_space<hbm>> -> memref<1x8192xf32, #tpu.memory_space<hbm>>
    %dma_wait3A_468 = tpu.memref_squeeze %dma_wait3A_467 : memref<1x8192xf32, #tpu.memory_space<hbm>> -> memref<8192xf32, #tpu.memory_space<hbm>>
    tpu.wait_dma2 semaphore(%arg8 : memref<!tpu.dma_semaphore, #tpu.memory_space<semaphore_mem>>) src(%dma_wait3A_468 : memref<8192xf32, #tpu.memory_space<hbm>>) dst(%dma_wait3A_465 : memref<8192xf32, #tpu.memory_space<vmem>>)
    %scan3A_469 = arith.constant 0 : i32
    %scan3A_470 = arith.constant 512 : i32
    %scan3A_471 = arith.addi %scan3A_469, %scan3A_470 : i32
    %scan3A_472 = arith.constant 16 : i32
    %scan3A_473 = scf.for %scan3A_639 = %scan3A_469 to %scan3A_471 step %scan3A_472 iter_args(%scan3A_640 = %scan3A_437) -> (vector<16xi32>)  : i32 {
      %mul3A_641 = arith.constant 16 : i32
      %mul3A_642 = arith.muli %scan3A_639, %mul3A_641 : i32
      %get3A_643 = arith.constant 2 : i32
      %get3A_644 = arith.index_cast %get3A_643 : i32 to index
      %get3A_645 = arith.index_cast %mul3A_642 : i32 to index
      %get3A_646 = tpu.vector_load %arg4[%get3A_644, %get3A_645] {strides = array<i32>} : memref<4x8192xf32, #tpu.memory_space<vmem>>, vector<16xf32>,
      %gt3A = vector.broadcast %squeeze3A_396 : f32 to vector<16xf32>
      %gt3A_647 = arith.cmpf ogt, %get3A_646, %gt3A : vector<16xf32>
      %all_reduce_population_count3A = tpu.all_reduce %gt3A_647 {dim = 0 : i64, kind = #tpu.reduction_kind<sum>} : vector<16xi1> -> vector<16xi32>
      %add3A_648 = arith.addi %scan3A_640, %all_reduce_population_count3A : vector<16xi32>
      %scan3A_649 = arith.constant 1 : i32
      %scan3A_650 = arith.addi %scan3A_639, %scan3A_649 : i32
      %mul3A_651 = arith.constant 16 : i32
      %mul3A_652 = arith.muli %scan3A_650, %mul3A_651 : i32
      %get3A_653 = arith.constant 2 : i32
      %get3A_654 = arith.index_cast %get3A_653 : i32 to index
      %get3A_655 = arith.index_cast %mul3A_652 : i32 to index
      %get3A_656 = tpu.vector_load %arg4[%get3A_654, %get3A_655] {strides = array<i32>} : memref<4x8192xf32, #tpu.memory_space<vmem>>, vector<16xf32>,
      %gt3A_657 = vector.broadcast %squeeze3A_396 : f32 to vector<16xf32>
      %gt3A_658 = arith.cmpf ogt, %get3A_656, %gt3A_657 : vector<16xf32>
      %all_reduce_population_count3A_659 = tpu.all_reduce %gt3A_658 {dim = 0 : i64, kind = #tpu.reduction_kind<sum>} : vector<16xi1> -> vector<16xi32>
      %add3A_660 = arith.addi %add3A_648, %all_reduce_population_count3A_659 : vector<16xi32>
      %scan3A_661 = arith.constant 2 : i32
      %scan3A_662 = arith.addi %scan3A_639, %scan3A_661 : i32
      %mul3A_663 = arith.constant 16 : i32
      %mul3A_664 = arith.muli %scan3A_662, %mul3A_663 : i32
      %get3A_665 = arith.constant 2 : i32
      %get3A_666 = arith.index_cast %get3A_665 : i32 to index
      %get3A_667 = arith.index_cast %mul3A_664 : i32 to index
      %get3A_668 = tpu.vector_load %arg4[%get3A_666, %get3A_667] {strides = array<i32>} : memref<4x8192xf32, #tpu.memory_space<vmem>>, vector<16xf32>,
      %gt3A_669 = vector.broadcast %squeeze3A_396 : f32 to vector<16xf32>
      %gt3A_670 = arith.cmpf ogt, %get3A_668, %gt3A_669 : vector<16xf32>
      %all_reduce_population_count3A_671 = tpu.all_reduce %gt3A_670 {dim = 0 : i64, kind = #tpu.reduction_kind<sum>} : vector<16xi1> -> vector<16xi32>
      %add3A_672 = arith.addi %add3A_660, %all_reduce_population_count3A_671 : vector<16xi32>
      %scan3A_673 = arith.constant 3 : i32
      %scan3A_674 = arith.addi %scan3A_639, %scan3A_673 : i32
      %mul3A_675 = arith.constant 16 : i32
      %mul3A_676 = arith.muli %scan3A_674, %mul3A_675 : i32
      %get3A_677 = arith.constant 2 : i32
      %get3A_678 = arith.index_cast %get3A_677 : i32 to index
      %get3A_679 = arith.index_cast %mul3A_676 : i32 to index
      %get3A_680 = tpu.vector_load %arg4[%get3A_678, %get3A_679] {strides = array<i32>} : memref<4x8192xf32, #tpu.memory_space<vmem>>, vector<16xf32>,
      %gt3A_681 = vector.broadcast %squeeze3A_396 : f32 to vector<16xf32>
      %gt3A_682 = arith.cmpf ogt, %get3A_680, %gt3A_681 : vector<16xf32>
      %all_reduce_population_count3A_683 = tpu.all_reduce %gt3A_682 {dim = 0 : i64, kind = #tpu.reduction_kind<sum>} : vector<16xi1> -> vector<16xi32>
      %add3A_684 = arith.addi %add3A_672, %all_reduce_population_count3A_683 : vector<16xi32>
      %scan3A_685 = arith.constant 4 : i32
      %scan3A_686 = arith.addi %scan3A_639, %scan3A_685 : i32
      %mul3A_687 = arith.constant 16 : i32
      %mul3A_688 = arith.muli %scan3A_686, %mul3A_687 : i32
      %get3A_689 = arith.constant 2 : i32
      %get3A_690 = arith.index_cast %get3A_689 : i32 to index
      %get3A_691 = arith.index_cast %mul3A_688 : i32 to index
      %get3A_692 = tpu.vector_load %arg4[%get3A_690, %get3A_691] {strides = array<i32>} : memref<4x8192xf32, #tpu.memory_space<vmem>>, vector<16xf32>,
      %gt3A_693 = vector.broadcast %squeeze3A_396 : f32 to vector<16xf32>
      %gt3A_694 = arith.cmpf ogt, %get3A_692, %gt3A_693 : vector<16xf32>
      %all_reduce_population_count3A_695 = tpu.all_reduce %gt3A_694 {dim = 0 : i64, kind = #tpu.reduction_kind<sum>} : vector<16xi1> -> vector<16xi32>
      %add3A_696 = arith.addi %add3A_684, %all_reduce_population_count3A_695 : vector<16xi32>
      %scan3A_697 = arith.constant 5 : i32
      %scan3A_698 = arith.addi %scan3A_639, %scan3A_697 : i32
      %mul3A_699 = arith.constant 16 : i32
      %mul3A_700 = arith.muli %scan3A_698, %mul3A_699 : i32
      %get3A_701 = arith.constant 2 : i32
      %get3A_702 = arith.index_cast %get3A_701 : i32 to index
      %get3A_703 = arith.index_cast %mul3A_700 : i32 to index
      %get3A_704 = tpu.vector_load %arg4[%get3A_702, %get3A_703] {strides = array<i32>} : memref<4x8192xf32, #tpu.memory_space<vmem>>, vector<16xf32>,
      %gt3A_705 = vector.broadcast %squeeze3A_396 : f32 to vector<16xf32>
      %gt3A_706 = arith.cmpf ogt, %get3A_704, %gt3A_705 : vector<16xf32>
      %all_reduce_population_count3A_707 = tpu.all_reduce %gt3A_706 {dim = 0 : i64, kind = #tpu.reduction_kind<sum>} : vector<16xi1> -> vector<16xi32>
      %add3A_708 = arith.addi %add3A_696, %all_reduce_population_count3A_707 : vector<16xi32>
      %scan3A_709 = arith.constant 6 : i32
      %scan3A_710 = arith.addi %scan3A_639, %scan3A_709 : i32
      %mul3A_711 = arith.constant 16 : i32
      %mul3A_712 = arith.muli %scan3A_710, %mul3A_711 : i32
      %get3A_713 = arith.constant 2 : i32
      %get3A_714 = arith.index_cast %get3A_713 : i32 to index
      %get3A_715 = arith.index_cast %mul3A_712 : i32 to index
      %get3A_716 = tpu.vector_load %arg4[%get3A_714, %get3A_715] {strides = array<i32>} : memref<4x8192xf32, #tpu.memory_space<vmem>>, vector<16xf32>,
      %gt3A_717 = vector.broadcast %squeeze3A_396 : f32 to vector<16xf32>
      %gt3A_718 = arith.cmpf ogt, %get3A_716, %gt3A_717 : vector<16xf32>
      %all_reduce_population_count3A_719 = tpu.all_reduce %gt3A_718 {dim = 0 : i64, kind = #tpu.reduction_kind<sum>} : vector<16xi1> -> vector<16xi32>
      %add3A_720 = arith.addi %add3A_708, %all_reduce_population_count3A_719 : vector<16xi32>
      %scan3A_721 = arith.constant 7 : i32
      %scan3A_722 = arith.addi %scan3A_639, %scan3A_721 : i32
      %mul3A_723 = arith.constant 16 : i32
      %mul3A_724 = arith.muli %scan3A_722, %mul3A_723 : i32
      %get3A_725 = arith.constant 2 : i32
      %get3A_726 = arith.index_cast %get3A_725 : i32 to index
      %get3A_727 = arith.index_cast %mul3A_724 : i32 to index
      %get3A_728 = tpu.vector_load %arg4[%get3A_726, %get3A_727] {strides = array<i32>} : memref<4x8192xf32, #tpu.memory_space<vmem>>, vector<16xf32>,
      %gt3A_729 = vector.broadcast %squeeze3A_396 : f32 to vector<16xf32>
      %gt3A_730 = arith.cmpf ogt, %get3A_728, %gt3A_729 : vector<16xf32>
      %all_reduce_population_count3A_731 = tpu.all_reduce %gt3A_730 {dim = 0 : i64, kind = #tpu.reduction_kind<sum>} : vector<16xi1> -> vector<16xi32>
      %add3A_732 = arith.addi %add3A_720, %all_reduce_population_count3A_731 : vector<16xi32>
      %scan3A_733 = arith.constant 8 : i32
      %scan3A_734 = arith.addi %scan3A_639, %scan3A_733 : i32
      %mul3A_735 = arith.constant 16 : i32
      %mul3A_736 = arith.muli %scan3A_734, %mul3A_735 : i32
      %get3A_737 = arith.constant 2 : i32
      %get3A_738 = arith.index_cast %get3A_737 : i32 to index
      %get3A_739 = arith.index_cast %mul3A_736 : i32 to index
      %get3A_740 = tpu.vector_load %arg4[%get3A_738, %get3A_739] {strides = array<i32>} : memref<4x8192xf32, #tpu.memory_space<vmem>>, vector<16xf32>,
      %gt3A_741 = vector.broadcast %squeeze3A_396 : f32 to vector<16xf32>
      %gt3A_742 = arith.cmpf ogt, %get3A_740, %gt3A_741 : vector<16xf32>
      %all_reduce_population_count3A_743 = tpu.all_reduce %gt3A_742 {dim = 0 : i64, kind = #tpu.reduction_kind<sum>} : vector<16xi1> -> vector<16xi32>
      %add3A_744 = arith.addi %add3A_732, %all_reduce_population_count3A_743 : vector<16xi32>
      %scan3A_745 = arith.constant 9 : i32
      %scan3A_746 = arith.addi %scan3A_639, %scan3A_745 : i32
      %mul3A_747 = arith.constant 16 : i32
      %mul3A_748 = arith.muli %scan3A_746, %mul3A_747 : i32
      %get3A_749 = arith.constant 2 : i32
      %get3A_750 = arith.index_cast %get3A_749 : i32 to index
      %get3A_751 = arith.index_cast %mul3A_748 : i32 to index
      %get3A_752 = tpu.vector_load %arg4[%get3A_750, %get3A_751] {strides = array<i32>} : memref<4x8192xf32, #tpu.memory_space<vmem>>, vector<16xf32>,
      %gt3A_753 = vector.broadcast %squeeze3A_396 : f32 to vector<16xf32>
      %gt3A_754 = arith.cmpf ogt, %get3A_752, %gt3A_753 : vector<16xf32>
      %all_reduce_population_count3A_755 = tpu.all_reduce %gt3A_754 {dim = 0 : i64, kind = #tpu.reduction_kind<sum>} : vector<16xi1> -> vector<16xi32>
      %add3A_756 = arith.addi %add3A_744, %all_reduce_population_count3A_755 : vector<16xi32>
      %scan3A_757 = arith.constant 10 : i32
      %scan3A_758 = arith.addi %scan3A_639, %scan3A_757 : i32
      %mul3A_759 = arith.constant 16 : i32
      %mul3A_760 = arith.muli %scan3A_758, %mul3A_759 : i32
      %get3A_761 = arith.constant 2 : i32
      %get3A_762 = arith.index_cast %get3A_761 : i32 to index
      %get3A_763 = arith.index_cast %mul3A_760 : i32 to index
      %get3A_764 = tpu.vector_load %arg4[%get3A_762, %get3A_763] {strides = array<i32>} : memref<4x8192xf32, #tpu.memory_space<vmem>>, vector<16xf32>,
      %gt3A_765 = vector.broadcast %squeeze3A_396 : f32 to vector<16xf32>
      %gt3A_766 = arith.cmpf ogt, %get3A_764, %gt3A_765 : vector<16xf32>
      %all_reduce_population_count3A_767 = tpu.all_reduce %gt3A_766 {dim = 0 : i64, kind = #tpu.reduction_kind<sum>} : vector<16xi1> -> vector<16xi32>
      %add3A_768 = arith.addi %add3A_756, %all_reduce_population_count3A_767 : vector<16xi32>
      %scan3A_769 = arith.constant 11 : i32
      %scan3A_770 = arith.addi %scan3A_639, %scan3A_769 : i32
      %mul3A_771 = arith.constant 16 : i32
      %mul3A_772 = arith.muli %scan3A_770, %mul3A_771 : i32
      %get3A_773 = arith.constant 2 : i32
      %get3A_774 = arith.index_cast %get3A_773 : i32 to index
      %get3A_775 = arith.index_cast %mul3A_772 : i32 to index
      %get3A_776 = tpu.vector_load %arg4[%get3A_774, %get3A_775] {strides = array<i32>} : memref<4x8192xf32, #tpu.memory_space<vmem>>, vector<16xf32>,
      %gt3A_777 = vector.broadcast %squeeze3A_396 : f32 to vector<16xf32>
      %gt3A_778 = arith.cmpf ogt, %get3A_776, %gt3A_777 : vector<16xf32>
      %all_reduce_population_count3A_779 = tpu.all_reduce %gt3A_778 {dim = 0 : i64, kind = #tpu.reduction_kind<sum>} : vector<16xi1> -> vector<16xi32>
      %add3A_780 = arith.addi %add3A_768, %all_reduce_population_count3A_779 : vector<16xi32>
      %scan3A_781 = arith.constant 12 : i32
      %scan3A_782 = arith.addi %scan3A_639, %scan3A_781 : i32
      %mul3A_783 = arith.constant 16 : i32
      %mul3A_784 = arith.muli %scan3A_782, %mul3A_783 : i32
      %get3A_785 = arith.constant 2 : i32
      %get3A_786 = arith.index_cast %get3A_785 : i32 to index
      %get3A_787 = arith.index_cast %mul3A_784 : i32 to index
      %get3A_788 = tpu.vector_load %arg4[%get3A_786, %get3A_787] {strides = array<i32>} : memref<4x8192xf32, #tpu.memory_space<vmem>>, vector<16xf32>,
      %gt3A_789 = vector.broadcast %squeeze3A_396 : f32 to vector<16xf32>
      %gt3A_790 = arith.cmpf ogt, %get3A_788, %gt3A_789 : vector<16xf32>
      %all_reduce_population_count3A_791 = tpu.all_reduce %gt3A_790 {dim = 0 : i64, kind = #tpu.reduction_kind<sum>} : vector<16xi1> -> vector<16xi32>
      %add3A_792 = arith.addi %add3A_780, %all_reduce_population_count3A_791 : vector<16xi32>
      %scan3A_793 = arith.constant 13 : i32
      %scan3A_794 = arith.addi %scan3A_639, %scan3A_793 : i32
      %mul3A_795 = arith.constant 16 : i32
      %mul3A_796 = arith.muli %scan3A_794, %mul3A_795 : i32
      %get3A_797 = arith.constant 2 : i32
      %get3A_798 = arith.index_cast %get3A_797 : i32 to index
      %get3A_799 = arith.index_cast %mul3A_796 : i32 to index
      %get3A_800 = tpu.vector_load %arg4[%get3A_798, %get3A_799] {strides = array<i32>} : memref<4x8192xf32, #tpu.memory_space<vmem>>, vector<16xf32>,
      %gt3A_801 = vector.broadcast %squeeze3A_396 : f32 to vector<16xf32>
      %gt3A_802 = arith.cmpf ogt, %get3A_800, %gt3A_801 : vector<16xf32>
      %all_reduce_population_count3A_803 = tpu.all_reduce %gt3A_802 {dim = 0 : i64, kind = #tpu.reduction_kind<sum>} : vector<16xi1> -> vector<16xi32>
      %add3A_804 = arith.addi %add3A_792, %all_reduce_population_count3A_803 : vector<16xi32>
      %scan3A_805 = arith.constant 14 : i32
      %scan3A_806 = arith.addi %scan3A_639, %scan3A_805 : i32
      %mul3A_807 = arith.constant 16 : i32
      %mul3A_808 = arith.muli %scan3A_806, %mul3A_807 : i32
      %get3A_809 = arith.constant 2 : i32
      %get3A_810 = arith.index_cast %get3A_809 : i32 to index
      %get3A_811 = arith.index_cast %mul3A_808 : i32 to index
      %get3A_812 = tpu.vector_load %arg4[%get3A_810, %get3A_811] {strides = array<i32>} : memref<4x8192xf32, #tpu.memory_space<vmem>>, vector<16xf32>,
      %gt3A_813 = vector.broadcast %squeeze3A_396 : f32 to vector<16xf32>
      %gt3A_814 = arith.cmpf ogt, %get3A_812, %gt3A_813 : vector<16xf32>
      %all_reduce_population_count3A_815 = tpu.all_reduce %gt3A_814 {dim = 0 : i64, kind = #tpu.reduction_kind<sum>} : vector<16xi1> -> vector<16xi32>
      %add3A_816 = arith.addi %add3A_804, %all_reduce_population_count3A_815 : vector<16xi32>
      %scan3A_817 = arith.constant 15 : i32
      %scan3A_818 = arith.addi %scan3A_639, %scan3A_817 : i32
      %mul3A_819 = arith.constant 16 : i32
      %mul3A_820 = arith.muli %scan3A_818, %mul3A_819 : i32
      %get3A_821 = arith.constant 2 : i32
      %get3A_822 = arith.index_cast %get3A_821 : i32 to index
      %get3A_823 = arith.index_cast %mul3A_820 : i32 to index
      %get3A_824 = tpu.vector_load %arg4[%get3A_822, %get3A_823] {strides = array<i32>} : memref<4x8192xf32, #tpu.memory_space<vmem>>, vector<16xf32>,
      %gt3A_825 = vector.broadcast %squeeze3A_396 : f32 to vector<16xf32>
      %gt3A_826 = arith.cmpf ogt, %get3A_824, %gt3A_825 : vector<16xf32>
      %all_reduce_population_count3A_827 = tpu.all_reduce %gt3A_826 {dim = 0 : i64, kind = #tpu.reduction_kind<sum>} : vector<16xi1> -> vector<16xi32>
      %add3A_828 = arith.addi %add3A_816, %all_reduce_population_count3A_827 : vector<16xi32>
      scf.yield %add3A_828 : vector<16xi32>
    }
    %scan3A_474 = arith.constant 512 : i32
    %add3A_475 = arith.constant 3 : i32
    %add3A_476 = arith.addi %mul3A_2, %add3A_475 : i32
    %dma_start3A_477 = arith.constant 2 : i32
    %dma_start3A_478 = arith.constant 0 : i32
    %dma_start3A_479 = tpu.memref_slice %arg4[%dma_start3A_477, %dma_start3A_478] : memref<4x8192xf32, #tpu.memory_space<vmem>> -> memref<1x8192xf32, #tpu.memory_space<vmem>>
    %dma_start3A_480 = tpu.memref_squeeze %dma_start3A_479 : memref<1x8192xf32, #tpu.memory_space<vmem>> -> memref<8192xf32, #tpu.memory_space<vmem>>
    %dma_start3A_481 = arith.constant 16384 : i32
    %dma_start3A_482 = tpu.memref_slice %arg2[%add3A_476, %dma_start3A_481] : memref<128x32768xf32, #tpu.memory_space<hbm>> -> memref<1x8192xf32, #tpu.memory_space<hbm>>
    %dma_start3A_483 = tpu.memref_squeeze %dma_start3A_482 : memref<1x8192xf32, #tpu.memory_space<hbm>> -> memref<8192xf32, #tpu.memory_space<hbm>>
    %dma_start3A_484 = arith.constant 0 : i32
    %dma_start3A_485 = tpu.memref_slice %arg4[%dma_start3A_477, %dma_start3A_484] : memref<4x8192xf32, #tpu.memory_space<vmem>> -> memref<1x8192xf32, #tpu.memory_space<vmem>>
    %dma_start3A_486 = tpu.memref_squeeze %dma_start3A_485 : memref<1x8192xf32, #tpu.memory_space<vmem>> -> memref<8192xf32, #tpu.memory_space<vmem>>
    %dma_start3A_487 = arith.constant 16384 : i32
    %dma_start3A_488 = tpu.memref_slice %arg2[%add3A_476, %dma_start3A_487] : memref<128x32768xf32, #tpu.memory_space<hbm>> -> memref<1x8192xf32, #tpu.memory_space<hbm>>
    %dma_start3A_489 = tpu.memref_squeeze %dma_start3A_488 : memref<1x8192xf32, #tpu.memory_space<hbm>> -> memref<8192xf32, #tpu.memory_space<hbm>>
    tpu.enqueue_dma source(%dma_start3A_489 : memref<8192xf32, #tpu.memory_space<hbm>>) target(%dma_start3A_486 : memref<8192xf32, #tpu.memory_space<vmem>>) target_semaphore(%arg8 : memref<!tpu.dma_semaphore, #tpu.memory_space<semaphore_mem>>)
    %add3A_490 = arith.constant 2 : i32
    %add3A_491 = arith.addi %mul3A_2, %add3A_490 : i32
    %dma_wait3A_492 = arith.constant 3 : i32
    %dma_wait3A_493 = arith.constant 0 : i32
    %dma_wait3A_494 = tpu.memref_slice %arg4[%dma_wait3A_492, %dma_wait3A_493] : memref<4x8192xf32, #tpu.memory_space<vmem>> -> memref<1x8192xf32, #tpu.memory_space<vmem>>
    %dma_wait3A_495 = tpu.memref_squeeze %dma_wait3A_494 : memref<1x8192xf32, #tpu.memory_space<vmem>> -> memref<8192xf32, #tpu.memory_space<vmem>>
    %dma_wait3A_496 = arith.constant 24576 : i32
    %dma_wait3A_497 = tpu.memref_slice %arg2[%add3A_491, %dma_wait3A_496] : memref<128x32768xf32, #tpu.memory_space<hbm>> -> memref<1x8192xf32, #tpu.memory_space<hbm>>
    %dma_wait3A_498 = tpu.memref_squeeze %dma_wait3A_497 : memref<1x8192xf32, #tpu.memory_space<hbm>> -> memref<8192xf32, #tpu.memory_space<hbm>>
    %dma_wait3A_499 = arith.constant 0 : i32
    %dma_wait3A_500 = tpu.memref_slice %arg4[%dma_wait3A_492, %dma_wait3A_499] : memref<4x8192xf32, #tpu.memory_space<vmem>> -> memref<1x8192xf32, #tpu.memory_space<vmem>>
    %dma_wait3A_501 = tpu.memref_squeeze %dma_wait3A_500 : memref<1x8192xf32, #tpu.memory_space<vmem>> -> memref<8192xf32, #tpu.memory_space<vmem>>
    %dma_wait3A_502 = arith.constant 24576 : i32
    %dma_wait3A_503 = tpu.memref_slice %arg2[%add3A_491, %dma_wait3A_502] : memref<128x32768xf32, #tpu.memory_space<hbm>> -> memref<1x8192xf32, #tpu.memory_space<hbm>>
    %dma_wait3A_504 = tpu.memref_squeeze %dma_wait3A_503 : memref<1x8192xf32, #tpu.memory_space<hbm>> -> memref<8192xf32, #tpu.memory_space<hbm>>
    tpu.wait_dma2 semaphore(%arg9 : memref<!tpu.dma_semaphore, #tpu.memory_space<semaphore_mem>>) src(%dma_wait3A_504 : memref<8192xf32, #tpu.memory_space<hbm>>) dst(%dma_wait3A_501 : memref<8192xf32, #tpu.memory_space<vmem>>)
    %scan3A_505 = arith.constant 0 : i32
    %scan3A_506 = arith.constant 512 : i32
    %scan3A_507 = arith.addi %scan3A_505, %scan3A_506 : i32
    %scan3A_508 = arith.constant 16 : i32
    %scan3A_509 = scf.for %scan3A_639 = %scan3A_505 to %scan3A_507 step %scan3A_508 iter_args(%scan3A_640 = %scan3A_473) -> (vector<16xi32>)  : i32 {
      %mul3A_641 = arith.constant 16 : i32
      %mul3A_642 = arith.muli %scan3A_639, %mul3A_641 : i32
      %get3A_643 = arith.constant 3 : i32
      %get3A_644 = arith.index_cast %get3A_643 : i32 to index
      %get3A_645 = arith.index_cast %mul3A_642 : i32 to index
      %get3A_646 = tpu.vector_load %arg4[%get3A_644, %get3A_645] {strides = array<i32>} : memref<4x8192xf32, #tpu.memory_space<vmem>>, vector<16xf32>,
      %gt3A = vector.broadcast %squeeze3A_396 : f32 to vector<16xf32>
      %gt3A_647 = arith.cmpf ogt, %get3A_646, %gt3A : vector<16xf32>
      %all_reduce_population_count3A = tpu.all_reduce %gt3A_647 {dim = 0 : i64, kind = #tpu.reduction_kind<sum>} : vector<16xi1> -> vector<16xi32>
      %add3A_648 = arith.addi %scan3A_640, %all_reduce_population_count3A : vector<16xi32>
      %scan3A_649 = arith.constant 1 : i32
      %scan3A_650 = arith.addi %scan3A_639, %scan3A_649 : i32
      %mul3A_651 = arith.constant 16 : i32
      %mul3A_652 = arith.muli %scan3A_650, %mul3A_651 : i32
      %get3A_653 = arith.constant 3 : i32
      %get3A_654 = arith.index_cast %get3A_653 : i32 to index
      %get3A_655 = arith.index_cast %mul3A_652 : i32 to index
      %get3A_656 = tpu.vector_load %arg4[%get3A_654, %get3A_655] {strides = array<i32>} : memref<4x8192xf32, #tpu.memory_space<vmem>>, vector<16xf32>,
      %gt3A_657 = vector.broadcast %squeeze3A_396 : f32 to vector<16xf32>
      %gt3A_658 = arith.cmpf ogt, %get3A_656, %gt3A_657 : vector<16xf32>
      %all_reduce_population_count3A_659 = tpu.all_reduce %gt3A_658 {dim = 0 : i64, kind = #tpu.reduction_kind<sum>} : vector<16xi1> -> vector<16xi32>
      %add3A_660 = arith.addi %add3A_648, %all_reduce_population_count3A_659 : vector<16xi32>
      %scan3A_661 = arith.constant 2 : i32
      %scan3A_662 = arith.addi %scan3A_639, %scan3A_661 : i32
      %mul3A_663 = arith.constant 16 : i32
      %mul3A_664 = arith.muli %scan3A_662, %mul3A_663 : i32
      %get3A_665 = arith.constant 3 : i32
      %get3A_666 = arith.index_cast %get3A_665 : i32 to index
      %get3A_667 = arith.index_cast %mul3A_664 : i32 to index
      %get3A_668 = tpu.vector_load %arg4[%get3A_666, %get3A_667] {strides = array<i32>} : memref<4x8192xf32, #tpu.memory_space<vmem>>, vector<16xf32>,
      %gt3A_669 = vector.broadcast %squeeze3A_396 : f32 to vector<16xf32>
      %gt3A_670 = arith.cmpf ogt, %get3A_668, %gt3A_669 : vector<16xf32>
      %all_reduce_population_count3A_671 = tpu.all_reduce %gt3A_670 {dim = 0 : i64, kind = #tpu.reduction_kind<sum>} : vector<16xi1> -> vector<16xi32>
      %add3A_672 = arith.addi %add3A_660, %all_reduce_population_count3A_671 : vector<16xi32>
      %scan3A_673 = arith.constant 3 : i32
      %scan3A_674 = arith.addi %scan3A_639, %scan3A_673 : i32
      %mul3A_675 = arith.constant 16 : i32
      %mul3A_676 = arith.muli %scan3A_674, %mul3A_675 : i32
      %get3A_677 = arith.constant 3 : i32
      %get3A_678 = arith.index_cast %get3A_677 : i32 to index
      %get3A_679 = arith.index_cast %mul3A_676 : i32 to index
      %get3A_680 = tpu.vector_load %arg4[%get3A_678, %get3A_679] {strides = array<i32>} : memref<4x8192xf32, #tpu.memory_space<vmem>>, vector<16xf32>,
      %gt3A_681 = vector.broadcast %squeeze3A_396 : f32 to vector<16xf32>
      %gt3A_682 = arith.cmpf ogt, %get3A_680, %gt3A_681 : vector<16xf32>
      %all_reduce_population_count3A_683 = tpu.all_reduce %gt3A_682 {dim = 0 : i64, kind = #tpu.reduction_kind<sum>} : vector<16xi1> -> vector<16xi32>
      %add3A_684 = arith.addi %add3A_672, %all_reduce_population_count3A_683 : vector<16xi32>
      %scan3A_685 = arith.constant 4 : i32
      %scan3A_686 = arith.addi %scan3A_639, %scan3A_685 : i32
      %mul3A_687 = arith.constant 16 : i32
      %mul3A_688 = arith.muli %scan3A_686, %mul3A_687 : i32
      %get3A_689 = arith.constant 3 : i32
      %get3A_690 = arith.index_cast %get3A_689 : i32 to index
      %get3A_691 = arith.index_cast %mul3A_688 : i32 to index
      %get3A_692 = tpu.vector_load %arg4[%get3A_690, %get3A_691] {strides = array<i32>} : memref<4x8192xf32, #tpu.memory_space<vmem>>, vector<16xf32>,
      %gt3A_693 = vector.broadcast %squeeze3A_396 : f32 to vector<16xf32>
      %gt3A_694 = arith.cmpf ogt, %get3A_692, %gt3A_693 : vector<16xf32>
      %all_reduce_population_count3A_695 = tpu.all_reduce %gt3A_694 {dim = 0 : i64, kind = #tpu.reduction_kind<sum>} : vector<16xi1> -> vector<16xi32>
      %add3A_696 = arith.addi %add3A_684, %all_reduce_population_count3A_695 : vector<16xi32>
      %scan3A_697 = arith.constant 5 : i32
      %scan3A_698 = arith.addi %scan3A_639, %scan3A_697 : i32
      %mul3A_699 = arith.constant 16 : i32
      %mul3A_700 = arith.muli %scan3A_698, %mul3A_699 : i32
      %get3A_701 = arith.constant 3 : i32
      %get3A_702 = arith.index_cast %get3A_701 : i32 to index
      %get3A_703 = arith.index_cast %mul3A_700 : i32 to index
      %get3A_704 = tpu.vector_load %arg4[%get3A_702, %get3A_703] {strides = array<i32>} : memref<4x8192xf32, #tpu.memory_space<vmem>>, vector<16xf32>,
      %gt3A_705 = vector.broadcast %squeeze3A_396 : f32 to vector<16xf32>
      %gt3A_706 = arith.cmpf ogt, %get3A_704, %gt3A_705 : vector<16xf32>
      %all_reduce_population_count3A_707 = tpu.all_reduce %gt3A_706 {dim = 0 : i64, kind = #tpu.reduction_kind<sum>} : vector<16xi1> -> vector<16xi32>
      %add3A_708 = arith.addi %add3A_696, %all_reduce_population_count3A_707 : vector<16xi32>
      %scan3A_709 = arith.constant 6 : i32
      %scan3A_710 = arith.addi %scan3A_639, %scan3A_709 : i32
      %mul3A_711 = arith.constant 16 : i32
      %mul3A_712 = arith.muli %scan3A_710, %mul3A_711 : i32
      %get3A_713 = arith.constant 3 : i32
      %get3A_714 = arith.index_cast %get3A_713 : i32 to index
      %get3A_715 = arith.index_cast %mul3A_712 : i32 to index
      %get3A_716 = tpu.vector_load %arg4[%get3A_714, %get3A_715] {strides = array<i32>} : memref<4x8192xf32, #tpu.memory_space<vmem>>, vector<16xf32>,
      %gt3A_717 = vector.broadcast %squeeze3A_396 : f32 to vector<16xf32>
      %gt3A_718 = arith.cmpf ogt, %get3A_716, %gt3A_717 : vector<16xf32>
      %all_reduce_population_count3A_719 = tpu.all_reduce %gt3A_718 {dim = 0 : i64, kind = #tpu.reduction_kind<sum>} : vector<16xi1> -> vector<16xi32>
      %add3A_720 = arith.addi %add3A_708, %all_reduce_population_count3A_719 : vector<16xi32>
      %scan3A_721 = arith.constant 7 : i32
      %scan3A_722 = arith.addi %scan3A_639, %scan3A_721 : i32
      %mul3A_723 = arith.constant 16 : i32
      %mul3A_724 = arith.muli %scan3A_722, %mul3A_723 : i32
      %get3A_725 = arith.constant 3 : i32
      %get3A_726 = arith.index_cast %get3A_725 : i32 to index
      %get3A_727 = arith.index_cast %mul3A_724 : i32 to index
      %get3A_728 = tpu.vector_load %arg4[%get3A_726, %get3A_727] {strides = array<i32>} : memref<4x8192xf32, #tpu.memory_space<vmem>>, vector<16xf32>,
      %gt3A_729 = vector.broadcast %squeeze3A_396 : f32 to vector<16xf32>
      %gt3A_730 = arith.cmpf ogt, %get3A_728, %gt3A_729 : vector<16xf32>
      %all_reduce_population_count3A_731 = tpu.all_reduce %gt3A_730 {dim = 0 : i64, kind = #tpu.reduction_kind<sum>} : vector<16xi1> -> vector<16xi32>
      %add3A_732 = arith.addi %add3A_720, %all_reduce_population_count3A_731 : vector<16xi32>
      %scan3A_733 = arith.constant 8 : i32
      %scan3A_734 = arith.addi %scan3A_639, %scan3A_733 : i32
      %mul3A_735 = arith.constant 16 : i32
      %mul3A_736 = arith.muli %scan3A_734, %mul3A_735 : i32
      %get3A_737 = arith.constant 3 : i32
      %get3A_738 = arith.index_cast %get3A_737 : i32 to index
      %get3A_739 = arith.index_cast %mul3A_736 : i32 to index
      %get3A_740 = tpu.vector_load %arg4[%get3A_738, %get3A_739] {strides = array<i32>} : memref<4x8192xf32, #tpu.memory_space<vmem>>, vector<16xf32>,
      %gt3A_741 = vector.broadcast %squeeze3A_396 : f32 to vector<16xf32>
      %gt3A_742 = arith.cmpf ogt, %get3A_740, %gt3A_741 : vector<16xf32>
      %all_reduce_population_count3A_743 = tpu.all_reduce %gt3A_742 {dim = 0 : i64, kind = #tpu.reduction_kind<sum>} : vector<16xi1> -> vector<16xi32>
      %add3A_744 = arith.addi %add3A_732, %all_reduce_population_count3A_743 : vector<16xi32>
      %scan3A_745 = arith.constant 9 : i32
      %scan3A_746 = arith.addi %scan3A_639, %scan3A_745 : i32
      %mul3A_747 = arith.constant 16 : i32
      %mul3A_748 = arith.muli %scan3A_746, %mul3A_747 : i32
      %get3A_749 = arith.constant 3 : i32
      %get3A_750 = arith.index_cast %get3A_749 : i32 to index
      %get3A_751 = arith.index_cast %mul3A_748 : i32 to index
      %get3A_752 = tpu.vector_load %arg4[%get3A_750, %get3A_751] {strides = array<i32>} : memref<4x8192xf32, #tpu.memory_space<vmem>>, vector<16xf32>,
      %gt3A_753 = vector.broadcast %squeeze3A_396 : f32 to vector<16xf32>
      %gt3A_754 = arith.cmpf ogt, %get3A_752, %gt3A_753 : vector<16xf32>
      %all_reduce_population_count3A_755 = tpu.all_reduce %gt3A_754 {dim = 0 : i64, kind = #tpu.reduction_kind<sum>} : vector<16xi1> -> vector<16xi32>
      %add3A_756 = arith.addi %add3A_744, %all_reduce_population_count3A_755 : vector<16xi32>
      %scan3A_757 = arith.constant 10 : i32
      %scan3A_758 = arith.addi %scan3A_639, %scan3A_757 : i32
      %mul3A_759 = arith.constant 16 : i32
      %mul3A_760 = arith.muli %scan3A_758, %mul3A_759 : i32
      %get3A_761 = arith.constant 3 : i32
      %get3A_762 = arith.index_cast %get3A_761 : i32 to index
      %get3A_763 = arith.index_cast %mul3A_760 : i32 to index
      %get3A_764 = tpu.vector_load %arg4[%get3A_762, %get3A_763] {strides = array<i32>} : memref<4x8192xf32, #tpu.memory_space<vmem>>, vector<16xf32>,
      %gt3A_765 = vector.broadcast %squeeze3A_396 : f32 to vector<16xf32>
      %gt3A_766 = arith.cmpf ogt, %get3A_764, %gt3A_765 : vector<16xf32>
      %all_reduce_population_count3A_767 = tpu.all_reduce %gt3A_766 {dim = 0 : i64, kind = #tpu.reduction_kind<sum>} : vector<16xi1> -> vector<16xi32>
      %add3A_768 = arith.addi %add3A_756, %all_reduce_population_count3A_767 : vector<16xi32>
      %scan3A_769 = arith.constant 11 : i32
      %scan3A_770 = arith.addi %scan3A_639, %scan3A_769 : i32
      %mul3A_771 = arith.constant 16 : i32
      %mul3A_772 = arith.muli %scan3A_770, %mul3A_771 : i32
      %get3A_773 = arith.constant 3 : i32
      %get3A_774 = arith.index_cast %get3A_773 : i32 to index
      %get3A_775 = arith.index_cast %mul3A_772 : i32 to index
      %get3A_776 = tpu.vector_load %arg4[%get3A_774, %get3A_775] {strides = array<i32>} : memref<4x8192xf32, #tpu.memory_space<vmem>>, vector<16xf32>,
      %gt3A_777 = vector.broadcast %squeeze3A_396 : f32 to vector<16xf32>
      %gt3A_778 = arith.cmpf ogt, %get3A_776, %gt3A_777 : vector<16xf32>
      %all_reduce_population_count3A_779 = tpu.all_reduce %gt3A_778 {dim = 0 : i64, kind = #tpu.reduction_kind<sum>} : vector<16xi1> -> vector<16xi32>
      %add3A_780 = arith.addi %add3A_768, %all_reduce_population_count3A_779 : vector<16xi32>
      %scan3A_781 = arith.constant 12 : i32
      %scan3A_782 = arith.addi %scan3A_639, %scan3A_781 : i32
      %mul3A_783 = arith.constant 16 : i32
      %mul3A_784 = arith.muli %scan3A_782, %mul3A_783 : i32
      %get3A_785 = arith.constant 3 : i32
      %get3A_786 = arith.index_cast %get3A_785 : i32 to index
      %get3A_787 = arith.index_cast %mul3A_784 : i32 to index
      %get3A_788 = tpu.vector_load %arg4[%get3A_786, %get3A_787] {strides = array<i32>} : memref<4x8192xf32, #tpu.memory_space<vmem>>, vector<16xf32>,
      %gt3A_789 = vector.broadcast %squeeze3A_396 : f32 to vector<16xf32>
      %gt3A_790 = arith.cmpf ogt, %get3A_788, %gt3A_789 : vector<16xf32>
      %all_reduce_population_count3A_791 = tpu.all_reduce %gt3A_790 {dim = 0 : i64, kind = #tpu.reduction_kind<sum>} : vector<16xi1> -> vector<16xi32>
      %add3A_792 = arith.addi %add3A_780, %all_reduce_population_count3A_791 : vector<16xi32>
      %scan3A_793 = arith.constant 13 : i32
      %scan3A_794 = arith.addi %scan3A_639, %scan3A_793 : i32
      %mul3A_795 = arith.constant 16 : i32
      %mul3A_796 = arith.muli %scan3A_794, %mul3A_795 : i32
      %get3A_797 = arith.constant 3 : i32
      %get3A_798 = arith.index_cast %get3A_797 : i32 to index
      %get3A_799 = arith.index_cast %mul3A_796 : i32 to index
      %get3A_800 = tpu.vector_load %arg4[%get3A_798, %get3A_799] {strides = array<i32>} : memref<4x8192xf32, #tpu.memory_space<vmem>>, vector<16xf32>,
      %gt3A_801 = vector.broadcast %squeeze3A_396 : f32 to vector<16xf32>
      %gt3A_802 = arith.cmpf ogt, %get3A_800, %gt3A_801 : vector<16xf32>
      %all_reduce_population_count3A_803 = tpu.all_reduce %gt3A_802 {dim = 0 : i64, kind = #tpu.reduction_kind<sum>} : vector<16xi1> -> vector<16xi32>
      %add3A_804 = arith.addi %add3A_792, %all_reduce_population_count3A_803 : vector<16xi32>
      %scan3A_805 = arith.constant 14 : i32
      %scan3A_806 = arith.addi %scan3A_639, %scan3A_805 : i32
      %mul3A_807 = arith.constant 16 : i32
      %mul3A_808 = arith.muli %scan3A_806, %mul3A_807 : i32
      %get3A_809 = arith.constant 3 : i32
      %get3A_810 = arith.index_cast %get3A_809 : i32 to index
      %get3A_811 = arith.index_cast %mul3A_808 : i32 to index
      %get3A_812 = tpu.vector_load %arg4[%get3A_810, %get3A_811] {strides = array<i32>} : memref<4x8192xf32, #tpu.memory_space<vmem>>, vector<16xf32>,
      %gt3A_813 = vector.broadcast %squeeze3A_396 : f32 to vector<16xf32>
      %gt3A_814 = arith.cmpf ogt, %get3A_812, %gt3A_813 : vector<16xf32>
      %all_reduce_population_count3A_815 = tpu.all_reduce %gt3A_814 {dim = 0 : i64, kind = #tpu.reduction_kind<sum>} : vector<16xi1> -> vector<16xi32>
      %add3A_816 = arith.addi %add3A_804, %all_reduce_population_count3A_815 : vector<16xi32>
      %scan3A_817 = arith.constant 15 : i32
      %scan3A_818 = arith.addi %scan3A_639, %scan3A_817 : i32
      %mul3A_819 = arith.constant 16 : i32
      %mul3A_820 = arith.muli %scan3A_818, %mul3A_819 : i32
      %get3A_821 = arith.constant 3 : i32
      %get3A_822 = arith.index_cast %get3A_821 : i32 to index
      %get3A_823 = arith.index_cast %mul3A_820 : i32 to index
      %get3A_824 = tpu.vector_load %arg4[%get3A_822, %get3A_823] {strides = array<i32>} : memref<4x8192xf32, #tpu.memory_space<vmem>>, vector<16xf32>,
      %gt3A_825 = vector.broadcast %squeeze3A_396 : f32 to vector<16xf32>
      %gt3A_826 = arith.cmpf ogt, %get3A_824, %gt3A_825 : vector<16xf32>
      %all_reduce_population_count3A_827 = tpu.all_reduce %gt3A_826 {dim = 0 : i64, kind = #tpu.reduction_kind<sum>} : vector<16xi1> -> vector<16xi32>
      %add3A_828 = arith.addi %add3A_816, %all_reduce_population_count3A_827 : vector<16xi32>
      scf.yield %add3A_828 : vector<16xi32>
    }
    %scan3A_510 = arith.constant 512 : i32
    %eq3A_511 = arith.constant 2 : i32
    %eq3A_512 = vector.broadcast %eq3A_511 : i32 to vector<16xi32>
    %eq3A_513 = arith.cmpi eq, %iota3A, %eq3A_512 : vector<16xi32>
    %slice3A_514 = vector.extract_strided_slice %scan3A_509 {offsets = [0], sizes = [1], strides = [1]} : vector<16xi32> to vector<1xi32>
    %squeeze3A_515 = vector.extract %slice3A_514[0] : i32 from vector<1xi32>
    %broadcast_in_dim3A_516 = vector.broadcast %squeeze3A_515 : i32 to vector<16xi32>
    %select_n3A_517 = arith.select %eq3A_513, %broadcast_in_dim3A_516, %select_n3A_358 : vector<16xi1>, vector<16xi32>
    %broadcast_in_dim3A_518 = arith.constant 0 : i32
    %broadcast_in_dim3A_519 = vector.broadcast %broadcast_in_dim3A_518 : i32 to vector<16xi32>
    %add3A_520 = arith.constant 3 : i32
    %add3A_521 = arith.addi %mul3A_2, %add3A_520 : i32
    %dma_start3A_522 = arith.constant 3 : i32
    %dma_start3A_523 = arith.constant 0 : i32
    %dma_start3A_524 = tpu.memref_slice %arg4[%dma_start3A_522, %dma_start3A_523] : memref<4x8192xf32, #tpu.memory_space<vmem>> -> memref<1x8192xf32, #tpu.memory_space<vmem>>
    %dma_start3A_525 = tpu.memref_squeeze %dma_start3A_524 : memref<1x8192xf32, #tpu.memory_space<vmem>> -> memref<8192xf32, #tpu.memory_space<vmem>>
    %dma_start3A_526 = arith.constant 24576 : i32
    %dma_start3A_527 = tpu.memref_slice %arg2[%add3A_521, %dma_start3A_526] : memref<128x32768xf32, #tpu.memory_space<hbm>> -> memref<1x8192xf32, #tpu.memory_space<hbm>>
    %dma_start3A_528 = tpu.memref_squeeze %dma_start3A_527 : memref<1x8192xf32, #tpu.memory_space<hbm>> -> memref<8192xf32, #tpu.memory_space<hbm>>
    %dma_start3A_529 = arith.constant 0 : i32
    %dma_start3A_530 = tpu.memref_slice %arg4[%dma_start3A_522, %dma_start3A_529] : memref<4x8192xf32, #tpu.memory_space<vmem>> -> memref<1x8192xf32, #tpu.memory_space<vmem>>
    %dma_start3A_531 = tpu.memref_squeeze %dma_start3A_530 : memref<1x8192xf32, #tpu.memory_space<vmem>> -> memref<8192xf32, #tpu.memory_space<vmem>>
    %dma_start3A_532 = arith.constant 24576 : i32
    %dma_start3A_533 = tpu.memref_slice %arg2[%add3A_521, %dma_start3A_532] : memref<128x32768xf32, #tpu.memory_space<hbm>> -> memref<1x8192xf32, #tpu.memory_space<hbm>>
    %dma_start3A_534 = tpu.memref_squeeze %dma_start3A_533 : memref<1x8192xf32, #tpu.memory_space<hbm>> -> memref<8192xf32, #tpu.memory_space<hbm>>
    tpu.enqueue_dma source(%dma_start3A_534 : memref<8192xf32, #tpu.memory_space<hbm>>) target(%dma_start3A_531 : memref<8192xf32, #tpu.memory_space<vmem>>) target_semaphore(%arg9 : memref<!tpu.dma_semaphore, #tpu.memory_space<semaphore_mem>>)
    %add3A_535 = arith.constant 3 : i32
    %add3A_536 = arith.addi %mul3A_2, %add3A_535 : i32
    %dma_wait3A_537 = arith.constant 0 : i32
    %dma_wait3A_538 = arith.constant 0 : i32
    %dma_wait3A_539 = tpu.memref_slice %arg4[%dma_wait3A_537, %dma_wait3A_538] : memref<4x8192xf32, #tpu.memory_space<vmem>> -> memref<1x8192xf32, #tpu.memory_space<vmem>>
    %dma_wait3A_540 = tpu.memref_squeeze %dma_wait3A_539 : memref<1x8192xf32, #tpu.memory_space<vmem>> -> memref<8192xf32, #tpu.memory_space<vmem>>
    %dma_wait3A_541 = arith.constant 0 : i32
    %dma_wait3A_542 = tpu.memref_slice %arg2[%add3A_536, %dma_wait3A_541] : memref<128x32768xf32, #tpu.memory_space<hbm>> -> memref<1x8192xf32, #tpu.memory_space<hbm>>
    %dma_wait3A_543 = tpu.memref_squeeze %dma_wait3A_542 : memref<1x8192xf32, #tpu.memory_space<hbm>> -> memref<8192xf32, #tpu.memory_space<hbm>>
    %dma_wait3A_544 = arith.constant 0 : i32
    %dma_wait3A_545 = tpu.memref_slice %arg4[%dma_wait3A_537, %dma_wait3A_544] : memref<4x8192xf32, #tpu.memory_space<vmem>> -> memref<1x8192xf32, #tpu.memory_space<vmem>>
    %dma_wait3A_546 = tpu.memref_squeeze %dma_wait3A_545 : memref<1x8192xf32, #tpu.memory_space<vmem>> -> memref<8192xf32, #tpu.memory_space<vmem>>
    %dma_wait3A_547 = arith.constant 0 : i32
    %dma_wait3A_548 = tpu.memref_slice %arg2[%add3A_536, %dma_wait3A_547] : memref<128x32768xf32, #tpu.memory_space<hbm>> -> memref<1x8192xf32, #tpu.memory_space<hbm>>
    %dma_wait3A_549 = tpu.memref_squeeze %dma_wait3A_548 : memref<1x8192xf32, #tpu.memory_space<hbm>> -> memref<8192xf32, #tpu.memory_space<hbm>>
    tpu.wait_dma2 semaphore(%arg6 : memref<!tpu.dma_semaphore, #tpu.memory_space<semaphore_mem>>) src(%dma_wait3A_549 : memref<8192xf32, #tpu.memory_space<hbm>>) dst(%dma_wait3A_546 : memref<8192xf32, #tpu.memory_space<vmem>>)
    %get3A_550 = arith.constant 0 : i32
    %get3A_551 = arith.index_cast %get3A_550 : i32 to index
    %get3A_552 = arith.constant 0 : index
    %get3A_553 = tpu.vector_load %arg4[%get3A_551, %get3A_552] {strides = array<i32>} : memref<4x8192xf32, #tpu.memory_space<vmem>>, vector<16xf32>,
    %slice3A_554 = vector.extract_strided_slice %get3A_553 {offsets = [0], sizes = [1], strides = [1]} : vector<16xf32> to vector<1xf32>
    %squeeze3A_555 = vector.extract %slice3A_554[0] : f32 from vector<1xf32>
    %scan3A_556 = arith.constant 0 : i32
    %scan3A_557 = arith.constant 512 : i32
    %scan3A_558 = arith.addi %scan3A_556, %scan3A_557 : i32
    %scan3A_559 = arith.constant 16 : i32
    %scan3A_560 = scf.for %scan3A_639 = %scan3A_556 to %scan3A_558 step %scan3A_559 iter_args(%scan3A_640 = %broadcast_in_dim3A_519) -> (vector<16xi32>)  : i32 {
      %mul3A_641 = arith.constant 16 : i32
      %mul3A_642 = arith.muli %scan3A_639, %mul3A_641 : i32
      %get3A_643 = arith.constant 0 : i32
      %get3A_644 = arith.index_cast %get3A_643 : i32 to index
      %get3A_645 = arith.index_cast %mul3A_642 : i32 to index
      %get3A_646 = tpu.vector_load %arg4[%get3A_644, %get3A_645] {strides = array<i32>} : memref<4x8192xf32, #tpu.memory_space<vmem>>, vector<16xf32>,
      %gt3A = vector.broadcast %squeeze3A_555 : f32 to vector<16xf32>
      %gt3A_647 = arith.cmpf ogt, %get3A_646, %gt3A : vector<16xf32>
      %all_reduce_population_count3A = tpu.all_reduce %gt3A_647 {dim = 0 : i64, kind = #tpu.reduction_kind<sum>} : vector<16xi1> -> vector<16xi32>
      %add3A_648 = arith.addi %scan3A_640, %all_reduce_population_count3A : vector<16xi32>
      %scan3A_649 = arith.constant 1 : i32
      %scan3A_650 = arith.addi %scan3A_639, %scan3A_649 : i32
      %mul3A_651 = arith.constant 16 : i32
      %mul3A_652 = arith.muli %scan3A_650, %mul3A_651 : i32
      %get3A_653 = arith.constant 0 : i32
      %get3A_654 = arith.index_cast %get3A_653 : i32 to index
      %get3A_655 = arith.index_cast %mul3A_652 : i32 to index
      %get3A_656 = tpu.vector_load %arg4[%get3A_654, %get3A_655] {strides = array<i32>} : memref<4x8192xf32, #tpu.memory_space<vmem>>, vector<16xf32>,
      %gt3A_657 = vector.broadcast %squeeze3A_555 : f32 to vector<16xf32>
      %gt3A_658 = arith.cmpf ogt, %get3A_656, %gt3A_657 : vector<16xf32>
      %all_reduce_population_count3A_659 = tpu.all_reduce %gt3A_658 {dim = 0 : i64, kind = #tpu.reduction_kind<sum>} : vector<16xi1> -> vector<16xi32>
      %add3A_660 = arith.addi %add3A_648, %all_reduce_population_count3A_659 : vector<16xi32>
      %scan3A_661 = arith.constant 2 : i32
      %scan3A_662 = arith.addi %scan3A_639, %scan3A_661 : i32
      %mul3A_663 = arith.constant 16 : i32
      %mul3A_664 = arith.muli %scan3A_662, %mul3A_663 : i32
      %get3A_665 = arith.constant 0 : i32
      %get3A_666 = arith.index_cast %get3A_665 : i32 to index
      %get3A_667 = arith.index_cast %mul3A_664 : i32 to index
      %get3A_668 = tpu.vector_load %arg4[%get3A_666, %get3A_667] {strides = array<i32>} : memref<4x8192xf32, #tpu.memory_space<vmem>>, vector<16xf32>,
      %gt3A_669 = vector.broadcast %squeeze3A_555 : f32 to vector<16xf32>
      %gt3A_670 = arith.cmpf ogt, %get3A_668, %gt3A_669 : vector<16xf32>
      %all_reduce_population_count3A_671 = tpu.all_reduce %gt3A_670 {dim = 0 : i64, kind = #tpu.reduction_kind<sum>} : vector<16xi1> -> vector<16xi32>
      %add3A_672 = arith.addi %add3A_660, %all_reduce_population_count3A_671 : vector<16xi32>
      %scan3A_673 = arith.constant 3 : i32
      %scan3A_674 = arith.addi %scan3A_639, %scan3A_673 : i32
      %mul3A_675 = arith.constant 16 : i32
      %mul3A_676 = arith.muli %scan3A_674, %mul3A_675 : i32
      %get3A_677 = arith.constant 0 : i32
      %get3A_678 = arith.index_cast %get3A_677 : i32 to index
      %get3A_679 = arith.index_cast %mul3A_676 : i32 to index
      %get3A_680 = tpu.vector_load %arg4[%get3A_678, %get3A_679] {strides = array<i32>} : memref<4x8192xf32, #tpu.memory_space<vmem>>, vector<16xf32>,
      %gt3A_681 = vector.broadcast %squeeze3A_555 : f32 to vector<16xf32>
      %gt3A_682 = arith.cmpf ogt, %get3A_680, %gt3A_681 : vector<16xf32>
      %all_reduce_population_count3A_683 = tpu.all_reduce %gt3A_682 {dim = 0 : i64, kind = #tpu.reduction_kind<sum>} : vector<16xi1> -> vector<16xi32>
      %add3A_684 = arith.addi %add3A_672, %all_reduce_population_count3A_683 : vector<16xi32>
      %scan3A_685 = arith.constant 4 : i32
      %scan3A_686 = arith.addi %scan3A_639, %scan3A_685 : i32
      %mul3A_687 = arith.constant 16 : i32
      %mul3A_688 = arith.muli %scan3A_686, %mul3A_687 : i32
      %get3A_689 = arith.constant 0 : i32
      %get3A_690 = arith.index_cast %get3A_689 : i32 to index
      %get3A_691 = arith.index_cast %mul3A_688 : i32 to index
      %get3A_692 = tpu.vector_load %arg4[%get3A_690, %get3A_691] {strides = array<i32>} : memref<4x8192xf32, #tpu.memory_space<vmem>>, vector<16xf32>,
      %gt3A_693 = vector.broadcast %squeeze3A_555 : f32 to vector<16xf32>
      %gt3A_694 = arith.cmpf ogt, %get3A_692, %gt3A_693 : vector<16xf32>
      %all_reduce_population_count3A_695 = tpu.all_reduce %gt3A_694 {dim = 0 : i64, kind = #tpu.reduction_kind<sum>} : vector<16xi1> -> vector<16xi32>
      %add3A_696 = arith.addi %add3A_684, %all_reduce_population_count3A_695 : vector<16xi32>
      %scan3A_697 = arith.constant 5 : i32
      %scan3A_698 = arith.addi %scan3A_639, %scan3A_697 : i32
      %mul3A_699 = arith.constant 16 : i32
      %mul3A_700 = arith.muli %scan3A_698, %mul3A_699 : i32
      %get3A_701 = arith.constant 0 : i32
      %get3A_702 = arith.index_cast %get3A_701 : i32 to index
      %get3A_703 = arith.index_cast %mul3A_700 : i32 to index
      %get3A_704 = tpu.vector_load %arg4[%get3A_702, %get3A_703] {strides = array<i32>} : memref<4x8192xf32, #tpu.memory_space<vmem>>, vector<16xf32>,
      %gt3A_705 = vector.broadcast %squeeze3A_555 : f32 to vector<16xf32>
      %gt3A_706 = arith.cmpf ogt, %get3A_704, %gt3A_705 : vector<16xf32>
      %all_reduce_population_count3A_707 = tpu.all_reduce %gt3A_706 {dim = 0 : i64, kind = #tpu.reduction_kind<sum>} : vector<16xi1> -> vector<16xi32>
      %add3A_708 = arith.addi %add3A_696, %all_reduce_population_count3A_707 : vector<16xi32>
      %scan3A_709 = arith.constant 6 : i32
      %scan3A_710 = arith.addi %scan3A_639, %scan3A_709 : i32
      %mul3A_711 = arith.constant 16 : i32
      %mul3A_712 = arith.muli %scan3A_710, %mul3A_711 : i32
      %get3A_713 = arith.constant 0 : i32
      %get3A_714 = arith.index_cast %get3A_713 : i32 to index
      %get3A_715 = arith.index_cast %mul3A_712 : i32 to index
      %get3A_716 = tpu.vector_load %arg4[%get3A_714, %get3A_715] {strides = array<i32>} : memref<4x8192xf32, #tpu.memory_space<vmem>>, vector<16xf32>,
      %gt3A_717 = vector.broadcast %squeeze3A_555 : f32 to vector<16xf32>
      %gt3A_718 = arith.cmpf ogt, %get3A_716, %gt3A_717 : vector<16xf32>
      %all_reduce_population_count3A_719 = tpu.all_reduce %gt3A_718 {dim = 0 : i64, kind = #tpu.reduction_kind<sum>} : vector<16xi1> -> vector<16xi32>
      %add3A_720 = arith.addi %add3A_708, %all_reduce_population_count3A_719 : vector<16xi32>
      %scan3A_721 = arith.constant 7 : i32
      %scan3A_722 = arith.addi %scan3A_639, %scan3A_721 : i32
      %mul3A_723 = arith.constant 16 : i32
      %mul3A_724 = arith.muli %scan3A_722, %mul3A_723 : i32
      %get3A_725 = arith.constant 0 : i32
      %get3A_726 = arith.index_cast %get3A_725 : i32 to index
      %get3A_727 = arith.index_cast %mul3A_724 : i32 to index
      %get3A_728 = tpu.vector_load %arg4[%get3A_726, %get3A_727] {strides = array<i32>} : memref<4x8192xf32, #tpu.memory_space<vmem>>, vector<16xf32>,
      %gt3A_729 = vector.broadcast %squeeze3A_555 : f32 to vector<16xf32>
      %gt3A_730 = arith.cmpf ogt, %get3A_728, %gt3A_729 : vector<16xf32>
      %all_reduce_population_count3A_731 = tpu.all_reduce %gt3A_730 {dim = 0 : i64, kind = #tpu.reduction_kind<sum>} : vector<16xi1> -> vector<16xi32>
      %add3A_732 = arith.addi %add3A_720, %all_reduce_population_count3A_731 : vector<16xi32>
      %scan3A_733 = arith.constant 8 : i32
      %scan3A_734 = arith.addi %scan3A_639, %scan3A_733 : i32
      %mul3A_735 = arith.constant 16 : i32
      %mul3A_736 = arith.muli %scan3A_734, %mul3A_735 : i32
      %get3A_737 = arith.constant 0 : i32
      %get3A_738 = arith.index_cast %get3A_737 : i32 to index
      %get3A_739 = arith.index_cast %mul3A_736 : i32 to index
      %get3A_740 = tpu.vector_load %arg4[%get3A_738, %get3A_739] {strides = array<i32>} : memref<4x8192xf32, #tpu.memory_space<vmem>>, vector<16xf32>,
      %gt3A_741 = vector.broadcast %squeeze3A_555 : f32 to vector<16xf32>
      %gt3A_742 = arith.cmpf ogt, %get3A_740, %gt3A_741 : vector<16xf32>
      %all_reduce_population_count3A_743 = tpu.all_reduce %gt3A_742 {dim = 0 : i64, kind = #tpu.reduction_kind<sum>} : vector<16xi1> -> vector<16xi32>
      %add3A_744 = arith.addi %add3A_732, %all_reduce_population_count3A_743 : vector<16xi32>
      %scan3A_745 = arith.constant 9 : i32
      %scan3A_746 = arith.addi %scan3A_639, %scan3A_745 : i32
      %mul3A_747 = arith.constant 16 : i32
      %mul3A_748 = arith.muli %scan3A_746, %mul3A_747 : i32
      %get3A_749 = arith.constant 0 : i32
      %get3A_750 = arith.index_cast %get3A_749 : i32 to index
      %get3A_751 = arith.index_cast %mul3A_748 : i32 to index
      %get3A_752 = tpu.vector_load %arg4[%get3A_750, %get3A_751] {strides = array<i32>} : memref<4x8192xf32, #tpu.memory_space<vmem>>, vector<16xf32>,
      %gt3A_753 = vector.broadcast %squeeze3A_555 : f32 to vector<16xf32>
      %gt3A_754 = arith.cmpf ogt, %get3A_752, %gt3A_753 : vector<16xf32>
      %all_reduce_population_count3A_755 = tpu.all_reduce %gt3A_754 {dim = 0 : i64, kind = #tpu.reduction_kind<sum>} : vector<16xi1> -> vector<16xi32>
      %add3A_756 = arith.addi %add3A_744, %all_reduce_population_count3A_755 : vector<16xi32>
      %scan3A_757 = arith.constant 10 : i32
      %scan3A_758 = arith.addi %scan3A_639, %scan3A_757 : i32
      %mul3A_759 = arith.constant 16 : i32
      %mul3A_760 = arith.muli %scan3A_758, %mul3A_759 : i32
      %get3A_761 = arith.constant 0 : i32
      %get3A_762 = arith.index_cast %get3A_761 : i32 to index
      %get3A_763 = arith.index_cast %mul3A_760 : i32 to index
      %get3A_764 = tpu.vector_load %arg4[%get3A_762, %get3A_763] {strides = array<i32>} : memref<4x8192xf32, #tpu.memory_space<vmem>>, vector<16xf32>,
      %gt3A_765 = vector.broadcast %squeeze3A_555 : f32 to vector<16xf32>
      %gt3A_766 = arith.cmpf ogt, %get3A_764, %gt3A_765 : vector<16xf32>
      %all_reduce_population_count3A_767 = tpu.all_reduce %gt3A_766 {dim = 0 : i64, kind = #tpu.reduction_kind<sum>} : vector<16xi1> -> vector<16xi32>
      %add3A_768 = arith.addi %add3A_756, %all_reduce_population_count3A_767 : vector<16xi32>
      %scan3A_769 = arith.constant 11 : i32
      %scan3A_770 = arith.addi %scan3A_639, %scan3A_769 : i32
      %mul3A_771 = arith.constant 16 : i32
      %mul3A_772 = arith.muli %scan3A_770, %mul3A_771 : i32
      %get3A_773 = arith.constant 0 : i32
      %get3A_774 = arith.index_cast %get3A_773 : i32 to index
      %get3A_775 = arith.index_cast %mul3A_772 : i32 to index
      %get3A_776 = tpu.vector_load %arg4[%get3A_774, %get3A_775] {strides = array<i32>} : memref<4x8192xf32, #tpu.memory_space<vmem>>, vector<16xf32>,
      %gt3A_777 = vector.broadcast %squeeze3A_555 : f32 to vector<16xf32>
      %gt3A_778 = arith.cmpf ogt, %get3A_776, %gt3A_777 : vector<16xf32>
      %all_reduce_population_count3A_779 = tpu.all_reduce %gt3A_778 {dim = 0 : i64, kind = #tpu.reduction_kind<sum>} : vector<16xi1> -> vector<16xi32>
      %add3A_780 = arith.addi %add3A_768, %all_reduce_population_count3A_779 : vector<16xi32>
      %scan3A_781 = arith.constant 12 : i32
      %scan3A_782 = arith.addi %scan3A_639, %scan3A_781 : i32
      %mul3A_783 = arith.constant 16 : i32
      %mul3A_784 = arith.muli %scan3A_782, %mul3A_783 : i32
      %get3A_785 = arith.constant 0 : i32
      %get3A_786 = arith.index_cast %get3A_785 : i32 to index
      %get3A_787 = arith.index_cast %mul3A_784 : i32 to index
      %get3A_788 = tpu.vector_load %arg4[%get3A_786, %get3A_787] {strides = array<i32>} : memref<4x8192xf32, #tpu.memory_space<vmem>>, vector<16xf32>,
      %gt3A_789 = vector.broadcast %squeeze3A_555 : f32 to vector<16xf32>
      %gt3A_790 = arith.cmpf ogt, %get3A_788, %gt3A_789 : vector<16xf32>
      %all_reduce_population_count3A_791 = tpu.all_reduce %gt3A_790 {dim = 0 : i64, kind = #tpu.reduction_kind<sum>} : vector<16xi1> -> vector<16xi32>
      %add3A_792 = arith.addi %add3A_780, %all_reduce_population_count3A_791 : vector<16xi32>
      %scan3A_793 = arith.constant 13 : i32
      %scan3A_794 = arith.addi %scan3A_639, %scan3A_793 : i32
      %mul3A_795 = arith.constant 16 : i32
      %mul3A_796 = arith.muli %scan3A_794, %mul3A_795 : i32
      %get3A_797 = arith.constant 0 : i32
      %get3A_798 = arith.index_cast %get3A_797 : i32 to index
      %get3A_799 = arith.index_cast %mul3A_796 : i32 to index
      %get3A_800 = tpu.vector_load %arg4[%get3A_798, %get3A_799] {strides = array<i32>} : memref<4x8192xf32, #tpu.memory_space<vmem>>, vector<16xf32>,
      %gt3A_801 = vector.broadcast %squeeze3A_555 : f32 to vector<16xf32>
      %gt3A_802 = arith.cmpf ogt, %get3A_800, %gt3A_801 : vector<16xf32>
      %all_reduce_population_count3A_803 = tpu.all_reduce %gt3A_802 {dim = 0 : i64, kind = #tpu.reduction_kind<sum>} : vector<16xi1> -> vector<16xi32>
      %add3A_804 = arith.addi %add3A_792, %all_reduce_population_count3A_803 : vector<16xi32>
      %scan3A_805 = arith.constant 14 : i32
      %scan3A_806 = arith.addi %scan3A_639, %scan3A_805 : i32
      %mul3A_807 = arith.constant 16 : i32
      %mul3A_808 = arith.muli %scan3A_806, %mul3A_807 : i32
      %get3A_809 = arith.constant 0 : i32
      %get3A_810 = arith.index_cast %get3A_809 : i32 to index
      %get3A_811 = arith.index_cast %mul3A_808 : i32 to index
      %get3A_812 = tpu.vector_load %arg4[%get3A_810, %get3A_811] {strides = array<i32>} : memref<4x8192xf32, #tpu.memory_space<vmem>>, vector<16xf32>,
      %gt3A_813 = vector.broadcast %squeeze3A_555 : f32 to vector<16xf32>
      %gt3A_814 = arith.cmpf ogt, %get3A_812, %gt3A_813 : vector<16xf32>
      %all_reduce_population_count3A_815 = tpu.all_reduce %gt3A_814 {dim = 0 : i64, kind = #tpu.reduction_kind<sum>} : vector<16xi1> -> vector<16xi32>
      %add3A_816 = arith.addi %add3A_804, %all_reduce_population_count3A_815 : vector<16xi32>
      %scan3A_817 = arith.constant 15 : i32
      %scan3A_818 = arith.addi %scan3A_639, %scan3A_817 : i32
      %mul3A_819 = arith.constant 16 : i32
      %mul3A_820 = arith.muli %scan3A_818, %mul3A_819 : i32
      %get3A_821 = arith.constant 0 : i32
      %get3A_822 = arith.index_cast %get3A_821 : i32 to index
      %get3A_823 = arith.index_cast %mul3A_820 : i32 to index
      %get3A_824 = tpu.vector_load %arg4[%get3A_822, %get3A_823] {strides = array<i32>} : memref<4x8192xf32, #tpu.memory_space<vmem>>, vector<16xf32>,
      %gt3A_825 = vector.broadcast %squeeze3A_555 : f32 to vector<16xf32>
      %gt3A_826 = arith.cmpf ogt, %get3A_824, %gt3A_825 : vector<16xf32>
      %all_reduce_population_count3A_827 = tpu.all_reduce %gt3A_826 {dim = 0 : i64, kind = #tpu.reduction_kind<sum>} : vector<16xi1> -> vector<16xi32>
      %add3A_828 = arith.addi %add3A_816, %all_reduce_population_count3A_827 : vector<16xi32>
      scf.yield %add3A_828 : vector<16xi32>
    }
    %scan3A_561 = arith.constant 512 : i32
    %add3A_562 = arith.constant 3 : i32
    %add3A_563 = arith.addi %mul3A_2, %add3A_562 : i32
    %dma_wait3A_564 = arith.constant 1 : i32
    %dma_wait3A_565 = arith.constant 0 : i32
    %dma_wait3A_566 = tpu.memref_slice %arg4[%dma_wait3A_564, %dma_wait3A_565] : memref<4x8192xf32, #tpu.memory_space<vmem>> -> memref<1x8192xf32, #tpu.memory_space<vmem>>
    %dma_wait3A_567 = tpu.memref_squeeze %dma_wait3A_566 : memref<1x8192xf32, #tpu.memory_space<vmem>> -> memref<8192xf32, #tpu.memory_space<vmem>>
    %dma_wait3A_568 = arith.constant 8192 : i32
    %dma_wait3A_569 = tpu.memref_slice %arg2[%add3A_563, %dma_wait3A_568] : memref<128x32768xf32, #tpu.memory_space<hbm>> -> memref<1x8192xf32, #tpu.memory_space<hbm>>
    %dma_wait3A_570 = tpu.memref_squeeze %dma_wait3A_569 : memref<1x8192xf32, #tpu.memory_space<hbm>> -> memref<8192xf32, #tpu.memory_space<hbm>>
    %dma_wait3A_571 = arith.constant 0 : i32
    %dma_wait3A_572 = tpu.memref_slice %arg4[%dma_wait3A_564, %dma_wait3A_571] : memref<4x8192xf32, #tpu.memory_space<vmem>> -> memref<1x8192xf32, #tpu.memory_space<vmem>>
    %dma_wait3A_573 = tpu.memref_squeeze %dma_wait3A_572 : memref<1x8192xf32, #tpu.memory_space<vmem>> -> memref<8192xf32, #tpu.memory_space<vmem>>
    %dma_wait3A_574 = arith.constant 8192 : i32
    %dma_wait3A_575 = tpu.memref_slice %arg2[%add3A_563, %dma_wait3A_574] : memref<128x32768xf32, #tpu.memory_space<hbm>> -> memref<1x8192xf32, #tpu.memory_space<hbm>>
    %dma_wait3A_576 = tpu.memref_squeeze %dma_wait3A_575 : memref<1x8192xf32, #tpu.memory_space<hbm>> -> memref<8192xf32, #tpu.memory_space<hbm>>
    tpu.wait_dma2 semaphore(%arg7 : memref<!tpu.dma_semaphore, #tpu.memory_space<semaphore_mem>>) src(%dma_wait3A_576 : memref<8192xf32, #tpu.memory_space<hbm>>) dst(%dma_wait3A_573 : memref<8192xf32, #tpu.memory_space<vmem>>)
    %scan3A_577 = arith.constant 0 : i32
    %scan3A_578 = arith.constant 512 : i32
    %scan3A_579 = arith.addi %scan3A_577, %scan3A_578 : i32
    %scan3A_580 = arith.constant 16 : i32
    %scan3A_581 = scf.for %scan3A_639 = %scan3A_577 to %scan3A_579 step %scan3A_580 iter_args(%scan3A_640 = %scan3A_560) -> (vector<16xi32>)  : i32 {
      %mul3A_641 = arith.constant 16 : i32
      %mul3A_642 = arith.muli %scan3A_639, %mul3A_641 : i32
      %get3A_643 = arith.constant 1 : i32
      %get3A_644 = arith.index_cast %get3A_643 : i32 to index
      %get3A_645 = arith.index_cast %mul3A_642 : i32 to index
      %get3A_646 = tpu.vector_load %arg4[%get3A_644, %get3A_645] {strides = array<i32>} : memref<4x8192xf32, #tpu.memory_space<vmem>>, vector<16xf32>,
      %gt3A = vector.broadcast %squeeze3A_555 : f32 to vector<16xf32>
      %gt3A_647 = arith.cmpf ogt, %get3A_646, %gt3A : vector<16xf32>
      %all_reduce_population_count3A = tpu.all_reduce %gt3A_647 {dim = 0 : i64, kind = #tpu.reduction_kind<sum>} : vector<16xi1> -> vector<16xi32>
      %add3A_648 = arith.addi %scan3A_640, %all_reduce_population_count3A : vector<16xi32>
      %scan3A_649 = arith.constant 1 : i32
      %scan3A_650 = arith.addi %scan3A_639, %scan3A_649 : i32
      %mul3A_651 = arith.constant 16 : i32
      %mul3A_652 = arith.muli %scan3A_650, %mul3A_651 : i32
      %get3A_653 = arith.constant 1 : i32
      %get3A_654 = arith.index_cast %get3A_653 : i32 to index
      %get3A_655 = arith.index_cast %mul3A_652 : i32 to index
      %get3A_656 = tpu.vector_load %arg4[%get3A_654, %get3A_655] {strides = array<i32>} : memref<4x8192xf32, #tpu.memory_space<vmem>>, vector<16xf32>,
      %gt3A_657 = vector.broadcast %squeeze3A_555 : f32 to vector<16xf32>
      %gt3A_658 = arith.cmpf ogt, %get3A_656, %gt3A_657 : vector<16xf32>
      %all_reduce_population_count3A_659 = tpu.all_reduce %gt3A_658 {dim = 0 : i64, kind = #tpu.reduction_kind<sum>} : vector<16xi1> -> vector<16xi32>
      %add3A_660 = arith.addi %add3A_648, %all_reduce_population_count3A_659 : vector<16xi32>
      %scan3A_661 = arith.constant 2 : i32
      %scan3A_662 = arith.addi %scan3A_639, %scan3A_661 : i32
      %mul3A_663 = arith.constant 16 : i32
      %mul3A_664 = arith.muli %scan3A_662, %mul3A_663 : i32
      %get3A_665 = arith.constant 1 : i32
      %get3A_666 = arith.index_cast %get3A_665 : i32 to index
      %get3A_667 = arith.index_cast %mul3A_664 : i32 to index
      %get3A_668 = tpu.vector_load %arg4[%get3A_666, %get3A_667] {strides = array<i32>} : memref<4x8192xf32, #tpu.memory_space<vmem>>, vector<16xf32>,
      %gt3A_669 = vector.broadcast %squeeze3A_555 : f32 to vector<16xf32>
      %gt3A_670 = arith.cmpf ogt, %get3A_668, %gt3A_669 : vector<16xf32>
      %all_reduce_population_count3A_671 = tpu.all_reduce %gt3A_670 {dim = 0 : i64, kind = #tpu.reduction_kind<sum>} : vector<16xi1> -> vector<16xi32>
      %add3A_672 = arith.addi %add3A_660, %all_reduce_population_count3A_671 : vector<16xi32>
      %scan3A_673 = arith.constant 3 : i32
      %scan3A_674 = arith.addi %scan3A_639, %scan3A_673 : i32
      %mul3A_675 = arith.constant 16 : i32
      %mul3A_676 = arith.muli %scan3A_674, %mul3A_675 : i32
      %get3A_677 = arith.constant 1 : i32
      %get3A_678 = arith.index_cast %get3A_677 : i32 to index
      %get3A_679 = arith.index_cast %mul3A_676 : i32 to index
      %get3A_680 = tpu.vector_load %arg4[%get3A_678, %get3A_679] {strides = array<i32>} : memref<4x8192xf32, #tpu.memory_space<vmem>>, vector<16xf32>,
      %gt3A_681 = vector.broadcast %squeeze3A_555 : f32 to vector<16xf32>
      %gt3A_682 = arith.cmpf ogt, %get3A_680, %gt3A_681 : vector<16xf32>
      %all_reduce_population_count3A_683 = tpu.all_reduce %gt3A_682 {dim = 0 : i64, kind = #tpu.reduction_kind<sum>} : vector<16xi1> -> vector<16xi32>
      %add3A_684 = arith.addi %add3A_672, %all_reduce_population_count3A_683 : vector<16xi32>
      %scan3A_685 = arith.constant 4 : i32
      %scan3A_686 = arith.addi %scan3A_639, %scan3A_685 : i32
      %mul3A_687 = arith.constant 16 : i32
      %mul3A_688 = arith.muli %scan3A_686, %mul3A_687 : i32
      %get3A_689 = arith.constant 1 : i32
      %get3A_690 = arith.index_cast %get3A_689 : i32 to index
      %get3A_691 = arith.index_cast %mul3A_688 : i32 to index
      %get3A_692 = tpu.vector_load %arg4[%get3A_690, %get3A_691] {strides = array<i32>} : memref<4x8192xf32, #tpu.memory_space<vmem>>, vector<16xf32>,
      %gt3A_693 = vector.broadcast %squeeze3A_555 : f32 to vector<16xf32>
      %gt3A_694 = arith.cmpf ogt, %get3A_692, %gt3A_693 : vector<16xf32>
      %all_reduce_population_count3A_695 = tpu.all_reduce %gt3A_694 {dim = 0 : i64, kind = #tpu.reduction_kind<sum>} : vector<16xi1> -> vector<16xi32>
      %add3A_696 = arith.addi %add3A_684, %all_reduce_population_count3A_695 : vector<16xi32>
      %scan3A_697 = arith.constant 5 : i32
      %scan3A_698 = arith.addi %scan3A_639, %scan3A_697 : i32
      %mul3A_699 = arith.constant 16 : i32
      %mul3A_700 = arith.muli %scan3A_698, %mul3A_699 : i32
      %get3A_701 = arith.constant 1 : i32
      %get3A_702 = arith.index_cast %get3A_701 : i32 to index
      %get3A_703 = arith.index_cast %mul3A_700 : i32 to index
      %get3A_704 = tpu.vector_load %arg4[%get3A_702, %get3A_703] {strides = array<i32>} : memref<4x8192xf32, #tpu.memory_space<vmem>>, vector<16xf32>,
      %gt3A_705 = vector.broadcast %squeeze3A_555 : f32 to vector<16xf32>
      %gt3A_706 = arith.cmpf ogt, %get3A_704, %gt3A_705 : vector<16xf32>
      %all_reduce_population_count3A_707 = tpu.all_reduce %gt3A_706 {dim = 0 : i64, kind = #tpu.reduction_kind<sum>} : vector<16xi1> -> vector<16xi32>
      %add3A_708 = arith.addi %add3A_696, %all_reduce_population_count3A_707 : vector<16xi32>
      %scan3A_709 = arith.constant 6 : i32
      %scan3A_710 = arith.addi %scan3A_639, %scan3A_709 : i32
      %mul3A_711 = arith.constant 16 : i32
      %mul3A_712 = arith.muli %scan3A_710, %mul3A_711 : i32
      %get3A_713 = arith.constant 1 : i32
      %get3A_714 = arith.index_cast %get3A_713 : i32 to index
      %get3A_715 = arith.index_cast %mul3A_712 : i32 to index
      %get3A_716 = tpu.vector_load %arg4[%get3A_714, %get3A_715] {strides = array<i32>} : memref<4x8192xf32, #tpu.memory_space<vmem>>, vector<16xf32>,
      %gt3A_717 = vector.broadcast %squeeze3A_555 : f32 to vector<16xf32>
      %gt3A_718 = arith.cmpf ogt, %get3A_716, %gt3A_717 : vector<16xf32>
      %all_reduce_population_count3A_719 = tpu.all_reduce %gt3A_718 {dim = 0 : i64, kind = #tpu.reduction_kind<sum>} : vector<16xi1> -> vector<16xi32>
      %add3A_720 = arith.addi %add3A_708, %all_reduce_population_count3A_719 : vector<16xi32>
      %scan3A_721 = arith.constant 7 : i32
      %scan3A_722 = arith.addi %scan3A_639, %scan3A_721 : i32
      %mul3A_723 = arith.constant 16 : i32
      %mul3A_724 = arith.muli %scan3A_722, %mul3A_723 : i32
      %get3A_725 = arith.constant 1 : i32
      %get3A_726 = arith.index_cast %get3A_725 : i32 to index
      %get3A_727 = arith.index_cast %mul3A_724 : i32 to index
      %get3A_728 = tpu.vector_load %arg4[%get3A_726, %get3A_727] {strides = array<i32>} : memref<4x8192xf32, #tpu.memory_space<vmem>>, vector<16xf32>,
      %gt3A_729 = vector.broadcast %squeeze3A_555 : f32 to vector<16xf32>
      %gt3A_730 = arith.cmpf ogt, %get3A_728, %gt3A_729 : vector<16xf32>
      %all_reduce_population_count3A_731 = tpu.all_reduce %gt3A_730 {dim = 0 : i64, kind = #tpu.reduction_kind<sum>} : vector<16xi1> -> vector<16xi32>
      %add3A_732 = arith.addi %add3A_720, %all_reduce_population_count3A_731 : vector<16xi32>
      %scan3A_733 = arith.constant 8 : i32
      %scan3A_734 = arith.addi %scan3A_639, %scan3A_733 : i32
      %mul3A_735 = arith.constant 16 : i32
      %mul3A_736 = arith.muli %scan3A_734, %mul3A_735 : i32
      %get3A_737 = arith.constant 1 : i32
      %get3A_738 = arith.index_cast %get3A_737 : i32 to index
      %get3A_739 = arith.index_cast %mul3A_736 : i32 to index
      %get3A_740 = tpu.vector_load %arg4[%get3A_738, %get3A_739] {strides = array<i32>} : memref<4x8192xf32, #tpu.memory_space<vmem>>, vector<16xf32>,
      %gt3A_741 = vector.broadcast %squeeze3A_555 : f32 to vector<16xf32>
      %gt3A_742 = arith.cmpf ogt, %get3A_740, %gt3A_741 : vector<16xf32>
      %all_reduce_population_count3A_743 = tpu.all_reduce %gt3A_742 {dim = 0 : i64, kind = #tpu.reduction_kind<sum>} : vector<16xi1> -> vector<16xi32>
      %add3A_744 = arith.addi %add3A_732, %all_reduce_population_count3A_743 : vector<16xi32>
      %scan3A_745 = arith.constant 9 : i32
      %scan3A_746 = arith.addi %scan3A_639, %scan3A_745 : i32
      %mul3A_747 = arith.constant 16 : i32
      %mul3A_748 = arith.muli %scan3A_746, %mul3A_747 : i32
      %get3A_749 = arith.constant 1 : i32
      %get3A_750 = arith.index_cast %get3A_749 : i32 to index
      %get3A_751 = arith.index_cast %mul3A_748 : i32 to index
      %get3A_752 = tpu.vector_load %arg4[%get3A_750, %get3A_751] {strides = array<i32>} : memref<4x8192xf32, #tpu.memory_space<vmem>>, vector<16xf32>,
      %gt3A_753 = vector.broadcast %squeeze3A_555 : f32 to vector<16xf32>
      %gt3A_754 = arith.cmpf ogt, %get3A_752, %gt3A_753 : vector<16xf32>
      %all_reduce_population_count3A_755 = tpu.all_reduce %gt3A_754 {dim = 0 : i64, kind = #tpu.reduction_kind<sum>} : vector<16xi1> -> vector<16xi32>
      %add3A_756 = arith.addi %add3A_744, %all_reduce_population_count3A_755 : vector<16xi32>
      %scan3A_757 = arith.constant 10 : i32
      %scan3A_758 = arith.addi %scan3A_639, %scan3A_757 : i32
      %mul3A_759 = arith.constant 16 : i32
      %mul3A_760 = arith.muli %scan3A_758, %mul3A_759 : i32
      %get3A_761 = arith.constant 1 : i32
      %get3A_762 = arith.index_cast %get3A_761 : i32 to index
      %get3A_763 = arith.index_cast %mul3A_760 : i32 to index
      %get3A_764 = tpu.vector_load %arg4[%get3A_762, %get3A_763] {strides = array<i32>} : memref<4x8192xf32, #tpu.memory_space<vmem>>, vector<16xf32>,
      %gt3A_765 = vector.broadcast %squeeze3A_555 : f32 to vector<16xf32>
      %gt3A_766 = arith.cmpf ogt, %get3A_764, %gt3A_765 : vector<16xf32>
      %all_reduce_population_count3A_767 = tpu.all_reduce %gt3A_766 {dim = 0 : i64, kind = #tpu.reduction_kind<sum>} : vector<16xi1> -> vector<16xi32>
      %add3A_768 = arith.addi %add3A_756, %all_reduce_population_count3A_767 : vector<16xi32>
      %scan3A_769 = arith.constant 11 : i32
      %scan3A_770 = arith.addi %scan3A_639, %scan3A_769 : i32
      %mul3A_771 = arith.constant 16 : i32
      %mul3A_772 = arith.muli %scan3A_770, %mul3A_771 : i32
      %get3A_773 = arith.constant 1 : i32
      %get3A_774 = arith.index_cast %get3A_773 : i32 to index
      %get3A_775 = arith.index_cast %mul3A_772 : i32 to index
      %get3A_776 = tpu.vector_load %arg4[%get3A_774, %get3A_775] {strides = array<i32>} : memref<4x8192xf32, #tpu.memory_space<vmem>>, vector<16xf32>,
      %gt3A_777 = vector.broadcast %squeeze3A_555 : f32 to vector<16xf32>
      %gt3A_778 = arith.cmpf ogt, %get3A_776, %gt3A_777 : vector<16xf32>
      %all_reduce_population_count3A_779 = tpu.all_reduce %gt3A_778 {dim = 0 : i64, kind = #tpu.reduction_kind<sum>} : vector<16xi1> -> vector<16xi32>
      %add3A_780 = arith.addi %add3A_768, %all_reduce_population_count3A_779 : vector<16xi32>
      %scan3A_781 = arith.constant 12 : i32
      %scan3A_782 = arith.addi %scan3A_639, %scan3A_781 : i32
      %mul3A_783 = arith.constant 16 : i32
      %mul3A_784 = arith.muli %scan3A_782, %mul3A_783 : i32
      %get3A_785 = arith.constant 1 : i32
      %get3A_786 = arith.index_cast %get3A_785 : i32 to index
      %get3A_787 = arith.index_cast %mul3A_784 : i32 to index
      %get3A_788 = tpu.vector_load %arg4[%get3A_786, %get3A_787] {strides = array<i32>} : memref<4x8192xf32, #tpu.memory_space<vmem>>, vector<16xf32>,
      %gt3A_789 = vector.broadcast %squeeze3A_555 : f32 to vector<16xf32>
      %gt3A_790 = arith.cmpf ogt, %get3A_788, %gt3A_789 : vector<16xf32>
      %all_reduce_population_count3A_791 = tpu.all_reduce %gt3A_790 {dim = 0 : i64, kind = #tpu.reduction_kind<sum>} : vector<16xi1> -> vector<16xi32>
      %add3A_792 = arith.addi %add3A_780, %all_reduce_population_count3A_791 : vector<16xi32>
      %scan3A_793 = arith.constant 13 : i32
      %scan3A_794 = arith.addi %scan3A_639, %scan3A_793 : i32
      %mul3A_795 = arith.constant 16 : i32
      %mul3A_796 = arith.muli %scan3A_794, %mul3A_795 : i32
      %get3A_797 = arith.constant 1 : i32
      %get3A_798 = arith.index_cast %get3A_797 : i32 to index
      %get3A_799 = arith.index_cast %mul3A_796 : i32 to index
      %get3A_800 = tpu.vector_load %arg4[%get3A_798, %get3A_799] {strides = array<i32>} : memref<4x8192xf32, #tpu.memory_space<vmem>>, vector<16xf32>,
      %gt3A_801 = vector.broadcast %squeeze3A_555 : f32 to vector<16xf32>
      %gt3A_802 = arith.cmpf ogt, %get3A_800, %gt3A_801 : vector<16xf32>
      %all_reduce_population_count3A_803 = tpu.all_reduce %gt3A_802 {dim = 0 : i64, kind = #tpu.reduction_kind<sum>} : vector<16xi1> -> vector<16xi32>
      %add3A_804 = arith.addi %add3A_792, %all_reduce_population_count3A_803 : vector<16xi32>
      %scan3A_805 = arith.constant 14 : i32
      %scan3A_806 = arith.addi %scan3A_639, %scan3A_805 : i32
      %mul3A_807 = arith.constant 16 : i32
      %mul3A_808 = arith.muli %scan3A_806, %mul3A_807 : i32
      %get3A_809 = arith.constant 1 : i32
      %get3A_810 = arith.index_cast %get3A_809 : i32 to index
      %get3A_811 = arith.index_cast %mul3A_808 : i32 to index
      %get3A_812 = tpu.vector_load %arg4[%get3A_810, %get3A_811] {strides = array<i32>} : memref<4x8192xf32, #tpu.memory_space<vmem>>, vector<16xf32>,
      %gt3A_813 = vector.broadcast %squeeze3A_555 : f32 to vector<16xf32>
      %gt3A_814 = arith.cmpf ogt, %get3A_812, %gt3A_813 : vector<16xf32>
      %all_reduce_population_count3A_815 = tpu.all_reduce %gt3A_814 {dim = 0 : i64, kind = #tpu.reduction_kind<sum>} : vector<16xi1> -> vector<16xi32>
      %add3A_816 = arith.addi %add3A_804, %all_reduce_population_count3A_815 : vector<16xi32>
      %scan3A_817 = arith.constant 15 : i32
      %scan3A_818 = arith.addi %scan3A_639, %scan3A_817 : i32
      %mul3A_819 = arith.constant 16 : i32
      %mul3A_820 = arith.muli %scan3A_818, %mul3A_819 : i32
      %get3A_821 = arith.constant 1 : i32
      %get3A_822 = arith.index_cast %get3A_821 : i32 to index
      %get3A_823 = arith.index_cast %mul3A_820 : i32 to index
      %get3A_824 = tpu.vector_load %arg4[%get3A_822, %get3A_823] {strides = array<i32>} : memref<4x8192xf32, #tpu.memory_space<vmem>>, vector<16xf32>,
      %gt3A_825 = vector.broadcast %squeeze3A_555 : f32 to vector<16xf32>
      %gt3A_826 = arith.cmpf ogt, %get3A_824, %gt3A_825 : vector<16xf32>
      %all_reduce_population_count3A_827 = tpu.all_reduce %gt3A_826 {dim = 0 : i64, kind = #tpu.reduction_kind<sum>} : vector<16xi1> -> vector<16xi32>
      %add3A_828 = arith.addi %add3A_816, %all_reduce_population_count3A_827 : vector<16xi32>
      scf.yield %add3A_828 : vector<16xi32>
    }
    %scan3A_582 = arith.constant 512 : i32
    %add3A_583 = arith.constant 3 : i32
    %add3A_584 = arith.addi %mul3A_2, %add3A_583 : i32
    %dma_wait3A_585 = arith.constant 2 : i32
    %dma_wait3A_586 = arith.constant 0 : i32
    %dma_wait3A_587 = tpu.memref_slice %arg4[%dma_wait3A_585, %dma_wait3A_586] : memref<4x8192xf32, #tpu.memory_space<vmem>> -> memref<1x8192xf32, #tpu.memory_space<vmem>>
    %dma_wait3A_588 = tpu.memref_squeeze %dma_wait3A_587 : memref<1x8192xf32, #tpu.memory_space<vmem>> -> memref<8192xf32, #tpu.memory_space<vmem>>
    %dma_wait3A_589 = arith.constant 16384 : i32
    %dma_wait3A_590 = tpu.memref_slice %arg2[%add3A_584, %dma_wait3A_589] : memref<128x32768xf32, #tpu.memory_space<hbm>> -> memref<1x8192xf32, #tpu.memory_space<hbm>>
    %dma_wait3A_591 = tpu.memref_squeeze %dma_wait3A_590 : memref<1x8192xf32, #tpu.memory_space<hbm>> -> memref<8192xf32, #tpu.memory_space<hbm>>
    %dma_wait3A_592 = arith.constant 0 : i32
    %dma_wait3A_593 = tpu.memref_slice %arg4[%dma_wait3A_585, %dma_wait3A_592] : memref<4x8192xf32, #tpu.memory_space<vmem>> -> memref<1x8192xf32, #tpu.memory_space<vmem>>
    %dma_wait3A_594 = tpu.memref_squeeze %dma_wait3A_593 : memref<1x8192xf32, #tpu.memory_space<vmem>> -> memref<8192xf32, #tpu.memory_space<vmem>>
    %dma_wait3A_595 = arith.constant 16384 : i32
    %dma_wait3A_596 = tpu.memref_slice %arg2[%add3A_584, %dma_wait3A_595] : memref<128x32768xf32, #tpu.memory_space<hbm>> -> memref<1x8192xf32, #tpu.memory_space<hbm>>
    %dma_wait3A_597 = tpu.memref_squeeze %dma_wait3A_596 : memref<1x8192xf32, #tpu.memory_space<hbm>> -> memref<8192xf32, #tpu.memory_space<hbm>>
    tpu.wait_dma2 semaphore(%arg8 : memref<!tpu.dma_semaphore, #tpu.memory_space<semaphore_mem>>) src(%dma_wait3A_597 : memref<8192xf32, #tpu.memory_space<hbm>>) dst(%dma_wait3A_594 : memref<8192xf32, #tpu.memory_space<vmem>>)
    %scan3A_598 = arith.constant 0 : i32
    %scan3A_599 = arith.constant 512 : i32
    %scan3A_600 = arith.addi %scan3A_598, %scan3A_599 : i32
    %scan3A_601 = arith.constant 16 : i32
    %scan3A_602 = scf.for %scan3A_639 = %scan3A_598 to %scan3A_600 step %scan3A_601 iter_args(%scan3A_640 = %scan3A_581) -> (vector<16xi32>)  : i32 {
      %mul3A_641 = arith.constant 16 : i32
      %mul3A_642 = arith.muli %scan3A_639, %mul3A_641 : i32
      %get3A_643 = arith.constant 2 : i32
      %get3A_644 = arith.index_cast %get3A_643 : i32 to index
      %get3A_645 = arith.index_cast %mul3A_642 : i32 to index
      %get3A_646 = tpu.vector_load %arg4[%get3A_644, %get3A_645] {strides = array<i32>} : memref<4x8192xf32, #tpu.memory_space<vmem>>, vector<16xf32>,
      %gt3A = vector.broadcast %squeeze3A_555 : f32 to vector<16xf32>
      %gt3A_647 = arith.cmpf ogt, %get3A_646, %gt3A : vector<16xf32>
      %all_reduce_population_count3A = tpu.all_reduce %gt3A_647 {dim = 0 : i64, kind = #tpu.reduction_kind<sum>} : vector<16xi1> -> vector<16xi32>
      %add3A_648 = arith.addi %scan3A_640, %all_reduce_population_count3A : vector<16xi32>
      %scan3A_649 = arith.constant 1 : i32
      %scan3A_650 = arith.addi %scan3A_639, %scan3A_649 : i32
      %mul3A_651 = arith.constant 16 : i32
      %mul3A_652 = arith.muli %scan3A_650, %mul3A_651 : i32
      %get3A_653 = arith.constant 2 : i32
      %get3A_654 = arith.index_cast %get3A_653 : i32 to index
      %get3A_655 = arith.index_cast %mul3A_652 : i32 to index
      %get3A_656 = tpu.vector_load %arg4[%get3A_654, %get3A_655] {strides = array<i32>} : memref<4x8192xf32, #tpu.memory_space<vmem>>, vector<16xf32>,
      %gt3A_657 = vector.broadcast %squeeze3A_555 : f32 to vector<16xf32>
      %gt3A_658 = arith.cmpf ogt, %get3A_656, %gt3A_657 : vector<16xf32>
      %all_reduce_population_count3A_659 = tpu.all_reduce %gt3A_658 {dim = 0 : i64, kind = #tpu.reduction_kind<sum>} : vector<16xi1> -> vector<16xi32>
      %add3A_660 = arith.addi %add3A_648, %all_reduce_population_count3A_659 : vector<16xi32>
      %scan3A_661 = arith.constant 2 : i32
      %scan3A_662 = arith.addi %scan3A_639, %scan3A_661 : i32
      %mul3A_663 = arith.constant 16 : i32
      %mul3A_664 = arith.muli %scan3A_662, %mul3A_663 : i32
      %get3A_665 = arith.constant 2 : i32
      %get3A_666 = arith.index_cast %get3A_665 : i32 to index
      %get3A_667 = arith.index_cast %mul3A_664 : i32 to index
      %get3A_668 = tpu.vector_load %arg4[%get3A_666, %get3A_667] {strides = array<i32>} : memref<4x8192xf32, #tpu.memory_space<vmem>>, vector<16xf32>,
      %gt3A_669 = vector.broadcast %squeeze3A_555 : f32 to vector<16xf32>
      %gt3A_670 = arith.cmpf ogt, %get3A_668, %gt3A_669 : vector<16xf32>
      %all_reduce_population_count3A_671 = tpu.all_reduce %gt3A_670 {dim = 0 : i64, kind = #tpu.reduction_kind<sum>} : vector<16xi1> -> vector<16xi32>
      %add3A_672 = arith.addi %add3A_660, %all_reduce_population_count3A_671 : vector<16xi32>
      %scan3A_673 = arith.constant 3 : i32
      %scan3A_674 = arith.addi %scan3A_639, %scan3A_673 : i32
      %mul3A_675 = arith.constant 16 : i32
      %mul3A_676 = arith.muli %scan3A_674, %mul3A_675 : i32
      %get3A_677 = arith.constant 2 : i32
      %get3A_678 = arith.index_cast %get3A_677 : i32 to index
      %get3A_679 = arith.index_cast %mul3A_676 : i32 to index
      %get3A_680 = tpu.vector_load %arg4[%get3A_678, %get3A_679] {strides = array<i32>} : memref<4x8192xf32, #tpu.memory_space<vmem>>, vector<16xf32>,
      %gt3A_681 = vector.broadcast %squeeze3A_555 : f32 to vector<16xf32>
      %gt3A_682 = arith.cmpf ogt, %get3A_680, %gt3A_681 : vector<16xf32>
      %all_reduce_population_count3A_683 = tpu.all_reduce %gt3A_682 {dim = 0 : i64, kind = #tpu.reduction_kind<sum>} : vector<16xi1> -> vector<16xi32>
      %add3A_684 = arith.addi %add3A_672, %all_reduce_population_count3A_683 : vector<16xi32>
      %scan3A_685 = arith.constant 4 : i32
      %scan3A_686 = arith.addi %scan3A_639, %scan3A_685 : i32
      %mul3A_687 = arith.constant 16 : i32
      %mul3A_688 = arith.muli %scan3A_686, %mul3A_687 : i32
      %get3A_689 = arith.constant 2 : i32
      %get3A_690 = arith.index_cast %get3A_689 : i32 to index
      %get3A_691 = arith.index_cast %mul3A_688 : i32 to index
      %get3A_692 = tpu.vector_load %arg4[%get3A_690, %get3A_691] {strides = array<i32>} : memref<4x8192xf32, #tpu.memory_space<vmem>>, vector<16xf32>,
      %gt3A_693 = vector.broadcast %squeeze3A_555 : f32 to vector<16xf32>
      %gt3A_694 = arith.cmpf ogt, %get3A_692, %gt3A_693 : vector<16xf32>
      %all_reduce_population_count3A_695 = tpu.all_reduce %gt3A_694 {dim = 0 : i64, kind = #tpu.reduction_kind<sum>} : vector<16xi1> -> vector<16xi32>
      %add3A_696 = arith.addi %add3A_684, %all_reduce_population_count3A_695 : vector<16xi32>
      %scan3A_697 = arith.constant 5 : i32
      %scan3A_698 = arith.addi %scan3A_639, %scan3A_697 : i32
      %mul3A_699 = arith.constant 16 : i32
      %mul3A_700 = arith.muli %scan3A_698, %mul3A_699 : i32
      %get3A_701 = arith.constant 2 : i32
      %get3A_702 = arith.index_cast %get3A_701 : i32 to index
      %get3A_703 = arith.index_cast %mul3A_700 : i32 to index
      %get3A_704 = tpu.vector_load %arg4[%get3A_702, %get3A_703] {strides = array<i32>} : memref<4x8192xf32, #tpu.memory_space<vmem>>, vector<16xf32>,
      %gt3A_705 = vector.broadcast %squeeze3A_555 : f32 to vector<16xf32>
      %gt3A_706 = arith.cmpf ogt, %get3A_704, %gt3A_705 : vector<16xf32>
      %all_reduce_population_count3A_707 = tpu.all_reduce %gt3A_706 {dim = 0 : i64, kind = #tpu.reduction_kind<sum>} : vector<16xi1> -> vector<16xi32>
      %add3A_708 = arith.addi %add3A_696, %all_reduce_population_count3A_707 : vector<16xi32>
      %scan3A_709 = arith.constant 6 : i32
      %scan3A_710 = arith.addi %scan3A_639, %scan3A_709 : i32
      %mul3A_711 = arith.constant 16 : i32
      %mul3A_712 = arith.muli %scan3A_710, %mul3A_711 : i32
      %get3A_713 = arith.constant 2 : i32
      %get3A_714 = arith.index_cast %get3A_713 : i32 to index
      %get3A_715 = arith.index_cast %mul3A_712 : i32 to index
      %get3A_716 = tpu.vector_load %arg4[%get3A_714, %get3A_715] {strides = array<i32>} : memref<4x8192xf32, #tpu.memory_space<vmem>>, vector<16xf32>,
      %gt3A_717 = vector.broadcast %squeeze3A_555 : f32 to vector<16xf32>
      %gt3A_718 = arith.cmpf ogt, %get3A_716, %gt3A_717 : vector<16xf32>
      %all_reduce_population_count3A_719 = tpu.all_reduce %gt3A_718 {dim = 0 : i64, kind = #tpu.reduction_kind<sum>} : vector<16xi1> -> vector<16xi32>
      %add3A_720 = arith.addi %add3A_708, %all_reduce_population_count3A_719 : vector<16xi32>
      %scan3A_721 = arith.constant 7 : i32
      %scan3A_722 = arith.addi %scan3A_639, %scan3A_721 : i32
      %mul3A_723 = arith.constant 16 : i32
      %mul3A_724 = arith.muli %scan3A_722, %mul3A_723 : i32
      %get3A_725 = arith.constant 2 : i32
      %get3A_726 = arith.index_cast %get3A_725 : i32 to index
      %get3A_727 = arith.index_cast %mul3A_724 : i32 to index
      %get3A_728 = tpu.vector_load %arg4[%get3A_726, %get3A_727] {strides = array<i32>} : memref<4x8192xf32, #tpu.memory_space<vmem>>, vector<16xf32>,
      %gt3A_729 = vector.broadcast %squeeze3A_555 : f32 to vector<16xf32>
      %gt3A_730 = arith.cmpf ogt, %get3A_728, %gt3A_729 : vector<16xf32>
      %all_reduce_population_count3A_731 = tpu.all_reduce %gt3A_730 {dim = 0 : i64, kind = #tpu.reduction_kind<sum>} : vector<16xi1> -> vector<16xi32>
      %add3A_732 = arith.addi %add3A_720, %all_reduce_population_count3A_731 : vector<16xi32>
      %scan3A_733 = arith.constant 8 : i32
      %scan3A_734 = arith.addi %scan3A_639, %scan3A_733 : i32
      %mul3A_735 = arith.constant 16 : i32
      %mul3A_736 = arith.muli %scan3A_734, %mul3A_735 : i32
      %get3A_737 = arith.constant 2 : i32
      %get3A_738 = arith.index_cast %get3A_737 : i32 to index
      %get3A_739 = arith.index_cast %mul3A_736 : i32 to index
      %get3A_740 = tpu.vector_load %arg4[%get3A_738, %get3A_739] {strides = array<i32>} : memref<4x8192xf32, #tpu.memory_space<vmem>>, vector<16xf32>,
      %gt3A_741 = vector.broadcast %squeeze3A_555 : f32 to vector<16xf32>
      %gt3A_742 = arith.cmpf ogt, %get3A_740, %gt3A_741 : vector<16xf32>
      %all_reduce_population_count3A_743 = tpu.all_reduce %gt3A_742 {dim = 0 : i64, kind = #tpu.reduction_kind<sum>} : vector<16xi1> -> vector<16xi32>
      %add3A_744 = arith.addi %add3A_732, %all_reduce_population_count3A_743 : vector<16xi32>
      %scan3A_745 = arith.constant 9 : i32
      %scan3A_746 = arith.addi %scan3A_639, %scan3A_745 : i32
      %mul3A_747 = arith.constant 16 : i32
      %mul3A_748 = arith.muli %scan3A_746, %mul3A_747 : i32
      %get3A_749 = arith.constant 2 : i32
      %get3A_750 = arith.index_cast %get3A_749 : i32 to index
      %get3A_751 = arith.index_cast %mul3A_748 : i32 to index
      %get3A_752 = tpu.vector_load %arg4[%get3A_750, %get3A_751] {strides = array<i32>} : memref<4x8192xf32, #tpu.memory_space<vmem>>, vector<16xf32>,
      %gt3A_753 = vector.broadcast %squeeze3A_555 : f32 to vector<16xf32>
      %gt3A_754 = arith.cmpf ogt, %get3A_752, %gt3A_753 : vector<16xf32>
      %all_reduce_population_count3A_755 = tpu.all_reduce %gt3A_754 {dim = 0 : i64, kind = #tpu.reduction_kind<sum>} : vector<16xi1> -> vector<16xi32>
      %add3A_756 = arith.addi %add3A_744, %all_reduce_population_count3A_755 : vector<16xi32>
      %scan3A_757 = arith.constant 10 : i32
      %scan3A_758 = arith.addi %scan3A_639, %scan3A_757 : i32
      %mul3A_759 = arith.constant 16 : i32
      %mul3A_760 = arith.muli %scan3A_758, %mul3A_759 : i32
      %get3A_761 = arith.constant 2 : i32
      %get3A_762 = arith.index_cast %get3A_761 : i32 to index
      %get3A_763 = arith.index_cast %mul3A_760 : i32 to index
      %get3A_764 = tpu.vector_load %arg4[%get3A_762, %get3A_763] {strides = array<i32>} : memref<4x8192xf32, #tpu.memory_space<vmem>>, vector<16xf32>,
      %gt3A_765 = vector.broadcast %squeeze3A_555 : f32 to vector<16xf32>
      %gt3A_766 = arith.cmpf ogt, %get3A_764, %gt3A_765 : vector<16xf32>
      %all_reduce_population_count3A_767 = tpu.all_reduce %gt3A_766 {dim = 0 : i64, kind = #tpu.reduction_kind<sum>} : vector<16xi1> -> vector<16xi32>
      %add3A_768 = arith.addi %add3A_756, %all_reduce_population_count3A_767 : vector<16xi32>
      %scan3A_769 = arith.constant 11 : i32
      %scan3A_770 = arith.addi %scan3A_639, %scan3A_769 : i32
      %mul3A_771 = arith.constant 16 : i32
      %mul3A_772 = arith.muli %scan3A_770, %mul3A_771 : i32
      %get3A_773 = arith.constant 2 : i32
      %get3A_774 = arith.index_cast %get3A_773 : i32 to index
      %get3A_775 = arith.index_cast %mul3A_772 : i32 to index
      %get3A_776 = tpu.vector_load %arg4[%get3A_774, %get3A_775] {strides = array<i32>} : memref<4x8192xf32, #tpu.memory_space<vmem>>, vector<16xf32>,
      %gt3A_777 = vector.broadcast %squeeze3A_555 : f32 to vector<16xf32>
      %gt3A_778 = arith.cmpf ogt, %get3A_776, %gt3A_777 : vector<16xf32>
      %all_reduce_population_count3A_779 = tpu.all_reduce %gt3A_778 {dim = 0 : i64, kind = #tpu.reduction_kind<sum>} : vector<16xi1> -> vector<16xi32>
      %add3A_780 = arith.addi %add3A_768, %all_reduce_population_count3A_779 : vector<16xi32>
      %scan3A_781 = arith.constant 12 : i32
      %scan3A_782 = arith.addi %scan3A_639, %scan3A_781 : i32
      %mul3A_783 = arith.constant 16 : i32
      %mul3A_784 = arith.muli %scan3A_782, %mul3A_783 : i32
      %get3A_785 = arith.constant 2 : i32
      %get3A_786 = arith.index_cast %get3A_785 : i32 to index
      %get3A_787 = arith.index_cast %mul3A_784 : i32 to index
      %get3A_788 = tpu.vector_load %arg4[%get3A_786, %get3A_787] {strides = array<i32>} : memref<4x8192xf32, #tpu.memory_space<vmem>>, vector<16xf32>,
      %gt3A_789 = vector.broadcast %squeeze3A_555 : f32 to vector<16xf32>
      %gt3A_790 = arith.cmpf ogt, %get3A_788, %gt3A_789 : vector<16xf32>
      %all_reduce_population_count3A_791 = tpu.all_reduce %gt3A_790 {dim = 0 : i64, kind = #tpu.reduction_kind<sum>} : vector<16xi1> -> vector<16xi32>
      %add3A_792 = arith.addi %add3A_780, %all_reduce_population_count3A_791 : vector<16xi32>
      %scan3A_793 = arith.constant 13 : i32
      %scan3A_794 = arith.addi %scan3A_639, %scan3A_793 : i32
      %mul3A_795 = arith.constant 16 : i32
      %mul3A_796 = arith.muli %scan3A_794, %mul3A_795 : i32
      %get3A_797 = arith.constant 2 : i32
      %get3A_798 = arith.index_cast %get3A_797 : i32 to index
      %get3A_799 = arith.index_cast %mul3A_796 : i32 to index
      %get3A_800 = tpu.vector_load %arg4[%get3A_798, %get3A_799] {strides = array<i32>} : memref<4x8192xf32, #tpu.memory_space<vmem>>, vector<16xf32>,
      %gt3A_801 = vector.broadcast %squeeze3A_555 : f32 to vector<16xf32>
      %gt3A_802 = arith.cmpf ogt, %get3A_800, %gt3A_801 : vector<16xf32>
      %all_reduce_population_count3A_803 = tpu.all_reduce %gt3A_802 {dim = 0 : i64, kind = #tpu.reduction_kind<sum>} : vector<16xi1> -> vector<16xi32>
      %add3A_804 = arith.addi %add3A_792, %all_reduce_population_count3A_803 : vector<16xi32>
      %scan3A_805 = arith.constant 14 : i32
      %scan3A_806 = arith.addi %scan3A_639, %scan3A_805 : i32
      %mul3A_807 = arith.constant 16 : i32
      %mul3A_808 = arith.muli %scan3A_806, %mul3A_807 : i32
      %get3A_809 = arith.constant 2 : i32
      %get3A_810 = arith.index_cast %get3A_809 : i32 to index
      %get3A_811 = arith.index_cast %mul3A_808 : i32 to index
      %get3A_812 = tpu.vector_load %arg4[%get3A_810, %get3A_811] {strides = array<i32>} : memref<4x8192xf32, #tpu.memory_space<vmem>>, vector<16xf32>,
      %gt3A_813 = vector.broadcast %squeeze3A_555 : f32 to vector<16xf32>
      %gt3A_814 = arith.cmpf ogt, %get3A_812, %gt3A_813 : vector<16xf32>
      %all_reduce_population_count3A_815 = tpu.all_reduce %gt3A_814 {dim = 0 : i64, kind = #tpu.reduction_kind<sum>} : vector<16xi1> -> vector<16xi32>
      %add3A_816 = arith.addi %add3A_804, %all_reduce_population_count3A_815 : vector<16xi32>
      %scan3A_817 = arith.constant 15 : i32
      %scan3A_818 = arith.addi %scan3A_639, %scan3A_817 : i32
      %mul3A_819 = arith.constant 16 : i32
      %mul3A_820 = arith.muli %scan3A_818, %mul3A_819 : i32
      %get3A_821 = arith.constant 2 : i32
      %get3A_822 = arith.index_cast %get3A_821 : i32 to index
      %get3A_823 = arith.index_cast %mul3A_820 : i32 to index
      %get3A_824 = tpu.vector_load %arg4[%get3A_822, %get3A_823] {strides = array<i32>} : memref<4x8192xf32, #tpu.memory_space<vmem>>, vector<16xf32>,
      %gt3A_825 = vector.broadcast %squeeze3A_555 : f32 to vector<16xf32>
      %gt3A_826 = arith.cmpf ogt, %get3A_824, %gt3A_825 : vector<16xf32>
      %all_reduce_population_count3A_827 = tpu.all_reduce %gt3A_826 {dim = 0 : i64, kind = #tpu.reduction_kind<sum>} : vector<16xi1> -> vector<16xi32>
      %add3A_828 = arith.addi %add3A_816, %all_reduce_population_count3A_827 : vector<16xi32>
      scf.yield %add3A_828 : vector<16xi32>
    }
    %scan3A_603 = arith.constant 512 : i32
    %add3A_604 = arith.constant 3 : i32
    %add3A_605 = arith.addi %mul3A_2, %add3A_604 : i32
    %dma_wait3A_606 = arith.constant 3 : i32
    %dma_wait3A_607 = arith.constant 0 : i32
    %dma_wait3A_608 = tpu.memref_slice %arg4[%dma_wait3A_606, %dma_wait3A_607] : memref<4x8192xf32, #tpu.memory_space<vmem>> -> memref<1x8192xf32, #tpu.memory_space<vmem>>
    %dma_wait3A_609 = tpu.memref_squeeze %dma_wait3A_608 : memref<1x8192xf32, #tpu.memory_space<vmem>> -> memref<8192xf32, #tpu.memory_space<vmem>>
    %dma_wait3A_610 = arith.constant 24576 : i32
    %dma_wait3A_611 = tpu.memref_slice %arg2[%add3A_605, %dma_wait3A_610] : memref<128x32768xf32, #tpu.memory_space<hbm>> -> memref<1x8192xf32, #tpu.memory_space<hbm>>
    %dma_wait3A_612 = tpu.memref_squeeze %dma_wait3A_611 : memref<1x8192xf32, #tpu.memory_space<hbm>> -> memref<8192xf32, #tpu.memory_space<hbm>>
    %dma_wait3A_613 = arith.constant 0 : i32
    %dma_wait3A_614 = tpu.memref_slice %arg4[%dma_wait3A_606, %dma_wait3A_613] : memref<4x8192xf32, #tpu.memory_space<vmem>> -> memref<1x8192xf32, #tpu.memory_space<vmem>>
    %dma_wait3A_615 = tpu.memref_squeeze %dma_wait3A_614 : memref<1x8192xf32, #tpu.memory_space<vmem>> -> memref<8192xf32, #tpu.memory_space<vmem>>
    %dma_wait3A_616 = arith.constant 24576 : i32
    %dma_wait3A_617 = tpu.memref_slice %arg2[%add3A_605, %dma_wait3A_616] : memref<128x32768xf32, #tpu.memory_space<hbm>> -> memref<1x8192xf32, #tpu.memory_space<hbm>>
    %dma_wait3A_618 = tpu.memref_squeeze %dma_wait3A_617 : memref<1x8192xf32, #tpu.memory_space<hbm>> -> memref<8192xf32, #tpu.memory_space<hbm>>
    tpu.wait_dma2 semaphore(%arg9 : memref<!tpu.dma_semaphore, #tpu.memory_space<semaphore_mem>>) src(%dma_wait3A_618 : memref<8192xf32, #tpu.memory_space<hbm>>) dst(%dma_wait3A_615 : memref<8192xf32, #tpu.memory_space<vmem>>)
    %scan3A_619 = arith.constant 0 : i32
    %scan3A_620 = arith.constant 512 : i32
    %scan3A_621 = arith.addi %scan3A_619, %scan3A_620 : i32
    %scan3A_622 = arith.constant 16 : i32
    %scan3A_623 = scf.for %scan3A_639 = %scan3A_619 to %scan3A_621 step %scan3A_622 iter_args(%scan3A_640 = %scan3A_602) -> (vector<16xi32>)  : i32 {
      %mul3A_641 = arith.constant 16 : i32
      %mul3A_642 = arith.muli %scan3A_639, %mul3A_641 : i32
      %get3A_643 = arith.constant 3 : i32
      %get3A_644 = arith.index_cast %get3A_643 : i32 to index
      %get3A_645 = arith.index_cast %mul3A_642 : i32 to index
      %get3A_646 = tpu.vector_load %arg4[%get3A_644, %get3A_645] {strides = array<i32>} : memref<4x8192xf32, #tpu.memory_space<vmem>>, vector<16xf32>,
      %gt3A = vector.broadcast %squeeze3A_555 : f32 to vector<16xf32>
      %gt3A_647 = arith.cmpf ogt, %get3A_646, %gt3A : vector<16xf32>
      %all_reduce_population_count3A = tpu.all_reduce %gt3A_647 {dim = 0 : i64, kind = #tpu.reduction_kind<sum>} : vector<16xi1> -> vector<16xi32>
      %add3A_648 = arith.addi %scan3A_640, %all_reduce_population_count3A : vector<16xi32>
      %scan3A_649 = arith.constant 1 : i32
      %scan3A_650 = arith.addi %scan3A_639, %scan3A_649 : i32
      %mul3A_651 = arith.constant 16 : i32
      %mul3A_652 = arith.muli %scan3A_650, %mul3A_651 : i32
      %get3A_653 = arith.constant 3 : i32
      %get3A_654 = arith.index_cast %get3A_653 : i32 to index
      %get3A_655 = arith.index_cast %mul3A_652 : i32 to index
      %get3A_656 = tpu.vector_load %arg4[%get3A_654, %get3A_655] {strides = array<i32>} : memref<4x8192xf32, #tpu.memory_space<vmem>>, vector<16xf32>,
      %gt3A_657 = vector.broadcast %squeeze3A_555 : f32 to vector<16xf32>
      %gt3A_658 = arith.cmpf ogt, %get3A_656, %gt3A_657 : vector<16xf32>
      %all_reduce_population_count3A_659 = tpu.all_reduce %gt3A_658 {dim = 0 : i64, kind = #tpu.reduction_kind<sum>} : vector<16xi1> -> vector<16xi32>
      %add3A_660 = arith.addi %add3A_648, %all_reduce_population_count3A_659 : vector<16xi32>
      %scan3A_661 = arith.constant 2 : i32
      %scan3A_662 = arith.addi %scan3A_639, %scan3A_661 : i32
      %mul3A_663 = arith.constant 16 : i32
      %mul3A_664 = arith.muli %scan3A_662, %mul3A_663 : i32
      %get3A_665 = arith.constant 3 : i32
      %get3A_666 = arith.index_cast %get3A_665 : i32 to index
      %get3A_667 = arith.index_cast %mul3A_664 : i32 to index
      %get3A_668 = tpu.vector_load %arg4[%get3A_666, %get3A_667] {strides = array<i32>} : memref<4x8192xf32, #tpu.memory_space<vmem>>, vector<16xf32>,
      %gt3A_669 = vector.broadcast %squeeze3A_555 : f32 to vector<16xf32>
      %gt3A_670 = arith.cmpf ogt, %get3A_668, %gt3A_669 : vector<16xf32>
      %all_reduce_population_count3A_671 = tpu.all_reduce %gt3A_670 {dim = 0 : i64, kind = #tpu.reduction_kind<sum>} : vector<16xi1> -> vector<16xi32>
      %add3A_672 = arith.addi %add3A_660, %all_reduce_population_count3A_671 : vector<16xi32>
      %scan3A_673 = arith.constant 3 : i32
      %scan3A_674 = arith.addi %scan3A_639, %scan3A_673 : i32
      %mul3A_675 = arith.constant 16 : i32
      %mul3A_676 = arith.muli %scan3A_674, %mul3A_675 : i32
      %get3A_677 = arith.constant 3 : i32
      %get3A_678 = arith.index_cast %get3A_677 : i32 to index
      %get3A_679 = arith.index_cast %mul3A_676 : i32 to index
      %get3A_680 = tpu.vector_load %arg4[%get3A_678, %get3A_679] {strides = array<i32>} : memref<4x8192xf32, #tpu.memory_space<vmem>>, vector<16xf32>,
      %gt3A_681 = vector.broadcast %squeeze3A_555 : f32 to vector<16xf32>
      %gt3A_682 = arith.cmpf ogt, %get3A_680, %gt3A_681 : vector<16xf32>
      %all_reduce_population_count3A_683 = tpu.all_reduce %gt3A_682 {dim = 0 : i64, kind = #tpu.reduction_kind<sum>} : vector<16xi1> -> vector<16xi32>
      %add3A_684 = arith.addi %add3A_672, %all_reduce_population_count3A_683 : vector<16xi32>
      %scan3A_685 = arith.constant 4 : i32
      %scan3A_686 = arith.addi %scan3A_639, %scan3A_685 : i32
      %mul3A_687 = arith.constant 16 : i32
      %mul3A_688 = arith.muli %scan3A_686, %mul3A_687 : i32
      %get3A_689 = arith.constant 3 : i32
      %get3A_690 = arith.index_cast %get3A_689 : i32 to index
      %get3A_691 = arith.index_cast %mul3A_688 : i32 to index
      %get3A_692 = tpu.vector_load %arg4[%get3A_690, %get3A_691] {strides = array<i32>} : memref<4x8192xf32, #tpu.memory_space<vmem>>, vector<16xf32>,
      %gt3A_693 = vector.broadcast %squeeze3A_555 : f32 to vector<16xf32>
      %gt3A_694 = arith.cmpf ogt, %get3A_692, %gt3A_693 : vector<16xf32>
      %all_reduce_population_count3A_695 = tpu.all_reduce %gt3A_694 {dim = 0 : i64, kind = #tpu.reduction_kind<sum>} : vector<16xi1> -> vector<16xi32>
      %add3A_696 = arith.addi %add3A_684, %all_reduce_population_count3A_695 : vector<16xi32>
      %scan3A_697 = arith.constant 5 : i32
      %scan3A_698 = arith.addi %scan3A_639, %scan3A_697 : i32
      %mul3A_699 = arith.constant 16 : i32
      %mul3A_700 = arith.muli %scan3A_698, %mul3A_699 : i32
      %get3A_701 = arith.constant 3 : i32
      %get3A_702 = arith.index_cast %get3A_701 : i32 to index
      %get3A_703 = arith.index_cast %mul3A_700 : i32 to index
      %get3A_704 = tpu.vector_load %arg4[%get3A_702, %get3A_703] {strides = array<i32>} : memref<4x8192xf32, #tpu.memory_space<vmem>>, vector<16xf32>,
      %gt3A_705 = vector.broadcast %squeeze3A_555 : f32 to vector<16xf32>
      %gt3A_706 = arith.cmpf ogt, %get3A_704, %gt3A_705 : vector<16xf32>
      %all_reduce_population_count3A_707 = tpu.all_reduce %gt3A_706 {dim = 0 : i64, kind = #tpu.reduction_kind<sum>} : vector<16xi1> -> vector<16xi32>
      %add3A_708 = arith.addi %add3A_696, %all_reduce_population_count3A_707 : vector<16xi32>
      %scan3A_709 = arith.constant 6 : i32
      %scan3A_710 = arith.addi %scan3A_639, %scan3A_709 : i32
      %mul3A_711 = arith.constant 16 : i32
      %mul3A_712 = arith.muli %scan3A_710, %mul3A_711 : i32
      %get3A_713 = arith.constant 3 : i32
      %get3A_714 = arith.index_cast %get3A_713 : i32 to index
      %get3A_715 = arith.index_cast %mul3A_712 : i32 to index
      %get3A_716 = tpu.vector_load %arg4[%get3A_714, %get3A_715] {strides = array<i32>} : memref<4x8192xf32, #tpu.memory_space<vmem>>, vector<16xf32>,
      %gt3A_717 = vector.broadcast %squeeze3A_555 : f32 to vector<16xf32>
      %gt3A_718 = arith.cmpf ogt, %get3A_716, %gt3A_717 : vector<16xf32>
      %all_reduce_population_count3A_719 = tpu.all_reduce %gt3A_718 {dim = 0 : i64, kind = #tpu.reduction_kind<sum>} : vector<16xi1> -> vector<16xi32>
      %add3A_720 = arith.addi %add3A_708, %all_reduce_population_count3A_719 : vector<16xi32>
      %scan3A_721 = arith.constant 7 : i32
      %scan3A_722 = arith.addi %scan3A_639, %scan3A_721 : i32
      %mul3A_723 = arith.constant 16 : i32
      %mul3A_724 = arith.muli %scan3A_722, %mul3A_723 : i32
      %get3A_725 = arith.constant 3 : i32
      %get3A_726 = arith.index_cast %get3A_725 : i32 to index
      %get3A_727 = arith.index_cast %mul3A_724 : i32 to index
      %get3A_728 = tpu.vector_load %arg4[%get3A_726, %get3A_727] {strides = array<i32>} : memref<4x8192xf32, #tpu.memory_space<vmem>>, vector<16xf32>,
      %gt3A_729 = vector.broadcast %squeeze3A_555 : f32 to vector<16xf32>
      %gt3A_730 = arith.cmpf ogt, %get3A_728, %gt3A_729 : vector<16xf32>
      %all_reduce_population_count3A_731 = tpu.all_reduce %gt3A_730 {dim = 0 : i64, kind = #tpu.reduction_kind<sum>} : vector<16xi1> -> vector<16xi32>
      %add3A_732 = arith.addi %add3A_720, %all_reduce_population_count3A_731 : vector<16xi32>
      %scan3A_733 = arith.constant 8 : i32
      %scan3A_734 = arith.addi %scan3A_639, %scan3A_733 : i32
      %mul3A_735 = arith.constant 16 : i32
      %mul3A_736 = arith.muli %scan3A_734, %mul3A_735 : i32
      %get3A_737 = arith.constant 3 : i32
      %get3A_738 = arith.index_cast %get3A_737 : i32 to index
      %get3A_739 = arith.index_cast %mul3A_736 : i32 to index
      %get3A_740 = tpu.vector_load %arg4[%get3A_738, %get3A_739] {strides = array<i32>} : memref<4x8192xf32, #tpu.memory_space<vmem>>, vector<16xf32>,
      %gt3A_741 = vector.broadcast %squeeze3A_555 : f32 to vector<16xf32>
      %gt3A_742 = arith.cmpf ogt, %get3A_740, %gt3A_741 : vector<16xf32>
      %all_reduce_population_count3A_743 = tpu.all_reduce %gt3A_742 {dim = 0 : i64, kind = #tpu.reduction_kind<sum>} : vector<16xi1> -> vector<16xi32>
      %add3A_744 = arith.addi %add3A_732, %all_reduce_population_count3A_743 : vector<16xi32>
      %scan3A_745 = arith.constant 9 : i32
      %scan3A_746 = arith.addi %scan3A_639, %scan3A_745 : i32
      %mul3A_747 = arith.constant 16 : i32
      %mul3A_748 = arith.muli %scan3A_746, %mul3A_747 : i32
      %get3A_749 = arith.constant 3 : i32
      %get3A_750 = arith.index_cast %get3A_749 : i32 to index
      %get3A_751 = arith.index_cast %mul3A_748 : i32 to index
      %get3A_752 = tpu.vector_load %arg4[%get3A_750, %get3A_751] {strides = array<i32>} : memref<4x8192xf32, #tpu.memory_space<vmem>>, vector<16xf32>,
      %gt3A_753 = vector.broadcast %squeeze3A_555 : f32 to vector<16xf32>
      %gt3A_754 = arith.cmpf ogt, %get3A_752, %gt3A_753 : vector<16xf32>
      %all_reduce_population_count3A_755 = tpu.all_reduce %gt3A_754 {dim = 0 : i64, kind = #tpu.reduction_kind<sum>} : vector<16xi1> -> vector<16xi32>
      %add3A_756 = arith.addi %add3A_744, %all_reduce_population_count3A_755 : vector<16xi32>
      %scan3A_757 = arith.constant 10 : i32
      %scan3A_758 = arith.addi %scan3A_639, %scan3A_757 : i32
      %mul3A_759 = arith.constant 16 : i32
      %mul3A_760 = arith.muli %scan3A_758, %mul3A_759 : i32
      %get3A_761 = arith.constant 3 : i32
      %get3A_762 = arith.index_cast %get3A_761 : i32 to index
      %get3A_763 = arith.index_cast %mul3A_760 : i32 to index
      %get3A_764 = tpu.vector_load %arg4[%get3A_762, %get3A_763] {strides = array<i32>} : memref<4x8192xf32, #tpu.memory_space<vmem>>, vector<16xf32>,
      %gt3A_765 = vector.broadcast %squeeze3A_555 : f32 to vector<16xf32>
      %gt3A_766 = arith.cmpf ogt, %get3A_764, %gt3A_765 : vector<16xf32>
      %all_reduce_population_count3A_767 = tpu.all_reduce %gt3A_766 {dim = 0 : i64, kind = #tpu.reduction_kind<sum>} : vector<16xi1> -> vector<16xi32>
      %add3A_768 = arith.addi %add3A_756, %all_reduce_population_count3A_767 : vector<16xi32>
      %scan3A_769 = arith.constant 11 : i32
      %scan3A_770 = arith.addi %scan3A_639, %scan3A_769 : i32
      %mul3A_771 = arith.constant 16 : i32
      %mul3A_772 = arith.muli %scan3A_770, %mul3A_771 : i32
      %get3A_773 = arith.constant 3 : i32
      %get3A_774 = arith.index_cast %get3A_773 : i32 to index
      %get3A_775 = arith.index_cast %mul3A_772 : i32 to index
      %get3A_776 = tpu.vector_load %arg4[%get3A_774, %get3A_775] {strides = array<i32>} : memref<4x8192xf32, #tpu.memory_space<vmem>>, vector<16xf32>,
      %gt3A_777 = vector.broadcast %squeeze3A_555 : f32 to vector<16xf32>
      %gt3A_778 = arith.cmpf ogt, %get3A_776, %gt3A_777 : vector<16xf32>
      %all_reduce_population_count3A_779 = tpu.all_reduce %gt3A_778 {dim = 0 : i64, kind = #tpu.reduction_kind<sum>} : vector<16xi1> -> vector<16xi32>
      %add3A_780 = arith.addi %add3A_768, %all_reduce_population_count3A_779 : vector<16xi32>
      %scan3A_781 = arith.constant 12 : i32
      %scan3A_782 = arith.addi %scan3A_639, %scan3A_781 : i32
      %mul3A_783 = arith.constant 16 : i32
      %mul3A_784 = arith.muli %scan3A_782, %mul3A_783 : i32
      %get3A_785 = arith.constant 3 : i32
      %get3A_786 = arith.index_cast %get3A_785 : i32 to index
      %get3A_787 = arith.index_cast %mul3A_784 : i32 to index
      %get3A_788 = tpu.vector_load %arg4[%get3A_786, %get3A_787] {strides = array<i32>} : memref<4x8192xf32, #tpu.memory_space<vmem>>, vector<16xf32>,
      %gt3A_789 = vector.broadcast %squeeze3A_555 : f32 to vector<16xf32>
      %gt3A_790 = arith.cmpf ogt, %get3A_788, %gt3A_789 : vector<16xf32>
      %all_reduce_population_count3A_791 = tpu.all_reduce %gt3A_790 {dim = 0 : i64, kind = #tpu.reduction_kind<sum>} : vector<16xi1> -> vector<16xi32>
      %add3A_792 = arith.addi %add3A_780, %all_reduce_population_count3A_791 : vector<16xi32>
      %scan3A_793 = arith.constant 13 : i32
      %scan3A_794 = arith.addi %scan3A_639, %scan3A_793 : i32
      %mul3A_795 = arith.constant 16 : i32
      %mul3A_796 = arith.muli %scan3A_794, %mul3A_795 : i32
      %get3A_797 = arith.constant 3 : i32
      %get3A_798 = arith.index_cast %get3A_797 : i32 to index
      %get3A_799 = arith.index_cast %mul3A_796 : i32 to index
      %get3A_800 = tpu.vector_load %arg4[%get3A_798, %get3A_799] {strides = array<i32>} : memref<4x8192xf32, #tpu.memory_space<vmem>>, vector<16xf32>,
      %gt3A_801 = vector.broadcast %squeeze3A_555 : f32 to vector<16xf32>
      %gt3A_802 = arith.cmpf ogt, %get3A_800, %gt3A_801 : vector<16xf32>
      %all_reduce_population_count3A_803 = tpu.all_reduce %gt3A_802 {dim = 0 : i64, kind = #tpu.reduction_kind<sum>} : vector<16xi1> -> vector<16xi32>
      %add3A_804 = arith.addi %add3A_792, %all_reduce_population_count3A_803 : vector<16xi32>
      %scan3A_805 = arith.constant 14 : i32
      %scan3A_806 = arith.addi %scan3A_639, %scan3A_805 : i32
      %mul3A_807 = arith.constant 16 : i32
      %mul3A_808 = arith.muli %scan3A_806, %mul3A_807 : i32
      %get3A_809 = arith.constant 3 : i32
      %get3A_810 = arith.index_cast %get3A_809 : i32 to index
      %get3A_811 = arith.index_cast %mul3A_808 : i32 to index
      %get3A_812 = tpu.vector_load %arg4[%get3A_810, %get3A_811] {strides = array<i32>} : memref<4x8192xf32, #tpu.memory_space<vmem>>, vector<16xf32>,
      %gt3A_813 = vector.broadcast %squeeze3A_555 : f32 to vector<16xf32>
      %gt3A_814 = arith.cmpf ogt, %get3A_812, %gt3A_813 : vector<16xf32>
      %all_reduce_population_count3A_815 = tpu.all_reduce %gt3A_814 {dim = 0 : i64, kind = #tpu.reduction_kind<sum>} : vector<16xi1> -> vector<16xi32>
      %add3A_816 = arith.addi %add3A_804, %all_reduce_population_count3A_815 : vector<16xi32>
      %scan3A_817 = arith.constant 15 : i32
      %scan3A_818 = arith.addi %scan3A_639, %scan3A_817 : i32
      %mul3A_819 = arith.constant 16 : i32
      %mul3A_820 = arith.muli %scan3A_818, %mul3A_819 : i32
      %get3A_821 = arith.constant 3 : i32
      %get3A_822 = arith.index_cast %get3A_821 : i32 to index
      %get3A_823 = arith.index_cast %mul3A_820 : i32 to index
      %get3A_824 = tpu.vector_load %arg4[%get3A_822, %get3A_823] {strides = array<i32>} : memref<4x8192xf32, #tpu.memory_space<vmem>>, vector<16xf32>,
      %gt3A_825 = vector.broadcast %squeeze3A_555 : f32 to vector<16xf32>
      %gt3A_826 = arith.cmpf ogt, %get3A_824, %gt3A_825 : vector<16xf32>
      %all_reduce_population_count3A_827 = tpu.all_reduce %gt3A_826 {dim = 0 : i64, kind = #tpu.reduction_kind<sum>} : vector<16xi1> -> vector<16xi32>
      %add3A_828 = arith.addi %add3A_816, %all_reduce_population_count3A_827 : vector<16xi32>
      scf.yield %add3A_828 : vector<16xi32>
    }
    %scan3A_624 = arith.constant 512 : i32
    %eq3A_625 = arith.constant 3 : i32
    %eq3A_626 = vector.broadcast %eq3A_625 : i32 to vector<16xi32>
    %eq3A_627 = arith.cmpi eq, %iota3A, %eq3A_626 : vector<16xi32>
    %slice3A_628 = vector.extract_strided_slice %scan3A_623 {offsets = [0], sizes = [1], strides = [1]} : vector<16xi32> to vector<1xi32>
    %squeeze3A_629 = vector.extract %slice3A_628[0] : i32 from vector<1xi32>
    %broadcast_in_dim3A_630 = vector.broadcast %squeeze3A_629 : i32 to vector<16xi32>
    %select_n3A_631 = arith.select %eq3A_627, %broadcast_in_dim3A_630, %select_n3A_517 : vector<16xi1>, vector<16xi32>
    %swap3A = arith.constant 0 : index
    %swap3A_632 = tpu.vector_load %arg5[%swap3A] {strides = array<i32>} : memref<16xi32, #tpu.memory_space<vmem>>, vector<16xi32>,
    tpu.vector_store %arg5[%swap3A], %select_n3A_631 {strides = array<i32>} : memref<16xi32, #tpu.memory_space<vmem>>, vector<16xi32>,
    %mul3A_633 = arith.constant 16 : i32
    %mul3A_634 = arith.muli %add3A, %mul3A_633 : i32
    %dma_start3A_635 = tpu.memref_slice %arg3[%mul3A_634] : memref<512xi32, #tpu.memory_space<hbm>> -> memref<16xi32, #tpu.memory_space<hbm>>
    %dma_start3A_636 = tpu.memref_slice %arg3[%mul3A_634] : memref<512xi32, #tpu.memory_space<hbm>> -> memref<16xi32, #tpu.memory_space<hbm>>
    tpu.enqueue_dma source(%arg5 : memref<16xi32, #tpu.memory_space<vmem>>) target(%dma_start3A_636 : memref<16xi32, #tpu.memory_space<hbm>>) target_semaphore(%arg10 : memref<!tpu.dma_semaphore, #tpu.memory_space<semaphore_mem>>)
    %dma_wait3A_637 = tpu.memref_slice %arg3[%mul3A_634] : memref<512xi32, #tpu.memory_space<hbm>> -> memref<16xi32, #tpu.memory_space<hbm>>
    %dma_wait3A_638 = tpu.memref_slice %arg3[%mul3A_634] : memref<512xi32, #tpu.memory_space<hbm>> -> memref<16xi32, #tpu.memory_space<hbm>>
    tpu.wait_dma2 semaphore(%arg10 : memref<!tpu.dma_semaphore, #tpu.memory_space<semaphore_mem>>) src(%arg5 : memref<16xi32, #tpu.memory_space<vmem>>) dst(%dma_wait3A_638 : memref<16xi32, #tpu.memory_space<hbm>>)
    return
  }
}

module attributes {stable_mosaic.version = 14 : i64} {
  func.func @_expand_kernel(%arg0: i32, %arg1: memref<16x1xi32, #tpu.memory_space<vmem>>, %arg2: memref<16x32768xf32, #tpu.memory_space<vmem>>) attributes {dimension_semantics = [#tpu.dimension_semantics<arbitrary>], iteration_bounds = array<i64: 8>, scalar_prefetch = 0 : i64, scratch_operands = 0 : i64, tpu.core_type = #tpu.core_type<tc>, window_params = [{transform_indices = @transform_0, window_bounds = array<i64: 16, 1>}, {transform_indices = @transform_1, window_bounds = array<i64: 16, 32768>}]} {
    %get3A = arith.constant 0 : index
    %get3A_0 = arith.constant 0 : index
    %get3A_1 = vector.load %arg1[%get3A, %get3A_0] : memref<16x1xi32, #tpu.memory_space<vmem>>, vector<16x1xi32>
    %iota3A = tpu.iota {dimensions = array<i32: 1>} : vector<16x32768xi32>
    %eq3A = vector.broadcast %get3A_1 : vector<16x1xi32> to vector<16x32768xi32>
    %eq3A_2 = arith.cmpi eq, %iota3A, %eq3A : vector<16x32768xi32>
    %convert_element_type3A = arith.extui %eq3A_2 : vector<16x32768xi1> to vector<16x32768xi32>
    %convert_element_type3A_3 = arith.sitofp %convert_element_type3A : vector<16x32768xi32> to vector<16x32768xf32>
    %swap3A = arith.constant 0 : index
    %swap3A_4 = arith.constant 0 : index
    %swap3A_5 = vector.load %arg2[%swap3A, %swap3A_4] : memref<16x32768xf32, #tpu.memory_space<vmem>>, vector<16x32768xf32>
    tpu.vector_store %arg2[%swap3A, %swap3A_4], %convert_element_type3A_3 {strides = array<i32>} : memref<16x32768xf32, #tpu.memory_space<vmem>>, vector<16x32768xf32>,
    return
  }
  func.func @transform_0(%arg0: i32) -> (i32, i32) {
    %c0_i32 = arith.constant 0 : i32
    %c0_i32_0 = arith.constant 0 : i32
    return %arg0, %c0_i32 : i32, i32
  }
  func.func @transform_1(%arg0: i32) -> (i32, i32) {
    %c0_i32 = arith.constant 0 : i32
    %c0_i32_0 = arith.constant 0 : i32
    return %arg0, %c0_i32 : i32, i32
  }
}

</mosaic_0001>

<sc_bundles>
// kernel: kernel.4.cloned.1.call-start
scs
__scs_entry_jumppad:
0x0: {  	(pc) =	sbr.rel $0x88, $3  }
0x1: {  	(tag) =	ssettag $0x0;
	lr =	simm.s32 $0x1  }
0x2: {  	[smem:$0x3FA0] =	sst lr;
	_ =	strace $0xD0000000  }
0x3: {  	_ = 	snop  }
0x4: {  	_ = 	snop  }
0x5: {  	_ = 	snop  }
0x6: {  	_ = 	snop  }
0x7: {  	_ = 	snop  }
__scs_overlays_trampoline_lowered:
0x8: {  	[smem:$0x3FAF] =	sst s0  }
0x9: {  	[smem:$0x3FB0] =	sst s1  }
0xa: {  	[smem:$0x3FB1] =	sst s2  }
0xb: {  	[smem:$0x3FB2] =	sst s3  }
0xc: {  	[smem:$0x3FB3] =	sst s4  }
0xd: {  	[smem:$0x3FB4] =	sst s5  }
0xe: {  	[smem:$0x3FB5] =	sst s6  }
0xf: {  	[smem:$0x3FB6] =	sst s7  }
0x10: {  	[smem:$0x3FB7] =	sst s8  }
0x11: {  	[smem:$0x3FB8] =	sst s9;
	s0 =	simm.s32 @!p0 $0x0  }
0x12: {  	s1 =	sld [smem:$0x3F9E];
	s0 =	simm.s32 @p0 $0x1  }
0x13: {  	[smem:$0x3FB9] =	sst s0;
	s0 =	simm.s32 @!p1 $0x0  }
0x14: {  	s2 =	sld [smem:$0x3F9D];
	s0 =	simm.s32 @p1 $0x1  }
0x15: {  	[smem:$0x3FBA] =	sst s0;
	s0 =	simm.s32 @!p2 $0x0  }
0x16: {  	s3 =	sld [smem:$0x3FDB];
	s0 =	simm.s32 @p2 $0x1  }
0x17: {  	s4 =	simm.s32 $0x1BF5;
	[smem:$0x3FBC] =	sst s0  }
0x18: {  	s0 =	sld [smem:$0x3F9F];
	_ =	swait.ge [sflag:s4], $0x0  }
0x19: {  	s7 =	sld [smem:$0x3FA0]  }
0x1a: {  	s8 =	sadd.s32 $0xFFFFE003, lr  }
0x1b: {  	s9 =	sadd.s32 $0xFFFFFEF7, lr;
	s5 =	simm.s32 $0xFFFFFFFF;
	p2 =	slt.u32 s8, $0xFFFFF086  }
0x1c: {  	p1 =	slt.u32 s9, $0xF7A;
	s5 =	simm.s32 @!p2 $0x0  }
0x1d: {  	s5 =	simm.s32 @p1 $0x1;
	p0 =	seq.s32 s7, s2  }
0x1e: {  	s7 =	smul.u32 @!p0 $0xF7A, s2;
	p2 =	seq.s32 @!p0 s5, $0x0  }
0x1f: {  	s9 =	smul.u32 $0xF7A, s1;
	s8 =	simm.s32 @!p0 $0x1BF5;
	p2 =	por !p2, p0  }
0x20: {  	[sflag:s8] =	ssyncset.s32 @!p0 $0xFFFFF086;
	s6 =	sadd.s32 @!p0 s3, s7;
	s7 =	simm.s32 @!p0 $0x108  }
0x21: {  	s3 =	sadd.s32 s3, s9;
	s6 =	sadd.s32 @!p0 $0x88, s6;
	s7 =	simm.s32 @p2 $0x1082  }
0x22: {  	[simem:s7], [sflag:s8] =	dma.local @!p0 [hbm:s6], $0xF7A  }
0x23: {  	s9 =	sor.u32 $0xD0000000, s2;
	s6 =	simm.s32 $0x108;
	_ =	swait.ge @!p0 [sflag:s8], $0x0  }
0x24: {  	s3 =	sadd.s32 $0x88, s3;
	s6 =	simm.s32 @!p1 $0x1082;
	[sflag:s4] =	ssyncset.s32 $0xFFFFF086  }
0x25: {  	[simem:s6], [sflag:s4] =	dma.local [hbm:s3], $0xF7A  }
0x26: {  	[smem:$0x3FA0] =	sst s1;
	(tag) =	ssettag s2;
	_ =	strace s9  }
0x27: {  	s1 =	sld [smem:$0x3FB0]  }
0x28: {  	s2 =	sld [smem:$0x3FB1]  }
0x29: {  	s4 =	sld [smem:$0x3FB3]  }
0x2a: {  	p0 =	seq.s32 s5, $0x0;
	s5 =	sld [smem:$0x3FB4]  }
0x2b: {  	s6 =	sld [smem:$0x3FB5]  }
0x2c: {  	s7 =	sld [smem:$0x3FB6]  }
0x2d: {  	s3 =	simm.s32 $0x108;
	s8 =	sld [smem:$0x3FB7]  }
0x2e: {  	s3 =	simm.s32 @!p0 $0x1082;
	s9 =	sld [smem:$0x3FB8]  }
0x2f: {  	lr =	sadd.s32 s0, s3;
	s0 =	sld [smem:$0x3FAF]  }
0x30: {  	s3 =	sld [smem:$0x3FB2]  }
0x31: {  	[smem:$0x3FBB] =	sst s10  }
0x32: {  	s10 =	sld [smem:$0x3FB9];
	_ =	sdelay $0x3  }
0x33: {  	p0 =	seq.s32 s10, $0x1;
	s10 =	sld [smem:$0x3FBB];
	_ =	sdelay $0x3  }
0x34: {  	[smem:$0x3FBB] =	sst s10  }
0x35: {  	s10 =	sld [smem:$0x3FBA];
	_ =	sdelay $0x3  }
0x36: {  	p1 =	seq.s32 s10, $0x1;
	s10 =	sld [smem:$0x3FBB];
	_ =	sdelay $0x3  }
0x37: {  	[smem:$0x3FBB] =	sst s10  }
0x38: {  	s10 =	sld [smem:$0x3FBC]  }
0x39: {  	_ = 	snop;
	(pc) =	sbr.ind lr, $3  }
0x3a: {  	_ = 	snop  }
0x3b: {  	_ = 	snop  }
0x3c: {  	p2 =	seq.s32 s10, $0x1;
	s10 =	sld [smem:$0x3FBB]  }
0x3d: {  	_ =	shalt  }
0x3e: {  	_ =	shalt  }
0x3f: {  	_ =	shalt  }
0x40: {  	_ =	shalt  }
0x41: {  	_ =	shalt  }
0x42: {  	_ =	shalt  }
0x43: {  	_ =	shalt  }
0x44: {  	_ =	shalt  }
0x45: {  	_ =	shalt  }
0x46: {  	_ =	shalt  }
0x47: {  	_ =	shalt  }
0x48: {  	_ =	shalt  }
0x49: {  	_ =	shalt  }
0x4a: {  	_ =	shalt  }
0x4b: {  	_ =	shalt  }
0x4c: {  	_ =	shalt  }
0x4d: {  	_ =	shalt  }
0x4e: {  	_ =	shalt  }
0x4f: {  	_ =	shalt  }
0x50: {  	_ =	shalt  }
0x51: {  	_ =	shalt  }
0x52: {  	_ =	shalt  }
0x53: {  	_ =	shalt  }
0x54: {  	_ =	shalt  }
0x55: {  	_ =	shalt  }
0x56: {  	_ =	shalt  }
0x57: {  	_ =	shalt  }
0x58: {  	_ =	shalt  }
0x59: {  	_ =	shalt  }
0x5a: {  	_ =	shalt  }
0x5b: {  	_ =	shalt  }
0x5c: {  	_ =	shalt  }
0x5d: {  	_ =	shalt  }
0x5e: {  	_ =	shalt  }
0x5f: {  	_ =	shalt  }
0x60: {  	_ =	shalt  }
0x61: {  	_ =	shalt  }
0x62: {  	_ =	shalt  }
0x63: {  	_ =	shalt  }
0x64: {  	_ =	shalt  }
0x65: {  	_ =	shalt  }
0x66: {  	_ =	shalt  }
0x67: {  	_ =	shalt  }
0x68: {  	_ =	shalt  }
0x69: {  	_ =	shalt  }
0x6a: {  	_ =	shalt  }
0x6b: {  	_ =	shalt  }
0x6c: {  	_ =	shalt  }
0x6d: {  	_ =	shalt  }
0x6e: {  	_ =	shalt  }
0x6f: {  	_ =	shalt  }
0x70: {  	_ =	shalt  }
0x71: {  	_ =	shalt  }
0x72: {  	_ =	shalt  }
0x73: {  	_ =	shalt  }
0x74: {  	_ =	shalt  }
0x75: {  	_ =	shalt  }
0x76: {  	_ =	shalt  }
0x77: {  	_ =	shalt  }
0x78: {  	_ =	shalt  }
0x79: {  	_ =	shalt  }
0x7a: {  	_ =	shalt  }
0x7b: {  	_ =	shalt  }
0x7c: {  	_ =	shalt  }
0x7d: {  	_ =	shalt  }
0x7e: {  	_ =	shalt  }
0x7f: {  	_ =	shalt  }
0x80: {  	_ =	shalt  }
0x81: {  	_ =	shalt  }
0x82: {  	_ =	shalt  }
0x83: {  	_ =	shalt  }
0x84: {  	_ =	shalt  }
0x85: {  	_ =	shalt  }
0x86: {  	_ =	shalt  }
0x87: {  	_ =	shalt  }
.Lfunc_end0:
.L_simem_size_0:
called_computation_lowered:
.L_overlay_start_0:
0x88: {  	s2 =	sld [smem:$0x3FD9]  }
0x89: {  	s3 =	sld [smem:$0x3FFE];
	_ =	sdelay $0x1  }
0x8a: {  	s1 =	srdreg.scid  }
0x8b: {  	s0 =	sand.u32 $0x1, s1  }
0x8c: {  	s18 =	sshll.u32 s0, $0xA;
	s2 =	sadd.s32 s3, s2  }
0x8d: {  	s2 =	sadd.s32 s2, s18  }
0x8e: {  	[smem:$0x3FC7] =	sst s2  }
0x8f: {  	_ = 	snop  }
0x90: {  	s2 =	sld [smem:$0x3FC9]  }
0x91: {  	s19 =	sld [smem:$0x3FD0];
	(tm) =	ssettm $0x1  }
0x92: {  	s4 =	sld [smem:$0x3FFB];
	_ =	sdelay $0x3  }
0x93: {  	_ =	strace s4  }
0x94: {  	s4 =	sld [smem:$0x3FFC];
	_ =	sdelay $0x3  }
0x95: {  	_ =	strace s4  }
0x96: {  	s4 =	sld [smem:$0x3FFD];
	_ =	sdelay $0x3  }
0x97: {  	_ =	strace s4  }
0x98: {  	_ =	strace $0x8FFFFFFF  }
0x99: {  	s20 =	sld [smem:$0x3FDB];
	_ =	sdelay $0x1  }
0x9a: {  	s5 =	simm.s32 $_scs_section_size  }
0x9b: {  	s6 =	simm.s32 $_size__tile_overlayer_lowered;
	s7 =	simm.s32 $_tile_overlayer_lowered  }
0x9c: {  	s23 =	simm.s32 $0x1BFF;
	s22 =	sshll.u32 s7, $0x1;
	s4 =	sadd.s32 s5, s20  }
0x9d: {  	s8 =	simm.s32 $0x0;
	s21 =	sshll.u32 s6, $0x1;
	s6 =	sadd.s32 s22, s4  }
0x9e: {  	[timem:s8], [sflag:s23] =	dma.local [hbm:s6], s21  }
0x9f: {  	_ =	swait.ge [sflag:s23], s21  }
0xa0: {  	s5 =	ssub.s32 $0x0, s21;
	[sflag:s23] =	ssyncset.done $0x0  }
0xa1: {  	[sflag:s23] =	ssyncadd.s32 s5;
	_ =	sdelay $0x1  }
0xa2: {  	s24 =	simm.s32 $0x1B8B  }
0xa3: {  	_ =	swait.ge [sflag:s24], $0x1  }
0xa4: {  	[sflag:s24] =	ssyncset.done $0x0  }
0xa5: {  	s25 =	simm.s32 $0x1B8E;
	[sflag:s24] =	ssyncadd.s32 $0xFFFFFFFF  }
0xa6: {  	s26 =	simm.s32 $execute0_lowered;
	[smem:$0x3FD2] =	sst s25  }
0xa7: {  	s5 =	sshll.u32 s26, $0x1;
	_ =	strace $0x80000046;
	[dreg:$0x1] =	wrdreg $0xFFFFFFFF  }
0xa8: {  	s28 =	simm.s32 $_size_execute0_lowered;
	s4 =	sadd.s32 s4, s5;
	[dreg:$0x0] =	wrdreg $0x0  }
0xa9: {  	s5 =	sshll.u32 s28, $0x1;
	[dreg:$0x2] =	wrdreg s4  }
0xaa: {  	[dreg:$0x3] =	wrdreg s5  }
0xab: {  	[dreg:$0x4] =	wrdreg $0xC0  }
0xac: {  	_ =	task [dreg:s8], $0x5FFFF  }
0xad: {  	[dreg:$0x1] =	wrdreg $0xFFFFFFFF  }
0xae: {  	[dreg:$0x0] =	wrdreg $0x60  }
0xaf: {  	[dreg:$0x2] =	wrdreg s2  }
0xb0: {  	[dreg:$0x3] =	wrdreg s19  }
0xb1: {  	[dreg:$0x4] =	wrdreg $0x9  }
0xb2: {  	_ =	task.clear_ibuf [dreg:s8], $0x5FFFF;
	_ =	strace $0x90000046  }
0xb3: {  	s29 =	simm.s32 $0x9;
	_ =	strace $0x80000048  }
0xb4: {  	_ =	swait.ge [sflag:s29], $0x1  }
0xb5: {  	[sflag:s29] =	ssyncadd.s32 $0xFFFFFFFF  }
0xb6: {  	_ =	strace $0x90000048  }
0xb7: {  	_ =	sfence  }
0xb8: {  	s30 =	sld [smem:$0x0];
	_ =	sdelay $0x2  }
0xb9: {  	s31 =	sshll.u32 s1, $0xD;
	s1 =	sshrl.u32 s1, $0x2  }
0xba: {  	s3 =	sand.u32 $0x4000, s31;
	s1 =	sadd.s32 s1, s30  }
0xbb: {  	s0 =	sor.u32 s3, s0;
	s1 =	sshll.u32 s1, $0x11  }
0xbc: {  	s0 =	sor.u32 s1, s0  }
0xbd: {  	s0 =	sadd.s32 $0x8F2B, s0  }
0xbe: {  	[sflag:s0] =	ssyncadd.remote.s32 $0x1  }
0xbf: {  	_ =	sfence.sel $0xFFFF  }
0xc0: {  	[dreg:$0x0] =	wrdreg $0xFFFFFFFF;
	(pc) =	sbr.abs _section_cstart, $3  }
0xc1: {  	[dreg:$0x1] =	wrdreg $0xFFFFFFFF  }
0xc2: {  	_ =	task.clear_ibuf [dreg:s8], $0x2FFFF;
	_ =	strace $0x9FFFFFFF  }
0xc3: {  	(tm) =	ssettm $0x7FFFFFFF  }
tec
execute0_lowered:
.L_overlay_start_1:
0x0: {  	(tag) =	ssettag $0x1  }
0x1: {  	s1 =	rddreg [dreg:$0x0];
	s2 =	srdreg.scid  }
0x2: {  	s0 =	stileid.u32;
	s19 =	rddreg [dreg:$0x1]  }
0x3: {  	s28 =	simm.s32 $0x0;
	s3 =	sand.u32 $0x1, s2;
	s4 =	sshll.u32 s0, $0x1  }
0x4: {  	s2 =	simm.s32 $0x0;
	s16 =	sadd.s32 $0x2000, s1;
	s20 =	sor.u32 s3, s4  }
0x5: {  	[smem:$0x7FF] =	sst s2;
	s22 =	ssub.s32 $0x2, s3;
	s12 =	sshll.u32 s3, $0x9  }
0x6: {  	s14 =	sshll.u32 s20, $0x11;
	_ =	strace $0x80000047;
	s23 =	sshrl.u32 s22, $0x1  }
0x7: {  	s7 =	sor.u32 $0x80, s12;
	s11 =	sor.u32 $0x100, s12;
	s31 =	sshll.u32 s20, $0x1  }
0x8: {  	s15 =	sand.u32 $0x3C0000, s14;
	s21 =	ssub.s32 s22, s23;
	s25 =	sor.u32 s12, s14  }
0x9: {  	s22 =	sor.u32 $0x180, s12;
	s19 =	sadd.s32 s19, s31;
	s23 =	simm.s32 $0x3  }
0xa: {  	s5 =	sor.u32 s12, s15;
	s6 =	sshrl.u32 s25, $0x3;
	s8 =	sor.u32 s7, s15  }
0xb: {  	s7 =	sor.u32 s7, s14;
	s13 =	sor.u32 s11, s15;
	s11 =	sor.u32 s11, s14  }
0xc: {  	s15 =	sor.u32 s22, s15;
	s22 =	sor.u32 s22, s14;
	s20 =	smax.u32 s21, $0x1  }
0xd: {  	s21 =	simm.s32 $0x1;
	s25 =	simm.s32 $0x8000;
	s24 =	sshrl.u32 s5, $0x3  }
0xe: {  	s5 =	sor.u32 $0x4000, s6;
	s6 =	sor.u32 $0x6000, s6;
	s8 =	sshrl.u32 s8, $0x3  }
0xf: {  	s10 =	sshrl.u32 s7, $0x3;
	s13 =	sshrl.u32 s13, $0x3;
	s17 =	sshrl.u32 s11, $0x3  }
0x10: {  	s26 =	sshrl.u32 s15, $0x3;
	s29 =	sshrl.u32 s22, $0x3;
	s3 =	sadd.s32 s1, s24  }
0x11: {  	s4 =	sadd.s32 s24, s16;
	s5 =	sadd.s32 s1, s5;
	s6 =	sadd.s32 s1, s6  }
0x12: {  	s7 =	sadd.s32 s1, s8;
	s9 =	sor.u32 $0x4000, s10;
	s8 =	sadd.s32 s8, s16  }
0x13: {  	s10 =	sor.u32 $0x6000, s10;
	s11 =	sadd.s32 s1, s13;
	s18 =	sor.u32 $0x4000, s17  }
0x14: {  	s12 =	sadd.s32 s13, s16;
	s17 =	sor.u32 $0x6000, s17;
	s15 =	sadd.s32 s1, s26  }
0x15: {  	s16 =	sadd.s32 s26, s16;
	s30 =	sor.u32 $0x4000, s29;
	s22 =	sor.u32 $0x6000, s29  }
0x16: {  	s24 =	simm.s32 $0x4;
	s26 =	simm.s32 $0x5;
	s9 =	sadd.s32 s1, s9  }
0x17: {  	vm0 =	vmmov $0x1;
	s10 =	sadd.s32 s1, s10;
	s13 =	sadd.s32 s1, s18;
	s14 =	sadd.s32 s1, s17  }
0x18: {  	vm1 =	vcmask $0x310;
	vm2 =	vcmask $0x710;
	vm3 =	vcmask $0xB10;
	s17 =	sadd.s32 s1, s30;
	s18 =	sadd.s32 s1, s22;
	s22 =	simm.s32 $0x2  }
.LBB2_1:
0x19: {  	s29 =	simm.s32 $0x80  }
0x1a: {  	s1 =	sadd.s32 $0x0, s3;
	s30 =	simm.s32 $0x200;
	s31 =	simm.s32 $0x0  }
.LBB2_2:
0x1b: {  	[tilespmem:s31], [sflag:$0x1] =	stream.linear.gather [hbm4b:s1+s2], $0x80, $0x38;
	[tilespmem:$0x8080] =	vst v63  }
0x1c: {  	s1 =	smov.u32 s29;
	s31 =	smov.u32 s30;
	p0 =	sne.s32 s29, $0x1F80  }
.Ltmp0:
0x1d: {  	s29 =	sadd.s32 $0x80, s29;
	(pc) =	sbr.rel @p0 .LBB2_2-.Ltmp0, $2  }
0x1e: {  	_ =	sdelay $0x2  }
0x1f: {  	s30 =	sadd.s32 $0x200, s30;
	s1 =	sadd.s32 s1, s3  }
0x20: {  	[tilespmem:s31], [sflag:$0x1] =	stream.linear.gather [hbm4b:s1+s2], $0x80, $0x38;
	[tilespmem:$0x8080] =	vst v63  }
0x21: {  	s29 =	simm.s32 $0x80  }
0x22: {  	s30 =	simm.s32 $0x80;
	s1 =	sadd.s32 $0x0, s4;
	s31 =	simm.s32 $0x280  }
.LBB2_4:
0x23: {  	[tilespmem:s29], [sflag:$0x2] =	stream.linear.gather [hbm4b:s1+s2], $0x80, $0x38;
	[tilespmem:$0x8080] =	vst v63  }
0x24: {  	s1 =	smov.u32 s30;
	s29 =	smov.u32 s31;
	p0 =	sne.s32 s30, $0x1F80  }
.Ltmp1:
0x25: {  	s30 =	sadd.s32 $0x80, s30;
	(pc) =	sbr.rel @p0 .LBB2_4-.Ltmp1, $2  }
0x26: {  	_ =	sdelay $0x2  }
0x27: {  	s31 =	sadd.s32 $0x200, s31;
	s1 =	sadd.s32 s1, s4  }
0x28: {  	[tilespmem:s29], [sflag:$0x2] =	stream.linear.gather [hbm4b:s1+s2], $0x80, $0x38;
	[tilespmem:$0x8080] =	vst v63  }
0x29: {  	s29 =	simm.s32 $0x100  }
0x2a: {  	s30 =	simm.s32 $0x80;
	s1 =	sadd.s32 $0x0, s5;
	s31 =	simm.s32 $0x300  }
.LBB2_6:
0x2b: {  	[tilespmem:s29], [sflag:$0x3] =	stream.linear.gather [hbm4b:s1+s2], $0x80, $0x38;
	[tilespmem:$0x8080] =	vst v63  }
0x2c: {  	s1 =	smov.u32 s30;
	s29 =	smov.u32 s31;
	p0 =	sne.s32 s30, $0x1F80  }
.Ltmp2:
0x2d: {  	s30 =	sadd.s32 $0x80, s30;
	(pc) =	sbr.rel @p0 .LBB2_6-.Ltmp2, $2  }
0x2e: {  	_ =	sdelay $0x2  }
0x2f: {  	s31 =	sadd.s32 $0x200, s31;
	s1 =	sadd.s32 s1, s5  }
0x30: {  	[tilespmem:s29], [sflag:$0x3] =	stream.linear.gather [hbm4b:s1+s2], $0x80, $0x38;
	[tilespmem:$0x8080] =	vst v63  }
0x31: {  	s29 =	simm.s32 $0x180  }
0x32: {  	s30 =	simm.s32 $0x80;
	s1 =	sadd.s32 $0x0, s6;
	s31 =	simm.s32 $0x380  }
.LBB2_8:
0x33: {  	[tilespmem:s29], [sflag:$0x4] =	stream.linear.gather [hbm4b:s1+s2], $0x80, $0x38;
	[tilespmem:$0x8080] =	vst v63  }
0x34: {  	s1 =	smov.u32 s30;
	s29 =	smov.u32 s31;
	p0 =	sne.s32 s30, $0x1F80  }
.Ltmp3:
0x35: {  	s30 =	sadd.s32 $0x80, s30;
	(pc) =	sbr.rel @p0 .LBB2_8-.Ltmp3, $2  }
0x36: {  	_ =	sdelay $0x2  }
0x37: {  	s31 =	sadd.s32 $0x200, s31;
	s1 =	sadd.s32 s1, s6  }
0x38: {  	[tilespmem:s29], [sflag:$0x4] =	stream.linear.gather [hbm4b:s1+s2], $0x80, $0x38;
	[tilespmem:$0x8080] =	vst v63  }
0x39: {  	_ =	swait.ge [sflag:s21], $0x2000  }
0x3a: {  	[sflag:s21] =	ssyncset.done $0x0  }
0x3b: {  	[sflag:s21] =	ssyncadd.s32 $0xFFFFE000  }
0x3c: {  	s31 =	simm.s32 $0x200;
	v0 =	vld.msk [tilespmem:$0x0 ss:$0x0], $0xffff  }
0x3d: {  	v1 =	vld [tilespmem:s31+$0xFFFFFE00]  }
0x3e: {  	v2 =	vld [tilespmem:s31+$0xFFFFFE10]  }
0x3f: {  	v3 =	vld [tilespmem:s31+$0xFFFFFE20]  }
0x40: {  	v4 =	vld [tilespmem:s31+$0xFFFFFE30]  }
0x41: {  	v5 =	vld [tilespmem:s31+$0xFFFFFE40]  }
0x42: {  	vm4 =	vgt.f32 v1, v0;
	v1 =	vld [tilespmem:s31+$0xFFFFFE50]  }
0x43: {  	v6 =	vmpcnt.ones.xlane vm4;
	vm4 =	vgt.f32 v2, v0;
	v2 =	vld [tilespmem:s31+$0xFFFFFE60]  }
0x44: {  	v7 =	vimm.s32 $0x0;
	v8 =	vmpcnt.ones.xlane vm4;
	vm4 =	vgt.f32 v3, v0;
	v3 =	vld [tilespmem:s31+$0xFFFFFE70]  }
0x45: {  	v6 =	vadd.s32 v7, v6;
	v7 =	vmpcnt.ones.xlane vm4;
	vm4 =	vgt.f32 v4, v0;
	v4 =	vld [tilespmem:s31+$0x0]  }
0x46: {  	v6 =	vadd.s32 v8, v6;
	v8 =	vmpcnt.ones.xlane vm4;
	vm4 =	vgt.f32 v5, v0;
	v5 =	vld [tilespmem:s31+$0x10]  }
0x47: {  	v9 =	vld [tilespmem:s31+$0x20];
	v6 =	vadd.s32 v7, v6;
	v7 =	vmpcnt.ones.xlane vm4;
	vm4 =	vgt.f32 v1, v0  }
0x48: {  	v1 =	vld [tilespmem:s31+$0x30];
	v6 =	vadd.s32 v8, v6;
	v8 =	vmpcnt.ones.xlane vm4;
	vm4 =	vgt.f32 v2, v0  }
0x49: {  	v2 =	vld [tilespmem:s31+$0x40];
	v6 =	vadd.s32 v7, v6;
	v7 =	vmpcnt.ones.xlane vm4;
	vm4 =	vgt.f32 v3, v0  }
0x4a: {  	v3 =	vld [tilespmem:s31+$0x50];
	v6 =	vadd.s32 v8, v6;
	v8 =	vmpcnt.ones.xlane vm4;
	vm4 =	vgt.f32 v4, v0  }
0x4b: {  	v4 =	vld [tilespmem:s31+$0x60];
	v7 =	vadd.s32 v7, v6;
	v6 =	vmpcnt.ones.xlane vm4;
	vm4 =	vgt.f32 v5, v0  }
0x4c: {  	s29 =	simm.s32 $0x0;
	s30 =	simm.s32 $0x600;
	v5 =	vld [tilespmem:s31+$0x70];
	v8 =	vadd.s32 v8, v7;
	v7 =	vmpcnt.ones.xlane vm4;
	vm4 =	vgt.f32 v9, v0  }
.LBB2_10:
0x4d: {  	v9 =	vld [tilespmem:s30+$0xFFFFFE00];
	s29 =	sadd.s32 $0x10, s29;
	v6 =	vadd.s32 v6, v8;
	v8 =	vmpcnt.ones.xlane vm4;
	vm4 =	vgt.f32 v1, v0  }
0x4e: {  	v1 =	vld [tilespmem:s30+$0xFFFFFE10];
	p0 =	slt.u32 s29, $0x1F0;
	v6 =	vadd.s32 v7, v6;
	v7 =	vmpcnt.ones.xlane vm4;
	vm4 =	vgt.f32 v2, v0  }
0x4f: {  	v2 =	vld [tilespmem:s30+$0xFFFFFE20];
	v6 =	vadd.s32 v8, v6;
	v8 =	vmpcnt.ones.xlane vm4;
	vm4 =	vgt.f32 v3, v0  }
0x50: {  	v3 =	vld [tilespmem:s30+$0xFFFFFE30];
	v6 =	vadd.s32 v7, v6;
	v7 =	vmpcnt.ones.xlane vm4;
	vm4 =	vgt.f32 v4, v0  }
0x51: {  	v4 =	vld [tilespmem:s30+$0xFFFFFE40];
	v6 =	vadd.s32 v8, v6;
	v8 =	vmpcnt.ones.xlane vm4;
	vm4 =	vgt.f32 v5, v0  }
0x52: {  	vm5 =	vgt.f32 v9, v0;
	v5 =	vld [tilespmem:s30+$0xFFFFFE50];
	v6 =	vadd.s32 v7, v6;
	v7 =	vmpcnt.ones.xlane vm4  }
0x53: {  	v9 =	vmpcnt.ones.xlane vm5;
	vm4 =	vgt.f32 v1, v0;
	v1 =	vld [tilespmem:s30+$0xFFFFFE60];
	v6 =	vadd.s32 v8, v6  }
0x54: {  	v8 =	vmpcnt.ones.xlane vm4;
	vm4 =	vgt.f32 v2, v0;
	v2 =	vld [tilespmem:s30+$0xFFFFFE70];
	v6 =	vadd.s32 v7, v6  }
0x55: {  	v6 =	vadd.s32 v6, v9;
	v7 =	vmpcnt.ones.xlane vm4;
	vm4 =	vgt.f32 v3, v0;
	v3 =	vld [tilespmem:s30+$0x0]  }
0x56: {  	v6 =	vadd.s32 v8, v6;
	v8 =	vmpcnt.ones.xlane vm4;
	vm4 =	vgt.f32 v4, v0;
	v4 =	vld [tilespmem:s30+$0x10]  }
0x57: {  	v6 =	vadd.s32 v7, v6;
	v7 =	vmpcnt.ones.xlane vm4;
	vm4 =	vgt.f32 v5, v0;
	v5 =	vld [tilespmem:s30+$0x20]  }
.Ltmp4:
0x58: {  	v6 =	vadd.s32 v8, v6;
	v8 =	vmpcnt.ones.xlane vm4;
	vm4 =	vgt.f32 v1, v0;
	v1 =	vld [tilespmem:s30+$0x30];
	(pc) =	sbr.rel @p0 .LBB2_10-.Ltmp4, $4  }
0x59: {  	v6 =	vadd.s32 v7, v6;
	v7 =	vmpcnt.ones.xlane vm4;
	vm4 =	vgt.f32 v2, v0;
	v2 =	vld [tilespmem:s30+$0x40]  }
0x5a: {  	v6 =	vadd.s32 v8, v6;
	v8 =	vmpcnt.ones.xlane vm4;
	vm4 =	vgt.f32 v3, v0;
	v3 =	vld [tilespmem:s30+$0x50]  }
0x5b: {  	v7 =	vadd.s32 v7, v6;
	v6 =	vmpcnt.ones.xlane vm4;
	vm4 =	vgt.f32 v4, v0;
	v4 =	vld [tilespmem:s30+$0x60]  }
0x5c: {  	v8 =	vadd.s32 v8, v7;
	v7 =	vmpcnt.ones.xlane vm4;
	vm4 =	vgt.f32 v5, v0;
	v5 =	vld [tilespmem:s30+$0x70];
	s30 =	sadd.s32 $0x400, s30  }
0x5d: {  	v6 =	vadd.s32 v6, v8;
	v62 =	vmpcnt.ones.xlane vm4;
	vm4 =	vgt.f32 v1, v0  }
0x5e: {  	v1 =	vadd.s32 v7, v6;
	v63 =	vmpcnt.ones.xlane vm4;
	vm4 =	vgt.f32 v2, v0  }
0x5f: {  	v1 =	vadd.s32 v62, v1;
	v2 =	vmpcnt.ones.xlane vm4;
	vm4 =	vgt.f32 v3, v0  }
0x60: {  	v1 =	vadd.s32 v63, v1;
	v3 =	vmpcnt.ones.xlane vm4;
	vm4 =	vgt.f32 v4, v0  }
0x61: {  	v1 =	vadd.s32 v2, v1;
	v2 =	vmpcnt.ones.xlane vm4;
	vm4 =	vgt.f32 v5, v0  }
0x62: {  	v1 =	vadd.s32 v3, v1;
	v3 =	vmpcnt.ones.xlane vm4  }
0x63: {  	s29 =	simm.s32 $0x0;
	v1 =	vadd.s32 v2, v1  }
0x64: {  	s30 =	simm.s32 $0x80;
	s1 =	sadd.s32 $0x0, s7;
	s31 =	simm.s32 $0x200;
	v1 =	vadd.s32 v3, v1  }
.LBB2_12:
0x65: {  	[tilespmem:s29], [sflag:$0x1] =	stream.linear.gather [hbm4b:s1+s2], $0x80, $0x38;
	[tilespmem:$0x8080] =	vst v63  }
0x66: {  	s1 =	smov.u32 s30;
	s29 =	smov.u32 s31;
	p0 =	sne.s32 s30, $0x1F80  }
.Ltmp5:
0x67: {  	s30 =	sadd.s32 $0x80, s30;
	(pc) =	sbr.rel @p0 .LBB2_12-.Ltmp5, $2  }
0x68: {  	_ =	sdelay $0x2  }
0x69: {  	s31 =	sadd.s32 $0x200, s31;
	s1 =	sadd.s32 s1, s7  }
0x6a: {  	[tilespmem:s29], [sflag:$0x1] =	stream.linear.gather [hbm4b:s1+s2], $0x80, $0x38;
	[tilespmem:$0x8080] =	vst v63  }
0x6b: {  	_ =	swait.ge [sflag:s22], $0x2000  }
0x6c: {  	[sflag:s22] =	ssyncset.done $0x0  }
0x6d: {  	s31 =	simm.s32 $0x280;
	[sflag:s22] =	ssyncadd.s32 $0xFFFFE000  }
0x6e: {  	v2 =	vld [tilespmem:s31+$0xFFFFFE00]  }
0x6f: {  	v3 =	vld [tilespmem:s31+$0xFFFFFE10]  }
0x70: {  	v4 =	vld [tilespmem:s31+$0xFFFFFE20]  }
0x71: {  	v5 =	vld [tilespmem:s31+$0xFFFFFE30]  }
0x72: {  	v6 =	vld [tilespmem:s31+$0xFFFFFE40]  }
0x73: {  	vm4 =	vgt.f32 v2, v0;
	v2 =	vld [tilespmem:s31+$0xFFFFFE50]  }
0x74: {  	v7 =	vmpcnt.ones.xlane vm4;
	vm4 =	vgt.f32 v3, v0;
	v3 =	vld [tilespmem:s31+$0xFFFFFE60]  }
0x75: {  	v8 =	vmpcnt.ones.xlane vm4;
	vm4 =	vgt.f32 v4, v0;
	v4 =	vld [tilespmem:s31+$0xFFFFFE70]  }
0x76: {  	v1 =	vadd.s32 v1, v7;
	v7 =	vmpcnt.ones.xlane vm4;
	vm4 =	vgt.f32 v5, v0;
	v5 =	vld [tilespmem:s31+$0x0]  }
0x77: {  	v9 =	vld [tilespmem:s31+$0x10];
	v1 =	vadd.s32 v8, v1;
	v8 =	vmpcnt.ones.xlane vm4;
	vm4 =	vgt.f32 v6, v0  }
0x78: {  	v10 =	vld [tilespmem:s31+$0x20];
	v1 =	vadd.s32 v7, v1;
	v6 =	vmpcnt.ones.xlane vm4;
	vm4 =	vgt.f32 v2, v0  }
0x79: {  	v2 =	vadd.s32 v8, v1;
	v7 =	vmpcnt.ones.xlane vm4;
	vm4 =	vgt.f32 v3, v0;
	v1 =	vld [tilespmem:s31+$0x30]  }
0x7a: {  	v3 =	vadd.s32 v6, v2;
	v6 =	vmpcnt.ones.xlane vm4;
	vm4 =	vgt.f32 v4, v0;
	v2 =	vld [tilespmem:s31+$0x40]  }
0x7b: {  	v4 =	vadd.s32 v7, v3;
	v7 =	vmpcnt.ones.xlane vm4;
	vm4 =	vgt.f32 v5, v0;
	v3 =	vld [tilespmem:s31+$0x50]  }
0x7c: {  	v5 =	vadd.s32 v6, v4;
	v6 =	vmpcnt.ones.xlane vm4;
	vm4 =	vgt.f32 v9, v0;
	v4 =	vld [tilespmem:s31+$0x60]  }
0x7d: {  	s29 =	simm.s32 $0x0;
	s30 =	simm.s32 $0x680;
	v8 =	vadd.s32 v7, v5;
	v7 =	vmpcnt.ones.xlane vm4;
	vm4 =	vgt.f32 v10, v0;
	v5 =	vld [tilespmem:s31+$0x70]  }
.LBB2_14:
0x7e: {  	v9 =	vld [tilespmem:s30+$0xFFFFFE00];
	s29 =	sadd.s32 $0x10, s29;
	v6 =	vadd.s32 v6, v8;
	v8 =	vmpcnt.ones.xlane vm4;
	vm4 =	vgt.f32 v1, v0  }
0x7f: {  	v1 =	vld [tilespmem:s30+$0xFFFFFE10];
	p0 =	slt.u32 s29, $0x1F0;
	v6 =	vadd.s32 v7, v6;
	v7 =	vmpcnt.ones.xlane vm4;
	vm4 =	vgt.f32 v2, v0  }
0x80: {  	v2 =	vld [tilespmem:s30+$0xFFFFFE20];
	v6 =	vadd.s32 v8, v6;
	v8 =	vmpcnt.ones.xlane vm4;
	vm4 =	vgt.f32 v3, v0  }
0x81: {  	v3 =	vld [tilespmem:s30+$0xFFFFFE30];
	v6 =	vadd.s32 v7, v6;
	v7 =	vmpcnt.ones.xlane vm4;
	vm4 =	vgt.f32 v4, v0  }
0x82: {  	v4 =	vld [tilespmem:s30+$0xFFFFFE40];
	v6 =	vadd.s32 v8, v6;
	v8 =	vmpcnt.ones.xlane vm4;
	vm4 =	vgt.f32 v5, v0  }
0x83: {  	vm5 =	vgt.f32 v9, v0;
	v5 =	vld [tilespmem:s30+$0xFFFFFE50];
	v6 =	vadd.s32 v7, v6;
	v7 =	vmpcnt.ones.xlane vm4  }
0x84: {  	v9 =	vmpcnt.ones.xlane vm5;
	vm4 =	vgt.f32 v1, v0;
	v1 =	vld [tilespmem:s30+$0xFFFFFE60];
	v6 =	vadd.s32 v8, v6  }
0x85: {  	v8 =	vmpcnt.ones.xlane vm4;
	vm4 =	vgt.f32 v2, v0;
	v2 =	vld [tilespmem:s30+$0xFFFFFE70];
	v6 =	vadd.s32 v7, v6  }
0x86: {  	v6 =	vadd.s32 v6, v9;
	v7 =	vmpcnt.ones.xlane vm4;
	vm4 =	vgt.f32 v3, v0;
	v3 =	vld [tilespmem:s30+$0x0]  }
0x87: {  	v6 =	vadd.s32 v8, v6;
	v8 =	vmpcnt.ones.xlane vm4;
	vm4 =	vgt.f32 v4, v0;
	v4 =	vld [tilespmem:s30+$0x10]  }
0x88: {  	v6 =	vadd.s32 v7, v6;
	v7 =	vmpcnt.ones.xlane vm4;
	vm4 =	vgt.f32 v5, v0;
	v5 =	vld [tilespmem:s30+$0x20]  }
.Ltmp6:
0x89: {  	v6 =	vadd.s32 v8, v6;
	v8 =	vmpcnt.ones.xlane vm4;
	vm4 =	vgt.f32 v1, v0;
	v1 =	vld [tilespmem:s30+$0x30];
	(pc) =	sbr.rel @p0 .LBB2_14-.Ltmp6, $4  }
0x8a: {  	v6 =	vadd.s32 v7, v6;
	v7 =	vmpcnt.ones.xlane vm4;
	vm4 =	vgt.f32 v2, v0;
	v2 =	vld [tilespmem:s30+$0x40]  }
0x8b: {  	v6 =	vadd.s32 v8, v6;
	v8 =	vmpcnt.ones.xlane vm4;
	vm4 =	vgt.f32 v3, v0;
	v3 =	vld [tilespmem:s30+$0x50]  }
0x8c: {  	v7 =	vadd.s32 v7, v6;
	v6 =	vmpcnt.ones.xlane vm4;
	vm4 =	vgt.f32 v4, v0;
	v4 =	vld [tilespmem:s30+$0x60]  }
0x8d: {  	v8 =	vadd.s32 v8, v7;
	v7 =	vmpcnt.ones.xlane vm4;
	vm4 =	vgt.f32 v5, v0;
	v5 =	vld [tilespmem:s30+$0x70];
	s30 =	sadd.s32 $0x400, s30  }
0x8e: {  	v6 =	vadd.s32 v6, v8;
	v62 =	vmpcnt.ones.xlane vm4;
	vm4 =	vgt.f32 v1, v0  }
0x8f: {  	v1 =	vadd.s32 v7, v6;
	v63 =	vmpcnt.ones.xlane vm4;
	vm4 =	vgt.f32 v2, v0  }
0x90: {  	v1 =	vadd.s32 v62, v1;
	v2 =	vmpcnt.ones.xlane vm4;
	vm4 =	vgt.f32 v3, v0  }
0x91: {  	v1 =	vadd.s32 v63, v1;
	v3 =	vmpcnt.ones.xlane vm4;
	vm4 =	vgt.f32 v4, v0  }
0x92: {  	v1 =	vadd.s32 v2, v1;
	v2 =	vmpcnt.ones.xlane vm4;
	vm4 =	vgt.f32 v5, v0  }
0x93: {  	v1 =	vadd.s32 v3, v1;
	v3 =	vmpcnt.ones.xlane vm4  }
0x94: {  	s29 =	simm.s32 $0x80;
	v1 =	vadd.s32 v2, v1  }
0x95: {  	s30 =	simm.s32 $0x80;
	s1 =	sadd.s32 $0x0, s8;
	s31 =	simm.s32 $0x280;
	v1 =	vadd.s32 v3, v1  }
.LBB2_16:
0x96: {  	[tilespmem:s29], [sflag:$0x2] =	stream.linear.gather [hbm4b:s1+s2], $0x80, $0x38;
	[tilespmem:$0x8080] =	vst v63  }
0x97: {  	s1 =	smov.u32 s30;
	s29 =	smov.u32 s31;
	p0 =	sne.s32 s30, $0x1F80  }
.Ltmp7:
0x98: {  	s30 =	sadd.s32 $0x80, s30;
	(pc) =	sbr.rel @p0 .LBB2_16-.Ltmp7, $2  }
0x99: {  	_ =	sdelay $0x2  }
0x9a: {  	s31 =	sadd.s32 $0x200, s31;
	s1 =	sadd.s32 s1, s8  }
0x9b: {  	[tilespmem:s29], [sflag:$0x2] =	stream.linear.gather [hbm4b:s1+s2], $0x80, $0x38;
	[tilespmem:$0x8080] =	vst v63  }
0x9c: {  	_ =	swait.ge [sflag:s23], $0x2000  }
0x9d: {  	[sflag:s23] =	ssyncset.done $0x0  }
0x9e: {  	s31 =	simm.s32 $0x300;
	[sflag:s23] =	ssyncadd.s32 $0xFFFFE000  }
0x9f: {  	v2 =	vld [tilespmem:s31+$0xFFFFFE00]  }
0xa0: {  	v3 =	vld [tilespmem:s31+$0xFFFFFE10]  }
0xa1: {  	v4 =	vld [tilespmem:s31+$0xFFFFFE20]  }
0xa2: {  	v5 =	vld [tilespmem:s31+$0xFFFFFE30]  }
0xa3: {  	v6 =	vld [tilespmem:s31+$0xFFFFFE40]  }
0xa4: {  	vm4 =	vgt.f32 v2, v0;
	v2 =	vld [tilespmem:s31+$0xFFFFFE50]  }
0xa5: {  	v7 =	vmpcnt.ones.xlane vm4;
	vm4 =	vgt.f32 v3, v0;
	v3 =	vld [tilespmem:s31+$0xFFFFFE60]  }
0xa6: {  	v8 =	vmpcnt.ones.xlane vm4;
	vm4 =	vgt.f32 v4, v0;
	v4 =	vld [tilespmem:s31+$0xFFFFFE70]  }
0xa7: {  	v1 =	vadd.s32 v1, v7;
	v7 =	vmpcnt.ones.xlane vm4;
	vm4 =	vgt.f32 v5, v0;
	v5 =	vld [tilespmem:s31+$0x0]  }
0xa8: {  	v9 =	vld [tilespmem:s31+$0x10];
	v1 =	vadd.s32 v8, v1;
	v8 =	vmpcnt.ones.xlane vm4;
	vm4 =	vgt.f32 v6, v0  }
0xa9: {  	v10 =	vld [tilespmem:s31+$0x20];
	v1 =	vadd.s32 v7, v1;
	v6 =	vmpcnt.ones.xlane vm4;
	vm4 =	vgt.f32 v2, v0  }
0xaa: {  	v2 =	vadd.s32 v8, v1;
	v7 =	vmpcnt.ones.xlane vm4;
	vm4 =	vgt.f32 v3, v0;
	v1 =	vld [tilespmem:s31+$0x30]  }
0xab: {  	v3 =	vadd.s32 v6, v2;
	v6 =	vmpcnt.ones.xlane vm4;
	vm4 =	vgt.f32 v4, v0;
	v2 =	vld [tilespmem:s31+$0x40]  }
0xac: {  	v4 =	vadd.s32 v7, v3;
	v7 =	vmpcnt.ones.xlane vm4;
	vm4 =	vgt.f32 v5, v0;
	v3 =	vld [tilespmem:s31+$0x50]  }
0xad: {  	v5 =	vadd.s32 v6, v4;
	v6 =	vmpcnt.ones.xlane vm4;
	vm4 =	vgt.f32 v9, v0;
	v4 =	vld [tilespmem:s31+$0x60]  }
0xae: {  	s29 =	simm.s32 $0x0;
	s30 =	simm.s32 $0x700;
	v8 =	vadd.s32 v7, v5;
	v7 =	vmpcnt.ones.xlane vm4;
	vm4 =	vgt.f32 v10, v0;
	v5 =	vld [tilespmem:s31+$0x70]  }
.LBB2_18:
0xaf: {  	v9 =	vld [tilespmem:s30+$0xFFFFFE00];
	s29 =	sadd.s32 $0x10, s29;
	v6 =	vadd.s32 v6, v8;
	v8 =	vmpcnt.ones.xlane vm4;
	vm4 =	vgt.f32 v1, v0  }
0xb0: {  	v1 =	vld [tilespmem:s30+$0xFFFFFE10];
	p0 =	slt.u32 s29, $0x1F0;
	v6 =	vadd.s32 v7, v6;
	v7 =	vmpcnt.ones.xlane vm4;
	vm4 =	vgt.f32 v2, v0  }
0xb1: {  	v2 =	vld [tilespmem:s30+$0xFFFFFE20];
	v6 =	vadd.s32 v8, v6;
	v8 =	vmpcnt.ones.xlane vm4;
	vm4 =	vgt.f32 v3, v0  }
0xb2: {  	v3 =	vld [tilespmem:s30+$0xFFFFFE30];
	v6 =	vadd.s32 v7, v6;
	v7 =	vmpcnt.ones.xlane vm4;
	vm4 =	vgt.f32 v4, v0  }
0xb3: {  	v4 =	vld [tilespmem:s30+$0xFFFFFE40];
	v6 =	vadd.s32 v8, v6;
	v8 =	vmpcnt.ones.xlane vm4;
	vm4 =	vgt.f32 v5, v0  }
0xb4: {  	vm5 =	vgt.f32 v9, v0;
	v5 =	vld [tilespmem:s30+$0xFFFFFE50];
	v6 =	vadd.s32 v7, v6;
	v7 =	vmpcnt.ones.xlane vm4  }
0xb5: {  	v9 =	vmpcnt.ones.xlane vm5;
	vm4 =	vgt.f32 v1, v0;
	v1 =	vld [tilespmem:s30+$0xFFFFFE60];
	v6 =	vadd.s32 v8, v6  }
0xb6: {  	v8 =	vmpcnt.ones.xlane vm4;
	vm4 =	vgt.f32 v2, v0;
	v2 =	vld [tilespmem:s30+$0xFFFFFE70];
	v6 =	vadd.s32 v7, v6  }
0xb7: {  	v6 =	vadd.s32 v6, v9;
	v7 =	vmpcnt.ones.xlane vm4;
	vm4 =	vgt.f32 v3, v0;
	v3 =	vld [tilespmem:s30+$0x0]  }
0xb8: {  	v6 =	vadd.s32 v8, v6;
	v8 =	vmpcnt.ones.xlane vm4;
	vm4 =	vgt.f32 v4, v0;
	v4 =	vld [tilespmem:s30+$0x10]  }
0xb9: {  	v6 =	vadd.s32 v7, v6;
	v7 =	vmpcnt.ones.xlane vm4;
	vm4 =	vgt.f32 v5, v0;
	v5 =	vld [tilespmem:s30+$0x20]  }
.Ltmp8:
0xba: {  	v6 =	vadd.s32 v8, v6;
	v8 =	vmpcnt.ones.xlane vm4;
	vm4 =	vgt.f32 v1, v0;
	v1 =	vld [tilespmem:s30+$0x30];
	(pc) =	sbr.rel @p0 .LBB2_18-.Ltmp8, $4  }
0xbb: {  	v6 =	vadd.s32 v7, v6;
	v7 =	vmpcnt.ones.xlane vm4;
	vm4 =	vgt.f32 v2, v0;
	v2 =	vld [tilespmem:s30+$0x40]  }
0xbc: {  	v6 =	vadd.s32 v8, v6;
	v8 =	vmpcnt.ones.xlane vm4;
	vm4 =	vgt.f32 v3, v0;
	v3 =	vld [tilespmem:s30+$0x50]  }
0xbd: {  	v7 =	vadd.s32 v7, v6;
	v6 =	vmpcnt.ones.xlane vm4;
	vm4 =	vgt.f32 v4, v0;
	v4 =	vld [tilespmem:s30+$0x60]  }
0xbe: {  	v8 =	vadd.s32 v8, v7;
	v7 =	vmpcnt.ones.xlane vm4;
	vm4 =	vgt.f32 v5, v0;
	v5 =	vld [tilespmem:s30+$0x70];
	s30 =	sadd.s32 $0x400, s30  }
0xbf: {  	v6 =	vadd.s32 v6, v8;
	v62 =	vmpcnt.ones.xlane vm4;
	vm4 =	vgt.f32 v1, v0  }
0xc0: {  	v1 =	vadd.s32 v7, v6;
	v63 =	vmpcnt.ones.xlane vm4;
	vm4 =	vgt.f32 v2, v0  }
0xc1: {  	v1 =	vadd.s32 v62, v1;
	v2 =	vmpcnt.ones.xlane vm4;
	vm4 =	vgt.f32 v3, v0  }
0xc2: {  	v1 =	vadd.s32 v63, v1;
	v3 =	vmpcnt.ones.xlane vm4;
	vm4 =	vgt.f32 v4, v0  }
0xc3: {  	v1 =	vadd.s32 v2, v1;
	v2 =	vmpcnt.ones.xlane vm4;
	vm4 =	vgt.f32 v5, v0  }
0xc4: {  	v1 =	vadd.s32 v3, v1;
	v3 =	vmpcnt.ones.xlane vm4  }
0xc5: {  	s29 =	simm.s32 $0x100;
	v1 =	vadd.s32 v2, v1  }
0xc6: {  	s30 =	simm.s32 $0x80;
	s1 =	sadd.s32 $0x0, s9;
	s31 =	simm.s32 $0x300;
	v1 =	vadd.s32 v3, v1  }
.LBB2_20:
0xc7: {  	[tilespmem:s29], [sflag:$0x3] =	stream.linear.gather [hbm4b:s1+s2], $0x80, $0x38;
	[tilespmem:$0x8080] =	vst v63  }
0xc8: {  	s1 =	smov.u32 s30;
	s29 =	smov.u32 s31;
	p0 =	sne.s32 s30, $0x1F80  }
.Ltmp9:
0xc9: {  	s30 =	sadd.s32 $0x80, s30;
	(pc) =	sbr.rel @p0 .LBB2_20-.Ltmp9, $2  }
0xca: {  	_ =	sdelay $0x2  }
0xcb: {  	s31 =	sadd.s32 $0x200, s31;
	s1 =	sadd.s32 s1, s9  }
0xcc: {  	[tilespmem:s29], [sflag:$0x3] =	stream.linear.gather [hbm4b:s1+s2], $0x80, $0x38;
	[tilespmem:$0x8080] =	vst v63  }
0xcd: {  	_ =	swait.ge [sflag:s24], $0x2000  }
0xce: {  	[sflag:s24] =	ssyncset.done $0x0  }
0xcf: {  	s31 =	simm.s32 $0x380;
	[sflag:s24] =	ssyncadd.s32 $0xFFFFE000  }
0xd0: {  	v2 =	vld [tilespmem:s31+$0xFFFFFE00]  }
0xd1: {  	v3 =	vld [tilespmem:s31+$0xFFFFFE10]  }
0xd2: {  	v4 =	vld [tilespmem:s31+$0xFFFFFE20]  }
0xd3: {  	v5 =	vld [tilespmem:s31+$0xFFFFFE30]  }
0xd4: {  	v6 =	vld [tilespmem:s31+$0xFFFFFE40]  }
0xd5: {  	vm4 =	vgt.f32 v2, v0;
	v2 =	vld [tilespmem:s31+$0xFFFFFE50]  }
0xd6: {  	v7 =	vmpcnt.ones.xlane vm4;
	vm4 =	vgt.f32 v3, v0;
	v3 =	vld [tilespmem:s31+$0xFFFFFE60]  }
0xd7: {  	v8 =	vmpcnt.ones.xlane vm4;
	vm4 =	vgt.f32 v4, v0;
	v4 =	vld [tilespmem:s31+$0xFFFFFE70]  }
0xd8: {  	v1 =	vadd.s32 v1, v7;
	v7 =	vmpcnt.ones.xlane vm4;
	vm4 =	vgt.f32 v5, v0;
	v5 =	vld [tilespmem:s31+$0x0]  }
0xd9: {  	v9 =	vld [tilespmem:s31+$0x10];
	v1 =	vadd.s32 v8, v1;
	v8 =	vmpcnt.ones.xlane vm4;
	vm4 =	vgt.f32 v6, v0  }
0xda: {  	v10 =	vld [tilespmem:s31+$0x20];
	v1 =	vadd.s32 v7, v1;
	v6 =	vmpcnt.ones.xlane vm4;
	vm4 =	vgt.f32 v2, v0  }
0xdb: {  	v2 =	vadd.s32 v8, v1;
	v7 =	vmpcnt.ones.xlane vm4;
	vm4 =	vgt.f32 v3, v0;
	v1 =	vld [tilespmem:s31+$0x30]  }
0xdc: {  	v3 =	vadd.s32 v6, v2;
	v6 =	vmpcnt.ones.xlane vm4;
	vm4 =	vgt.f32 v4, v0;
	v2 =	vld [tilespmem:s31+$0x40]  }
0xdd: {  	v4 =	vadd.s32 v7, v3;
	v7 =	vmpcnt.ones.xlane vm4;
	vm4 =	vgt.f32 v5, v0;
	v3 =	vld [tilespmem:s31+$0x50]  }
0xde: {  	v5 =	vadd.s32 v6, v4;
	v6 =	vmpcnt.ones.xlane vm4;
	vm4 =	vgt.f32 v9, v0;
	v4 =	vld [tilespmem:s31+$0x60]  }
0xdf: {  	s29 =	simm.s32 $0x0;
	s30 =	simm.s32 $0x780;
	v8 =	vadd.s32 v7, v5;
	v7 =	vmpcnt.ones.xlane vm4;
	vm4 =	vgt.f32 v10, v0;
	v5 =	vld [tilespmem:s31+$0x70]  }
.LBB2_22:
0xe0: {  	v9 =	vld [tilespmem:s30+$0xFFFFFE00];
	s29 =	sadd.s32 $0x10, s29;
	v6 =	vadd.s32 v6, v8;
	v8 =	vmpcnt.ones.xlane vm4;
	vm4 =	vgt.f32 v1, v0  }
0xe1: {  	v1 =	vld [tilespmem:s30+$0xFFFFFE10];
	p0 =	slt.u32 s29, $0x1F0;
	v6 =	vadd.s32 v7, v6;
	v7 =	vmpcnt.ones.xlane vm4;
	vm4 =	vgt.f32 v2, v0  }
0xe2: {  	v2 =	vld [tilespmem:s30+$0xFFFFFE20];
	v6 =	vadd.s32 v8, v6;
	v8 =	vmpcnt.ones.xlane vm4;
	vm4 =	vgt.f32 v3, v0  }
0xe3: {  	v3 =	vld [tilespmem:s30+$0xFFFFFE30];
	v6 =	vadd.s32 v7, v6;
	v7 =	vmpcnt.ones.xlane vm4;
	vm4 =	vgt.f32 v4, v0  }
0xe4: {  	v4 =	vld [tilespmem:s30+$0xFFFFFE40];
	v6 =	vadd.s32 v8, v6;
	v8 =	vmpcnt.ones.xlane vm4;
	vm4 =	vgt.f32 v5, v0  }
0xe5: {  	vm5 =	vgt.f32 v9, v0;
	v5 =	vld [tilespmem:s30+$0xFFFFFE50];
	v6 =	vadd.s32 v7, v6;
	v7 =	vmpcnt.ones.xlane vm4  }
0xe6: {  	v9 =	vmpcnt.ones.xlane vm5;
	vm4 =	vgt.f32 v1, v0;
	v1 =	vld [tilespmem:s30+$0xFFFFFE60];
	v6 =	vadd.s32 v8, v6  }
0xe7: {  	v8 =	vmpcnt.ones.xlane vm4;
	vm4 =	vgt.f32 v2, v0;
	v2 =	vld [tilespmem:s30+$0xFFFFFE70];
	v6 =	vadd.s32 v7, v6  }
0xe8: {  	v6 =	vadd.s32 v6, v9;
	v7 =	vmpcnt.ones.xlane vm4;
	vm4 =	vgt.f32 v3, v0;
	v3 =	vld [tilespmem:s30+$0x0]  }
0xe9: {  	v6 =	vadd.s32 v8, v6;
	v8 =	vmpcnt.ones.xlane vm4;
	vm4 =	vgt.f32 v4, v0;
	v4 =	vld [tilespmem:s30+$0x10]  }
0xea: {  	v6 =	vadd.s32 v7, v6;
	v7 =	vmpcnt.ones.xlane vm4;
	vm4 =	vgt.f32 v5, v0;
	v5 =	vld [tilespmem:s30+$0x20]  }
.Ltmp10:
0xeb: {  	v6 =	vadd.s32 v8, v6;
	v8 =	vmpcnt.ones.xlane vm4;
	vm4 =	vgt.f32 v1, v0;
	v1 =	vld [tilespmem:s30+$0x30];
	(pc) =	sbr.rel @p0 .LBB2_22-.Ltmp10, $4  }
0xec: {  	v6 =	vadd.s32 v7, v6;
	v7 =	vmpcnt.ones.xlane vm4;
	vm4 =	vgt.f32 v2, v0;
	v2 =	vld [tilespmem:s30+$0x40]  }
0xed: {  	v6 =	vadd.s32 v8, v6;
	v8 =	vmpcnt.ones.xlane vm4;
	vm4 =	vgt.f32 v3, v0;
	v3 =	vld [tilespmem:s30+$0x50]  }
0xee: {  	v7 =	vadd.s32 v7, v6;
	v6 =	vmpcnt.ones.xlane vm4;
	vm4 =	vgt.f32 v4, v0;
	v4 =	vld [tilespmem:s30+$0x60]  }
0xef: {  	v8 =	vadd.s32 v8, v7;
	v7 =	vmpcnt.ones.xlane vm4;
	vm4 =	vgt.f32 v5, v0;
	v5 =	vld [tilespmem:s30+$0x70];
	s30 =	sadd.s32 $0x400, s30  }
0xf0: {  	v6 =	vadd.s32 v6, v8;
	v62 =	vmpcnt.ones.xlane vm4;
	vm4 =	vgt.f32 v1, v0  }
0xf1: {  	v1 =	vadd.s32 v7, v6;
	v63 =	vmpcnt.ones.xlane vm4;
	vm4 =	vgt.f32 v2, v0  }
0xf2: {  	v1 =	vadd.s32 v62, v1;
	v2 =	vmpcnt.ones.xlane vm4;
	vm4 =	vgt.f32 v3, v0  }
0xf3: {  	v1 =	vadd.s32 v63, v1;
	v3 =	vmpcnt.ones.xlane vm4;
	vm4 =	vgt.f32 v4, v0  }
0xf4: {  	v1 =	vadd.s32 v2, v1;
	v2 =	vmpcnt.ones.xlane vm4;
	vm4 =	vgt.f32 v5, v0  }
0xf5: {  	v0 =	vadd.s32 v3, v1;
	v1 =	vmpcnt.ones.xlane vm4  }
0xf6: {  	s29 =	simm.s32 $0x180;
	v0 =	vadd.s32 v2, v0  }
0xf7: {  	s30 =	simm.s32 $0x80;
	s1 =	sadd.s32 $0x0, s10;
	s31 =	simm.s32 $0x380;
	v0 =	vadd.s32 v1, v0  }
.LBB2_24:
0xf8: {  	[tilespmem:s29], [sflag:$0x4] =	stream.linear.gather [hbm4b:s1+s2], $0x80, $0x38;
	[tilespmem:$0x8080] =	vst v63  }
0xf9: {  	s1 =	smov.u32 s30;
	s29 =	smov.u32 s31;
	p0 =	sne.s32 s30, $0x1F80  }
.Ltmp11:
0xfa: {  	s30 =	sadd.s32 $0x80, s30;
	(pc) =	sbr.rel @p0 .LBB2_24-.Ltmp11, $2  }
0xfb: {  	_ =	sdelay $0x2  }
0xfc: {  	s31 =	sadd.s32 $0x200, s31;
	s1 =	sadd.s32 s1, s10  }
0xfd: {  	[tilespmem:s29], [sflag:$0x4] =	stream.linear.gather [hbm4b:s1+s2], $0x80, $0x38;
	[tilespmem:$0x8080] =	vst v63  }
0xfe: {  	_ =	swait.ge [sflag:s21], $0x2000  }
0xff: {  	[sflag:s21] =	ssyncset.done $0x0  }
0x100: {  	[sflag:s21] =	ssyncadd.s32 $0xFFFFE000  }
0x101: {  	s31 =	simm.s32 $0x200;
	v1 =	vld.msk [tilespmem:$0x0 ss:$0x0], $0xffff  }
0x102: {  	v2 =	vld [tilespmem:s31+$0xFFFFFE00]  }
0x103: {  	v3 =	vld [tilespmem:s31+$0xFFFFFE10]  }
0x104: {  	v4 =	vld [tilespmem:s31+$0xFFFFFE20]  }
0x105: {  	v5 =	vld [tilespmem:s31+$0xFFFFFE30]  }
0x106: {  	v6 =	vld [tilespmem:s31+$0xFFFFFE40]  }
0x107: {  	vm4 =	vgt.f32 v2, v1;
	v2 =	vld [tilespmem:s31+$0xFFFFFE50]  }
0x108: {  	v7 =	vmpcnt.ones.xlane vm4;
	vm4 =	vgt.f32 v3, v1;
	v3 =	vld [tilespmem:s31+$0xFFFFFE60]  }
0x109: {  	v8 =	vimm.s32 $0x0;
	v9 =	vmpcnt.ones.xlane vm4;
	vm4 =	vgt.f32 v4, v1;
	v4 =	vld [tilespmem:s31+$0xFFFFFE70]  }
0x10a: {  	v7 =	vadd.s32 v8, v7;
	v8 =	vmpcnt.ones.xlane vm4;
	vm4 =	vgt.f32 v5, v1;
	v5 =	vld [tilespmem:s31+$0x0]  }
0x10b: {  	v7 =	vadd.s32 v9, v7;
	v9 =	vmpcnt.ones.xlane vm4;
	vm4 =	vgt.f32 v6, v1;
	v6 =	vld [tilespmem:s31+$0x10]  }
0x10c: {  	v10 =	vld [tilespmem:s31+$0x20];
	v7 =	vadd.s32 v8, v7;
	v8 =	vmpcnt.ones.xlane vm4;
	vm4 =	vgt.f32 v2, v1  }
0x10d: {  	v2 =	vld [tilespmem:s31+$0x30];
	v7 =	vadd.s32 v9, v7;
	v9 =	vmpcnt.ones.xlane vm4;
	vm4 =	vgt.f32 v3, v1  }
0x10e: {  	v3 =	vld [tilespmem:s31+$0x40];
	v7 =	vadd.s32 v8, v7;
	v8 =	vmpcnt.ones.xlane vm4;
	vm4 =	vgt.f32 v4, v1  }
0x10f: {  	v4 =	vld [tilespmem:s31+$0x50];
	v7 =	vadd.s32 v9, v7;
	v9 =	vmpcnt.ones.xlane vm4;
	vm4 =	vgt.f32 v5, v1  }
0x110: {  	v5 =	vld [tilespmem:s31+$0x60];
	v8 =	vadd.s32 v8, v7;
	v7 =	vmpcnt.ones.xlane vm4;
	vm4 =	vgt.f32 v6, v1  }
0x111: {  	s29 =	simm.s32 $0x0;
	s30 =	simm.s32 $0x600;
	v6 =	vld [tilespmem:s31+$0x70];
	v9 =	vadd.s32 v9, v8;
	v8 =	vmpcnt.ones.xlane vm4;
	vm4 =	vgt.f32 v10, v1  }
.LBB2_26:
0x112: {  	v10 =	vld [tilespmem:s30+$0xFFFFFE00];
	s29 =	sadd.s32 $0x10, s29;
	v7 =	vadd.s32 v7, v9;
	v9 =	vmpcnt.ones.xlane vm4;
	vm4 =	vgt.f32 v2, v1  }
0x113: {  	v2 =	vld [tilespmem:s30+$0xFFFFFE10];
	p0 =	slt.u32 s29, $0x1F0;
	v7 =	vadd.s32 v8, v7;
	v8 =	vmpcnt.ones.xlane vm4;
	vm4 =	vgt.f32 v3, v1  }
0x114: {  	v3 =	vld [tilespmem:s30+$0xFFFFFE20];
	v7 =	vadd.s32 v9, v7;
	v9 =	vmpcnt.ones.xlane vm4;
	vm4 =	vgt.f32 v4, v1  }
0x115: {  	v4 =	vld [tilespmem:s30+$0xFFFFFE30];
	v7 =	vadd.s32 v8, v7;
	v8 =	vmpcnt.ones.xlane vm4;
	vm4 =	vgt.f32 v5, v1  }
0x116: {  	v5 =	vld [tilespmem:s30+$0xFFFFFE40];
	v7 =	vadd.s32 v9, v7;
	v9 =	vmpcnt.ones.xlane vm4;
	vm4 =	vgt.f32 v6, v1  }
0x117: {  	vm5 =	vgt.f32 v10, v1;
	v6 =	vld [tilespmem:s30+$0xFFFFFE50];
	v7 =	vadd.s32 v8, v7;
	v8 =	vmpcnt.ones.xlane vm4  }
0x118: {  	v10 =	vmpcnt.ones.xlane vm5;
	vm4 =	vgt.f32 v2, v1;
	v2 =	vld [tilespmem:s30+$0xFFFFFE60];
	v7 =	vadd.s32 v9, v7  }
0x119: {  	v9 =	vmpcnt.ones.xlane vm4;
	vm4 =	vgt.f32 v3, v1;
	v3 =	vld [tilespmem:s30+$0xFFFFFE70];
	v7 =	vadd.s32 v8, v7  }
0x11a: {  	v7 =	vadd.s32 v7, v10;
	v8 =	vmpcnt.ones.xlane vm4;
	vm4 =	vgt.f32 v4, v1;
	v4 =	vld [tilespmem:s30+$0x0]  }
0x11b: {  	v7 =	vadd.s32 v9, v7;
	v9 =	vmpcnt.ones.xlane vm4;
	vm4 =	vgt.f32 v5, v1;
	v5 =	vld [tilespmem:s30+$0x10]  }
0x11c: {  	v7 =	vadd.s32 v8, v7;
	v8 =	vmpcnt.ones.xlane vm4;
	vm4 =	vgt.f32 v6, v1;
	v6 =	vld [tilespmem:s30+$0x20]  }
.Ltmp12:
0x11d: {  	v7 =	vadd.s32 v9, v7;
	v9 =	vmpcnt.ones.xlane vm4;
	vm4 =	vgt.f32 v2, v1;
	v2 =	vld [tilespmem:s30+$0x30];
	(pc) =	sbr.rel @p0 .LBB2_26-.Ltmp12, $4  }
0x11e: {  	v7 =	vadd.s32 v8, v7;
	v8 =	vmpcnt.ones.xlane vm4;
	vm4 =	vgt.f32 v3, v1;
	v3 =	vld [tilespmem:s30+$0x40]  }
0x11f: {  	v7 =	vadd.s32 v9, v7;
	v9 =	vmpcnt.ones.xlane vm4;
	vm4 =	vgt.f32 v4, v1;
	v4 =	vld [tilespmem:s30+$0x50]  }
0x120: {  	v8 =	vadd.s32 v8, v7;
	v7 =	vmpcnt.ones.xlane vm4;
	vm4 =	vgt.f32 v5, v1;
	v5 =	vld [tilespmem:s30+$0x60]  }
0x121: {  	v9 =	vadd.s32 v9, v8;
	v8 =	vmpcnt.ones.xlane vm4;
	vm4 =	vgt.f32 v6, v1;
	v6 =	vld [tilespmem:s30+$0x70];
	s30 =	sadd.s32 $0x400, s30  }
0x122: {  	v7 =	vadd.s32 v7, v9;
	v61 =	vmpcnt.ones.xlane vm4;
	vm4 =	vgt.f32 v2, v1  }
0x123: {  	v2 =	vadd.s32 v8, v7;
	v62 =	vmpcnt.ones.xlane vm4;
	vm4 =	vgt.f32 v3, v1  }
0x124: {  	v2 =	vadd.s32 v61, v2;
	v3 =	vmpcnt.ones.xlane vm4;
	vm4 =	vgt.f32 v4, v1  }
0x125: {  	v2 =	vadd.s32 v62, v2;
	v4 =	vmpcnt.ones.xlane vm4;
	vm4 =	vgt.f32 v5, v1  }
0x126: {  	v2 =	vadd.s32 v3, v2;
	v3 =	vmpcnt.ones.xlane vm4;
	vm4 =	vgt.f32 v6, v1  }
0x127: {  	v2 =	vadd.s32 v4, v2;
	v63 =	vmpcnt.ones.xlane vm4  }
0x128: {  	s29 =	simm.s32 $0x0;
	v2 =	vadd.s32 v3, v2  }
0x129: {  	s30 =	simm.s32 $0x80;
	s1 =	sadd.s32 $0x0, s11;
	s31 =	simm.s32 $0x200;
	v2 =	vadd.s32 v63, v2  }
.LBB2_28:
0x12a: {  	[tilespmem:s29], [sflag:$0x1] =	stream.linear.gather [hbm4b:s1+s2], $0x80, $0x38;
	[tilespmem:$0x8080] =	vst v63  }
0x12b: {  	s1 =	smov.u32 s30;
	s29 =	smov.u32 s31;
	p0 =	sne.s32 s30, $0x1F80  }
.Ltmp13:
0x12c: {  	s30 =	sadd.s32 $0x80, s30;
	(pc) =	sbr.rel @p0 .LBB2_28-.Ltmp13, $2  }
0x12d: {  	_ =	sdelay $0x2  }
0x12e: {  	s31 =	sadd.s32 $0x200, s31;
	s1 =	sadd.s32 s1, s11  }
0x12f: {  	[tilespmem:s29], [sflag:$0x1] =	stream.linear.gather [hbm4b:s1+s2], $0x80, $0x38;
	[tilespmem:$0x8080] =	vst v63  }
0x130: {  	_ =	swait.ge [sflag:s22], $0x2000  }
0x131: {  	[sflag:s22] =	ssyncset.done $0x0  }
0x132: {  	s31 =	simm.s32 $0x280;
	[sflag:s22] =	ssyncadd.s32 $0xFFFFE000  }
0x133: {  	v3 =	vld [tilespmem:s31+$0xFFFFFE00]  }
0x134: {  	v4 =	vld [tilespmem:s31+$0xFFFFFE10]  }
0x135: {  	v5 =	vld [tilespmem:s31+$0xFFFFFE20]  }
0x136: {  	v6 =	vld [tilespmem:s31+$0xFFFFFE30]  }
0x137: {  	v7 =	vld [tilespmem:s31+$0xFFFFFE40]  }
0x138: {  	vm4 =	vgt.f32 v3, v1;
	v3 =	vld [tilespmem:s31+$0xFFFFFE50]  }
0x139: {  	v8 =	vmpcnt.ones.xlane vm4;
	vm4 =	vgt.f32 v4, v1;
	v4 =	vld [tilespmem:s31+$0xFFFFFE60]  }
0x13a: {  	v9 =	vmpcnt.ones.xlane vm4;
	vm4 =	vgt.f32 v5, v1;
	v5 =	vld [tilespmem:s31+$0xFFFFFE70]  }
0x13b: {  	v2 =	vadd.s32 v2, v8;
	v8 =	vmpcnt.ones.xlane vm4;
	vm4 =	vgt.f32 v6, v1;
	v6 =	vld [tilespmem:s31+$0x0]  }
0x13c: {  	v10 =	vld [tilespmem:s31+$0x10];
	v2 =	vadd.s32 v9, v2;
	v9 =	vmpcnt.ones.xlane vm4;
	vm4 =	vgt.f32 v7, v1  }
0x13d: {  	v11 =	vld [tilespmem:s31+$0x20];
	v2 =	vadd.s32 v8, v2;
	v7 =	vmpcnt.ones.xlane vm4;
	vm4 =	vgt.f32 v3, v1  }
0x13e: {  	v3 =	vadd.s32 v9, v2;
	v8 =	vmpcnt.ones.xlane vm4;
	vm4 =	vgt.f32 v4, v1;
	v2 =	vld [tilespmem:s31+$0x30]  }
0x13f: {  	v4 =	vadd.s32 v7, v3;
	v7 =	vmpcnt.ones.xlane vm4;
	vm4 =	vgt.f32 v5, v1;
	v3 =	vld [tilespmem:s31+$0x40]  }
0x140: {  	v5 =	vadd.s32 v8, v4;
	v8 =	vmpcnt.ones.xlane vm4;
	vm4 =	vgt.f32 v6, v1;
	v4 =	vld [tilespmem:s31+$0x50]  }
0x141: {  	v6 =	vadd.s32 v7, v5;
	v7 =	vmpcnt.ones.xlane vm4;
	vm4 =	vgt.f32 v10, v1;
	v5 =	vld [tilespmem:s31+$0x60]  }
0x142: {  	s29 =	simm.s32 $0x0;
	s30 =	simm.s32 $0x680;
	v9 =	vadd.s32 v8, v6;
	v8 =	vmpcnt.ones.xlane vm4;
	vm4 =	vgt.f32 v11, v1;
	v6 =	vld [tilespmem:s31+$0x70]  }
.LBB2_30:
0x143: {  	v10 =	vld [tilespmem:s30+$0xFFFFFE00];
	s29 =	sadd.s32 $0x10, s29;
	v7 =	vadd.s32 v7, v9;
	v9 =	vmpcnt.ones.xlane vm4;
	vm4 =	vgt.f32 v2, v1  }
0x144: {  	v2 =	vld [tilespmem:s30+$0xFFFFFE10];
	p0 =	slt.u32 s29, $0x1F0;
	v7 =	vadd.s32 v8, v7;
	v8 =	vmpcnt.ones.xlane vm4;
	vm4 =	vgt.f32 v3, v1  }
0x145: {  	v3 =	vld [tilespmem:s30+$0xFFFFFE20];
	v7 =	vadd.s32 v9, v7;
	v9 =	vmpcnt.ones.xlane vm4;
	vm4 =	vgt.f32 v4, v1  }
0x146: {  	v4 =	vld [tilespmem:s30+$0xFFFFFE30];
	v7 =	vadd.s32 v8, v7;
	v8 =	vmpcnt.ones.xlane vm4;
	vm4 =	vgt.f32 v5, v1  }
0x147: {  	v5 =	vld [tilespmem:s30+$0xFFFFFE40];
	v7 =	vadd.s32 v9, v7;
	v9 =	vmpcnt.ones.xlane vm4;
	vm4 =	vgt.f32 v6, v1  }
0x148: {  	vm5 =	vgt.f32 v10, v1;
	v6 =	vld [tilespmem:s30+$0xFFFFFE50];
	v7 =	vadd.s32 v8, v7;
	v8 =	vmpcnt.ones.xlane vm4  }
0x149: {  	v10 =	vmpcnt.ones.xlane vm5;
	vm4 =	vgt.f32 v2, v1;
	v2 =	vld [tilespmem:s30+$0xFFFFFE60];
	v7 =	vadd.s32 v9, v7  }
0x14a: {  	v9 =	vmpcnt.ones.xlane vm4;
	vm4 =	vgt.f32 v3, v1;
	v3 =	vld [tilespmem:s30+$0xFFFFFE70];
	v7 =	vadd.s32 v8, v7  }
0x14b: {  	v7 =	vadd.s32 v7, v10;
	v8 =	vmpcnt.ones.xlane vm4;
	vm4 =	vgt.f32 v4, v1;
	v4 =	vld [tilespmem:s30+$0x0]  }
0x14c: {  	v7 =	vadd.s32 v9, v7;
	v9 =	vmpcnt.ones.xlane vm4;
	vm4 =	vgt.f32 v5, v1;
	v5 =	vld [tilespmem:s30+$0x10]  }
0x14d: {  	v7 =	vadd.s32 v8, v7;
	v8 =	vmpcnt.ones.xlane vm4;
	vm4 =	vgt.f32 v6, v1;
	v6 =	vld [tilespmem:s30+$0x20]  }
.Ltmp14:
0x14e: {  	v7 =	vadd.s32 v9, v7;
	v9 =	vmpcnt.ones.xlane vm4;
	vm4 =	vgt.f32 v2, v1;
	v2 =	vld [tilespmem:s30+$0x30];
	(pc) =	sbr.rel @p0 .LBB2_30-.Ltmp14, $4  }
0x14f: {  	v7 =	vadd.s32 v8, v7;
	v8 =	vmpcnt.ones.xlane vm4;
	vm4 =	vgt.f32 v3, v1;
	v3 =	vld [tilespmem:s30+$0x40]  }
0x150: {  	v7 =	vadd.s32 v9, v7;
	v9 =	vmpcnt.ones.xlane vm4;
	vm4 =	vgt.f32 v4, v1;
	v4 =	vld [tilespmem:s30+$0x50]  }
0x151: {  	v8 =	vadd.s32 v8, v7;
	v7 =	vmpcnt.ones.xlane vm4;
	vm4 =	vgt.f32 v5, v1;
	v5 =	vld [tilespmem:s30+$0x60]  }
0x152: {  	v9 =	vadd.s32 v9, v8;
	v8 =	vmpcnt.ones.xlane vm4;
	vm4 =	vgt.f32 v6, v1;
	v6 =	vld [tilespmem:s30+$0x70];
	s30 =	sadd.s32 $0x400, s30  }
0x153: {  	v7 =	vadd.s32 v7, v9;
	v61 =	vmpcnt.ones.xlane vm4;
	vm4 =	vgt.f32 v2, v1  }
0x154: {  	v2 =	vadd.s32 v8, v7;
	v62 =	vmpcnt.ones.xlane vm4;
	vm4 =	vgt.f32 v3, v1  }
0x155: {  	v2 =	vadd.s32 v61, v2;
	v3 =	vmpcnt.ones.xlane vm4;
	vm4 =	vgt.f32 v4, v1  }
0x156: {  	v2 =	vadd.s32 v62, v2;
	v4 =	vmpcnt.ones.xlane vm4;
	vm4 =	vgt.f32 v5, v1  }
0x157: {  	v2 =	vadd.s32 v3, v2;
	v3 =	vmpcnt.ones.xlane vm4;
	vm4 =	vgt.f32 v6, v1  }
0x158: {  	v2 =	vadd.s32 v4, v2;
	v63 =	vmpcnt.ones.xlane vm4  }
0x159: {  	s29 =	simm.s32 $0x80;
	v2 =	vadd.s32 v3, v2  }
0x15a: {  	s30 =	simm.s32 $0x80;
	s1 =	sadd.s32 $0x0, s12;
	s31 =	simm.s32 $0x280;
	v2 =	vadd.s32 v63, v2  }
.LBB2_32:
0x15b: {  	[tilespmem:s29], [sflag:$0x2] =	stream.linear.gather [hbm4b:s1+s2], $0x80, $0x38;
	[tilespmem:$0x8080] =	vst v63  }
0x15c: {  	s1 =	smov.u32 s30;
	s29 =	smov.u32 s31;
	p0 =	sne.s32 s30, $0x1F80  }
.Ltmp15:
0x15d: {  	s30 =	sadd.s32 $0x80, s30;
	(pc) =	sbr.rel @p0 .LBB2_32-.Ltmp15, $2  }
0x15e: {  	_ =	sdelay $0x2  }
0x15f: {  	s31 =	sadd.s32 $0x200, s31;
	s1 =	sadd.s32 s1, s12  }
0x160: {  	[tilespmem:s29], [sflag:$0x2] =	stream.linear.gather [hbm4b:s1+s2], $0x80, $0x38;
	[tilespmem:$0x8080] =	vst v63  }
0x161: {  	_ =	swait.ge [sflag:s23], $0x2000  }
0x162: {  	[sflag:s23] =	ssyncset.done $0x0  }
0x163: {  	s31 =	simm.s32 $0x300;
	[sflag:s23] =	ssyncadd.s32 $0xFFFFE000  }
0x164: {  	v3 =	vld [tilespmem:s31+$0xFFFFFE00]  }
0x165: {  	v4 =	vld [tilespmem:s31+$0xFFFFFE10]  }
0x166: {  	v5 =	vld [tilespmem:s31+$0xFFFFFE20]  }
0x167: {  	v6 =	vld [tilespmem:s31+$0xFFFFFE30]  }
0x168: {  	v7 =	vld [tilespmem:s31+$0xFFFFFE40]  }
0x169: {  	vm4 =	vgt.f32 v3, v1;
	v3 =	vld [tilespmem:s31+$0xFFFFFE50]  }
0x16a: {  	v8 =	vmpcnt.ones.xlane vm4;
	vm4 =	vgt.f32 v4, v1;
	v4 =	vld [tilespmem:s31+$0xFFFFFE60]  }
0x16b: {  	v9 =	vmpcnt.ones.xlane vm4;
	vm4 =	vgt.f32 v5, v1;
	v5 =	vld [tilespmem:s31+$0xFFFFFE70]  }
0x16c: {  	v2 =	vadd.s32 v2, v8;
	v8 =	vmpcnt.ones.xlane vm4;
	vm4 =	vgt.f32 v6, v1;
	v6 =	vld [tilespmem:s31+$0x0]  }
0x16d: {  	v10 =	vld [tilespmem:s31+$0x10];
	v2 =	vadd.s32 v9, v2;
	v9 =	vmpcnt.ones.xlane vm4;
	vm4 =	vgt.f32 v7, v1  }
0x16e: {  	v11 =	vld [tilespmem:s31+$0x20];
	v2 =	vadd.s32 v8, v2;
	v7 =	vmpcnt.ones.xlane vm4;
	vm4 =	vgt.f32 v3, v1  }
0x16f: {  	v3 =	vadd.s32 v9, v2;
	v8 =	vmpcnt.ones.xlane vm4;
	vm4 =	vgt.f32 v4, v1;
	v2 =	vld [tilespmem:s31+$0x30]  }
0x170: {  	v4 =	vadd.s32 v7, v3;
	v7 =	vmpcnt.ones.xlane vm4;
	vm4 =	vgt.f32 v5, v1;
	v3 =	vld [tilespmem:s31+$0x40]  }
0x171: {  	v5 =	vadd.s32 v8, v4;
	v8 =	vmpcnt.ones.xlane vm4;
	vm4 =	vgt.f32 v6, v1;
	v4 =	vld [tilespmem:s31+$0x50]  }
0x172: {  	v6 =	vadd.s32 v7, v5;
	v7 =	vmpcnt.ones.xlane vm4;
	vm4 =	vgt.f32 v10, v1;
	v5 =	vld [tilespmem:s31+$0x60]  }
0x173: {  	s29 =	simm.s32 $0x0;
	s30 =	simm.s32 $0x700;
	v9 =	vadd.s32 v8, v6;
	v8 =	vmpcnt.ones.xlane vm4;
	vm4 =	vgt.f32 v11, v1;
	v6 =	vld [tilespmem:s31+$0x70]  }
.LBB2_34:
0x174: {  	v10 =	vld [tilespmem:s30+$0xFFFFFE00];
	s29 =	sadd.s32 $0x10, s29;
	v7 =	vadd.s32 v7, v9;
	v9 =	vmpcnt.ones.xlane vm4;
	vm4 =	vgt.f32 v2, v1  }
0x175: {  	v2 =	vld [tilespmem:s30+$0xFFFFFE10];
	p0 =	slt.u32 s29, $0x1F0;
	v7 =	vadd.s32 v8, v7;
	v8 =	vmpcnt.ones.xlane vm4;
	vm4 =	vgt.f32 v3, v1  }
0x176: {  	v3 =	vld [tilespmem:s30+$0xFFFFFE20];
	v7 =	vadd.s32 v9, v7;
	v9 =	vmpcnt.ones.xlane vm4;
	vm4 =	vgt.f32 v4, v1  }
0x177: {  	v4 =	vld [tilespmem:s30+$0xFFFFFE30];
	v7 =	vadd.s32 v8, v7;
	v8 =	vmpcnt.ones.xlane vm4;
	vm4 =	vgt.f32 v5, v1  }
0x178: {  	v5 =	vld [tilespmem:s30+$0xFFFFFE40];
	v7 =	vadd.s32 v9, v7;
	v9 =	vmpcnt.ones.xlane vm4;
	vm4 =	vgt.f32 v6, v1  }
0x179: {  	vm5 =	vgt.f32 v10, v1;
	v6 =	vld [tilespmem:s30+$0xFFFFFE50];
	v7 =	vadd.s32 v8, v7;
	v8 =	vmpcnt.ones.xlane vm4  }
0x17a: {  	v10 =	vmpcnt.ones.xlane vm5;
	vm4 =	vgt.f32 v2, v1;
	v2 =	vld [tilespmem:s30+$0xFFFFFE60];
	v7 =	vadd.s32 v9, v7  }
0x17b: {  	v9 =	vmpcnt.ones.xlane vm4;
	vm4 =	vgt.f32 v3, v1;
	v3 =	vld [tilespmem:s30+$0xFFFFFE70];
	v7 =	vadd.s32 v8, v7  }
0x17c: {  	v7 =	vadd.s32 v7, v10;
	v8 =	vmpcnt.ones.xlane vm4;
	vm4 =	vgt.f32 v4, v1;
	v4 =	vld [tilespmem:s30+$0x0]  }
0x17d: {  	v7 =	vadd.s32 v9, v7;
	v9 =	vmpcnt.ones.xlane vm4;
	vm4 =	vgt.f32 v5, v1;
	v5 =	vld [tilespmem:s30+$0x10]  }
0x17e: {  	v7 =	vadd.s32 v8, v7;
	v8 =	vmpcnt.ones.xlane vm4;
	vm4 =	vgt.f32 v6, v1;
	v6 =	vld [tilespmem:s30+$0x20]  }
.Ltmp16:
0x17f: {  	v7 =	vadd.s32 v9, v7;
	v9 =	vmpcnt.ones.xlane vm4;
	vm4 =	vgt.f32 v2, v1;
	v2 =	vld [tilespmem:s30+$0x30];
	(pc) =	sbr.rel @p0 .LBB2_34-.Ltmp16, $4  }
0x180: {  	v7 =	vadd.s32 v8, v7;
	v8 =	vmpcnt.ones.xlane vm4;
	vm4 =	vgt.f32 v3, v1;
	v3 =	vld [tilespmem:s30+$0x40]  }
0x181: {  	v7 =	vadd.s32 v9, v7;
	v9 =	vmpcnt.ones.xlane vm4;
	vm4 =	vgt.f32 v4, v1;
	v4 =	vld [tilespmem:s30+$0x50]  }
0x182: {  	v8 =	vadd.s32 v8, v7;
	v7 =	vmpcnt.ones.xlane vm4;
	vm4 =	vgt.f32 v5, v1;
	v5 =	vld [tilespmem:s30+$0x60]  }
0x183: {  	v9 =	vadd.s32 v9, v8;
	v8 =	vmpcnt.ones.xlane vm4;
	vm4 =	vgt.f32 v6, v1;
	v6 =	vld [tilespmem:s30+$0x70];
	s30 =	sadd.s32 $0x400, s30  }
0x184: {  	v7 =	vadd.s32 v7, v9;
	v61 =	vmpcnt.ones.xlane vm4;
	vm4 =	vgt.f32 v2, v1  }
0x185: {  	v2 =	vadd.s32 v8, v7;
	v62 =	vmpcnt.ones.xlane vm4;
	vm4 =	vgt.f32 v3, v1  }
0x186: {  	v2 =	vadd.s32 v61, v2;
	v3 =	vmpcnt.ones.xlane vm4;
	vm4 =	vgt.f32 v4, v1  }
0x187: {  	v2 =	vadd.s32 v62, v2;
	v4 =	vmpcnt.ones.xlane vm4;
	vm4 =	vgt.f32 v5, v1  }
0x188: {  	v2 =	vadd.s32 v3, v2;
	v3 =	vmpcnt.ones.xlane vm4;
	vm4 =	vgt.f32 v6, v1  }
0x189: {  	v2 =	vadd.s32 v4, v2;
	v63 =	vmpcnt.ones.xlane vm4  }
0x18a: {  	s29 =	simm.s32 $0x100;
	v2 =	vadd.s32 v3, v2  }
0x18b: {  	s30 =	simm.s32 $0x80;
	s1 =	sadd.s32 $0x0, s13;
	s31 =	simm.s32 $0x300;
	v2 =	vadd.s32 v63, v2  }
.LBB2_36:
0x18c: {  	[tilespmem:s29], [sflag:$0x3] =	stream.linear.gather [hbm4b:s1+s2], $0x80, $0x38;
	[tilespmem:$0x8080] =	vst v63  }
0x18d: {  	s1 =	smov.u32 s30;
	s29 =	smov.u32 s31;
	p0 =	sne.s32 s30, $0x1F80  }
.Ltmp17:
0x18e: {  	s30 =	sadd.s32 $0x80, s30;
	(pc) =	sbr.rel @p0 .LBB2_36-.Ltmp17, $2  }
0x18f: {  	_ =	sdelay $0x2  }
0x190: {  	s31 =	sadd.s32 $0x200, s31;
	s1 =	sadd.s32 s1, s13  }
0x191: {  	[tilespmem:s29], [sflag:$0x3] =	stream.linear.gather [hbm4b:s1+s2], $0x80, $0x38;
	[tilespmem:$0x8080] =	vst v63  }
0x192: {  	_ =	swait.ge [sflag:s24], $0x2000  }
0x193: {  	[sflag:s24] =	ssyncset.done $0x0  }
0x194: {  	s31 =	simm.s32 $0x380;
	[sflag:s24] =	ssyncadd.s32 $0xFFFFE000  }
0x195: {  	v3 =	vld [tilespmem:s31+$0xFFFFFE00]  }
0x196: {  	v4 =	vld [tilespmem:s31+$0xFFFFFE10]  }
0x197: {  	v5 =	vld [tilespmem:s31+$0xFFFFFE20]  }
0x198: {  	v6 =	vld [tilespmem:s31+$0xFFFFFE30]  }
0x199: {  	v7 =	vld [tilespmem:s31+$0xFFFFFE40]  }
0x19a: {  	vm4 =	vgt.f32 v3, v1;
	v3 =	vld [tilespmem:s31+$0xFFFFFE50]  }
0x19b: {  	v8 =	vmpcnt.ones.xlane vm4;
	vm4 =	vgt.f32 v4, v1;
	v4 =	vld [tilespmem:s31+$0xFFFFFE60]  }
0x19c: {  	v9 =	vmpcnt.ones.xlane vm4;
	vm4 =	vgt.f32 v5, v1;
	v5 =	vld [tilespmem:s31+$0xFFFFFE70]  }
0x19d: {  	v2 =	vadd.s32 v2, v8;
	v8 =	vmpcnt.ones.xlane vm4;
	vm4 =	vgt.f32 v6, v1;
	v6 =	vld [tilespmem:s31+$0x0]  }
0x19e: {  	v10 =	vld [tilespmem:s31+$0x10];
	v2 =	vadd.s32 v9, v2;
	v9 =	vmpcnt.ones.xlane vm4;
	vm4 =	vgt.f32 v7, v1  }
0x19f: {  	v11 =	vld [tilespmem:s31+$0x20];
	v2 =	vadd.s32 v8, v2;
	v7 =	vmpcnt.ones.xlane vm4;
	vm4 =	vgt.f32 v3, v1  }
0x1a0: {  	v3 =	vadd.s32 v9, v2;
	v8 =	vmpcnt.ones.xlane vm4;
	vm4 =	vgt.f32 v4, v1;
	v2 =	vld [tilespmem:s31+$0x30]  }
0x1a1: {  	v4 =	vadd.s32 v7, v3;
	v7 =	vmpcnt.ones.xlane vm4;
	vm4 =	vgt.f32 v5, v1;
	v3 =	vld [tilespmem:s31+$0x40]  }
0x1a2: {  	v5 =	vadd.s32 v8, v4;
	v8 =	vmpcnt.ones.xlane vm4;
	vm4 =	vgt.f32 v6, v1;
	v4 =	vld [tilespmem:s31+$0x50]  }
0x1a3: {  	v6 =	vadd.s32 v7, v5;
	v7 =	vmpcnt.ones.xlane vm4;
	vm4 =	vgt.f32 v10, v1;
	v5 =	vld [tilespmem:s31+$0x60]  }
0x1a4: {  	s29 =	simm.s32 $0x0;
	s30 =	simm.s32 $0x780;
	v9 =	vadd.s32 v8, v6;
	v8 =	vmpcnt.ones.xlane vm4;
	vm4 =	vgt.f32 v11, v1;
	v6 =	vld [tilespmem:s31+$0x70]  }
.LBB2_38:
0x1a5: {  	v10 =	vld [tilespmem:s30+$0xFFFFFE00];
	s29 =	sadd.s32 $0x10, s29;
	v7 =	vadd.s32 v7, v9;
	v9 =	vmpcnt.ones.xlane vm4;
	vm4 =	vgt.f32 v2, v1  }
0x1a6: {  	v2 =	vld [tilespmem:s30+$0xFFFFFE10];
	p0 =	slt.u32 s29, $0x1F0;
	v7 =	vadd.s32 v8, v7;
	v8 =	vmpcnt.ones.xlane vm4;
	vm4 =	vgt.f32 v3, v1  }
0x1a7: {  	v3 =	vld [tilespmem:s30+$0xFFFFFE20];
	v7 =	vadd.s32 v9, v7;
	v9 =	vmpcnt.ones.xlane vm4;
	vm4 =	vgt.f32 v4, v1  }
0x1a8: {  	v4 =	vld [tilespmem:s30+$0xFFFFFE30];
	v7 =	vadd.s32 v8, v7;
	v8 =	vmpcnt.ones.xlane vm4;
	vm4 =	vgt.f32 v5, v1  }
0x1a9: {  	v5 =	vld [tilespmem:s30+$0xFFFFFE40];
	v7 =	vadd.s32 v9, v7;
	v9 =	vmpcnt.ones.xlane vm4;
	vm4 =	vgt.f32 v6, v1  }
0x1aa: {  	vm5 =	vgt.f32 v10, v1;
	v6 =	vld [tilespmem:s30+$0xFFFFFE50];
	v7 =	vadd.s32 v8, v7;
	v8 =	vmpcnt.ones.xlane vm4  }
0x1ab: {  	v10 =	vmpcnt.ones.xlane vm5;
	vm4 =	vgt.f32 v2, v1;
	v2 =	vld [tilespmem:s30+$0xFFFFFE60];
	v7 =	vadd.s32 v9, v7  }
0x1ac: {  	v9 =	vmpcnt.ones.xlane vm4;
	vm4 =	vgt.f32 v3, v1;
	v3 =	vld [tilespmem:s30+$0xFFFFFE70];
	v7 =	vadd.s32 v8, v7  }
0x1ad: {  	v7 =	vadd.s32 v7, v10;
	v8 =	vmpcnt.ones.xlane vm4;
	vm4 =	vgt.f32 v4, v1;
	v4 =	vld [tilespmem:s30+$0x0]  }
0x1ae: {  	v7 =	vadd.s32 v9, v7;
	v9 =	vmpcnt.ones.xlane vm4;
	vm4 =	vgt.f32 v5, v1;
	v5 =	vld [tilespmem:s30+$0x10]  }
0x1af: {  	v7 =	vadd.s32 v8, v7;
	v8 =	vmpcnt.ones.xlane vm4;
	vm4 =	vgt.f32 v6, v1;
	v6 =	vld [tilespmem:s30+$0x20]  }
.Ltmp18:
0x1b0: {  	v7 =	vadd.s32 v9, v7;
	v9 =	vmpcnt.ones.xlane vm4;
	vm4 =	vgt.f32 v2, v1;
	v2 =	vld [tilespmem:s30+$0x30];
	(pc) =	sbr.rel @p0 .LBB2_38-.Ltmp18, $4  }
0x1b1: {  	v7 =	vadd.s32 v8, v7;
	v8 =	vmpcnt.ones.xlane vm4;
	vm4 =	vgt.f32 v3, v1;
	v3 =	vld [tilespmem:s30+$0x40]  }
0x1b2: {  	v7 =	vadd.s32 v9, v7;
	v9 =	vmpcnt.ones.xlane vm4;
	vm4 =	vgt.f32 v4, v1;
	v4 =	vld [tilespmem:s30+$0x50]  }
0x1b3: {  	v8 =	vadd.s32 v8, v7;
	v7 =	vmpcnt.ones.xlane vm4;
	vm4 =	vgt.f32 v5, v1;
	v5 =	vld [tilespmem:s30+$0x60]  }
0x1b4: {  	v9 =	vadd.s32 v9, v8;
	v8 =	vmpcnt.ones.xlane vm4;
	vm4 =	vgt.f32 v6, v1;
	v6 =	vld [tilespmem:s30+$0x70];
	s30 =	sadd.s32 $0x400, s30  }
0x1b5: {  	v7 =	vadd.s32 v7, v9;
	v62 =	vmpcnt.ones.xlane vm4;
	vm4 =	vgt.f32 v2, v1  }
0x1b6: {  	v2 =	vadd.s32 v8, v7;
	v63 =	vmpcnt.ones.xlane vm4;
	vm4 =	vgt.f32 v3, v1  }
0x1b7: {  	v2 =	vadd.s32 v62, v2;
	v3 =	vmpcnt.ones.xlane vm4;
	vm4 =	vgt.f32 v4, v1  }
0x1b8: {  	v2 =	vadd.s32 v63, v2;
	v4 =	vmpcnt.ones.xlane vm4;
	vm4 =	vgt.f32 v5, v1  }
0x1b9: {  	v2 =	vadd.s32 v3, v2;
	v3 =	vmpcnt.ones.xlane vm4;
	vm4 =	vgt.f32 v6, v1  }
0x1ba: {  	v1 =	vadd.s32 v4, v2;
	v2 =	vmpcnt.ones.xlane vm4  }
0x1bb: {  	s29 =	simm.s32 $0x180;
	v1 =	vadd.s32 v3, v1  }
0x1bc: {  	s30 =	simm.s32 $0x80;
	s1 =	sadd.s32 $0x0, s14;
	s31 =	simm.s32 $0x380;
	v1 =	vadd.s32 v2, v1  }
.LBB2_40:
0x1bd: {  	[tilespmem:s29], [sflag:$0x4] =	stream.linear.gather [hbm4b:s1+s2], $0x80, $0x38;
	[tilespmem:$0x8080] =	vst v63  }
0x1be: {  	s1 =	smov.u32 s30;
	s29 =	smov.u32 s31;
	p0 =	sne.s32 s30, $0x1F80  }
.Ltmp19:
0x1bf: {  	s30 =	sadd.s32 $0x80, s30;
	(pc) =	sbr.rel @p0 .LBB2_40-.Ltmp19, $2  }
0x1c0: {  	_ =	sdelay $0x2  }
0x1c1: {  	s31 =	sadd.s32 $0x200, s31;
	s1 =	sadd.s32 s1, s14  }
0x1c2: {  	[tilespmem:s29], [sflag:$0x4] =	stream.linear.gather [hbm4b:s1+s2], $0x80, $0x38;
	[tilespmem:$0x8080] =	vst v63  }
0x1c3: {  	_ =	swait.ge [sflag:s21], $0x2000  }
0x1c4: {  	[sflag:s21] =	ssyncset.done $0x0  }
0x1c5: {  	[sflag:s21] =	ssyncadd.s32 $0xFFFFE000  }
0x1c6: {  	s31 =	simm.s32 $0x200;
	v2 =	vld.msk [tilespmem:$0x0 ss:$0x0], $0xffff  }
0x1c7: {  	v3 =	vld [tilespmem:s31+$0xFFFFFE00]  }
0x1c8: {  	v4 =	vld [tilespmem:s31+$0xFFFFFE10]  }
0x1c9: {  	v5 =	vld [tilespmem:s31+$0xFFFFFE20]  }
0x1ca: {  	v6 =	vld [tilespmem:s31+$0xFFFFFE30]  }
0x1cb: {  	v7 =	vld [tilespmem:s31+$0xFFFFFE40]  }
0x1cc: {  	vm4 =	vgt.f32 v3, v2;
	v3 =	vld [tilespmem:s31+$0xFFFFFE50]  }
0x1cd: {  	v8 =	vmpcnt.ones.xlane vm4;
	vm4 =	vgt.f32 v4, v2;
	v4 =	vld [tilespmem:s31+$0xFFFFFE60]  }
0x1ce: {  	v9 =	vimm.s32 $0x0;
	v10 =	vmpcnt.ones.xlane vm4;
	vm4 =	vgt.f32 v5, v2;
	v5 =	vld [tilespmem:s31+$0xFFFFFE70]  }
0x1cf: {  	v8 =	vadd.s32 v9, v8;
	v9 =	vmpcnt.ones.xlane vm4;
	vm4 =	vgt.f32 v6, v2;
	v6 =	vld [tilespmem:s31+$0x0]  }
0x1d0: {  	v8 =	vadd.s32 v10, v8;
	v10 =	vmpcnt.ones.xlane vm4;
	vm4 =	vgt.f32 v7, v2;
	v7 =	vld [tilespmem:s31+$0x10]  }
0x1d1: {  	v11 =	vld [tilespmem:s31+$0x20];
	v8 =	vadd.s32 v9, v8;
	v9 =	vmpcnt.ones.xlane vm4;
	vm4 =	vgt.f32 v3, v2  }
0x1d2: {  	v3 =	vld [tilespmem:s31+$0x30];
	v8 =	vadd.s32 v10, v8;
	v10 =	vmpcnt.ones.xlane vm4;
	vm4 =	vgt.f32 v4, v2  }
0x1d3: {  	v4 =	vld [tilespmem:s31+$0x40];
	v8 =	vadd.s32 v9, v8;
	v9 =	vmpcnt.ones.xlane vm4;
	vm4 =	vgt.f32 v5, v2  }
0x1d4: {  	v5 =	vld [tilespmem:s31+$0x50];
	v8 =	vadd.s32 v10, v8;
	v10 =	vmpcnt.ones.xlane vm4;
	vm4 =	vgt.f32 v6, v2  }
0x1d5: {  	v6 =	vld [tilespmem:s31+$0x60];
	v9 =	vadd.s32 v9, v8;
	v8 =	vmpcnt.ones.xlane vm4;
	vm4 =	vgt.f32 v7, v2  }
0x1d6: {  	s29 =	simm.s32 $0x0;
	s30 =	simm.s32 $0x600;
	v7 =	vld [tilespmem:s31+$0x70];
	v10 =	vadd.s32 v10, v9;
	v9 =	vmpcnt.ones.xlane vm4;
	vm4 =	vgt.f32 v11, v2  }
.LBB2_42:
0x1d7: {  	v11 =	vld [tilespmem:s30+$0xFFFFFE00];
	s29 =	sadd.s32 $0x10, s29;
	v8 =	vadd.s32 v8, v10;
	v10 =	vmpcnt.ones.xlane vm4;
	vm4 =	vgt.f32 v3, v2  }
0x1d8: {  	v3 =	vld [tilespmem:s30+$0xFFFFFE10];
	p0 =	slt.u32 s29, $0x1F0;
	v8 =	vadd.s32 v9, v8;
	v9 =	vmpcnt.ones.xlane vm4;
	vm4 =	vgt.f32 v4, v2  }
0x1d9: {  	v4 =	vld [tilespmem:s30+$0xFFFFFE20];
	v8 =	vadd.s32 v10, v8;
	v10 =	vmpcnt.ones.xlane vm4;
	vm4 =	vgt.f32 v5, v2  }
0x1da: {  	v5 =	vld [tilespmem:s30+$0xFFFFFE30];
	v8 =	vadd.s32 v9, v8;
	v9 =	vmpcnt.ones.xlane vm4;
	vm4 =	vgt.f32 v6, v2  }
0x1db: {  	v6 =	vld [tilespmem:s30+$0xFFFFFE40];
	v8 =	vadd.s32 v10, v8;
	v10 =	vmpcnt.ones.xlane vm4;
	vm4 =	vgt.f32 v7, v2  }
0x1dc: {  	vm5 =	vgt.f32 v11, v2;
	v7 =	vld [tilespmem:s30+$0xFFFFFE50];
	v8 =	vadd.s32 v9, v8;
	v9 =	vmpcnt.ones.xlane vm4  }
0x1dd: {  	v11 =	vmpcnt.ones.xlane vm5;
	vm4 =	vgt.f32 v3, v2;
	v3 =	vld [tilespmem:s30+$0xFFFFFE60];
	v8 =	vadd.s32 v10, v8  }
0x1de: {  	v10 =	vmpcnt.ones.xlane vm4;
	vm4 =	vgt.f32 v4, v2;
	v4 =	vld [tilespmem:s30+$0xFFFFFE70];
	v8 =	vadd.s32 v9, v8  }
0x1df: {  	v8 =	vadd.s32 v8, v11;
	v9 =	vmpcnt.ones.xlane vm4;
	vm4 =	vgt.f32 v5, v2;
	v5 =	vld [tilespmem:s30+$0x0]  }
0x1e0: {  	v8 =	vadd.s32 v10, v8;
	v10 =	vmpcnt.ones.xlane vm4;
	vm4 =	vgt.f32 v6, v2;
	v6 =	vld [tilespmem:s30+$0x10]  }
0x1e1: {  	v8 =	vadd.s32 v9, v8;
	v9 =	vmpcnt.ones.xlane vm4;
	vm4 =	vgt.f32 v7, v2;
	v7 =	vld [tilespmem:s30+$0x20]  }
.Ltmp20:
0x1e2: {  	v8 =	vadd.s32 v10, v8;
	v10 =	vmpcnt.ones.xlane vm4;
	vm4 =	vgt.f32 v3, v2;
	v3 =	vld [tilespmem:s30+$0x30];
	(pc) =	sbr.rel @p0 .LBB2_42-.Ltmp20, $4  }
0x1e3: {  	v8 =	vadd.s32 v9, v8;
	v9 =	vmpcnt.ones.xlane vm4;
	vm4 =	vgt.f32 v4, v2;
	v4 =	vld [tilespmem:s30+$0x40]  }
0x1e4: {  	v8 =	vadd.s32 v10, v8;
	v10 =	vmpcnt.ones.xlane vm4;
	vm4 =	vgt.f32 v5, v2;
	v5 =	vld [tilespmem:s30+$0x50]  }
0x1e5: {  	v9 =	vadd.s32 v9, v8;
	v8 =	vmpcnt.ones.xlane vm4;
	vm4 =	vgt.f32 v6, v2;
	v6 =	vld [tilespmem:s30+$0x60]  }
0x1e6: {  	v10 =	vadd.s32 v10, v9;
	v9 =	vmpcnt.ones.xlane vm4;
	vm4 =	vgt.f32 v7, v2;
	v7 =	vld [tilespmem:s30+$0x70];
	s30 =	sadd.s32 $0x400, s30  }
0x1e7: {  	v8 =	vadd.s32 v8, v10;
	v62 =	vmpcnt.ones.xlane vm4;
	vm4 =	vgt.f32 v3, v2  }
0x1e8: {  	v3 =	vadd.s32 v9, v8;
	v63 =	vmpcnt.ones.xlane vm4;
	vm4 =	vgt.f32 v4, v2  }
0x1e9: {  	v3 =	vadd.s32 v62, v3;
	v4 =	vmpcnt.ones.xlane vm4;
	vm4 =	vgt.f32 v5, v2  }
0x1ea: {  	v3 =	vadd.s32 v63, v3;
	v5 =	vmpcnt.ones.xlane vm4;
	vm4 =	vgt.f32 v6, v2  }
0x1eb: {  	v3 =	vadd.s32 v4, v3;
	v4 =	vmpcnt.ones.xlane vm4;
	vm4 =	vgt.f32 v7, v2  }
0x1ec: {  	v3 =	vadd.s32 v5, v3;
	v5 =	vmpcnt.ones.xlane vm4  }
0x1ed: {  	s29 =	simm.s32 $0x0;
	v3 =	vadd.s32 v4, v3  }
0x1ee: {  	s30 =	simm.s32 $0x80;
	s1 =	sadd.s32 $0x0, s15;
	s31 =	simm.s32 $0x200;
	v3 =	vadd.s32 v5, v3  }
.LBB2_44:
0x1ef: {  	[tilespmem:s29], [sflag:$0x1] =	stream.linear.gather [hbm4b:s1+s2], $0x80, $0x38;
	[tilespmem:$0x8080] =	vst v63  }
0x1f0: {  	s1 =	smov.u32 s30;
	s29 =	smov.u32 s31;
	p0 =	sne.s32 s30, $0x1F80  }
.Ltmp21:
0x1f1: {  	s30 =	sadd.s32 $0x80, s30;
	(pc) =	sbr.rel @p0 .LBB2_44-.Ltmp21, $2  }
0x1f2: {  	_ =	sdelay $0x2  }
0x1f3: {  	s31 =	sadd.s32 $0x200, s31;
	s1 =	sadd.s32 s1, s15  }
0x1f4: {  	[tilespmem:s29], [sflag:$0x1] =	stream.linear.gather [hbm4b:s1+s2], $0x80, $0x38;
	[tilespmem:$0x8080] =	vst v63  }
0x1f5: {  	_ =	swait.ge [sflag:s22], $0x2000  }
0x1f6: {  	[sflag:s22] =	ssyncset.done $0x0  }
0x1f7: {  	s31 =	simm.s32 $0x280;
	[sflag:s22] =	ssyncadd.s32 $0xFFFFE000  }
0x1f8: {  	v4 =	vld [tilespmem:s31+$0xFFFFFE00]  }
0x1f9: {  	v5 =	vld [tilespmem:s31+$0xFFFFFE10]  }
0x1fa: {  	v6 =	vld [tilespmem:s31+$0xFFFFFE20]  }
0x1fb: {  	v7 =	vld [tilespmem:s31+$0xFFFFFE30]  }
0x1fc: {  	v8 =	vld [tilespmem:s31+$0xFFFFFE40]  }
0x1fd: {  	vm4 =	vgt.f32 v4, v2;
	v4 =	vld [tilespmem:s31+$0xFFFFFE50]  }
0x1fe: {  	v9 =	vmpcnt.ones.xlane vm4;
	vm4 =	vgt.f32 v5, v2;
	v5 =	vld [tilespmem:s31+$0xFFFFFE60]  }
0x1ff: {  	v10 =	vmpcnt.ones.xlane vm4;
	vm4 =	vgt.f32 v6, v2;
	v6 =	vld [tilespmem:s31+$0xFFFFFE70]  }
0x200: {  	v3 =	vadd.s32 v3, v9;
	v9 =	vmpcnt.ones.xlane vm4;
	vm4 =	vgt.f32 v7, v2;
	v7 =	vld [tilespmem:s31+$0x0]  }
0x201: {  	v11 =	vld [tilespmem:s31+$0x10];
	v3 =	vadd.s32 v10, v3;
	v10 =	vmpcnt.ones.xlane vm4;
	vm4 =	vgt.f32 v8, v2  }
0x202: {  	v12 =	vld [tilespmem:s31+$0x20];
	v3 =	vadd.s32 v9, v3;
	v8 =	vmpcnt.ones.xlane vm4;
	vm4 =	vgt.f32 v4, v2  }
0x203: {  	v4 =	vadd.s32 v10, v3;
	v9 =	vmpcnt.ones.xlane vm4;
	vm4 =	vgt.f32 v5, v2;
	v3 =	vld [tilespmem:s31+$0x30]  }
0x204: {  	v5 =	vadd.s32 v8, v4;
	v8 =	vmpcnt.ones.xlane vm4;
	vm4 =	vgt.f32 v6, v2;
	v4 =	vld [tilespmem:s31+$0x40]  }
0x205: {  	v6 =	vadd.s32 v9, v5;
	v9 =	vmpcnt.ones.xlane vm4;
	vm4 =	vgt.f32 v7, v2;
	v5 =	vld [tilespmem:s31+$0x50]  }
0x206: {  	v7 =	vadd.s32 v8, v6;
	v8 =	vmpcnt.ones.xlane vm4;
	vm4 =	vgt.f32 v11, v2;
	v6 =	vld [tilespmem:s31+$0x60]  }
0x207: {  	s29 =	simm.s32 $0x0;
	s30 =	simm.s32 $0x680;
	v10 =	vadd.s32 v9, v7;
	v9 =	vmpcnt.ones.xlane vm4;
	vm4 =	vgt.f32 v12, v2;
	v7 =	vld [tilespmem:s31+$0x70]  }
.LBB2_46:
0x208: {  	v11 =	vld [tilespmem:s30+$0xFFFFFE00];
	s29 =	sadd.s32 $0x10, s29;
	v8 =	vadd.s32 v8, v10;
	v10 =	vmpcnt.ones.xlane vm4;
	vm4 =	vgt.f32 v3, v2  }
0x209: {  	v3 =	vld [tilespmem:s30+$0xFFFFFE10];
	p0 =	slt.u32 s29, $0x1F0;
	v8 =	vadd.s32 v9, v8;
	v9 =	vmpcnt.ones.xlane vm4;
	vm4 =	vgt.f32 v4, v2  }
0x20a: {  	v4 =	vld [tilespmem:s30+$0xFFFFFE20];
	v8 =	vadd.s32 v10, v8;
	v10 =	vmpcnt.ones.xlane vm4;
	vm4 =	vgt.f32 v5, v2  }
0x20b: {  	v5 =	vld [tilespmem:s30+$0xFFFFFE30];
	v8 =	vadd.s32 v9, v8;
	v9 =	vmpcnt.ones.xlane vm4;
	vm4 =	vgt.f32 v6, v2  }
0x20c: {  	v6 =	vld [tilespmem:s30+$0xFFFFFE40];
	v8 =	vadd.s32 v10, v8;
	v10 =	vmpcnt.ones.xlane vm4;
	vm4 =	vgt.f32 v7, v2  }
0x20d: {  	vm5 =	vgt.f32 v11, v2;
	v7 =	vld [tilespmem:s30+$0xFFFFFE50];
	v8 =	vadd.s32 v9, v8;
	v9 =	vmpcnt.ones.xlane vm4  }
0x20e: {  	v11 =	vmpcnt.ones.xlane vm5;
	vm4 =	vgt.f32 v3, v2;
	v3 =	vld [tilespmem:s30+$0xFFFFFE60];
	v8 =	vadd.s32 v10, v8  }
0x20f: {  	v10 =	vmpcnt.ones.xlane vm4;
	vm4 =	vgt.f32 v4, v2;
	v4 =	vld [tilespmem:s30+$0xFFFFFE70];
	v8 =	vadd.s32 v9, v8  }
0x210: {  	v8 =	vadd.s32 v8, v11;
	v9 =	vmpcnt.ones.xlane vm4;
	vm4 =	vgt.f32 v5, v2;
	v5 =	vld [tilespmem:s30+$0x0]  }
0x211: {  	v8 =	vadd.s32 v10, v8;
	v10 =	vmpcnt.ones.xlane vm4;
	vm4 =	vgt.f32 v6, v2;
	v6 =	vld [tilespmem:s30+$0x10]  }
0x212: {  	v8 =	vadd.s32 v9, v8;
	v9 =	vmpcnt.ones.xlane vm4;
	vm4 =	vgt.f32 v7, v2;
	v7 =	vld [tilespmem:s30+$0x20]  }
.Ltmp22:
0x213: {  	v8 =	vadd.s32 v10, v8;
	v10 =	vmpcnt.ones.xlane vm4;
	vm4 =	vgt.f32 v3, v2;
	v3 =	vld [tilespmem:s30+$0x30];
	(pc) =	sbr.rel @p0 .LBB2_46-.Ltmp22, $4  }
0x214: {  	v8 =	vadd.s32 v9, v8;
	v9 =	vmpcnt.ones.xlane vm4;
	vm4 =	vgt.f32 v4, v2;
	v4 =	vld [tilespmem:s30+$0x40]  }
0x215: {  	v8 =	vadd.s32 v10, v8;
	v10 =	vmpcnt.ones.xlane vm4;
	vm4 =	vgt.f32 v5, v2;
	v5 =	vld [tilespmem:s30+$0x50]  }
0x216: {  	v9 =	vadd.s32 v9, v8;
	v8 =	vmpcnt.ones.xlane vm4;
	vm4 =	vgt.f32 v6, v2;
	v6 =	vld [tilespmem:s30+$0x60]  }
0x217: {  	v10 =	vadd.s32 v10, v9;
	v9 =	vmpcnt.ones.xlane vm4;
	vm4 =	vgt.f32 v7, v2;
	v7 =	vld [tilespmem:s30+$0x70];
	s30 =	sadd.s32 $0x400, s30  }
0x218: {  	v8 =	vadd.s32 v8, v10;
	v62 =	vmpcnt.ones.xlane vm4;
	vm4 =	vgt.f32 v3, v2  }
0x219: {  	v3 =	vadd.s32 v9, v8;
	v63 =	vmpcnt.ones.xlane vm4;
	vm4 =	vgt.f32 v4, v2  }
0x21a: {  	v3 =	vadd.s32 v62, v3;
	v4 =	vmpcnt.ones.xlane vm4;
	vm4 =	vgt.f32 v5, v2  }
0x21b: {  	v3 =	vadd.s32 v63, v3;
	v5 =	vmpcnt.ones.xlane vm4;
	vm4 =	vgt.f32 v6, v2  }
0x21c: {  	v3 =	vadd.s32 v4, v3;
	v4 =	vmpcnt.ones.xlane vm4;
	vm4 =	vgt.f32 v7, v2  }
0x21d: {  	v3 =	vadd.s32 v5, v3;
	v5 =	vmpcnt.ones.xlane vm4  }
0x21e: {  	s29 =	simm.s32 $0x80;
	v3 =	vadd.s32 v4, v3  }
0x21f: {  	s30 =	simm.s32 $0x80;
	s1 =	sadd.s32 $0x0, s16;
	s31 =	simm.s32 $0x280;
	v3 =	vadd.s32 v5, v3  }
.LBB2_48:
0x220: {  	[tilespmem:s29], [sflag:$0x2] =	stream.linear.gather [hbm4b:s1+s2], $0x80, $0x38;
	[tilespmem:$0x8080] =	vst v63  }
0x221: {  	s1 =	smov.u32 s30;
	s29 =	smov.u32 s31;
	p0 =	sne.s32 s30, $0x1F80  }
.Ltmp23:
0x222: {  	s30 =	sadd.s32 $0x80, s30;
	(pc) =	sbr.rel @p0 .LBB2_48-.Ltmp23, $2  }
0x223: {  	_ =	sdelay $0x2  }
0x224: {  	s31 =	sadd.s32 $0x200, s31;
	s1 =	sadd.s32 s1, s16  }
0x225: {  	[tilespmem:s29], [sflag:$0x2] =	stream.linear.gather [hbm4b:s1+s2], $0x80, $0x38;
	[tilespmem:$0x8080] =	vst v63  }
0x226: {  	_ =	swait.ge [sflag:s23], $0x2000  }
0x227: {  	[sflag:s23] =	ssyncset.done $0x0  }
0x228: {  	s31 =	simm.s32 $0x300;
	[sflag:s23] =	ssyncadd.s32 $0xFFFFE000  }
0x229: {  	v4 =	vld [tilespmem:s31+$0xFFFFFE00]  }
0x22a: {  	v5 =	vld [tilespmem:s31+$0xFFFFFE10]  }
0x22b: {  	v6 =	vld [tilespmem:s31+$0xFFFFFE20]  }
0x22c: {  	v7 =	vld [tilespmem:s31+$0xFFFFFE30]  }
0x22d: {  	v8 =	vld [tilespmem:s31+$0xFFFFFE40]  }
0x22e: {  	vm4 =	vgt.f32 v4, v2;
	v4 =	vld [tilespmem:s31+$0xFFFFFE50]  }
0x22f: {  	v9 =	vmpcnt.ones.xlane vm4;
	vm4 =	vgt.f32 v5, v2;
	v5 =	vld [tilespmem:s31+$0xFFFFFE60]  }
0x230: {  	v10 =	vmpcnt.ones.xlane vm4;
	vm4 =	vgt.f32 v6, v2;
	v6 =	vld [tilespmem:s31+$0xFFFFFE70]  }
0x231: {  	v3 =	vadd.s32 v3, v9;
	v9 =	vmpcnt.ones.xlane vm4;
	vm4 =	vgt.f32 v7, v2;
	v7 =	vld [tilespmem:s31+$0x0]  }
0x232: {  	v11 =	vld [tilespmem:s31+$0x10];
	v3 =	vadd.s32 v10, v3;
	v10 =	vmpcnt.ones.xlane vm4;
	vm4 =	vgt.f32 v8, v2  }
0x233: {  	v12 =	vld [tilespmem:s31+$0x20];
	v3 =	vadd.s32 v9, v3;
	v8 =	vmpcnt.ones.xlane vm4;
	vm4 =	vgt.f32 v4, v2  }
0x234: {  	v4 =	vadd.s32 v10, v3;
	v9 =	vmpcnt.ones.xlane vm4;
	vm4 =	vgt.f32 v5, v2;
	v3 =	vld [tilespmem:s31+$0x30]  }
0x235: {  	v5 =	vadd.s32 v8, v4;
	v8 =	vmpcnt.ones.xlane vm4;
	vm4 =	vgt.f32 v6, v2;
	v4 =	vld [tilespmem:s31+$0x40]  }
0x236: {  	v6 =	vadd.s32 v9, v5;
	v9 =	vmpcnt.ones.xlane vm4;
	vm4 =	vgt.f32 v7, v2;
	v5 =	vld [tilespmem:s31+$0x50]  }
0x237: {  	v7 =	vadd.s32 v8, v6;
	v8 =	vmpcnt.ones.xlane vm4;
	vm4 =	vgt.f32 v11, v2;
	v6 =	vld [tilespmem:s31+$0x60]  }
0x238: {  	s29 =	simm.s32 $0x0;
	s30 =	simm.s32 $0x700;
	v10 =	vadd.s32 v9, v7;
	v9 =	vmpcnt.ones.xlane vm4;
	vm4 =	vgt.f32 v12, v2;
	v7 =	vld [tilespmem:s31+$0x70]  }
.LBB2_50:
0x239: {  	v11 =	vld [tilespmem:s30+$0xFFFFFE00];
	s29 =	sadd.s32 $0x10, s29;
	v8 =	vadd.s32 v8, v10;
	v10 =	vmpcnt.ones.xlane vm4;
	vm4 =	vgt.f32 v3, v2  }
0x23a: {  	v3 =	vld [tilespmem:s30+$0xFFFFFE10];
	p0 =	slt.u32 s29, $0x1F0;
	v8 =	vadd.s32 v9, v8;
	v9 =	vmpcnt.ones.xlane vm4;
	vm4 =	vgt.f32 v4, v2  }
0x23b: {  	v4 =	vld [tilespmem:s30+$0xFFFFFE20];
	v8 =	vadd.s32 v10, v8;
	v10 =	vmpcnt.ones.xlane vm4;
	vm4 =	vgt.f32 v5, v2  }
0x23c: {  	v5 =	vld [tilespmem:s30+$0xFFFFFE30];
	v8 =	vadd.s32 v9, v8;
	v9 =	vmpcnt.ones.xlane vm4;
	vm4 =	vgt.f32 v6, v2  }
0x23d: {  	v6 =	vld [tilespmem:s30+$0xFFFFFE40];
	v8 =	vadd.s32 v10, v8;
	v10 =	vmpcnt.ones.xlane vm4;
	vm4 =	vgt.f32 v7, v2  }
0x23e: {  	vm5 =	vgt.f32 v11, v2;
	v7 =	vld [tilespmem:s30+$0xFFFFFE50];
	v8 =	vadd.s32 v9, v8;
	v9 =	vmpcnt.ones.xlane vm4  }
0x23f: {  	v11 =	vmpcnt.ones.xlane vm5;
	vm4 =	vgt.f32 v3, v2;
	v3 =	vld [tilespmem:s30+$0xFFFFFE60];
	v8 =	vadd.s32 v10, v8  }
0x240: {  	v10 =	vmpcnt.ones.xlane vm4;
	vm4 =	vgt.f32 v4, v2;
	v4 =	vld [tilespmem:s30+$0xFFFFFE70];
	v8 =	vadd.s32 v9, v8  }
0x241: {  	v8 =	vadd.s32 v8, v11;
	v9 =	vmpcnt.ones.xlane vm4;
	vm4 =	vgt.f32 v5, v2;
	v5 =	vld [tilespmem:s30+$0x0]  }
0x242: {  	v8 =	vadd.s32 v10, v8;
	v10 =	vmpcnt.ones.xlane vm4;
	vm4 =	vgt.f32 v6, v2;
	v6 =	vld [tilespmem:s30+$0x10]  }
0x243: {  	v8 =	vadd.s32 v9, v8;
	v9 =	vmpcnt.ones.xlane vm4;
	vm4 =	vgt.f32 v7, v2;
	v7 =	vld [tilespmem:s30+$0x20]  }
.Ltmp24:
0x244: {  	v8 =	vadd.s32 v10, v8;
	v10 =	vmpcnt.ones.xlane vm4;
	vm4 =	vgt.f32 v3, v2;
	v3 =	vld [tilespmem:s30+$0x30];
	(pc) =	sbr.rel @p0 .LBB2_50-.Ltmp24, $4  }
0x245: {  	v8 =	vadd.s32 v9, v8;
	v9 =	vmpcnt.ones.xlane vm4;
	vm4 =	vgt.f32 v4, v2;
	v4 =	vld [tilespmem:s30+$0x40]  }
0x246: {  	v8 =	vadd.s32 v10, v8;
	v10 =	vmpcnt.ones.xlane vm4;
	vm4 =	vgt.f32 v5, v2;
	v5 =	vld [tilespmem:s30+$0x50]  }
0x247: {  	v9 =	vadd.s32 v9, v8;
	v8 =	vmpcnt.ones.xlane vm4;
	vm4 =	vgt.f32 v6, v2;
	v6 =	vld [tilespmem:s30+$0x60]  }
0x248: {  	v10 =	vadd.s32 v10, v9;
	v9 =	vmpcnt.ones.xlane vm4;
	vm4 =	vgt.f32 v7, v2;
	v7 =	vld [tilespmem:s30+$0x70];
	s30 =	sadd.s32 $0x400, s30  }
0x249: {  	v8 =	vadd.s32 v8, v10;
	v62 =	vmpcnt.ones.xlane vm4;
	vm4 =	vgt.f32 v3, v2  }
0x24a: {  	v3 =	vadd.s32 v9, v8;
	v63 =	vmpcnt.ones.xlane vm4;
	vm4 =	vgt.f32 v4, v2  }
0x24b: {  	v3 =	vadd.s32 v62, v3;
	v4 =	vmpcnt.ones.xlane vm4;
	vm4 =	vgt.f32 v5, v2  }
0x24c: {  	v3 =	vadd.s32 v63, v3;
	v5 =	vmpcnt.ones.xlane vm4;
	vm4 =	vgt.f32 v6, v2  }
0x24d: {  	v3 =	vadd.s32 v4, v3;
	v4 =	vmpcnt.ones.xlane vm4;
	vm4 =	vgt.f32 v7, v2  }
0x24e: {  	v3 =	vadd.s32 v5, v3;
	v5 =	vmpcnt.ones.xlane vm4  }
0x24f: {  	s29 =	simm.s32 $0x100;
	v3 =	vadd.s32 v4, v3  }
0x250: {  	s30 =	simm.s32 $0x80;
	s1 =	sadd.s32 $0x0, s17;
	s31 =	simm.s32 $0x300;
	v3 =	vadd.s32 v5, v3  }
.LBB2_52:
0x251: {  	[tilespmem:s29], [sflag:$0x3] =	stream.linear.gather [hbm4b:s1+s2], $0x80, $0x38;
	[tilespmem:$0x8080] =	vst v63  }
0x252: {  	s1 =	smov.u32 s30;
	s29 =	smov.u32 s31;
	p0 =	sne.s32 s30, $0x1F80  }
.Ltmp25:
0x253: {  	s30 =	sadd.s32 $0x80, s30;
	(pc) =	sbr.rel @p0 .LBB2_52-.Ltmp25, $2  }
0x254: {  	_ =	sdelay $0x2  }
0x255: {  	s31 =	sadd.s32 $0x200, s31;
	s1 =	sadd.s32 s1, s17  }
0x256: {  	[tilespmem:s29], [sflag:$0x3] =	stream.linear.gather [hbm4b:s1+s2], $0x80, $0x38;
	[tilespmem:$0x8080] =	vst v63  }
0x257: {  	_ =	swait.ge [sflag:s24], $0x2000  }
0x258: {  	[sflag:s24] =	ssyncset.done $0x0  }
0x259: {  	s31 =	simm.s32 $0x380;
	[sflag:s24] =	ssyncadd.s32 $0xFFFFE000  }
0x25a: {  	v4 =	vld [tilespmem:s31+$0xFFFFFE00]  }
0x25b: {  	v5 =	vld [tilespmem:s31+$0xFFFFFE10]  }
0x25c: {  	v6 =	vld [tilespmem:s31+$0xFFFFFE20]  }
0x25d: {  	v7 =	vld [tilespmem:s31+$0xFFFFFE30]  }
0x25e: {  	v8 =	vld [tilespmem:s31+$0xFFFFFE40]  }
0x25f: {  	vm4 =	vgt.f32 v4, v2;
	v4 =	vld [tilespmem:s31+$0xFFFFFE50]  }
0x260: {  	v9 =	vmpcnt.ones.xlane vm4;
	vm4 =	vgt.f32 v5, v2;
	v5 =	vld [tilespmem:s31+$0xFFFFFE60]  }
0x261: {  	v10 =	vmpcnt.ones.xlane vm4;
	vm4 =	vgt.f32 v6, v2;
	v6 =	vld [tilespmem:s31+$0xFFFFFE70]  }
0x262: {  	v3 =	vadd.s32 v3, v9;
	v9 =	vmpcnt.ones.xlane vm4;
	vm4 =	vgt.f32 v7, v2;
	v7 =	vld [tilespmem:s31+$0x0]  }
0x263: {  	v11 =	vld [tilespmem:s31+$0x10];
	v3 =	vadd.s32 v10, v3;
	v10 =	vmpcnt.ones.xlane vm4;
	vm4 =	vgt.f32 v8, v2  }
0x264: {  	v12 =	vld [tilespmem:s31+$0x20];
	v3 =	vadd.s32 v9, v3;
	v8 =	vmpcnt.ones.xlane vm4;
	vm4 =	vgt.f32 v4, v2  }
0x265: {  	v4 =	vadd.s32 v10, v3;
	v9 =	vmpcnt.ones.xlane vm4;
	vm4 =	vgt.f32 v5, v2;
	v3 =	vld [tilespmem:s31+$0x30]  }
0x266: {  	v5 =	vadd.s32 v8, v4;
	v8 =	vmpcnt.ones.xlane vm4;
	vm4 =	vgt.f32 v6, v2;
	v4 =	vld [tilespmem:s31+$0x40]  }
0x267: {  	v6 =	vadd.s32 v9, v5;
	v9 =	vmpcnt.ones.xlane vm4;
	vm4 =	vgt.f32 v7, v2;
	v5 =	vld [tilespmem:s31+$0x50]  }
0x268: {  	v7 =	vadd.s32 v8, v6;
	v8 =	vmpcnt.ones.xlane vm4;
	vm4 =	vgt.f32 v11, v2;
	v6 =	vld [tilespmem:s31+$0x60]  }
0x269: {  	s29 =	simm.s32 $0x0;
	s30 =	simm.s32 $0x780;
	v10 =	vadd.s32 v9, v7;
	v9 =	vmpcnt.ones.xlane vm4;
	vm4 =	vgt.f32 v12, v2;
	v7 =	vld [tilespmem:s31+$0x70]  }
.LBB2_54:
0x26a: {  	v11 =	vld [tilespmem:s30+$0xFFFFFE00];
	s29 =	sadd.s32 $0x10, s29;
	v8 =	vadd.s32 v8, v10;
	v10 =	vmpcnt.ones.xlane vm4;
	vm4 =	vgt.f32 v3, v2  }
0x26b: {  	v3 =	vld [tilespmem:s30+$0xFFFFFE10];
	p0 =	slt.u32 s29, $0x1F0;
	v8 =	vadd.s32 v9, v8;
	v9 =	vmpcnt.ones.xlane vm4;
	vm4 =	vgt.f32 v4, v2  }
0x26c: {  	v4 =	vld [tilespmem:s30+$0xFFFFFE20];
	v8 =	vadd.s32 v10, v8;
	v10 =	vmpcnt.ones.xlane vm4;
	vm4 =	vgt.f32 v5, v2  }
0x26d: {  	v5 =	vld [tilespmem:s30+$0xFFFFFE30];
	v8 =	vadd.s32 v9, v8;
	v9 =	vmpcnt.ones.xlane vm4;
	vm4 =	vgt.f32 v6, v2  }
0x26e: {  	v6 =	vld [tilespmem:s30+$0xFFFFFE40];
	v8 =	vadd.s32 v10, v8;
	v10 =	vmpcnt.ones.xlane vm4;
	vm4 =	vgt.f32 v7, v2  }
0x26f: {  	vm5 =	vgt.f32 v11, v2;
	v7 =	vld [tilespmem:s30+$0xFFFFFE50];
	v8 =	vadd.s32 v9, v8;
	v9 =	vmpcnt.ones.xlane vm4  }
0x270: {  	v11 =	vmpcnt.ones.xlane vm5;
	vm4 =	vgt.f32 v3, v2;
	v3 =	vld [tilespmem:s30+$0xFFFFFE60];
	v8 =	vadd.s32 v10, v8  }
0x271: {  	v10 =	vmpcnt.ones.xlane vm4;
	vm4 =	vgt.f32 v4, v2;
	v4 =	vld [tilespmem:s30+$0xFFFFFE70];
	v8 =	vadd.s32 v9, v8  }
0x272: {  	v8 =	vadd.s32 v8, v11;
	v9 =	vmpcnt.ones.xlane vm4;
	vm4 =	vgt.f32 v5, v2;
	v5 =	vld [tilespmem:s30+$0x0]  }
0x273: {  	v8 =	vadd.s32 v10, v8;
	v10 =	vmpcnt.ones.xlane vm4;
	vm4 =	vgt.f32 v6, v2;
	v6 =	vld [tilespmem:s30+$0x10]  }
0x274: {  	v8 =	vadd.s32 v9, v8;
	v9 =	vmpcnt.ones.xlane vm4;
	vm4 =	vgt.f32 v7, v2;
	v7 =	vld [tilespmem:s30+$0x20]  }
.Ltmp26:
0x275: {  	v8 =	vadd.s32 v10, v8;
	v10 =	vmpcnt.ones.xlane vm4;
	vm4 =	vgt.f32 v3, v2;
	v3 =	vld [tilespmem:s30+$0x30];
	(pc) =	sbr.rel @p0 .LBB2_54-.Ltmp26, $4  }
0x276: {  	v8 =	vadd.s32 v9, v8;
	v9 =	vmpcnt.ones.xlane vm4;
	vm4 =	vgt.f32 v4, v2;
	v4 =	vld [tilespmem:s30+$0x40]  }
0x277: {  	v8 =	vadd.s32 v10, v8;
	v10 =	vmpcnt.ones.xlane vm4;
	vm4 =	vgt.f32 v5, v2;
	v5 =	vld [tilespmem:s30+$0x50]  }
0x278: {  	v9 =	vadd.s32 v9, v8;
	v8 =	vmpcnt.ones.xlane vm4;
	vm4 =	vgt.f32 v6, v2;
	v6 =	vld [tilespmem:s30+$0x60]  }
0x279: {  	v10 =	vadd.s32 v10, v9;
	v9 =	vmpcnt.ones.xlane vm4;
	vm4 =	vgt.f32 v7, v2;
	v7 =	vld [tilespmem:s30+$0x70];
	s30 =	sadd.s32 $0x400, s30  }
0x27a: {  	v8 =	vadd.s32 v8, v10;
	v61 =	vmpcnt.ones.xlane vm4;
	vm4 =	vgt.f32 v3, v2  }
0x27b: {  	v3 =	vadd.s32 v9, v8;
	v62 =	vmpcnt.ones.xlane vm4;
	vm4 =	vgt.f32 v4, v2  }
0x27c: {  	v3 =	vadd.s32 v61, v3;
	v4 =	vmpcnt.ones.xlane vm4;
	vm4 =	vgt.f32 v5, v2  }
0x27d: {  	v3 =	vadd.s32 v62, v3;
	v5 =	vmpcnt.ones.xlane vm4;
	vm4 =	vgt.f32 v6, v2  }
0x27e: {  	v3 =	vadd.s32 v4, v3;
	v63 =	vmpcnt.ones.xlane vm4;
	vm4 =	vgt.f32 v7, v2  }
0x27f: {  	v2 =	vadd.s32 v5, v3;
	v3 =	vmpcnt.ones.xlane vm4  }
0x280: {  	s29 =	simm.s32 $0x180;
	v2 =	vadd.s32 v63, v2  }
0x281: {  	s30 =	simm.s32 $0x80;
	s1 =	sadd.s32 $0x0, s18;
	s31 =	simm.s32 $0x380;
	v2 =	vadd.s32 v3, v2  }
.LBB2_56:
0x282: {  	[tilespmem:s29], [sflag:$0x4] =	stream.linear.gather [hbm4b:s1+s2], $0x80, $0x38;
	[tilespmem:$0x8080] =	vst v63  }
0x283: {  	s1 =	smov.u32 s30;
	s29 =	smov.u32 s31;
	p0 =	sne.s32 s30, $0x1F80  }
.Ltmp27:
0x284: {  	s30 =	sadd.s32 $0x80, s30;
	(pc) =	sbr.rel @p0 .LBB2_56-.Ltmp27, $2  }
0x285: {  	_ =	sdelay $0x2  }
0x286: {  	s31 =	sadd.s32 $0x200, s31;
	s1 =	sadd.s32 s1, s18  }
0x287: {  	[tilespmem:s29], [sflag:$0x4] =	stream.linear.gather [hbm4b:s1+s2], $0x80, $0x38;
	[tilespmem:$0x8080] =	vst v63  }
0x288: {  	_ =	swait.ge [sflag:s21], $0x2000  }
0x289: {  	[sflag:s21] =	ssyncset.done $0x0  }
0x28a: {  	[sflag:s21] =	ssyncadd.s32 $0xFFFFE000  }
0x28b: {  	s31 =	simm.s32 $0x200;
	v3 =	vld.msk [tilespmem:$0x0 ss:$0x0], $0xffff  }
0x28c: {  	v4 =	vld [tilespmem:s31+$0xFFFFFE00]  }
0x28d: {  	v5 =	vld [tilespmem:s31+$0xFFFFFE10]  }
0x28e: {  	v6 =	vld [tilespmem:s31+$0xFFFFFE20]  }
0x28f: {  	v7 =	vld [tilespmem:s31+$0xFFFFFE30]  }
0x290: {  	v8 =	vld [tilespmem:s31+$0xFFFFFE40]  }
0x291: {  	vm4 =	vgt.f32 v4, v3;
	v4 =	vld [tilespmem:s31+$0xFFFFFE50]  }
0x292: {  	v9 =	vmpcnt.ones.xlane vm4;
	vm4 =	vgt.f32 v5, v3;
	v5 =	vld [tilespmem:s31+$0xFFFFFE60]  }
0x293: {  	v10 =	vimm.s32 $0x0;
	v11 =	vmpcnt.ones.xlane vm4;
	vm4 =	vgt.f32 v6, v3;
	v6 =	vld [tilespmem:s31+$0xFFFFFE70]  }
0x294: {  	v12 =	vld [tilespmem:s31+$0x0];
	v9 =	vadd.s32 v10, v9;
	v10 =	vmpcnt.ones.xlane vm4;
	vm4 =	vgt.f32 v7, v3  }
0x295: {  	v7 =	vadd.s32 v11, v9;
	v9 =	vmpcnt.ones.xlane vm4;
	vm4 =	vgt.f32 v8, v3;
	v8 =	vld [tilespmem:s31+$0x10]  }
0x296: {  	v13 =	vld [tilespmem:s31+$0x20];
	v7 =	vadd.s32 v10, v7;
	v10 =	vmpcnt.ones.xlane vm4;
	vm4 =	vgt.f32 v4, v3  }
0x297: {  	v4 =	vadd.s32 v9, v7;
	v9 =	vmpcnt.ones.xlane vm4;
	vm4 =	vgt.f32 v5, v3;
	v7 =	vld [tilespmem:s31+$0x30]  }
0x298: {  	v5 =	vadd.s32 v10, v4;
	v10 =	vmpcnt.ones.xlane vm4;
	vm4 =	vgt.f32 v6, v3;
	v4 =	vld [tilespmem:s31+$0x40]  }
0x299: {  	v6 =	vadd.s32 v9, v5;
	v11 =	vmpcnt.ones.xlane vm4;
	vm4 =	vgt.f32 v12, v3;
	v5 =	vld [tilespmem:s31+$0x50]  }
0x29a: {  	v10 =	vadd.s32 v10, v6;
	v9 =	vmpcnt.ones.xlane vm4;
	vm4 =	vgt.f32 v8, v3;
	v6 =	vld [tilespmem:s31+$0x60]  }
0x29b: {  	s29 =	simm.s32 $0x0;
	s30 =	simm.s32 $0x600;
	v8 =	vld [tilespmem:s31+$0x70];
	v11 =	vadd.s32 v11, v10;
	v10 =	vmpcnt.ones.xlane vm4;
	vm4 =	vgt.f32 v13, v3  }
.LBB2_58:
0x29c: {  	v12 =	vld [tilespmem:s30+$0xFFFFFE00];
	s29 =	sadd.s32 $0x10, s29;
	v9 =	vadd.s32 v9, v11;
	v11 =	vmpcnt.ones.xlane vm4;
	vm4 =	vgt.f32 v7, v3  }
0x29d: {  	v7 =	vld [tilespmem:s30+$0xFFFFFE10];
	p0 =	slt.u32 s29, $0x1F0;
	v9 =	vadd.s32 v10, v9;
	v10 =	vmpcnt.ones.xlane vm4;
	vm4 =	vgt.f32 v4, v3  }
0x29e: {  	v4 =	vld [tilespmem:s30+$0xFFFFFE20];
	v9 =	vadd.s32 v11, v9;
	v11 =	vmpcnt.ones.xlane vm4;
	vm4 =	vgt.f32 v5, v3  }
0x29f: {  	v5 =	vld [tilespmem:s30+$0xFFFFFE30];
	v9 =	vadd.s32 v10, v9;
	v10 =	vmpcnt.ones.xlane vm4;
	vm4 =	vgt.f32 v6, v3  }
0x2a0: {  	v6 =	vld [tilespmem:s30+$0xFFFFFE40];
	v9 =	vadd.s32 v11, v9;
	v11 =	vmpcnt.ones.xlane vm4;
	vm4 =	vgt.f32 v8, v3  }
0x2a1: {  	vm5 =	vgt.f32 v12, v3;
	v8 =	vld [tilespmem:s30+$0xFFFFFE50];
	v9 =	vadd.s32 v10, v9;
	v10 =	vmpcnt.ones.xlane vm4  }
0x2a2: {  	v12 =	vmpcnt.ones.xlane vm5;
	vm4 =	vgt.f32 v7, v3;
	v7 =	vld [tilespmem:s30+$0xFFFFFE60];
	v9 =	vadd.s32 v11, v9  }
0x2a3: {  	v11 =	vmpcnt.ones.xlane vm4;
	vm4 =	vgt.f32 v4, v3;
	v4 =	vld [tilespmem:s30+$0xFFFFFE70];
	v9 =	vadd.s32 v10, v9  }
0x2a4: {  	v9 =	vadd.s32 v9, v12;
	v10 =	vmpcnt.ones.xlane vm4;
	vm4 =	vgt.f32 v5, v3;
	v5 =	vld [tilespmem:s30+$0x0]  }
0x2a5: {  	v9 =	vadd.s32 v11, v9;
	v11 =	vmpcnt.ones.xlane vm4;
	vm4 =	vgt.f32 v6, v3;
	v6 =	vld [tilespmem:s30+$0x10]  }
0x2a6: {  	v9 =	vadd.s32 v10, v9;
	v10 =	vmpcnt.ones.xlane vm4;
	vm4 =	vgt.f32 v8, v3;
	v8 =	vld [tilespmem:s30+$0x20]  }
.Ltmp28:
0x2a7: {  	v9 =	vadd.s32 v11, v9;
	v11 =	vmpcnt.ones.xlane vm4;
	vm4 =	vgt.f32 v7, v3;
	v7 =	vld [tilespmem:s30+$0x30];
	(pc) =	sbr.rel @p0 .LBB2_58-.Ltmp28, $4  }
0x2a8: {  	v9 =	vadd.s32 v10, v9;
	v10 =	vmpcnt.ones.xlane vm4;
	vm4 =	vgt.f32 v4, v3;
	v4 =	vld [tilespmem:s30+$0x40]  }
0x2a9: {  	v9 =	vadd.s32 v11, v9;
	v11 =	vmpcnt.ones.xlane vm4;
	vm4 =	vgt.f32 v5, v3;
	v5 =	vld [tilespmem:s30+$0x50]  }
0x2aa: {  	v10 =	vadd.s32 v10, v9;
	v9 =	vmpcnt.ones.xlane vm4;
	vm4 =	vgt.f32 v6, v3;
	v6 =	vld [tilespmem:s30+$0x60]  }
0x2ab: {  	v11 =	vadd.s32 v11, v10;
	v10 =	vmpcnt.ones.xlane vm4;
	vm4 =	vgt.f32 v8, v3;
	v8 =	vld [tilespmem:s30+$0x70];
	s30 =	sadd.s32 $0x400, s30  }
0x2ac: {  	_ =	swait.ge [sflag:s22], $0x2000  }
0x2ad: {  	[sflag:s22] =	ssyncset.done $0x0  }
0x2ae: {  	s30 =	simm.s32 $0x280;
	[sflag:s22] =	ssyncadd.s32 $0xFFFFE000  }
0x2af: {  	v9 =	vadd.s32 v9, v11;
	v11 =	vmpcnt.ones.xlane vm4;
	vm4 =	vgt.f32 v7, v3;
	v7 =	vld [tilespmem:s30+$0xFFFFFE00]  }
0x2b0: {  	v9 =	vadd.s32 v10, v9;
	v10 =	vmpcnt.ones.xlane vm4;
	vm4 =	vgt.f32 v4, v3;
	v4 =	vld [tilespmem:s30+$0xFFFFFE10]  }
0x2b1: {  	v9 =	vadd.s32 v11, v9;
	v11 =	vmpcnt.ones.xlane vm4;
	vm4 =	vgt.f32 v5, v3;
	v5 =	vld [tilespmem:s30+$0xFFFFFE20]  }
0x2b2: {  	v9 =	vadd.s32 v10, v9;
	v10 =	vmpcnt.ones.xlane vm4;
	vm4 =	vgt.f32 v6, v3;
	v6 =	vld [tilespmem:s30+$0xFFFFFE30]  }
0x2b3: {  	v9 =	vadd.s32 v11, v9;
	v11 =	vmpcnt.ones.xlane vm4;
	vm4 =	vgt.f32 v8, v3;
	v8 =	vld [tilespmem:s30+$0xFFFFFE40]  }
0x2b4: {  	v9 =	vadd.s32 v10, v9;
	v10 =	vmpcnt.ones.xlane vm4;
	vm4 =	vgt.f32 v7, v3;
	v7 =	vld [tilespmem:s30+$0xFFFFFE50]  }
0x2b5: {  	v9 =	vadd.s32 v11, v9;
	v11 =	vmpcnt.ones.xlane vm4;
	vm4 =	vgt.f32 v4, v3;
	v4 =	vld [tilespmem:s30+$0xFFFFFE60]  }
0x2b6: {  	v9 =	vadd.s32 v10, v9;
	v10 =	vmpcnt.ones.xlane vm4;
	vm4 =	vgt.f32 v5, v3;
	v5 =	vld [tilespmem:s30+$0xFFFFFE70]  }
0x2b7: {  	v9 =	vadd.s32 v9, v11;
	v11 =	vmpcnt.ones.xlane vm4;
	vm4 =	vgt.f32 v6, v3;
	v6 =	vld [tilespmem:s30+$0x0]  }
0x2b8: {  	v9 =	vadd.s32 v10, v9;
	v10 =	vmpcnt.ones.xlane vm4;
	vm4 =	vgt.f32 v8, v3;
	v8 =	vld [tilespmem:s30+$0x10]  }
0x2b9: {  	v12 =	vld [tilespmem:s30+$0x20];
	v9 =	vadd.s32 v11, v9;
	v11 =	vmpcnt.ones.xlane vm4;
	vm4 =	vgt.f32 v7, v3  }
0x2ba: {  	v7 =	vld [tilespmem:s30+$0x30];
	v9 =	vadd.s32 v10, v9;
	v10 =	vmpcnt.ones.xlane vm4;
	vm4 =	vgt.f32 v4, v3  }
0x2bb: {  	v4 =	vld [tilespmem:s30+$0x40];
	v9 =	vadd.s32 v11, v9;
	v11 =	vmpcnt.ones.xlane vm4;
	vm4 =	vgt.f32 v5, v3  }
0x2bc: {  	v5 =	vld [tilespmem:s30+$0x50];
	v9 =	vadd.s32 v10, v9;
	v10 =	vmpcnt.ones.xlane vm4;
	vm4 =	vgt.f32 v6, v3  }
0x2bd: {  	v6 =	vld [tilespmem:s30+$0x60];
	v11 =	vadd.s32 v11, v9;
	v9 =	vmpcnt.ones.xlane vm4;
	vm4 =	vgt.f32 v8, v3  }
0x2be: {  	s29 =	simm.s32 $0x0;
	v8 =	vld [tilespmem:s30+$0x70];
	s30 =	simm.s32 $0x680;
	v11 =	vadd.s32 v10, v11;
	v10 =	vmpcnt.ones.xlane vm4;
	vm4 =	vgt.f32 v12, v3  }
.LBB2_60:
0x2bf: {  	v12 =	vld [tilespmem:s30+$0xFFFFFE00];
	s29 =	sadd.s32 $0x10, s29;
	v9 =	vadd.s32 v9, v11;
	v11 =	vmpcnt.ones.xlane vm4;
	vm4 =	vgt.f32 v7, v3  }
0x2c0: {  	v7 =	vld [tilespmem:s30+$0xFFFFFE10];
	p0 =	slt.u32 s29, $0x1F0;
	v9 =	vadd.s32 v10, v9;
	v10 =	vmpcnt.ones.xlane vm4;
	vm4 =	vgt.f32 v4, v3  }
0x2c1: {  	v4 =	vld [tilespmem:s30+$0xFFFFFE20];
	v9 =	vadd.s32 v11, v9;
	v11 =	vmpcnt.ones.xlane vm4;
	vm4 =	vgt.f32 v5, v3  }
0x2c2: {  	v5 =	vld [tilespmem:s30+$0xFFFFFE30];
	v9 =	vadd.s32 v10, v9;
	v10 =	vmpcnt.ones.xlane vm4;
	vm4 =	vgt.f32 v6, v3  }
0x2c3: {  	v6 =	vld [tilespmem:s30+$0xFFFFFE40];
	v9 =	vadd.s32 v11, v9;
	v11 =	vmpcnt.ones.xlane vm4;
	vm4 =	vgt.f32 v8, v3  }
0x2c4: {  	vm5 =	vgt.f32 v12, v3;
	v8 =	vld [tilespmem:s30+$0xFFFFFE50];
	v9 =	vadd.s32 v10, v9;
	v10 =	vmpcnt.ones.xlane vm4  }
0x2c5: {  	v12 =	vmpcnt.ones.xlane vm5;
	vm4 =	vgt.f32 v7, v3;
	v7 =	vld [tilespmem:s30+$0xFFFFFE60];
	v9 =	vadd.s32 v11, v9  }
0x2c6: {  	v11 =	vmpcnt.ones.xlane vm4;
	vm4 =	vgt.f32 v4, v3;
	v4 =	vld [tilespmem:s30+$0xFFFFFE70];
	v9 =	vadd.s32 v10, v9  }
0x2c7: {  	v9 =	vadd.s32 v9, v12;
	v10 =	vmpcnt.ones.xlane vm4;
	vm4 =	vgt.f32 v5, v3;
	v5 =	vld [tilespmem:s30+$0x0]  }
0x2c8: {  	v9 =	vadd.s32 v11, v9;
	v11 =	vmpcnt.ones.xlane vm4;
	vm4 =	vgt.f32 v6, v3;
	v6 =	vld [tilespmem:s30+$0x10]  }
0x2c9: {  	v9 =	vadd.s32 v10, v9;
	v10 =	vmpcnt.ones.xlane vm4;
	vm4 =	vgt.f32 v8, v3;
	v8 =	vld [tilespmem:s30+$0x20]  }
.Ltmp29:
0x2ca: {  	v9 =	vadd.s32 v11, v9;
	v11 =	vmpcnt.ones.xlane vm4;
	vm4 =	vgt.f32 v7, v3;
	v7 =	vld [tilespmem:s30+$0x30];
	(pc) =	sbr.rel @p0 .LBB2_60-.Ltmp29, $4  }
0x2cb: {  	v9 =	vadd.s32 v10, v9;
	v10 =	vmpcnt.ones.xlane vm4;
	vm4 =	vgt.f32 v4, v3;
	v4 =	vld [tilespmem:s30+$0x40]  }
0x2cc: {  	v9 =	vadd.s32 v11, v9;
	v11 =	vmpcnt.ones.xlane vm4;
	vm4 =	vgt.f32 v5, v3;
	v5 =	vld [tilespmem:s30+$0x50]  }
0x2cd: {  	v10 =	vadd.s32 v10, v9;
	v9 =	vmpcnt.ones.xlane vm4;
	vm4 =	vgt.f32 v6, v3;
	v6 =	vld [tilespmem:s30+$0x60]  }
0x2ce: {  	v11 =	vadd.s32 v11, v10;
	v10 =	vmpcnt.ones.xlane vm4;
	vm4 =	vgt.f32 v8, v3;
	v8 =	vld [tilespmem:s30+$0x70];
	s30 =	sadd.s32 $0x400, s30  }
0x2cf: {  	_ =	swait.ge [sflag:s23], $0x2000  }
0x2d0: {  	[sflag:s23] =	ssyncset.done $0x0  }
0x2d1: {  	s30 =	simm.s32 $0x300;
	[sflag:s23] =	ssyncadd.s32 $0xFFFFE000  }
0x2d2: {  	v9 =	vadd.s32 v9, v11;
	v11 =	vmpcnt.ones.xlane vm4;
	vm4 =	vgt.f32 v7, v3;
	v7 =	vld [tilespmem:s30+$0xFFFFFE00]  }
0x2d3: {  	v9 =	vadd.s32 v10, v9;
	v10 =	vmpcnt.ones.xlane vm4;
	vm4 =	vgt.f32 v4, v3;
	v4 =	vld [tilespmem:s30+$0xFFFFFE10]  }
0x2d4: {  	v9 =	vadd.s32 v11, v9;
	v11 =	vmpcnt.ones.xlane vm4;
	vm4 =	vgt.f32 v5, v3;
	v5 =	vld [tilespmem:s30+$0xFFFFFE20]  }
0x2d5: {  	v9 =	vadd.s32 v10, v9;
	v10 =	vmpcnt.ones.xlane vm4;
	vm4 =	vgt.f32 v6, v3;
	v6 =	vld [tilespmem:s30+$0xFFFFFE30]  }
0x2d6: {  	v9 =	vadd.s32 v11, v9;
	v11 =	vmpcnt.ones.xlane vm4;
	vm4 =	vgt.f32 v8, v3;
	v8 =	vld [tilespmem:s30+$0xFFFFFE40]  }
0x2d7: {  	v9 =	vadd.s32 v10, v9;
	v10 =	vmpcnt.ones.xlane vm4;
	vm4 =	vgt.f32 v7, v3;
	v7 =	vld [tilespmem:s30+$0xFFFFFE50]  }
0x2d8: {  	v9 =	vadd.s32 v11, v9;
	v11 =	vmpcnt.ones.xlane vm4;
	vm4 =	vgt.f32 v4, v3;
	v4 =	vld [tilespmem:s30+$0xFFFFFE60]  }
0x2d9: {  	v9 =	vadd.s32 v10, v9;
	v10 =	vmpcnt.ones.xlane vm4;
	vm4 =	vgt.f32 v5, v3;
	v5 =	vld [tilespmem:s30+$0xFFFFFE70]  }
0x2da: {  	v9 =	vadd.s32 v9, v11;
	v11 =	vmpcnt.ones.xlane vm4;
	vm4 =	vgt.f32 v6, v3;
	v6 =	vld [tilespmem:s30+$0x0]  }
0x2db: {  	v9 =	vadd.s32 v10, v9;
	v10 =	vmpcnt.ones.xlane vm4;
	vm4 =	vgt.f32 v8, v3;
	v8 =	vld [tilespmem:s30+$0x10]  }
0x2dc: {  	v12 =	vld [tilespmem:s30+$0x20];
	v9 =	vadd.s32 v11, v9;
	v11 =	vmpcnt.ones.xlane vm4;
	vm4 =	vgt.f32 v7, v3  }
0x2dd: {  	v7 =	vld [tilespmem:s30+$0x30];
	v9 =	vadd.s32 v10, v9;
	v10 =	vmpcnt.ones.xlane vm4;
	vm4 =	vgt.f32 v4, v3  }
0x2de: {  	v4 =	vld [tilespmem:s30+$0x40];
	v9 =	vadd.s32 v11, v9;
	v11 =	vmpcnt.ones.xlane vm4;
	vm4 =	vgt.f32 v5, v3  }
0x2df: {  	v5 =	vld [tilespmem:s30+$0x50];
	v9 =	vadd.s32 v10, v9;
	v10 =	vmpcnt.ones.xlane vm4;
	vm4 =	vgt.f32 v6, v3  }
0x2e0: {  	v6 =	vld [tilespmem:s30+$0x60];
	v11 =	vadd.s32 v11, v9;
	v9 =	vmpcnt.ones.xlane vm4;
	vm4 =	vgt.f32 v8, v3  }
0x2e1: {  	s29 =	simm.s32 $0x0;
	v8 =	vld [tilespmem:s30+$0x70];
	s30 =	simm.s32 $0x700;
	v11 =	vadd.s32 v10, v11;
	v10 =	vmpcnt.ones.xlane vm4;
	vm4 =	vgt.f32 v12, v3  }
.LBB2_62:
0x2e2: {  	v12 =	vld [tilespmem:s30+$0xFFFFFE00];
	s29 =	sadd.s32 $0x10, s29;
	v9 =	vadd.s32 v9, v11;
	v11 =	vmpcnt.ones.xlane vm4;
	vm4 =	vgt.f32 v7, v3  }
0x2e3: {  	v7 =	vld [tilespmem:s30+$0xFFFFFE10];
	p0 =	slt.u32 s29, $0x1F0;
	v9 =	vadd.s32 v10, v9;
	v10 =	vmpcnt.ones.xlane vm4;
	vm4 =	vgt.f32 v4, v3  }
0x2e4: {  	v4 =	vld [tilespmem:s30+$0xFFFFFE20];
	v9 =	vadd.s32 v11, v9;
	v11 =	vmpcnt.ones.xlane vm4;
	vm4 =	vgt.f32 v5, v3  }
0x2e5: {  	v5 =	vld [tilespmem:s30+$0xFFFFFE30];
	v9 =	vadd.s32 v10, v9;
	v10 =	vmpcnt.ones.xlane vm4;
	vm4 =	vgt.f32 v6, v3  }
0x2e6: {  	v6 =	vld [tilespmem:s30+$0xFFFFFE40];
	v9 =	vadd.s32 v11, v9;
	v11 =	vmpcnt.ones.xlane vm4;
	vm4 =	vgt.f32 v8, v3  }
0x2e7: {  	vm5 =	vgt.f32 v12, v3;
	v8 =	vld [tilespmem:s30+$0xFFFFFE50];
	v9 =	vadd.s32 v10, v9;
	v10 =	vmpcnt.ones.xlane vm4  }
0x2e8: {  	v12 =	vmpcnt.ones.xlane vm5;
	vm4 =	vgt.f32 v7, v3;
	v7 =	vld [tilespmem:s30+$0xFFFFFE60];
	v9 =	vadd.s32 v11, v9  }
0x2e9: {  	v11 =	vmpcnt.ones.xlane vm4;
	vm4 =	vgt.f32 v4, v3;
	v4 =	vld [tilespmem:s30+$0xFFFFFE70];
	v9 =	vadd.s32 v10, v9  }
0x2ea: {  	v9 =	vadd.s32 v9, v12;
	v10 =	vmpcnt.ones.xlane vm4;
	vm4 =	vgt.f32 v5, v3;
	v5 =	vld [tilespmem:s30+$0x0]  }
0x2eb: {  	v9 =	vadd.s32 v11, v9;
	v11 =	vmpcnt.ones.xlane vm4;
	vm4 =	vgt.f32 v6, v3;
	v6 =	vld [tilespmem:s30+$0x10]  }
0x2ec: {  	v9 =	vadd.s32 v10, v9;
	v10 =	vmpcnt.ones.xlane vm4;
	vm4 =	vgt.f32 v8, v3;
	v8 =	vld [tilespmem:s30+$0x20]  }
.Ltmp30:
0x2ed: {  	v9 =	vadd.s32 v11, v9;
	v11 =	vmpcnt.ones.xlane vm4;
	vm4 =	vgt.f32 v7, v3;
	v7 =	vld [tilespmem:s30+$0x30];
	(pc) =	sbr.rel @p0 .LBB2_62-.Ltmp30, $4  }
0x2ee: {  	v9 =	vadd.s32 v10, v9;
	v10 =	vmpcnt.ones.xlane vm4;
	vm4 =	vgt.f32 v4, v3;
	v4 =	vld [tilespmem:s30+$0x40]  }
0x2ef: {  	v9 =	vadd.s32 v11, v9;
	v11 =	vmpcnt.ones.xlane vm4;
	vm4 =	vgt.f32 v5, v3;
	v5 =	vld [tilespmem:s30+$0x50]  }
0x2f0: {  	v10 =	vadd.s32 v10, v9;
	v9 =	vmpcnt.ones.xlane vm4;
	vm4 =	vgt.f32 v6, v3;
	v6 =	vld [tilespmem:s30+$0x60]  }
0x2f1: {  	v11 =	vadd.s32 v11, v10;
	v10 =	vmpcnt.ones.xlane vm4;
	vm4 =	vgt.f32 v8, v3;
	v8 =	vld [tilespmem:s30+$0x70];
	s30 =	sadd.s32 $0x400, s30  }
0x2f2: {  	_ =	swait.ge [sflag:s24], $0x2000  }
0x2f3: {  	[sflag:s24] =	ssyncset.done $0x0  }
0x2f4: {  	s30 =	simm.s32 $0x380;
	[sflag:s24] =	ssyncadd.s32 $0xFFFFE000  }
0x2f5: {  	v9 =	vadd.s32 v9, v11;
	v11 =	vmpcnt.ones.xlane vm4;
	vm4 =	vgt.f32 v7, v3;
	v7 =	vld [tilespmem:s30+$0xFFFFFE00]  }
0x2f6: {  	v9 =	vadd.s32 v10, v9;
	v10 =	vmpcnt.ones.xlane vm4;
	vm4 =	vgt.f32 v4, v3;
	v4 =	vld [tilespmem:s30+$0xFFFFFE10]  }
0x2f7: {  	v9 =	vadd.s32 v11, v9;
	v11 =	vmpcnt.ones.xlane vm4;
	vm4 =	vgt.f32 v5, v3;
	v5 =	vld [tilespmem:s30+$0xFFFFFE20]  }
0x2f8: {  	v9 =	vadd.s32 v10, v9;
	v10 =	vmpcnt.ones.xlane vm4;
	vm4 =	vgt.f32 v6, v3;
	v6 =	vld [tilespmem:s30+$0xFFFFFE30]  }
0x2f9: {  	v9 =	vadd.s32 v11, v9;
	v11 =	vmpcnt.ones.xlane vm4;
	vm4 =	vgt.f32 v8, v3;
	v8 =	vld [tilespmem:s30+$0xFFFFFE40]  }
0x2fa: {  	v9 =	vadd.s32 v10, v9;
	v10 =	vmpcnt.ones.xlane vm4;
	vm4 =	vgt.f32 v7, v3;
	v7 =	vld [tilespmem:s30+$0xFFFFFE50]  }
0x2fb: {  	v9 =	vadd.s32 v11, v9;
	v11 =	vmpcnt.ones.xlane vm4;
	vm4 =	vgt.f32 v4, v3;
	v4 =	vld [tilespmem:s30+$0xFFFFFE60]  }
0x2fc: {  	v9 =	vadd.s32 v10, v9;
	v10 =	vmpcnt.ones.xlane vm4;
	vm4 =	vgt.f32 v5, v3;
	v5 =	vld [tilespmem:s30+$0xFFFFFE70]  }
0x2fd: {  	v9 =	vadd.s32 v9, v11;
	v11 =	vmpcnt.ones.xlane vm4;
	vm4 =	vgt.f32 v6, v3;
	v6 =	vld [tilespmem:s30+$0x0]  }
0x2fe: {  	v9 =	vadd.s32 v10, v9;
	v10 =	vmpcnt.ones.xlane vm4;
	vm4 =	vgt.f32 v8, v3;
	v8 =	vld [tilespmem:s30+$0x10]  }
0x2ff: {  	v12 =	vld [tilespmem:s30+$0x20];
	v9 =	vadd.s32 v11, v9;
	v11 =	vmpcnt.ones.xlane vm4;
	vm4 =	vgt.f32 v7, v3  }
0x300: {  	v7 =	vadd.s32 v10, v9;
	v9 =	vmpcnt.ones.xlane vm4;
	vm4 =	vgt.f32 v4, v3;
	v4 =	vld [tilespmem:s30+$0x30]  }
0x301: {  	v7 =	vadd.s32 v11, v7;
	v10 =	vmpcnt.ones.xlane vm4;
	vm4 =	vgt.f32 v5, v3;
	v5 =	vld [tilespmem:s30+$0x40]  }
0x302: {  	v7 =	vadd.s32 v9, v7;
	v11 =	vmpcnt.ones.xlane vm4;
	vm4 =	vgt.f32 v6, v3;
	v6 =	vld [tilespmem:s30+$0x50]  }
0x303: {  	v10 =	vadd.s32 v10, v7;
	v9 =	vmpcnt.ones.xlane vm4;
	vm4 =	vgt.f32 v8, v3;
	v7 =	vld [tilespmem:s30+$0x60]  }
0x304: {  	s29 =	simm.s32 $0x0;
	v8 =	vld [tilespmem:s30+$0x70];
	s30 =	simm.s32 $0x780;
	v11 =	vadd.s32 v11, v10;
	v10 =	vmpcnt.ones.xlane vm4;
	vm4 =	vgt.f32 v12, v3  }
.LBB2_64:
0x305: {  	v12 =	vld [tilespmem:s30+$0xFFFFFE00];
	s29 =	sadd.s32 $0x10, s29;
	v9 =	vadd.s32 v9, v11;
	v11 =	vmpcnt.ones.xlane vm4;
	vm4 =	vgt.f32 v4, v3  }
0x306: {  	v4 =	vld [tilespmem:s30+$0xFFFFFE10];
	p0 =	slt.u32 s29, $0x1F0;
	v9 =	vadd.s32 v10, v9;
	v10 =	vmpcnt.ones.xlane vm4;
	vm4 =	vgt.f32 v5, v3  }
0x307: {  	v5 =	vld [tilespmem:s30+$0xFFFFFE20];
	v9 =	vadd.s32 v11, v9;
	v11 =	vmpcnt.ones.xlane vm4;
	vm4 =	vgt.f32 v6, v3  }
0x308: {  	v6 =	vld [tilespmem:s30+$0xFFFFFE30];
	v9 =	vadd.s32 v10, v9;
	v10 =	vmpcnt.ones.xlane vm4;
	vm4 =	vgt.f32 v7, v3  }
0x309: {  	v7 =	vld [tilespmem:s30+$0xFFFFFE40];
	v9 =	vadd.s32 v11, v9;
	v11 =	vmpcnt.ones.xlane vm4;
	vm4 =	vgt.f32 v8, v3  }
0x30a: {  	vm5 =	vgt.f32 v12, v3;
	v8 =	vld [tilespmem:s30+$0xFFFFFE50];
	v9 =	vadd.s32 v10, v9;
	v10 =	vmpcnt.ones.xlane vm4  }
0x30b: {  	v12 =	vmpcnt.ones.xlane vm5;
	vm4 =	vgt.f32 v4, v3;
	v4 =	vld [tilespmem:s30+$0xFFFFFE60];
	v9 =	vadd.s32 v11, v9  }
0x30c: {  	v11 =	vmpcnt.ones.xlane vm4;
	vm4 =	vgt.f32 v5, v3;
	v5 =	vld [tilespmem:s30+$0xFFFFFE70];
	v9 =	vadd.s32 v10, v9  }
0x30d: {  	v9 =	vadd.s32 v9, v12;
	v10 =	vmpcnt.ones.xlane vm4;
	vm4 =	vgt.f32 v6, v3;
	v6 =	vld [tilespmem:s30+$0x0]  }
0x30e: {  	v9 =	vadd.s32 v11, v9;
	v11 =	vmpcnt.ones.xlane vm4;
	vm4 =	vgt.f32 v7, v3;
	v7 =	vld [tilespmem:s30+$0x10]  }
0x30f: {  	v9 =	vadd.s32 v10, v9;
	v10 =	vmpcnt.ones.xlane vm4;
	vm4 =	vgt.f32 v8, v3;
	v8 =	vld [tilespmem:s30+$0x20]  }
.Ltmp31:
0x310: {  	v9 =	vadd.s32 v11, v9;
	v11 =	vmpcnt.ones.xlane vm4;
	vm4 =	vgt.f32 v4, v3;
	v4 =	vld [tilespmem:s30+$0x30];
	(pc) =	sbr.rel @p0 .LBB2_64-.Ltmp31, $4  }
0x311: {  	v9 =	vadd.s32 v10, v9;
	v10 =	vmpcnt.ones.xlane vm4;
	vm4 =	vgt.f32 v5, v3;
	v5 =	vld [tilespmem:s30+$0x40]  }
0x312: {  	v9 =	vadd.s32 v11, v9;
	v11 =	vmpcnt.ones.xlane vm4;
	vm4 =	vgt.f32 v6, v3;
	v6 =	vld [tilespmem:s30+$0x50]  }
0x313: {  	v10 =	vadd.s32 v10, v9;
	v9 =	vmpcnt.ones.xlane vm4;
	vm4 =	vgt.f32 v7, v3;
	v7 =	vld [tilespmem:s30+$0x60]  }
0x314: {  	v11 =	vadd.s32 v11, v10;
	v10 =	vmpcnt.ones.xlane vm4;
	vm4 =	vgt.f32 v8, v3;
	v8 =	vld [tilespmem:s30+$0x70];
	s30 =	sadd.s32 $0x400, s30  }
0x315: {  	v9 =	vadd.s32 v9, v11;
	v57 =	vmpcnt.ones.xlane vm4;
	vm4 =	vgt.f32 v4, v3  }
0x316: {  	v58 =	vadd.s32 v10, v9;
	v59 =	vmpcnt.ones.xlane vm4;
	vm4 =	vgt.f32 v5, v3  }
0x317: {  	v4 =	vadd.s32 v57, v58;
	v5 =	vmpcnt.ones.xlane vm4;
	vm4 =	vgt.f32 v6, v3  }
0x318: {  	v4 =	vadd.s32 v59, v4;
	v6 =	vmpcnt.ones.xlane vm4;
	vm4 =	vgt.f32 v7, v3  }
0x319: {  	v4 =	vadd.s32 v5, v4;
	v60 =	vmpcnt.ones.xlane vm4;
	vm4 =	vgt.f32 v8, v3  }
0x31a: {  	v61 =	vadd.s32 v6, v4;
	v62 =	vmpcnt.ones.xlane vm4  }
0x31b: {  	v1 =	vbroadcast v1, $0x0;
	v3 =	vadd.s32 v60, v61  }
0x31c: {  	v0 =	vnsel vm0, $0x0, v0;
	v2 =	vbroadcast v2, $0x0;
	v3 =	vadd.s32 v62, v3  }
0x31d: {  	v0 =	vsel vm1, v0, v1;
	v63 =	vbroadcast v3, $0x0  }
0x31e: {  	s28 =	sadd.s32 $0x1, s28;
	v0 =	vsel vm2, v0, v2  }
0x31f: {  	p0 =	sne.s32 s28, s20;
	v0 =	vsel vm3, v0, v63  }
.Ltmp32:
0x320: {  	[tilespmem:$0x8000] =	vst v0;
	(pc) =	sbr.rel @p0 .LBB2_1-.Ltmp32, $4  }
0x321: {  	[hbm4b:s19+s2] =	stream.linear.scatter [tilespmem:s25], [sflag:$0x5], $0x10, $0x38;
	[tilespmem:$0x8080] =	vst v63  }
0x322: {  	_ =	swait.ge [sflag:s26], $0x10  }
0x323: {  	[sflag:s26] =	ssyncset.done $0x0  }
0x324: {  	[sflag:s26] =	ssyncadd.s32 $0xFFFFFFF0  }
0x325: {  	_ =	sfence.sel $0x180000  }
0x326: {  	[bflag:$0x0] =	sbarrier.arrive $0xFFFF  }
0x327: {  	_ =	strace $0x90000047  }
0x328: {  	[bflag:$0x2] =	sbarrier.arrive $0xFFFF  }
0x329: {  	p0 =	sne.s32 s0, $0x0;
	s0 =	rddreg [dreg:$0x2]  }
0x32a: {  	s0 =	sadd.s32 @!p0 $0x100000, s0  }
0x32b: {  	[sflag:s0] =	ssyncadd.tile.s32 @!p0 $0x1;
	_ =	shalt  }
.Lfunc_end2:
_tile_overlayer_lowered:
.L_overlay_start_2:
0x32c: {  	(tag) =	ssettag $0x2  }
0x32d: {  	s0 =	rddreg [dreg:$0x0];
	s2 =	stileid.u32  }
0x32e: {  	s1 =	rddreg [dreg:$0x1];
	p0 =	sne.s32 s2, $0x0  }
0x32f: {  	s3 =	rddreg [dreg:$0x2];
	[bflag:$0x3] =	sbarrier.arrive $0xFFFF;
	s2 =	simm.s32 @!p0 $0x1C06  }
0x330: {  	[timem:s3], [sflag:s2] =	dma.local @!p0 [hbm:s0], s1  }
0x331: {  	s0 =	simm.s32 @!p0 $0x6  }
0x332: {  	_ =	swait.ge @!p0 [sflag:s0], s1  }
0x333: {  	s1 =	ssub.s32 @!p0 $0x0, s1;
	[sflag:s0] =	ssyncset.done @!p0 $0x0  }
0x334: {  	[sflag:s0] =	ssyncadd.s32 @!p0 s1  }
0x335: {  	[bflag:$0x3] =	sbarrier.arrive $0xFFFF  }
0x336: {  	_ =	shalt  }

</sc_bundles>
